<compile_context>
chip_gen: v7x
topology: tpu7x:2x2x1
jax: 0.10.2.dev20260603
libtpu: 0.0.44.dev20260713+nightly
codegen_flags: <defaults>
</compile_context>

<pallas_src>
import math

import jax
import jax.numpy as jnp
from jax import lax
from jax.experimental import pallas as pl
from jax.experimental.pallas import tpu as pltpu
from jax.experimental.pallas import tpu_sc as plsc

S = 30.0
M = 0.5
COS_M = math.cos(M)
SIN_M = math.sin(M)
TH = math.cos(math.pi - M)
MM = math.sin(math.pi - M) * M

B, C = 1024, 100000
NC, NS = 2, 16
NW = NC * NS
RPW = 3120
GR = 24
NCH = RPW // GR
NBUF = 2
EPI0 = NW * RPW
EPW = (C - EPI0) // 8


def _phi_scaled(tv):
    x = jnp.maximum(1.0 - tv * tv, 1e-30)
    i = plsc.bitcast(x, jnp.int32)
    y = plsc.bitcast(jnp.int32(0x5F3759DF) - (i >> 1), jnp.float32)
    for _ in range(3):
        y = y * (1.5 - 0.5 * x * y * y)
    sine = x * y
    phi_s = tv * (S * COS_M) - sine * (S * SIN_M)
    return jnp.where(tv > TH, phi_s, tv * S - S * MM)


def _sc_body(cos_hbm, lab_hbm, out_hbm, lab_v, hit_c, hit_i, bin_v,
             bout_v, sin, sout):
    cid = lax.axis_index("c")
    sid = lax.axis_index("s")
    wid = sid * NC + cid
    r0 = wid * RPW
    er0 = EPI0 + wid * 8
    has_epi = wid < EPW

    for b in range(NBUF):
        pltpu.async_copy(cos_hbm.at[pl.ds(r0 + b * GR, GR)], bin_v.at[b],
                         sin.at[b])

    pltpu.sync_copy(lab_hbm, lab_v)

    lanes = lax.iota(jnp.int32, 16)

    def build(k, nh):
        lv = lab_v[pl.ds(k * 16, 16)]
        hit = (lv >= r0) & (lv < r0 + RPW)
        hit = hit | (has_epi & (lv >= er0) & (lv < er0 + 8))
        hi = hit.astype(jnp.int32)
        pos = nh + jnp.cumsum(hi) - hi
        plsc.store_scatter(hit_c, [pos], lv, mask=hit)
        plsc.store_scatter(hit_i, [pos], k * 16 + lanes, mask=hit)
        return nh + plsc.all_reduce_population_count(hit)

    nh_v = lax.fori_loop(0, B // 16, build, jnp.zeros((16,), jnp.int32),
                         unroll=False)
    nh = jnp.max(nh_v)

    def patch(bin_ref, bout_ref, c0, gr):
        nv = (nh + 15) // 16

        def pv(k, c):
            li = k * 16 + lanes
            vm = li < nh
            lc = plsc.load_gather(hit_c, [li])
            iv = plsc.load_gather(hit_i, [li])
            loc = lc - c0
            inb = vm & (loc >= 0) & (loc < gr)
            lr = jnp.clip(loc, 0, gr - 1)
            iv = jnp.clip(iv, 0, B - 1)
            tv = plsc.load_gather(bin_ref, [lr, iv], mask=inb)
            plsc.store_scatter(bout_ref, [lr, iv], _phi_scaled(tv), mask=inb)
            return c

        lax.fori_loop(0, nv, pv, 0, unroll=False)

    def scale_rows(ref_in, ref_out, nrows):
        def row(r, c):
            for u in range(B // 16):
                ref_out[r, pl.ds(u * 16, 16)] = ref_in[r, pl.ds(u * 16, 16)] * S
            return c

        lax.fori_loop(0, nrows, row, 0, unroll=False)

    def outer(g, carry):
        for b in range(NBUF):
            t = g * NBUF + b
            c0 = r0 + t * GR
            pltpu.make_async_copy(
                cos_hbm.at[pl.ds(c0, GR)], bin_v.at[b], sin.at[b]
            ).wait()

            @pl.when(t >= NBUF)
            def _():
                pc0 = r0 + (t - NBUF) * GR
                pltpu.make_async_copy(
                    bout_v.at[b], out_hbm.at[pl.ds(pc0, GR)], sout.at[b]
                ).wait()

            scale_rows(bin_v.at[b], bout_v.at[b], GR)
            patch(bin_v.at[b], bout_v.at[b], c0, GR)

            pltpu.async_copy(bout_v.at[b], out_hbm.at[pl.ds(c0, GR)],
                             sout.at[b])

            @pl.when(t + NBUF < NCH)
            def _():
                nc0 = r0 + (t + NBUF) * GR
                pltpu.async_copy(cos_hbm.at[pl.ds(nc0, GR)], bin_v.at[b],
                                 sin.at[b])
        return carry

    lax.fori_loop(0, NCH // NBUF, outer, 0, unroll=False)

    for b in range(NBUF):
        c0 = r0 + (NCH - NBUF + b) * GR
        pltpu.make_async_copy(
            bout_v.at[b], out_hbm.at[pl.ds(c0, GR)], sout.at[b]
        ).wait()

    @pl.when(has_epi)
    def _():
        pltpu.sync_copy(cos_hbm.at[pl.ds(er0, 8)], bin_v.at[0, pl.ds(0, 8)])
        scale_rows(bin_v.at[0], bout_v.at[0], 8)
        patch(bin_v.at[0], bout_v.at[0], er0, 8)
        pltpu.sync_copy(bout_v.at[0, pl.ds(0, 8)], out_hbm.at[pl.ds(er0, 8)])


_sc_call = pl.kernel(
    _sc_body,
    out_type=jax.ShapeDtypeStruct((C, B), jnp.float32),
    mesh=plsc.VectorSubcoreMesh(core_axis_name="c", subcore_axis_name="s"),
    compiler_params=pltpu.CompilerParams(needs_layout_passes=False),
    scratch_types=[
        pltpu.VMEM((B,), jnp.int32),
        pltpu.VMEM((B,), jnp.int32),
        pltpu.VMEM((B,), jnp.int32),
        pltpu.VMEM((NBUF, GR, B), jnp.float32),
        pltpu.VMEM((NBUF, GR, B), jnp.float32),
        pltpu.SemaphoreType.DMA((NBUF,)),
        pltpu.SemaphoreType.DMA((NBUF,)),
    ],
)


def kernel(cosine, label):
    out_t = _sc_call(cosine.T, label.astype(jnp.int32))
    return out_t.T

# --- scband reference (transcript-rebuilt; emitter-appended) ---
"""Pipeline reference for scband-arc-face-90443421319581 (READ-ONLY COPY).

The authoritative reference and input builder live on the scoring server;
editing this copy changes nothing except your own understanding.
"""

import jax, jax.numpy as jnp
import numpy as np
import math

S = 30.0
M = 0.5
COS_M = math.cos(M)
SIN_M = math.sin(M)
TH = math.cos(math.pi - M)
MM = math.sin(math.pi - M) * M


def setup_inputs(seed: int = 0) -> dict:
    key = jax.random.key(seed)
    k1, k2 = jax.random.split(key)
    cosine = jax.random.uniform(k1, (1024, 100000), dtype=jnp.float32)
    label = jax.random.randint(k2, (1024,), 0, 100000, dtype=jnp.int64)
    return {"cosine": cosine, "label": label}


def reference(cosine, label):
    sine = jnp.sqrt(1.0 - jnp.power(cosine, 2))
    phi = cosine * COS_M - sine * SIN_M
    # easy_margin=False branch
    phi = jnp.where(cosine > TH, phi, cosine - MM)
    b = cosine.shape[0]
    one_hot = jnp.zeros(cosine.shape, dtype=cosine.dtype).at[jnp.arange(b), label].set(1.0)
    output = one_hot * phi + (1.0 - one_hot) * cosine
    output = output * S
    return output

if __name__ == "__main__":
    import jax
    _d = setup_inputs()
    print(jax.jit(kernel)(*tuple(_d.values())))

</pallas_src>

<mosaic_0001>
#map = affine_map<(d0, d1) -> (0, 0)>
#map1 = affine_map<(d0, d1) -> (0)>
module attributes {stable_mosaic.version = 14 : i64} {
  func.func @_sc_body(%arg0: i32, %arg1: i32, %arg2: memref<100000x1024xf32, #tpu.memory_space<hbm>>, %arg3: memref<1024xi32, #tpu.memory_space<hbm>>, %arg4: memref<100000x1024xf32, #tpu.memory_space<hbm>>, %arg5: memref<1024xi32, #tpu.memory_space<vmem>>, %arg6: memref<1024xi32, #tpu.memory_space<vmem>>, %arg7: memref<1024xi32, #tpu.memory_space<vmem>>, %arg8: memref<2x24x1024xf32, #tpu.memory_space<vmem>>, %arg9: memref<2x24x1024xf32, #tpu.memory_space<vmem>>, %arg10: memref<2x!tpu.dma_semaphore, #tpu.memory_space<semaphore_mem>>, %arg11: memref<2x!tpu.dma_semaphore, #tpu.memory_space<semaphore_mem>>) attributes {dimension_semantics = [#tpu.dimension_semantics<core_parallel>, #tpu.dimension_semantics<subcore_parallel>], iteration_bounds = array<i64: 2, 16>, scalar_prefetch = 0 : i64, scratch_operands = 7 : i64, tpu.core_type = #tpu.core_type<sc_vector_subcore>, window_params = [{transform_indices = #map}, {transform_indices = #map1}, {transform_indices = #map}]} {
    %mul3A = arith.constant 2 : i32
    %mul3A_0 = arith.muli %arg1, %mul3A : i32
    %add3A = arith.addi %mul3A_0, %arg0 : i32
    %mul3A_1 = arith.constant 3120 : i32
    %mul3A_2 = arith.muli %add3A, %mul3A_1 : i32
    %mul3A_3 = arith.constant 8 : i32
    %mul3A_4 = arith.muli %add3A, %mul3A_3 : i32
    %add3A_5 = arith.constant 99840 : i32
    %add3A_6 = arith.addi %add3A_5, %mul3A_4 : i32
    %lt3A = arith.constant 20 : i32
    %lt3A_7 = arith.cmpi slt, %add3A, %lt3A : i32
    %add3A_8 = arith.constant 0 : i32
    %add3A_9 = arith.addi %mul3A_2, %add3A_8 : i32
    %dma_start3A = arith.constant 0 : i32
    %dma_start3A_10 = arith.constant 0 : i32
    %dma_start3A_11 = arith.constant 0 : i32
    %dma_start3A_12 = arith.constant 0 : i32
    %dma_start3A_13 = tpu.memref_slice %arg8[%dma_start3A, %dma_start3A_11, %dma_start3A_12] : memref<2x24x1024xf32, #tpu.memory_space<vmem>> -> memref<1x24x1024xf32, #tpu.memory_space<vmem>>
    %dma_start3A_14 = tpu.memref_squeeze %dma_start3A_13 : memref<1x24x1024xf32, #tpu.memory_space<vmem>> -> memref<24x1024xf32, #tpu.memory_space<vmem>>
    %dma_start3A_15 = arith.constant 0 : i32
    %dma_start3A_16 = tpu.memref_slice %arg2[%add3A_9, %dma_start3A_15] : memref<100000x1024xf32, #tpu.memory_space<hbm>> -> memref<24x1024xf32, #tpu.memory_space<hbm>>
    %dma_start3A_17 = tpu.memref_slice %arg10[%dma_start3A_10] : memref<2x!tpu.dma_semaphore, #tpu.memory_space<semaphore_mem>> -> memref<1x!tpu.dma_semaphore, #tpu.memory_space<semaphore_mem>>
    %dma_start3A_18 = tpu.memref_squeeze %dma_start3A_17 : memref<1x!tpu.dma_semaphore, #tpu.memory_space<semaphore_mem>> -> memref<!tpu.dma_semaphore, #tpu.memory_space<semaphore_mem>>
    %dma_start3A_19 = arith.constant 0 : i32
    %dma_start3A_20 = arith.constant 0 : i32
    %dma_start3A_21 = tpu.memref_slice %arg8[%dma_start3A, %dma_start3A_19, %dma_start3A_20] : memref<2x24x1024xf32, #tpu.memory_space<vmem>> -> memref<1x24x1024xf32, #tpu.memory_space<vmem>>
    %dma_start3A_22 = tpu.memref_squeeze %dma_start3A_21 : memref<1x24x1024xf32, #tpu.memory_space<vmem>> -> memref<24x1024xf32, #tpu.memory_space<vmem>>
    %dma_start3A_23 = arith.constant 0 : i32
    %dma_start3A_24 = tpu.memref_slice %arg2[%add3A_9, %dma_start3A_23] : memref<100000x1024xf32, #tpu.memory_space<hbm>> -> memref<24x1024xf32, #tpu.memory_space<hbm>>
    tpu.enqueue_dma source(%dma_start3A_24 : memref<24x1024xf32, #tpu.memory_space<hbm>>) target(%dma_start3A_22 : memref<24x1024xf32, #tpu.memory_space<vmem>>) target_semaphore(%dma_start3A_18 : memref<!tpu.dma_semaphore, #tpu.memory_space<semaphore_mem>>)
    %add3A_25 = arith.constant 24 : i32
    %add3A_26 = arith.addi %mul3A_2, %add3A_25 : i32
    %dma_start3A_27 = arith.constant 1 : i32
    %dma_start3A_28 = arith.constant 1 : i32
    %dma_start3A_29 = arith.constant 0 : i32
    %dma_start3A_30 = arith.constant 0 : i32
    %dma_start3A_31 = tpu.memref_slice %arg8[%dma_start3A_27, %dma_start3A_29, %dma_start3A_30] : memref<2x24x1024xf32, #tpu.memory_space<vmem>> -> memref<1x24x1024xf32, #tpu.memory_space<vmem>>
    %dma_start3A_32 = tpu.memref_squeeze %dma_start3A_31 : memref<1x24x1024xf32, #tpu.memory_space<vmem>> -> memref<24x1024xf32, #tpu.memory_space<vmem>>
    %dma_start3A_33 = arith.constant 0 : i32
    %dma_start3A_34 = tpu.memref_slice %arg2[%add3A_26, %dma_start3A_33] : memref<100000x1024xf32, #tpu.memory_space<hbm>> -> memref<24x1024xf32, #tpu.memory_space<hbm>>
    %dma_start3A_35 = tpu.memref_slice %arg10[%dma_start3A_28] : memref<2x!tpu.dma_semaphore, #tpu.memory_space<semaphore_mem>> -> memref<1x!tpu.dma_semaphore, #tpu.memory_space<semaphore_mem>>
    %dma_start3A_36 = tpu.memref_squeeze %dma_start3A_35 : memref<1x!tpu.dma_semaphore, #tpu.memory_space<semaphore_mem>> -> memref<!tpu.dma_semaphore, #tpu.memory_space<semaphore_mem>>
    %dma_start3A_37 = arith.constant 0 : i32
    %dma_start3A_38 = arith.constant 0 : i32
    %dma_start3A_39 = tpu.memref_slice %arg8[%dma_start3A_27, %dma_start3A_37, %dma_start3A_38] : memref<2x24x1024xf32, #tpu.memory_space<vmem>> -> memref<1x24x1024xf32, #tpu.memory_space<vmem>>
    %dma_start3A_40 = tpu.memref_squeeze %dma_start3A_39 : memref<1x24x1024xf32, #tpu.memory_space<vmem>> -> memref<24x1024xf32, #tpu.memory_space<vmem>>
    %dma_start3A_41 = arith.constant 0 : i32
    %dma_start3A_42 = tpu.memref_slice %arg2[%add3A_26, %dma_start3A_41] : memref<100000x1024xf32, #tpu.memory_space<hbm>> -> memref<24x1024xf32, #tpu.memory_space<hbm>>
    tpu.enqueue_dma source(%dma_start3A_42 : memref<24x1024xf32, #tpu.memory_space<hbm>>) target(%dma_start3A_40 : memref<24x1024xf32, #tpu.memory_space<vmem>>) target_semaphore(%dma_start3A_36 : memref<!tpu.dma_semaphore, #tpu.memory_space<semaphore_mem>>)
    "tpu.region"() ({
      %run_scoped3A = tpu.sem_alloc : memref<!tpu.dma_semaphore, #tpu.memory_space<semaphore_mem>>
      tpu.enqueue_dma source(%arg3 : memref<1024xi32, #tpu.memory_space<hbm>>) target(%arg5 : memref<1024xi32, #tpu.memory_space<vmem>>) target_semaphore(%run_scoped3A : memref<!tpu.dma_semaphore, #tpu.memory_space<semaphore_mem>>)
      tpu.wait_dma2 semaphore(%run_scoped3A : memref<!tpu.dma_semaphore, #tpu.memory_space<semaphore_mem>>) src(%arg3 : memref<1024xi32, #tpu.memory_space<hbm>>) dst(%arg5 : memref<1024xi32, #tpu.memory_space<vmem>>)
      tpu.yield
    }) : () -> ()
    %iota3A = tpu.iota {dimensions = array<i32: 0>} : vector<16xi32>
    %broadcast_in_dim3A = arith.constant 0 : i32
    %broadcast_in_dim3A_43 = vector.broadcast %broadcast_in_dim3A : i32 to vector<16xi32>
    %scan3A = arith.constant 0 : i32
    %scan3A_44 = arith.constant 64 : i32
    %scan3A_45 = arith.addi %scan3A, %scan3A_44 : i32
    %scan3A_46 = arith.constant 1 : i32
    %scan3A_47 = scf.for %scan3A_98 = %scan3A to %scan3A_45 step %scan3A_46 iter_args(%scan3A_99 = %broadcast_in_dim3A_43) -> (vector<16xi32>)  : i32 {
      %mul3A_100 = arith.constant 16 : i32
      %mul3A_101 = arith.muli %scan3A_98, %mul3A_100 : i32
      %get3A = arith.index_cast %mul3A_101 : i32 to index
      %get3A_102 = tpu.vector_load %arg5[%get3A] {strides = array<i32>} : memref<1024xi32, #tpu.memory_space<vmem>>, vector<16xi32>,
      %ge3A = vector.broadcast %mul3A_2 : i32 to vector<16xi32>
      %ge3A_103 = arith.cmpi sge, %get3A_102, %ge3A : vector<16xi32>
      %add3A_104 = arith.constant 3120 : i32
      %add3A_105 = arith.addi %mul3A_2, %add3A_104 : i32
      %lt3A_106 = vector.broadcast %add3A_105 : i32 to vector<16xi32>
      %lt3A_107 = arith.cmpi slt, %get3A_102, %lt3A_106 : vector<16xi32>
      %and3A = arith.andi %ge3A_103, %lt3A_107 : vector<16xi1>
      %ge3A_108 = vector.broadcast %add3A_6 : i32 to vector<16xi32>
      %ge3A_109 = arith.cmpi sge, %get3A_102, %ge3A_108 : vector<16xi32>
      %and3A_110 = vector.broadcast %lt3A_7 : i1 to vector<16xi1>
      %and3A_111 = arith.andi %and3A_110, %ge3A_109 : vector<16xi1>
      %add3A_112 = arith.constant 8 : i32
      %add3A_113 = arith.addi %add3A_6, %add3A_112 : i32
      %lt3A_114 = vector.broadcast %add3A_113 : i32 to vector<16xi32>
      %lt3A_115 = arith.cmpi slt, %get3A_102, %lt3A_114 : vector<16xi32>
      %and3A_116 = arith.andi %and3A_111, %lt3A_115 : vector<16xi1>
      %or3A = arith.ori %and3A, %and3A_116 : vector<16xi1>
      %convert_element_type3A_117 = arith.extui %or3A : vector<16xi1> to vector<16xi32>
      %cumsum3A = arith.constant true
      %cumsum3A_118 = vector.broadcast %cumsum3A : i1 to vector<16xi1>
      %cumsum3A_119 = tpu.scan <sum>, %convert_element_type3A_117 masked %cumsum3A_118 : vector<16xi32>, vector<16xi1> -> vector<16xi32>
      %add3A_120 = arith.addi %scan3A_99, %cumsum3A_119 : vector<16xi32>
      %sub3A = arith.subi %add3A_120, %convert_element_type3A_117 : vector<16xi32>
      tpu.vector_store_idx %arg6[%sub3A], %get3A_102 masked %or3A : memref<1024xi32, #tpu.memory_space<vmem>>[vector<16xi32>], vector<16xi32>, vector<16xi1>
      %mul3A_121 = arith.constant 16 : i32
      %mul3A_122 = arith.muli %scan3A_98, %mul3A_121 : i32
      %add3A_123 = vector.broadcast %mul3A_122 : i32 to vector<16xi32>
      %add3A_124 = arith.addi %add3A_123, %iota3A : vector<16xi32>
      tpu.vector_store_idx %arg7[%sub3A], %add3A_124 masked %or3A : memref<1024xi32, #tpu.memory_space<vmem>>[vector<16xi32>], vector<16xi32>, vector<16xi1>
      %all_reduce_population_count3A = tpu.all_reduce %or3A {dim = 0 : i64, kind = #tpu.reduction_kind<sum>} : vector<16xi1> -> vector<16xi32>
      %add3A_125 = arith.addi %scan3A_99, %all_reduce_population_count3A : vector<16xi32>
      scf.yield %add3A_125 : vector<16xi32>
    }
    %scan3A_48 = arith.constant 64 : i32
    %reduce_max3A = arith.constant true
    %reduce_max3A_49 = vector.broadcast %reduce_max3A : i1 to vector<16xi1>
    %reduce_max3A_50 = arith.constant -2147483648 : i32
    %reduce_max3A_51 = vector.broadcast %reduce_max3A_50 : i32 to vector<16xi32>
    %reduce_max3A_52 = arith.xori %scan3A_47, %reduce_max3A_51 : vector<16xi32>
    %reduce_max3A_53 = tpu.scan <max>, %reduce_max3A_52 masked %reduce_max3A_49 : vector<16xi32>, vector<16xi1> -> vector<16xi32>
    %reduce_max3A_54 = arith.xori %reduce_max3A_53, %reduce_max3A_51 : vector<16xi32>
    %reduce_max3A_55 = vector.extract %reduce_max3A_54[15] : i32 from vector<16xi32>
    %scan3A_56 = arith.constant 0 : i32
    %scan3A_57 = arith.constant 0 : i32
    %scan3A_58 = arith.constant 65 : i32
    %scan3A_59 = arith.addi %scan3A_57, %scan3A_58 : i32
    %scan3A_60 = arith.constant 1 : i32
    scf.for %scan3A_98 = %scan3A_57 to %scan3A_59 step %scan3A_60  : i32 {
      %mul3A_99 = arith.constant 2 : i32
      %mul3A_100 = arith.muli %scan3A_98, %mul3A_99 : i32
      %add3A_101 = arith.constant 0 : i32
      %add3A_102 = arith.addi %mul3A_100, %add3A_101 : i32
      %mul3A_103 = arith.constant 24 : i32
      %mul3A_104 = arith.muli %add3A_102, %mul3A_103 : i32
      %add3A_105 = arith.addi %mul3A_2, %mul3A_104 : i32
      %dma_wait3A_106 = arith.constant 0 : i32
      %dma_wait3A_107 = arith.constant 0 : i32
      %dma_wait3A_108 = arith.constant 0 : i32
      %dma_wait3A_109 = arith.constant 0 : i32
      %dma_wait3A_110 = tpu.memref_slice %arg8[%dma_wait3A_106, %dma_wait3A_108, %dma_wait3A_109] : memref<2x24x1024xf32, #tpu.memory_space<vmem>> -> memref<1x24x1024xf32, #tpu.memory_space<vmem>>
      %dma_wait3A_111 = tpu.memref_squeeze %dma_wait3A_110 : memref<1x24x1024xf32, #tpu.memory_space<vmem>> -> memref<24x1024xf32, #tpu.memory_space<vmem>>
      %dma_wait3A_112 = arith.constant 0 : i32
      %dma_wait3A_113 = tpu.memref_slice %arg2[%add3A_105, %dma_wait3A_112] : memref<100000x1024xf32, #tpu.memory_space<hbm>> -> memref<24x1024xf32, #tpu.memory_space<hbm>>
      %dma_wait3A_114 = tpu.memref_slice %arg10[%dma_wait3A_107] : memref<2x!tpu.dma_semaphore, #tpu.memory_space<semaphore_mem>> -> memref<1x!tpu.dma_semaphore, #tpu.memory_space<semaphore_mem>>
      %dma_wait3A_115 = tpu.memref_squeeze %dma_wait3A_114 : memref<1x!tpu.dma_semaphore, #tpu.memory_space<semaphore_mem>> -> memref<!tpu.dma_semaphore, #tpu.memory_space<semaphore_mem>>
      %dma_wait3A_116 = arith.constant 0 : i32
      %dma_wait3A_117 = arith.constant 0 : i32
      %dma_wait3A_118 = tpu.memref_slice %arg8[%dma_wait3A_106, %dma_wait3A_116, %dma_wait3A_117] : memref<2x24x1024xf32, #tpu.memory_space<vmem>> -> memref<1x24x1024xf32, #tpu.memory_space<vmem>>
      %dma_wait3A_119 = tpu.memref_squeeze %dma_wait3A_118 : memref<1x24x1024xf32, #tpu.memory_space<vmem>> -> memref<24x1024xf32, #tpu.memory_space<vmem>>
      %dma_wait3A_120 = arith.constant 0 : i32
      %dma_wait3A_121 = tpu.memref_slice %arg2[%add3A_105, %dma_wait3A_120] : memref<100000x1024xf32, #tpu.memory_space<hbm>> -> memref<24x1024xf32, #tpu.memory_space<hbm>>
      tpu.wait_dma2 semaphore(%dma_wait3A_115 : memref<!tpu.dma_semaphore, #tpu.memory_space<semaphore_mem>>) src(%dma_wait3A_121 : memref<24x1024xf32, #tpu.memory_space<hbm>>) dst(%dma_wait3A_119 : memref<24x1024xf32, #tpu.memory_space<vmem>>)
      %ge3A = arith.constant 2 : i32
      %ge3A_122 = arith.cmpi sge, %add3A_102, %ge3A : i32
      %convert_element_type3A_123 = arith.extui %ge3A_122 : i1 to i32
      %cond3A_124 = arith.constant 0 : i32
      %cond3A_125 = arith.cmpi ne, %convert_element_type3A_123, %cond3A_124 : i32
      scf.if %cond3A_125 {
        %sub3A_283 = arith.constant 2 : i32
        %sub3A_284 = arith.subi %add3A_102, %sub3A_283 : i32
        %mul3A_285 = arith.constant 24 : i32
        %mul3A_286 = arith.muli %sub3A_284, %mul3A_285 : i32
        %add3A_287 = arith.addi %mul3A_2, %mul3A_286 : i32
        %dma_wait3A_288 = arith.constant 0 : i32
        %dma_wait3A_289 = arith.constant 0 : i32
        %dma_wait3A_290 = arith.constant 0 : i32
        %dma_wait3A_291 = arith.constant 0 : i32
        %dma_wait3A_292 = tpu.memref_slice %arg9[%dma_wait3A_288, %dma_wait3A_290, %dma_wait3A_291] : memref<2x24x1024xf32, #tpu.memory_space<vmem>> -> memref<1x24x1024xf32, #tpu.memory_space<vmem>>
        %dma_wait3A_293 = tpu.memref_squeeze %dma_wait3A_292 : memref<1x24x1024xf32, #tpu.memory_space<vmem>> -> memref<24x1024xf32, #tpu.memory_space<vmem>>
        %dma_wait3A_294 = arith.constant 0 : i32
        %dma_wait3A_295 = tpu.memref_slice %arg4[%add3A_287, %dma_wait3A_294] : memref<100000x1024xf32, #tpu.memory_space<hbm>> -> memref<24x1024xf32, #tpu.memory_space<hbm>>
        %dma_wait3A_296 = tpu.memref_slice %arg11[%dma_wait3A_289] : memref<2x!tpu.dma_semaphore, #tpu.memory_space<semaphore_mem>> -> memref<1x!tpu.dma_semaphore, #tpu.memory_space<semaphore_mem>>
        %dma_wait3A_297 = tpu.memref_squeeze %dma_wait3A_296 : memref<1x!tpu.dma_semaphore, #tpu.memory_space<semaphore_mem>> -> memref<!tpu.dma_semaphore, #tpu.memory_space<semaphore_mem>>
        %dma_wait3A_298 = arith.constant 0 : i32
        %dma_wait3A_299 = tpu.memref_slice %arg4[%add3A_287, %dma_wait3A_298] : memref<100000x1024xf32, #tpu.memory_space<hbm>> -> memref<24x1024xf32, #tpu.memory_space<hbm>>
        %dma_wait3A_300 = arith.constant 0 : i32
        %dma_wait3A_301 = arith.constant 0 : i32
        %dma_wait3A_302 = tpu.memref_slice %arg9[%dma_wait3A_288, %dma_wait3A_300, %dma_wait3A_301] : memref<2x24x1024xf32, #tpu.memory_space<vmem>> -> memref<1x24x1024xf32, #tpu.memory_space<vmem>>
        %dma_wait3A_303 = tpu.memref_squeeze %dma_wait3A_302 : memref<1x24x1024xf32, #tpu.memory_space<vmem>> -> memref<24x1024xf32, #tpu.memory_space<vmem>>
        tpu.wait_dma2 semaphore(%dma_wait3A_297 : memref<!tpu.dma_semaphore, #tpu.memory_space<semaphore_mem>>) src(%dma_wait3A_303 : memref<24x1024xf32, #tpu.memory_space<vmem>>) dst(%dma_wait3A_299 : memref<24x1024xf32, #tpu.memory_space<hbm>>)
      } else {
      }
      %scan3A_126 = arith.constant 0 : i32
      %scan3A_127 = arith.constant 0 : i32
      %scan3A_128 = arith.constant 0 : i32
      %scan3A_129 = arith.constant 0 : i32
      %scan3A_130 = arith.constant 24 : i32
      %scan3A_131 = arith.addi %scan3A_129, %scan3A_130 : i32
      %scan3A_132 = arith.constant 1 : i32
      scf.for %scan3A_283 = %scan3A_129 to %scan3A_131 step %scan3A_132  : i32 {
        %get3A = arith.constant 0 : i32
        %get3A_284 = arith.constant 0 : i32
        %get3A_285 = tpu.memref_slice %arg8[%scan3A_127, %get3A, %get3A_284] : memref<2x24x1024xf32, #tpu.memory_space<vmem>> -> memref<1x24x1024xf32, #tpu.memory_space<vmem>>
        %get3A_286 = tpu.memref_squeeze %get3A_285 : memref<1x24x1024xf32, #tpu.memory_space<vmem>> -> memref<24x1024xf32, #tpu.memory_space<vmem>>
        %get3A_287 = arith.index_cast %scan3A_283 : i32 to index
        %get3A_288 = arith.constant 0 : index
        %get3A_289 = tpu.vector_load %get3A_286[%get3A_287, %get3A_288] {strides = array<i32>} : memref<24x1024xf32, #tpu.memory_space<vmem>>, vector<16xf32>,
        %mul3A_290 = arith.constant 3.000000e+01 : f32
        %mul3A_291 = vector.broadcast %mul3A_290 : f32 to vector<16xf32>
        %mul3A_292 = arith.mulf %get3A_289, %mul3A_291 : vector<16xf32>
        %swap3A = arith.constant 0 : i32
        %swap3A_293 = arith.constant 0 : i32
        %swap3A_294 = tpu.memref_slice %arg9[%scan3A_128, %swap3A, %swap3A_293] : memref<2x24x1024xf32, #tpu.memory_space<vmem>> -> memref<1x24x1024xf32, #tpu.memory_space<vmem>>
        %swap3A_295 = tpu.memref_squeeze %swap3A_294 : memref<1x24x1024xf32, #tpu.memory_space<vmem>> -> memref<24x1024xf32, #tpu.memory_space<vmem>>
        %swap3A_296 = arith.index_cast %scan3A_283 : i32 to index
        %swap3A_297 = arith.constant 0 : index
        %swap3A_298 = tpu.vector_load %swap3A_295[%swap3A_296, %swap3A_297] {strides = array<i32>} : memref<24x1024xf32, #tpu.memory_space<vmem>>, vector<16xf32>,
        tpu.vector_store %swap3A_295[%swap3A_296, %swap3A_297], %mul3A_292 {strides = array<i32>} : memref<24x1024xf32, #tpu.memory_space<vmem>>, vector<16xf32>,
        %get3A_299 = arith.constant 0 : i32
        %get3A_300 = arith.constant 0 : i32
        %get3A_301 = tpu.memref_slice %arg8[%scan3A_127, %get3A_299, %get3A_300] : memref<2x24x1024xf32, #tpu.memory_space<vmem>> -> memref<1x24x1024xf32, #tpu.memory_space<vmem>>
        %get3A_302 = tpu.memref_squeeze %get3A_301 : memref<1x24x1024xf32, #tpu.memory_space<vmem>> -> memref<24x1024xf32, #tpu.memory_space<vmem>>
        %get3A_303 = arith.index_cast %scan3A_283 : i32 to index
        %get3A_304 = arith.constant 16 : index
        %get3A_305 = tpu.vector_load %get3A_302[%get3A_303, %get3A_304] {strides = array<i32>} : memref<24x1024xf32, #tpu.memory_space<vmem>>, vector<16xf32>,
        %mul3A_306 = arith.constant 3.000000e+01 : f32
        %mul3A_307 = vector.broadcast %mul3A_306 : f32 to vector<16xf32>
        %mul3A_308 = arith.mulf %get3A_305, %mul3A_307 : vector<16xf32>
        %swap3A_309 = arith.constant 0 : i32
        %swap3A_310 = arith.constant 0 : i32
        %swap3A_311 = tpu.memref_slice %arg9[%scan3A_128, %swap3A_309, %swap3A_310] : memref<2x24x1024xf32, #tpu.memory_space<vmem>> -> memref<1x24x1024xf32, #tpu.memory_space<vmem>>
        %swap3A_312 = tpu.memref_squeeze %swap3A_311 : memref<1x24x1024xf32, #tpu.memory_space<vmem>> -> memref<24x1024xf32, #tpu.memory_space<vmem>>
        %swap3A_313 = arith.index_cast %scan3A_283 : i32 to index
        %swap3A_314 = arith.constant 16 : index
        %swap3A_315 = tpu.vector_load %swap3A_312[%swap3A_313, %swap3A_314] {strides = array<i32>} : memref<24x1024xf32, #tpu.memory_space<vmem>>, vector<16xf32>,
        tpu.vector_store %swap3A_312[%swap3A_313, %swap3A_314], %mul3A_308 {strides = array<i32>} : memref<24x1024xf32, #tpu.memory_space<vmem>>, vector<16xf32>,
        %get3A_316 = arith.constant 0 : i32
        %get3A_317 = arith.constant 0 : i32
        %get3A_318 = tpu.memref_slice %arg8[%scan3A_127, %get3A_316, %get3A_317] : memref<2x24x1024xf32, #tpu.memory_space<vmem>> -> memref<1x24x1024xf32, #tpu.memory_space<vmem>>
        %get3A_319 = tpu.memref_squeeze %get3A_318 : memref<1x24x1024xf32, #tpu.memory_space<vmem>> -> memref<24x1024xf32, #tpu.memory_space<vmem>>
        %get3A_320 = arith.index_cast %scan3A_283 : i32 to index
        %get3A_321 = arith.constant 32 : index
        %get3A_322 = tpu.vector_load %get3A_319[%get3A_320, %get3A_321] {strides = array<i32>} : memref<24x1024xf32, #tpu.memory_space<vmem>>, vector<16xf32>,
        %mul3A_323 = arith.constant 3.000000e+01 : f32
        %mul3A_324 = vector.broadcast %mul3A_323 : f32 to vector<16xf32>
        %mul3A_325 = arith.mulf %get3A_322, %mul3A_324 : vector<16xf32>
        %swap3A_326 = arith.constant 0 : i32
        %swap3A_327 = arith.constant 0 : i32
        %swap3A_328 = tpu.memref_slice %arg9[%scan3A_128, %swap3A_326, %swap3A_327] : memref<2x24x1024xf32, #tpu.memory_space<vmem>> -> memref<1x24x1024xf32, #tpu.memory_space<vmem>>
        %swap3A_329 = tpu.memref_squeeze %swap3A_328 : memref<1x24x1024xf32, #tpu.memory_space<vmem>> -> memref<24x1024xf32, #tpu.memory_space<vmem>>
        %swap3A_330 = arith.index_cast %scan3A_283 : i32 to index
        %swap3A_331 = arith.constant 32 : index
        %swap3A_332 = tpu.vector_load %swap3A_329[%swap3A_330, %swap3A_331] {strides = array<i32>} : memref<24x1024xf32, #tpu.memory_space<vmem>>, vector<16xf32>,
        tpu.vector_store %swap3A_329[%swap3A_330, %swap3A_331], %mul3A_325 {strides = array<i32>} : memref<24x1024xf32, #tpu.memory_space<vmem>>, vector<16xf32>,
        %get3A_333 = arith.constant 0 : i32
        %get3A_334 = arith.constant 0 : i32
        %get3A_335 = tpu.memref_slice %arg8[%scan3A_127, %get3A_333, %get3A_334] : memref<2x24x1024xf32, #tpu.memory_space<vmem>> -> memref<1x24x1024xf32, #tpu.memory_space<vmem>>
        %get3A_336 = tpu.memref_squeeze %get3A_335 : memref<1x24x1024xf32, #tpu.memory_space<vmem>> -> memref<24x1024xf32, #tpu.memory_space<vmem>>
        %get3A_337 = arith.index_cast %scan3A_283 : i32 to index
        %get3A_338 = arith.constant 48 : index
        %get3A_339 = tpu.vector_load %get3A_336[%get3A_337, %get3A_338] {strides = array<i32>} : memref<24x1024xf32, #tpu.memory_space<vmem>>, vector<16xf32>,
        %mul3A_340 = arith.constant 3.000000e+01 : f32
        %mul3A_341 = vector.broadcast %mul3A_340 : f32 to vector<16xf32>
        %mul3A_342 = arith.mulf %get3A_339, %mul3A_341 : vector<16xf32>
        %swap3A_343 = arith.constant 0 : i32
        %swap3A_344 = arith.constant 0 : i32
        %swap3A_345 = tpu.memref_slice %arg9[%scan3A_128, %swap3A_343, %swap3A_344] : memref<2x24x1024xf32, #tpu.memory_space<vmem>> -> memref<1x24x1024xf32, #tpu.memory_space<vmem>>
        %swap3A_346 = tpu.memref_squeeze %swap3A_345 : memref<1x24x1024xf32, #tpu.memory_space<vmem>> -> memref<24x1024xf32, #tpu.memory_space<vmem>>
        %swap3A_347 = arith.index_cast %scan3A_283 : i32 to index
        %swap3A_348 = arith.constant 48 : index
        %swap3A_349 = tpu.vector_load %swap3A_346[%swap3A_347, %swap3A_348] {strides = array<i32>} : memref<24x1024xf32, #tpu.memory_space<vmem>>, vector<16xf32>,
        tpu.vector_store %swap3A_346[%swap3A_347, %swap3A_348], %mul3A_342 {strides = array<i32>} : memref<24x1024xf32, #tpu.memory_space<vmem>>, vector<16xf32>,
        %get3A_350 = arith.constant 0 : i32
        %get3A_351 = arith.constant 0 : i32
        %get3A_352 = tpu.memref_slice %arg8[%scan3A_127, %get3A_350, %get3A_351] : memref<2x24x1024xf32, #tpu.memory_space<vmem>> -> memref<1x24x1024xf32, #tpu.memory_space<vmem>>
        %get3A_353 = tpu.memref_squeeze %get3A_352 : memref<1x24x1024xf32, #tpu.memory_space<vmem>> -> memref<24x1024xf32, #tpu.memory_space<vmem>>
        %get3A_354 = arith.index_cast %scan3A_283 : i32 to index
        %get3A_355 = arith.constant 64 : index
        %get3A_356 = tpu.vector_load %get3A_353[%get3A_354, %get3A_355] {strides = array<i32>} : memref<24x1024xf32, #tpu.memory_space<vmem>>, vector<16xf32>,
        %mul3A_357 = arith.constant 3.000000e+01 : f32
        %mul3A_358 = vector.broadcast %mul3A_357 : f32 to vector<16xf32>
        %mul3A_359 = arith.mulf %get3A_356, %mul3A_358 : vector<16xf32>
        %swap3A_360 = arith.constant 0 : i32
        %swap3A_361 = arith.constant 0 : i32
        %swap3A_362 = tpu.memref_slice %arg9[%scan3A_128, %swap3A_360, %swap3A_361] : memref<2x24x1024xf32, #tpu.memory_space<vmem>> -> memref<1x24x1024xf32, #tpu.memory_space<vmem>>
        %swap3A_363 = tpu.memref_squeeze %swap3A_362 : memref<1x24x1024xf32, #tpu.memory_space<vmem>> -> memref<24x1024xf32, #tpu.memory_space<vmem>>
        %swap3A_364 = arith.index_cast %scan3A_283 : i32 to index
        %swap3A_365 = arith.constant 64 : index
        %swap3A_366 = tpu.vector_load %swap3A_363[%swap3A_364, %swap3A_365] {strides = array<i32>} : memref<24x1024xf32, #tpu.memory_space<vmem>>, vector<16xf32>,
        tpu.vector_store %swap3A_363[%swap3A_364, %swap3A_365], %mul3A_359 {strides = array<i32>} : memref<24x1024xf32, #tpu.memory_space<vmem>>, vector<16xf32>,
        %get3A_367 = arith.constant 0 : i32
        %get3A_368 = arith.constant 0 : i32
        %get3A_369 = tpu.memref_slice %arg8[%scan3A_127, %get3A_367, %get3A_368] : memref<2x24x1024xf32, #tpu.memory_space<vmem>> -> memref<1x24x1024xf32, #tpu.memory_space<vmem>>
        %get3A_370 = tpu.memref_squeeze %get3A_369 : memref<1x24x1024xf32, #tpu.memory_space<vmem>> -> memref<24x1024xf32, #tpu.memory_space<vmem>>
        %get3A_371 = arith.index_cast %scan3A_283 : i32 to index
        %get3A_372 = arith.constant 80 : index
        %get3A_373 = tpu.vector_load %get3A_370[%get3A_371, %get3A_372] {strides = array<i32>} : memref<24x1024xf32, #tpu.memory_space<vmem>>, vector<16xf32>,
        %mul3A_374 = arith.constant 3.000000e+01 : f32
        %mul3A_375 = vector.broadcast %mul3A_374 : f32 to vector<16xf32>
        %mul3A_376 = arith.mulf %get3A_373, %mul3A_375 : vector<16xf32>
        %swap3A_377 = arith.constant 0 : i32
        %swap3A_378 = arith.constant 0 : i32
        %swap3A_379 = tpu.memref_slice %arg9[%scan3A_128, %swap3A_377, %swap3A_378] : memref<2x24x1024xf32, #tpu.memory_space<vmem>> -> memref<1x24x1024xf32, #tpu.memory_space<vmem>>
        %swap3A_380 = tpu.memref_squeeze %swap3A_379 : memref<1x24x1024xf32, #tpu.memory_space<vmem>> -> memref<24x1024xf32, #tpu.memory_space<vmem>>
        %swap3A_381 = arith.index_cast %scan3A_283 : i32 to index
        %swap3A_382 = arith.constant 80 : index
        %swap3A_383 = tpu.vector_load %swap3A_380[%swap3A_381, %swap3A_382] {strides = array<i32>} : memref<24x1024xf32, #tpu.memory_space<vmem>>, vector<16xf32>,
        tpu.vector_store %swap3A_380[%swap3A_381, %swap3A_382], %mul3A_376 {strides = array<i32>} : memref<24x1024xf32, #tpu.memory_space<vmem>>, vector<16xf32>,
        %get3A_384 = arith.constant 0 : i32
        %get3A_385 = arith.constant 0 : i32
        %get3A_386 = tpu.memref_slice %arg8[%scan3A_127, %get3A_384, %get3A_385] : memref<2x24x1024xf32, #tpu.memory_space<vmem>> -> memref<1x24x1024xf32, #tpu.memory_space<vmem>>
        %get3A_387 = tpu.memref_squeeze %get3A_386 : memref<1x24x1024xf32, #tpu.memory_space<vmem>> -> memref<24x1024xf32, #tpu.memory_space<vmem>>
        %get3A_388 = arith.index_cast %scan3A_283 : i32 to index
        %get3A_389 = arith.constant 96 : index
        %get3A_390 = tpu.vector_load %get3A_387[%get3A_388, %get3A_389] {strides = array<i32>} : memref<24x1024xf32, #tpu.memory_space<vmem>>, vector<16xf32>,
        %mul3A_391 = arith.constant 3.000000e+01 : f32
        %mul3A_392 = vector.broadcast %mul3A_391 : f32 to vector<16xf32>
        %mul3A_393 = arith.mulf %get3A_390, %mul3A_392 : vector<16xf32>
        %swap3A_394 = arith.constant 0 : i32
        %swap3A_395 = arith.constant 0 : i32
        %swap3A_396 = tpu.memref_slice %arg9[%scan3A_128, %swap3A_394, %swap3A_395] : memref<2x24x1024xf32, #tpu.memory_space<vmem>> -> memref<1x24x1024xf32, #tpu.memory_space<vmem>>
        %swap3A_397 = tpu.memref_squeeze %swap3A_396 : memref<1x24x1024xf32, #tpu.memory_space<vmem>> -> memref<24x1024xf32, #tpu.memory_space<vmem>>
        %swap3A_398 = arith.index_cast %scan3A_283 : i32 to index
        %swap3A_399 = arith.constant 96 : index
        %swap3A_400 = tpu.vector_load %swap3A_397[%swap3A_398, %swap3A_399] {strides = array<i32>} : memref<24x1024xf32, #tpu.memory_space<vmem>>, vector<16xf32>,
        tpu.vector_store %swap3A_397[%swap3A_398, %swap3A_399], %mul3A_393 {strides = array<i32>} : memref<24x1024xf32, #tpu.memory_space<vmem>>, vector<16xf32>,
        %get3A_401 = arith.constant 0 : i32
        %get3A_402 = arith.constant 0 : i32
        %get3A_403 = tpu.memref_slice %arg8[%scan3A_127, %get3A_401, %get3A_402] : memref<2x24x1024xf32, #tpu.memory_space<vmem>> -> memref<1x24x1024xf32, #tpu.memory_space<vmem>>
        %get3A_404 = tpu.memref_squeeze %get3A_403 : memref<1x24x1024xf32, #tpu.memory_space<vmem>> -> memref<24x1024xf32, #tpu.memory_space<vmem>>
        %get3A_405 = arith.index_cast %scan3A_283 : i32 to index
        %get3A_406 = arith.constant 112 : index
        %get3A_407 = tpu.vector_load %get3A_404[%get3A_405, %get3A_406] {strides = array<i32>} : memref<24x1024xf32, #tpu.memory_space<vmem>>, vector<16xf32>,
        %mul3A_408 = arith.constant 3.000000e+01 : f32
        %mul3A_409 = vector.broadcast %mul3A_408 : f32 to vector<16xf32>
        %mul3A_410 = arith.mulf %get3A_407, %mul3A_409 : vector<16xf32>
        %swap3A_411 = arith.constant 0 : i32
        %swap3A_412 = arith.constant 0 : i32
        %swap3A_413 = tpu.memref_slice %arg9[%scan3A_128, %swap3A_411, %swap3A_412] : memref<2x24x1024xf32, #tpu.memory_space<vmem>> -> memref<1x24x1024xf32, #tpu.memory_space<vmem>>
        %swap3A_414 = tpu.memref_squeeze %swap3A_413 : memref<1x24x1024xf32, #tpu.memory_space<vmem>> -> memref<24x1024xf32, #tpu.memory_space<vmem>>
        %swap3A_415 = arith.index_cast %scan3A_283 : i32 to index
        %swap3A_416 = arith.constant 112 : index
        %swap3A_417 = tpu.vector_load %swap3A_414[%swap3A_415, %swap3A_416] {strides = array<i32>} : memref<24x1024xf32, #tpu.memory_space<vmem>>, vector<16xf32>,
        tpu.vector_store %swap3A_414[%swap3A_415, %swap3A_416], %mul3A_410 {strides = array<i32>} : memref<24x1024xf32, #tpu.memory_space<vmem>>, vector<16xf32>,
        %get3A_418 = arith.constant 0 : i32
        %get3A_419 = arith.constant 0 : i32
        %get3A_420 = tpu.memref_slice %arg8[%scan3A_127, %get3A_418, %get3A_419] : memref<2x24x1024xf32, #tpu.memory_space<vmem>> -> memref<1x24x1024xf32, #tpu.memory_space<vmem>>
        %get3A_421 = tpu.memref_squeeze %get3A_420 : memref<1x24x1024xf32, #tpu.memory_space<vmem>> -> memref<24x1024xf32, #tpu.memory_space<vmem>>
        %get3A_422 = arith.index_cast %scan3A_283 : i32 to index
        %get3A_423 = arith.constant 128 : index
        %get3A_424 = tpu.vector_load %get3A_421[%get3A_422, %get3A_423] {strides = array<i32>} : memref<24x1024xf32, #tpu.memory_space<vmem>>, vector<16xf32>,
        %mul3A_425 = arith.constant 3.000000e+01 : f32
        %mul3A_426 = vector.broadcast %mul3A_425 : f32 to vector<16xf32>
        %mul3A_427 = arith.mulf %get3A_424, %mul3A_426 : vector<16xf32>
        %swap3A_428 = arith.constant 0 : i32
        %swap3A_429 = arith.constant 0 : i32
        %swap3A_430 = tpu.memref_slice %arg9[%scan3A_128, %swap3A_428, %swap3A_429] : memref<2x24x1024xf32, #tpu.memory_space<vmem>> -> memref<1x24x1024xf32, #tpu.memory_space<vmem>>
        %swap3A_431 = tpu.memref_squeeze %swap3A_430 : memref<1x24x1024xf32, #tpu.memory_space<vmem>> -> memref<24x1024xf32, #tpu.memory_space<vmem>>
        %swap3A_432 = arith.index_cast %scan3A_283 : i32 to index
        %swap3A_433 = arith.constant 128 : index
        %swap3A_434 = tpu.vector_load %swap3A_431[%swap3A_432, %swap3A_433] {strides = array<i32>} : memref<24x1024xf32, #tpu.memory_space<vmem>>, vector<16xf32>,
        tpu.vector_store %swap3A_431[%swap3A_432, %swap3A_433], %mul3A_427 {strides = array<i32>} : memref<24x1024xf32, #tpu.memory_space<vmem>>, vector<16xf32>,
        %get3A_435 = arith.constant 0 : i32
        %get3A_436 = arith.constant 0 : i32
        %get3A_437 = tpu.memref_slice %arg8[%scan3A_127, %get3A_435, %get3A_436] : memref<2x24x1024xf32, #tpu.memory_space<vmem>> -> memref<1x24x1024xf32, #tpu.memory_space<vmem>>
        %get3A_438 = tpu.memref_squeeze %get3A_437 : memref<1x24x1024xf32, #tpu.memory_space<vmem>> -> memref<24x1024xf32, #tpu.memory_space<vmem>>
        %get3A_439 = arith.index_cast %scan3A_283 : i32 to index
        %get3A_440 = arith.constant 144 : index
        %get3A_441 = tpu.vector_load %get3A_438[%get3A_439, %get3A_440] {strides = array<i32>} : memref<24x1024xf32, #tpu.memory_space<vmem>>, vector<16xf32>,
        %mul3A_442 = arith.constant 3.000000e+01 : f32
        %mul3A_443 = vector.broadcast %mul3A_442 : f32 to vector<16xf32>
        %mul3A_444 = arith.mulf %get3A_441, %mul3A_443 : vector<16xf32>
        %swap3A_445 = arith.constant 0 : i32
        %swap3A_446 = arith.constant 0 : i32
        %swap3A_447 = tpu.memref_slice %arg9[%scan3A_128, %swap3A_445, %swap3A_446] : memref<2x24x1024xf32, #tpu.memory_space<vmem>> -> memref<1x24x1024xf32, #tpu.memory_space<vmem>>
        %swap3A_448 = tpu.memref_squeeze %swap3A_447 : memref<1x24x1024xf32, #tpu.memory_space<vmem>> -> memref<24x1024xf32, #tpu.memory_space<vmem>>
        %swap3A_449 = arith.index_cast %scan3A_283 : i32 to index
        %swap3A_450 = arith.constant 144 : index
        %swap3A_451 = tpu.vector_load %swap3A_448[%swap3A_449, %swap3A_450] {strides = array<i32>} : memref<24x1024xf32, #tpu.memory_space<vmem>>, vector<16xf32>,
        tpu.vector_store %swap3A_448[%swap3A_449, %swap3A_450], %mul3A_444 {strides = array<i32>} : memref<24x1024xf32, #tpu.memory_space<vmem>>, vector<16xf32>,
        %get3A_452 = arith.constant 0 : i32
        %get3A_453 = arith.constant 0 : i32
        %get3A_454 = tpu.memref_slice %arg8[%scan3A_127, %get3A_452, %get3A_453] : memref<2x24x1024xf32, #tpu.memory_space<vmem>> -> memref<1x24x1024xf32, #tpu.memory_space<vmem>>
        %get3A_455 = tpu.memref_squeeze %get3A_454 : memref<1x24x1024xf32, #tpu.memory_space<vmem>> -> memref<24x1024xf32, #tpu.memory_space<vmem>>
        %get3A_456 = arith.index_cast %scan3A_283 : i32 to index
        %get3A_457 = arith.constant 160 : index
        %get3A_458 = tpu.vector_load %get3A_455[%get3A_456, %get3A_457] {strides = array<i32>} : memref<24x1024xf32, #tpu.memory_space<vmem>>, vector<16xf32>,
        %mul3A_459 = arith.constant 3.000000e+01 : f32
        %mul3A_460 = vector.broadcast %mul3A_459 : f32 to vector<16xf32>
        %mul3A_461 = arith.mulf %get3A_458, %mul3A_460 : vector<16xf32>
        %swap3A_462 = arith.constant 0 : i32
        %swap3A_463 = arith.constant 0 : i32
        %swap3A_464 = tpu.memref_slice %arg9[%scan3A_128, %swap3A_462, %swap3A_463] : memref<2x24x1024xf32, #tpu.memory_space<vmem>> -> memref<1x24x1024xf32, #tpu.memory_space<vmem>>
        %swap3A_465 = tpu.memref_squeeze %swap3A_464 : memref<1x24x1024xf32, #tpu.memory_space<vmem>> -> memref<24x1024xf32, #tpu.memory_space<vmem>>
        %swap3A_466 = arith.index_cast %scan3A_283 : i32 to index
        %swap3A_467 = arith.constant 160 : index
        %swap3A_468 = tpu.vector_load %swap3A_465[%swap3A_466, %swap3A_467] {strides = array<i32>} : memref<24x1024xf32, #tpu.memory_space<vmem>>, vector<16xf32>,
        tpu.vector_store %swap3A_465[%swap3A_466, %swap3A_467], %mul3A_461 {strides = array<i32>} : memref<24x1024xf32, #tpu.memory_space<vmem>>, vector<16xf32>,
        %get3A_469 = arith.constant 0 : i32
        %get3A_470 = arith.constant 0 : i32
        %get3A_471 = tpu.memref_slice %arg8[%scan3A_127, %get3A_469, %get3A_470] : memref<2x24x1024xf32, #tpu.memory_space<vmem>> -> memref<1x24x1024xf32, #tpu.memory_space<vmem>>
        %get3A_472 = tpu.memref_squeeze %get3A_471 : memref<1x24x1024xf32, #tpu.memory_space<vmem>> -> memref<24x1024xf32, #tpu.memory_space<vmem>>
        %get3A_473 = arith.index_cast %scan3A_283 : i32 to index
        %get3A_474 = arith.constant 176 : index
        %get3A_475 = tpu.vector_load %get3A_472[%get3A_473, %get3A_474] {strides = array<i32>} : memref<24x1024xf32, #tpu.memory_space<vmem>>, vector<16xf32>,
        %mul3A_476 = arith.constant 3.000000e+01 : f32
        %mul3A_477 = vector.broadcast %mul3A_476 : f32 to vector<16xf32>
        %mul3A_478 = arith.mulf %get3A_475, %mul3A_477 : vector<16xf32>
        %swap3A_479 = arith.constant 0 : i32
        %swap3A_480 = arith.constant 0 : i32
        %swap3A_481 = tpu.memref_slice %arg9[%scan3A_128, %swap3A_479, %swap3A_480] : memref<2x24x1024xf32, #tpu.memory_space<vmem>> -> memref<1x24x1024xf32, #tpu.memory_space<vmem>>
        %swap3A_482 = tpu.memref_squeeze %swap3A_481 : memref<1x24x1024xf32, #tpu.memory_space<vmem>> -> memref<24x1024xf32, #tpu.memory_space<vmem>>
        %swap3A_483 = arith.index_cast %scan3A_283 : i32 to index
        %swap3A_484 = arith.constant 176 : index
        %swap3A_485 = tpu.vector_load %swap3A_482[%swap3A_483, %swap3A_484] {strides = array<i32>} : memref<24x1024xf32, #tpu.memory_space<vmem>>, vector<16xf32>,
        tpu.vector_store %swap3A_482[%swap3A_483, %swap3A_484], %mul3A_478 {strides = array<i32>} : memref<24x1024xf32, #tpu.memory_space<vmem>>, vector<16xf32>,
        %get3A_486 = arith.constant 0 : i32
        %get3A_487 = arith.constant 0 : i32
        %get3A_488 = tpu.memref_slice %arg8[%scan3A_127, %get3A_486, %get3A_487] : memref<2x24x1024xf32, #tpu.memory_space<vmem>> -> memref<1x24x1024xf32, #tpu.memory_space<vmem>>
        %get3A_489 = tpu.memref_squeeze %get3A_488 : memref<1x24x1024xf32, #tpu.memory_space<vmem>> -> memref<24x1024xf32, #tpu.memory_space<vmem>>
        %get3A_490 = arith.index_cast %scan3A_283 : i32 to index
        %get3A_491 = arith.constant 192 : index
        %get3A_492 = tpu.vector_load %get3A_489[%get3A_490, %get3A_491] {strides = array<i32>} : memref<24x1024xf32, #tpu.memory_space<vmem>>, vector<16xf32>,
        %mul3A_493 = arith.constant 3.000000e+01 : f32
        %mul3A_494 = vector.broadcast %mul3A_493 : f32 to vector<16xf32>
        %mul3A_495 = arith.mulf %get3A_492, %mul3A_494 : vector<16xf32>
        %swap3A_496 = arith.constant 0 : i32
        %swap3A_497 = arith.constant 0 : i32
        %swap3A_498 = tpu.memref_slice %arg9[%scan3A_128, %swap3A_496, %swap3A_497] : memref<2x24x1024xf32, #tpu.memory_space<vmem>> -> memref<1x24x1024xf32, #tpu.memory_space<vmem>>
        %swap3A_499 = tpu.memref_squeeze %swap3A_498 : memref<1x24x1024xf32, #tpu.memory_space<vmem>> -> memref<24x1024xf32, #tpu.memory_space<vmem>>
        %swap3A_500 = arith.index_cast %scan3A_283 : i32 to index
        %swap3A_501 = arith.constant 192 : index
        %swap3A_502 = tpu.vector_load %swap3A_499[%swap3A_500, %swap3A_501] {strides = array<i32>} : memref<24x1024xf32, #tpu.memory_space<vmem>>, vector<16xf32>,
        tpu.vector_store %swap3A_499[%swap3A_500, %swap3A_501], %mul3A_495 {strides = array<i32>} : memref<24x1024xf32, #tpu.memory_space<vmem>>, vector<16xf32>,
        %get3A_503 = arith.constant 0 : i32
        %get3A_504 = arith.constant 0 : i32
        %get3A_505 = tpu.memref_slice %arg8[%scan3A_127, %get3A_503, %get3A_504] : memref<2x24x1024xf32, #tpu.memory_space<vmem>> -> memref<1x24x1024xf32, #tpu.memory_space<vmem>>
        %get3A_506 = tpu.memref_squeeze %get3A_505 : memref<1x24x1024xf32, #tpu.memory_space<vmem>> -> memref<24x1024xf32, #tpu.memory_space<vmem>>
        %get3A_507 = arith.index_cast %scan3A_283 : i32 to index
        %get3A_508 = arith.constant 208 : index
        %get3A_509 = tpu.vector_load %get3A_506[%get3A_507, %get3A_508] {strides = array<i32>} : memref<24x1024xf32, #tpu.memory_space<vmem>>, vector<16xf32>,
        %mul3A_510 = arith.constant 3.000000e+01 : f32
        %mul3A_511 = vector.broadcast %mul3A_510 : f32 to vector<16xf32>
        %mul3A_512 = arith.mulf %get3A_509, %mul3A_511 : vector<16xf32>
        %swap3A_513 = arith.constant 0 : i32
        %swap3A_514 = arith.constant 0 : i32
        %swap3A_515 = tpu.memref_slice %arg9[%scan3A_128, %swap3A_513, %swap3A_514] : memref<2x24x1024xf32, #tpu.memory_space<vmem>> -> memref<1x24x1024xf32, #tpu.memory_space<vmem>>
        %swap3A_516 = tpu.memref_squeeze %swap3A_515 : memref<1x24x1024xf32, #tpu.memory_space<vmem>> -> memref<24x1024xf32, #tpu.memory_space<vmem>>
        %swap3A_517 = arith.index_cast %scan3A_283 : i32 to index
        %swap3A_518 = arith.constant 208 : index
        %swap3A_519 = tpu.vector_load %swap3A_516[%swap3A_517, %swap3A_518] {strides = array<i32>} : memref<24x1024xf32, #tpu.memory_space<vmem>>, vector<16xf32>,
        tpu.vector_store %swap3A_516[%swap3A_517, %swap3A_518], %mul3A_512 {strides = array<i32>} : memref<24x1024xf32, #tpu.memory_space<vmem>>, vector<16xf32>,
        %get3A_520 = arith.constant 0 : i32
        %get3A_521 = arith.constant 0 : i32
        %get3A_522 = tpu.memref_slice %arg8[%scan3A_127, %get3A_520, %get3A_521] : memref<2x24x1024xf32, #tpu.memory_space<vmem>> -> memref<1x24x1024xf32, #tpu.memory_space<vmem>>
        %get3A_523 = tpu.memref_squeeze %get3A_522 : memref<1x24x1024xf32, #tpu.memory_space<vmem>> -> memref<24x1024xf32, #tpu.memory_space<vmem>>
        %get3A_524 = arith.index_cast %scan3A_283 : i32 to index
        %get3A_525 = arith.constant 224 : index
        %get3A_526 = tpu.vector_load %get3A_523[%get3A_524, %get3A_525] {strides = array<i32>} : memref<24x1024xf32, #tpu.memory_space<vmem>>, vector<16xf32>,
        %mul3A_527 = arith.constant 3.000000e+01 : f32
        %mul3A_528 = vector.broadcast %mul3A_527 : f32 to vector<16xf32>
        %mul3A_529 = arith.mulf %get3A_526, %mul3A_528 : vector<16xf32>
        %swap3A_530 = arith.constant 0 : i32
        %swap3A_531 = arith.constant 0 : i32
        %swap3A_532 = tpu.memref_slice %arg9[%scan3A_128, %swap3A_530, %swap3A_531] : memref<2x24x1024xf32, #tpu.memory_space<vmem>> -> memref<1x24x1024xf32, #tpu.memory_space<vmem>>
        %swap3A_533 = tpu.memref_squeeze %swap3A_532 : memref<1x24x1024xf32, #tpu.memory_space<vmem>> -> memref<24x1024xf32, #tpu.memory_space<vmem>>
        %swap3A_534 = arith.index_cast %scan3A_283 : i32 to index
        %swap3A_535 = arith.constant 224 : index
        %swap3A_536 = tpu.vector_load %swap3A_533[%swap3A_534, %swap3A_535] {strides = array<i32>} : memref<24x1024xf32, #tpu.memory_space<vmem>>, vector<16xf32>,
        tpu.vector_store %swap3A_533[%swap3A_534, %swap3A_535], %mul3A_529 {strides = array<i32>} : memref<24x1024xf32, #tpu.memory_space<vmem>>, vector<16xf32>,
        %get3A_537 = arith.constant 0 : i32
        %get3A_538 = arith.constant 0 : i32
        %get3A_539 = tpu.memref_slice %arg8[%scan3A_127, %get3A_537, %get3A_538] : memref<2x24x1024xf32, #tpu.memory_space<vmem>> -> memref<1x24x1024xf32, #tpu.memory_space<vmem>>
        %get3A_540 = tpu.memref_squeeze %get3A_539 : memref<1x24x1024xf32, #tpu.memory_space<vmem>> -> memref<24x1024xf32, #tpu.memory_space<vmem>>
        %get3A_541 = arith.index_cast %scan3A_283 : i32 to index
        %get3A_542 = arith.constant 240 : index
        %get3A_543 = tpu.vector_load %get3A_540[%get3A_541, %get3A_542] {strides = array<i32>} : memref<24x1024xf32, #tpu.memory_space<vmem>>, vector<16xf32>,
        %mul3A_544 = arith.constant 3.000000e+01 : f32
        %mul3A_545 = vector.broadcast %mul3A_544 : f32 to vector<16xf32>
        %mul3A_546 = arith.mulf %get3A_543, %mul3A_545 : vector<16xf32>
        %swap3A_547 = arith.constant 0 : i32
        %swap3A_548 = arith.constant 0 : i32
        %swap3A_549 = tpu.memref_slice %arg9[%scan3A_128, %swap3A_547, %swap3A_548] : memref<2x24x1024xf32, #tpu.memory_space<vmem>> -> memref<1x24x1024xf32, #tpu.memory_space<vmem>>
        %swap3A_550 = tpu.memref_squeeze %swap3A_549 : memref<1x24x1024xf32, #tpu.memory_space<vmem>> -> memref<24x1024xf32, #tpu.memory_space<vmem>>
        %swap3A_551 = arith.index_cast %scan3A_283 : i32 to index
        %swap3A_552 = arith.constant 240 : index
        %swap3A_553 = tpu.vector_load %swap3A_550[%swap3A_551, %swap3A_552] {strides = array<i32>} : memref<24x1024xf32, #tpu.memory_space<vmem>>, vector<16xf32>,
        tpu.vector_store %swap3A_550[%swap3A_551, %swap3A_552], %mul3A_546 {strides = array<i32>} : memref<24x1024xf32, #tpu.memory_space<vmem>>, vector<16xf32>,
        %get3A_554 = arith.constant 0 : i32
        %get3A_555 = arith.constant 0 : i32
        %get3A_556 = tpu.memref_slice %arg8[%scan3A_127, %get3A_554, %get3A_555] : memref<2x24x1024xf32, #tpu.memory_space<vmem>> -> memref<1x24x1024xf32, #tpu.memory_space<vmem>>
        %get3A_557 = tpu.memref_squeeze %get3A_556 : memref<1x24x1024xf32, #tpu.memory_space<vmem>> -> memref<24x1024xf32, #tpu.memory_space<vmem>>
        %get3A_558 = arith.index_cast %scan3A_283 : i32 to index
        %get3A_559 = arith.constant 256 : index
        %get3A_560 = tpu.vector_load %get3A_557[%get3A_558, %get3A_559] {strides = array<i32>} : memref<24x1024xf32, #tpu.memory_space<vmem>>, vector<16xf32>,
        %mul3A_561 = arith.constant 3.000000e+01 : f32
        %mul3A_562 = vector.broadcast %mul3A_561 : f32 to vector<16xf32>
        %mul3A_563 = arith.mulf %get3A_560, %mul3A_562 : vector<16xf32>
        %swap3A_564 = arith.constant 0 : i32
        %swap3A_565 = arith.constant 0 : i32
        %swap3A_566 = tpu.memref_slice %arg9[%scan3A_128, %swap3A_564, %swap3A_565] : memref<2x24x1024xf32, #tpu.memory_space<vmem>> -> memref<1x24x1024xf32, #tpu.memory_space<vmem>>
        %swap3A_567 = tpu.memref_squeeze %swap3A_566 : memref<1x24x1024xf32, #tpu.memory_space<vmem>> -> memref<24x1024xf32, #tpu.memory_space<vmem>>
        %swap3A_568 = arith.index_cast %scan3A_283 : i32 to index
        %swap3A_569 = arith.constant 256 : index
        %swap3A_570 = tpu.vector_load %swap3A_567[%swap3A_568, %swap3A_569] {strides = array<i32>} : memref<24x1024xf32, #tpu.memory_space<vmem>>, vector<16xf32>,
        tpu.vector_store %swap3A_567[%swap3A_568, %swap3A_569], %mul3A_563 {strides = array<i32>} : memref<24x1024xf32, #tpu.memory_space<vmem>>, vector<16xf32>,
        %get3A_571 = arith.constant 0 : i32
        %get3A_572 = arith.constant 0 : i32
        %get3A_573 = tpu.memref_slice %arg8[%scan3A_127, %get3A_571, %get3A_572] : memref<2x24x1024xf32, #tpu.memory_space<vmem>> -> memref<1x24x1024xf32, #tpu.memory_space<vmem>>
        %get3A_574 = tpu.memref_squeeze %get3A_573 : memref<1x24x1024xf32, #tpu.memory_space<vmem>> -> memref<24x1024xf32, #tpu.memory_space<vmem>>
        %get3A_575 = arith.index_cast %scan3A_283 : i32 to index
        %get3A_576 = arith.constant 272 : index
        %get3A_577 = tpu.vector_load %get3A_574[%get3A_575, %get3A_576] {strides = array<i32>} : memref<24x1024xf32, #tpu.memory_space<vmem>>, vector<16xf32>,
        %mul3A_578 = arith.constant 3.000000e+01 : f32
        %mul3A_579 = vector.broadcast %mul3A_578 : f32 to vector<16xf32>
        %mul3A_580 = arith.mulf %get3A_577, %mul3A_579 : vector<16xf32>
        %swap3A_581 = arith.constant 0 : i32
        %swap3A_582 = arith.constant 0 : i32
        %swap3A_583 = tpu.memref_slice %arg9[%scan3A_128, %swap3A_581, %swap3A_582] : memref<2x24x1024xf32, #tpu.memory_space<vmem>> -> memref<1x24x1024xf32, #tpu.memory_space<vmem>>
        %swap3A_584 = tpu.memref_squeeze %swap3A_583 : memref<1x24x1024xf32, #tpu.memory_space<vmem>> -> memref<24x1024xf32, #tpu.memory_space<vmem>>
        %swap3A_585 = arith.index_cast %scan3A_283 : i32 to index
        %swap3A_586 = arith.constant 272 : index
        %swap3A_587 = tpu.vector_load %swap3A_584[%swap3A_585, %swap3A_586] {strides = array<i32>} : memref<24x1024xf32, #tpu.memory_space<vmem>>, vector<16xf32>,
        tpu.vector_store %swap3A_584[%swap3A_585, %swap3A_586], %mul3A_580 {strides = array<i32>} : memref<24x1024xf32, #tpu.memory_space<vmem>>, vector<16xf32>,
        %get3A_588 = arith.constant 0 : i32
        %get3A_589 = arith.constant 0 : i32
        %get3A_590 = tpu.memref_slice %arg8[%scan3A_127, %get3A_588, %get3A_589] : memref<2x24x1024xf32, #tpu.memory_space<vmem>> -> memref<1x24x1024xf32, #tpu.memory_space<vmem>>
        %get3A_591 = tpu.memref_squeeze %get3A_590 : memref<1x24x1024xf32, #tpu.memory_space<vmem>> -> memref<24x1024xf32, #tpu.memory_space<vmem>>
        %get3A_592 = arith.index_cast %scan3A_283 : i32 to index
        %get3A_593 = arith.constant 288 : index
        %get3A_594 = tpu.vector_load %get3A_591[%get3A_592, %get3A_593] {strides = array<i32>} : memref<24x1024xf32, #tpu.memory_space<vmem>>, vector<16xf32>,
        %mul3A_595 = arith.constant 3.000000e+01 : f32
        %mul3A_596 = vector.broadcast %mul3A_595 : f32 to vector<16xf32>
        %mul3A_597 = arith.mulf %get3A_594, %mul3A_596 : vector<16xf32>
        %swap3A_598 = arith.constant 0 : i32
        %swap3A_599 = arith.constant 0 : i32
        %swap3A_600 = tpu.memref_slice %arg9[%scan3A_128, %swap3A_598, %swap3A_599] : memref<2x24x1024xf32, #tpu.memory_space<vmem>> -> memref<1x24x1024xf32, #tpu.memory_space<vmem>>
        %swap3A_601 = tpu.memref_squeeze %swap3A_600 : memref<1x24x1024xf32, #tpu.memory_space<vmem>> -> memref<24x1024xf32, #tpu.memory_space<vmem>>
        %swap3A_602 = arith.index_cast %scan3A_283 : i32 to index
        %swap3A_603 = arith.constant 288 : index
        %swap3A_604 = tpu.vector_load %swap3A_601[%swap3A_602, %swap3A_603] {strides = array<i32>} : memref<24x1024xf32, #tpu.memory_space<vmem>>, vector<16xf32>,
        tpu.vector_store %swap3A_601[%swap3A_602, %swap3A_603], %mul3A_597 {strides = array<i32>} : memref<24x1024xf32, #tpu.memory_space<vmem>>, vector<16xf32>,
        %get3A_605 = arith.constant 0 : i32
        %get3A_606 = arith.constant 0 : i32
        %get3A_607 = tpu.memref_slice %arg8[%scan3A_127, %get3A_605, %get3A_606] : memref<2x24x1024xf32, #tpu.memory_space<vmem>> -> memref<1x24x1024xf32, #tpu.memory_space<vmem>>
        %get3A_608 = tpu.memref_squeeze %get3A_607 : memref<1x24x1024xf32, #tpu.memory_space<vmem>> -> memref<24x1024xf32, #tpu.memory_space<vmem>>
        %get3A_609 = arith.index_cast %scan3A_283 : i32 to index
        %get3A_610 = arith.constant 304 : index
        %get3A_611 = tpu.vector_load %get3A_608[%get3A_609, %get3A_610] {strides = array<i32>} : memref<24x1024xf32, #tpu.memory_space<vmem>>, vector<16xf32>,
        %mul3A_612 = arith.constant 3.000000e+01 : f32
        %mul3A_613 = vector.broadcast %mul3A_612 : f32 to vector<16xf32>
        %mul3A_614 = arith.mulf %get3A_611, %mul3A_613 : vector<16xf32>
        %swap3A_615 = arith.constant 0 : i32
        %swap3A_616 = arith.constant 0 : i32
        %swap3A_617 = tpu.memref_slice %arg9[%scan3A_128, %swap3A_615, %swap3A_616] : memref<2x24x1024xf32, #tpu.memory_space<vmem>> -> memref<1x24x1024xf32, #tpu.memory_space<vmem>>
        %swap3A_618 = tpu.memref_squeeze %swap3A_617 : memref<1x24x1024xf32, #tpu.memory_space<vmem>> -> memref<24x1024xf32, #tpu.memory_space<vmem>>
        %swap3A_619 = arith.index_cast %scan3A_283 : i32 to index
        %swap3A_620 = arith.constant 304 : index
        %swap3A_621 = tpu.vector_load %swap3A_618[%swap3A_619, %swap3A_620] {strides = array<i32>} : memref<24x1024xf32, #tpu.memory_space<vmem>>, vector<16xf32>,
        tpu.vector_store %swap3A_618[%swap3A_619, %swap3A_620], %mul3A_614 {strides = array<i32>} : memref<24x1024xf32, #tpu.memory_space<vmem>>, vector<16xf32>,
        %get3A_622 = arith.constant 0 : i32
        %get3A_623 = arith.constant 0 : i32
        %get3A_624 = tpu.memref_slice %arg8[%scan3A_127, %get3A_622, %get3A_623] : memref<2x24x1024xf32, #tpu.memory_space<vmem>> -> memref<1x24x1024xf32, #tpu.memory_space<vmem>>
        %get3A_625 = tpu.memref_squeeze %get3A_624 : memref<1x24x1024xf32, #tpu.memory_space<vmem>> -> memref<24x1024xf32, #tpu.memory_space<vmem>>
        %get3A_626 = arith.index_cast %scan3A_283 : i32 to index
        %get3A_627 = arith.constant 320 : index
        %get3A_628 = tpu.vector_load %get3A_625[%get3A_626, %get3A_627] {strides = array<i32>} : memref<24x1024xf32, #tpu.memory_space<vmem>>, vector<16xf32>,
        %mul3A_629 = arith.constant 3.000000e+01 : f32
        %mul3A_630 = vector.broadcast %mul3A_629 : f32 to vector<16xf32>
        %mul3A_631 = arith.mulf %get3A_628, %mul3A_630 : vector<16xf32>
        %swap3A_632 = arith.constant 0 : i32
        %swap3A_633 = arith.constant 0 : i32
        %swap3A_634 = tpu.memref_slice %arg9[%scan3A_128, %swap3A_632, %swap3A_633] : memref<2x24x1024xf32, #tpu.memory_space<vmem>> -> memref<1x24x1024xf32, #tpu.memory_space<vmem>>
        %swap3A_635 = tpu.memref_squeeze %swap3A_634 : memref<1x24x1024xf32, #tpu.memory_space<vmem>> -> memref<24x1024xf32, #tpu.memory_space<vmem>>
        %swap3A_636 = arith.index_cast %scan3A_283 : i32 to index
        %swap3A_637 = arith.constant 320 : index
        %swap3A_638 = tpu.vector_load %swap3A_635[%swap3A_636, %swap3A_637] {strides = array<i32>} : memref<24x1024xf32, #tpu.memory_space<vmem>>, vector<16xf32>,
        tpu.vector_store %swap3A_635[%swap3A_636, %swap3A_637], %mul3A_631 {strides = array<i32>} : memref<24x1024xf32, #tpu.memory_space<vmem>>, vector<16xf32>,
        %get3A_639 = arith.constant 0 : i32
        %get3A_640 = arith.constant 0 : i32
        %get3A_641 = tpu.memref_slice %arg8[%scan3A_127, %get3A_639, %get3A_640] : memref<2x24x1024xf32, #tpu.memory_space<vmem>> -> memref<1x24x1024xf32, #tpu.memory_space<vmem>>
        %get3A_642 = tpu.memref_squeeze %get3A_641 : memref<1x24x1024xf32, #tpu.memory_space<vmem>> -> memref<24x1024xf32, #tpu.memory_space<vmem>>
        %get3A_643 = arith.index_cast %scan3A_283 : i32 to index
        %get3A_644 = arith.constant 336 : index
        %get3A_645 = tpu.vector_load %get3A_642[%get3A_643, %get3A_644] {strides = array<i32>} : memref<24x1024xf32, #tpu.memory_space<vmem>>, vector<16xf32>,
        %mul3A_646 = arith.constant 3.000000e+01 : f32
        %mul3A_647 = vector.broadcast %mul3A_646 : f32 to vector<16xf32>
        %mul3A_648 = arith.mulf %get3A_645, %mul3A_647 : vector<16xf32>
        %swap3A_649 = arith.constant 0 : i32
        %swap3A_650 = arith.constant 0 : i32
        %swap3A_651 = tpu.memref_slice %arg9[%scan3A_128, %swap3A_649, %swap3A_650] : memref<2x24x1024xf32, #tpu.memory_space<vmem>> -> memref<1x24x1024xf32, #tpu.memory_space<vmem>>
        %swap3A_652 = tpu.memref_squeeze %swap3A_651 : memref<1x24x1024xf32, #tpu.memory_space<vmem>> -> memref<24x1024xf32, #tpu.memory_space<vmem>>
        %swap3A_653 = arith.index_cast %scan3A_283 : i32 to index
        %swap3A_654 = arith.constant 336 : index
        %swap3A_655 = tpu.vector_load %swap3A_652[%swap3A_653, %swap3A_654] {strides = array<i32>} : memref<24x1024xf32, #tpu.memory_space<vmem>>, vector<16xf32>,
        tpu.vector_store %swap3A_652[%swap3A_653, %swap3A_654], %mul3A_648 {strides = array<i32>} : memref<24x1024xf32, #tpu.memory_space<vmem>>, vector<16xf32>,
        %get3A_656 = arith.constant 0 : i32
        %get3A_657 = arith.constant 0 : i32
        %get3A_658 = tpu.memref_slice %arg8[%scan3A_127, %get3A_656, %get3A_657] : memref<2x24x1024xf32, #tpu.memory_space<vmem>> -> memref<1x24x1024xf32, #tpu.memory_space<vmem>>
        %get3A_659 = tpu.memref_squeeze %get3A_658 : memref<1x24x1024xf32, #tpu.memory_space<vmem>> -> memref<24x1024xf32, #tpu.memory_space<vmem>>
        %get3A_660 = arith.index_cast %scan3A_283 : i32 to index
        %get3A_661 = arith.constant 352 : index
        %get3A_662 = tpu.vector_load %get3A_659[%get3A_660, %get3A_661] {strides = array<i32>} : memref<24x1024xf32, #tpu.memory_space<vmem>>, vector<16xf32>,
        %mul3A_663 = arith.constant 3.000000e+01 : f32
        %mul3A_664 = vector.broadcast %mul3A_663 : f32 to vector<16xf32>
        %mul3A_665 = arith.mulf %get3A_662, %mul3A_664 : vector<16xf32>
        %swap3A_666 = arith.constant 0 : i32
        %swap3A_667 = arith.constant 0 : i32
        %swap3A_668 = tpu.memref_slice %arg9[%scan3A_128, %swap3A_666, %swap3A_667] : memref<2x24x1024xf32, #tpu.memory_space<vmem>> -> memref<1x24x1024xf32, #tpu.memory_space<vmem>>
        %swap3A_669 = tpu.memref_squeeze %swap3A_668 : memref<1x24x1024xf32, #tpu.memory_space<vmem>> -> memref<24x1024xf32, #tpu.memory_space<vmem>>
        %swap3A_670 = arith.index_cast %scan3A_283 : i32 to index
        %swap3A_671 = arith.constant 352 : index
        %swap3A_672 = tpu.vector_load %swap3A_669[%swap3A_670, %swap3A_671] {strides = array<i32>} : memref<24x1024xf32, #tpu.memory_space<vmem>>, vector<16xf32>,
        tpu.vector_store %swap3A_669[%swap3A_670, %swap3A_671], %mul3A_665 {strides = array<i32>} : memref<24x1024xf32, #tpu.memory_space<vmem>>, vector<16xf32>,
        %get3A_673 = arith.constant 0 : i32
        %get3A_674 = arith.constant 0 : i32
        %get3A_675 = tpu.memref_slice %arg8[%scan3A_127, %get3A_673, %get3A_674] : memref<2x24x1024xf32, #tpu.memory_space<vmem>> -> memref<1x24x1024xf32, #tpu.memory_space<vmem>>
        %get3A_676 = tpu.memref_squeeze %get3A_675 : memref<1x24x1024xf32, #tpu.memory_space<vmem>> -> memref<24x1024xf32, #tpu.memory_space<vmem>>
        %get3A_677 = arith.index_cast %scan3A_283 : i32 to index
        %get3A_678 = arith.constant 368 : index
        %get3A_679 = tpu.vector_load %get3A_676[%get3A_677, %get3A_678] {strides = array<i32>} : memref<24x1024xf32, #tpu.memory_space<vmem>>, vector<16xf32>,
        %mul3A_680 = arith.constant 3.000000e+01 : f32
        %mul3A_681 = vector.broadcast %mul3A_680 : f32 to vector<16xf32>
        %mul3A_682 = arith.mulf %get3A_679, %mul3A_681 : vector<16xf32>
        %swap3A_683 = arith.constant 0 : i32
        %swap3A_684 = arith.constant 0 : i32
        %swap3A_685 = tpu.memref_slice %arg9[%scan3A_128, %swap3A_683, %swap3A_684] : memref<2x24x1024xf32, #tpu.memory_space<vmem>> -> memref<1x24x1024xf32, #tpu.memory_space<vmem>>
        %swap3A_686 = tpu.memref_squeeze %swap3A_685 : memref<1x24x1024xf32, #tpu.memory_space<vmem>> -> memref<24x1024xf32, #tpu.memory_space<vmem>>
        %swap3A_687 = arith.index_cast %scan3A_283 : i32 to index
        %swap3A_688 = arith.constant 368 : index
        %swap3A_689 = tpu.vector_load %swap3A_686[%swap3A_687, %swap3A_688] {strides = array<i32>} : memref<24x1024xf32, #tpu.memory_space<vmem>>, vector<16xf32>,
        tpu.vector_store %swap3A_686[%swap3A_687, %swap3A_688], %mul3A_682 {strides = array<i32>} : memref<24x1024xf32, #tpu.memory_space<vmem>>, vector<16xf32>,
        %get3A_690 = arith.constant 0 : i32
        %get3A_691 = arith.constant 0 : i32
        %get3A_692 = tpu.memref_slice %arg8[%scan3A_127, %get3A_690, %get3A_691] : memref<2x24x1024xf32, #tpu.memory_space<vmem>> -> memref<1x24x1024xf32, #tpu.memory_space<vmem>>
        %get3A_693 = tpu.memref_squeeze %get3A_692 : memref<1x24x1024xf32, #tpu.memory_space<vmem>> -> memref<24x1024xf32, #tpu.memory_space<vmem>>
        %get3A_694 = arith.index_cast %scan3A_283 : i32 to index
        %get3A_695 = arith.constant 384 : index
        %get3A_696 = tpu.vector_load %get3A_693[%get3A_694, %get3A_695] {strides = array<i32>} : memref<24x1024xf32, #tpu.memory_space<vmem>>, vector<16xf32>,
        %mul3A_697 = arith.constant 3.000000e+01 : f32
        %mul3A_698 = vector.broadcast %mul3A_697 : f32 to vector<16xf32>
        %mul3A_699 = arith.mulf %get3A_696, %mul3A_698 : vector<16xf32>
        %swap3A_700 = arith.constant 0 : i32
        %swap3A_701 = arith.constant 0 : i32
        %swap3A_702 = tpu.memref_slice %arg9[%scan3A_128, %swap3A_700, %swap3A_701] : memref<2x24x1024xf32, #tpu.memory_space<vmem>> -> memref<1x24x1024xf32, #tpu.memory_space<vmem>>
        %swap3A_703 = tpu.memref_squeeze %swap3A_702 : memref<1x24x1024xf32, #tpu.memory_space<vmem>> -> memref<24x1024xf32, #tpu.memory_space<vmem>>
        %swap3A_704 = arith.index_cast %scan3A_283 : i32 to index
        %swap3A_705 = arith.constant 384 : index
        %swap3A_706 = tpu.vector_load %swap3A_703[%swap3A_704, %swap3A_705] {strides = array<i32>} : memref<24x1024xf32, #tpu.memory_space<vmem>>, vector<16xf32>,
        tpu.vector_store %swap3A_703[%swap3A_704, %swap3A_705], %mul3A_699 {strides = array<i32>} : memref<24x1024xf32, #tpu.memory_space<vmem>>, vector<16xf32>,
        %get3A_707 = arith.constant 0 : i32
        %get3A_708 = arith.constant 0 : i32
        %get3A_709 = tpu.memref_slice %arg8[%scan3A_127, %get3A_707, %get3A_708] : memref<2x24x1024xf32, #tpu.memory_space<vmem>> -> memref<1x24x1024xf32, #tpu.memory_space<vmem>>
        %get3A_710 = tpu.memref_squeeze %get3A_709 : memref<1x24x1024xf32, #tpu.memory_space<vmem>> -> memref<24x1024xf32, #tpu.memory_space<vmem>>
        %get3A_711 = arith.index_cast %scan3A_283 : i32 to index
        %get3A_712 = arith.constant 400 : index
        %get3A_713 = tpu.vector_load %get3A_710[%get3A_711, %get3A_712] {strides = array<i32>} : memref<24x1024xf32, #tpu.memory_space<vmem>>, vector<16xf32>,
        %mul3A_714 = arith.constant 3.000000e+01 : f32
        %mul3A_715 = vector.broadcast %mul3A_714 : f32 to vector<16xf32>
        %mul3A_716 = arith.mulf %get3A_713, %mul3A_715 : vector<16xf32>
        %swap3A_717 = arith.constant 0 : i32
        %swap3A_718 = arith.constant 0 : i32
        %swap3A_719 = tpu.memref_slice %arg9[%scan3A_128, %swap3A_717, %swap3A_718] : memref<2x24x1024xf32, #tpu.memory_space<vmem>> -> memref<1x24x1024xf32, #tpu.memory_space<vmem>>
        %swap3A_720 = tpu.memref_squeeze %swap3A_719 : memref<1x24x1024xf32, #tpu.memory_space<vmem>> -> memref<24x1024xf32, #tpu.memory_space<vmem>>
        %swap3A_721 = arith.index_cast %scan3A_283 : i32 to index
        %swap3A_722 = arith.constant 400 : index
        %swap3A_723 = tpu.vector_load %swap3A_720[%swap3A_721, %swap3A_722] {strides = array<i32>} : memref<24x1024xf32, #tpu.memory_space<vmem>>, vector<16xf32>,
        tpu.vector_store %swap3A_720[%swap3A_721, %swap3A_722], %mul3A_716 {strides = array<i32>} : memref<24x1024xf32, #tpu.memory_space<vmem>>, vector<16xf32>,
        %get3A_724 = arith.constant 0 : i32
        %get3A_725 = arith.constant 0 : i32
        %get3A_726 = tpu.memref_slice %arg8[%scan3A_127, %get3A_724, %get3A_725] : memref<2x24x1024xf32, #tpu.memory_space<vmem>> -> memref<1x24x1024xf32, #tpu.memory_space<vmem>>
        %get3A_727 = tpu.memref_squeeze %get3A_726 : memref<1x24x1024xf32, #tpu.memory_space<vmem>> -> memref<24x1024xf32, #tpu.memory_space<vmem>>
        %get3A_728 = arith.index_cast %scan3A_283 : i32 to index
        %get3A_729 = arith.constant 416 : index
        %get3A_730 = tpu.vector_load %get3A_727[%get3A_728, %get3A_729] {strides = array<i32>} : memref<24x1024xf32, #tpu.memory_space<vmem>>, vector<16xf32>,
        %mul3A_731 = arith.constant 3.000000e+01 : f32
        %mul3A_732 = vector.broadcast %mul3A_731 : f32 to vector<16xf32>
        %mul3A_733 = arith.mulf %get3A_730, %mul3A_732 : vector<16xf32>
        %swap3A_734 = arith.constant 0 : i32
        %swap3A_735 = arith.constant 0 : i32
        %swap3A_736 = tpu.memref_slice %arg9[%scan3A_128, %swap3A_734, %swap3A_735] : memref<2x24x1024xf32, #tpu.memory_space<vmem>> -> memref<1x24x1024xf32, #tpu.memory_space<vmem>>
        %swap3A_737 = tpu.memref_squeeze %swap3A_736 : memref<1x24x1024xf32, #tpu.memory_space<vmem>> -> memref<24x1024xf32, #tpu.memory_space<vmem>>
        %swap3A_738 = arith.index_cast %scan3A_283 : i32 to index
        %swap3A_739 = arith.constant 416 : index
        %swap3A_740 = tpu.vector_load %swap3A_737[%swap3A_738, %swap3A_739] {strides = array<i32>} : memref<24x1024xf32, #tpu.memory_space<vmem>>, vector<16xf32>,
        tpu.vector_store %swap3A_737[%swap3A_738, %swap3A_739], %mul3A_733 {strides = array<i32>} : memref<24x1024xf32, #tpu.memory_space<vmem>>, vector<16xf32>,
        %get3A_741 = arith.constant 0 : i32
        %get3A_742 = arith.constant 0 : i32
        %get3A_743 = tpu.memref_slice %arg8[%scan3A_127, %get3A_741, %get3A_742] : memref<2x24x1024xf32, #tpu.memory_space<vmem>> -> memref<1x24x1024xf32, #tpu.memory_space<vmem>>
        %get3A_744 = tpu.memref_squeeze %get3A_743 : memref<1x24x1024xf32, #tpu.memory_space<vmem>> -> memref<24x1024xf32, #tpu.memory_space<vmem>>
        %get3A_745 = arith.index_cast %scan3A_283 : i32 to index
        %get3A_746 = arith.constant 432 : index
        %get3A_747 = tpu.vector_load %get3A_744[%get3A_745, %get3A_746] {strides = array<i32>} : memref<24x1024xf32, #tpu.memory_space<vmem>>, vector<16xf32>,
        %mul3A_748 = arith.constant 3.000000e+01 : f32
        %mul3A_749 = vector.broadcast %mul3A_748 : f32 to vector<16xf32>
        %mul3A_750 = arith.mulf %get3A_747, %mul3A_749 : vector<16xf32>
        %swap3A_751 = arith.constant 0 : i32
        %swap3A_752 = arith.constant 0 : i32
        %swap3A_753 = tpu.memref_slice %arg9[%scan3A_128, %swap3A_751, %swap3A_752] : memref<2x24x1024xf32, #tpu.memory_space<vmem>> -> memref<1x24x1024xf32, #tpu.memory_space<vmem>>
        %swap3A_754 = tpu.memref_squeeze %swap3A_753 : memref<1x24x1024xf32, #tpu.memory_space<vmem>> -> memref<24x1024xf32, #tpu.memory_space<vmem>>
        %swap3A_755 = arith.index_cast %scan3A_283 : i32 to index
        %swap3A_756 = arith.constant 432 : index
        %swap3A_757 = tpu.vector_load %swap3A_754[%swap3A_755, %swap3A_756] {strides = array<i32>} : memref<24x1024xf32, #tpu.memory_space<vmem>>, vector<16xf32>,
        tpu.vector_store %swap3A_754[%swap3A_755, %swap3A_756], %mul3A_750 {strides = array<i32>} : memref<24x1024xf32, #tpu.memory_space<vmem>>, vector<16xf32>,
        %get3A_758 = arith.constant 0 : i32
        %get3A_759 = arith.constant 0 : i32
        %get3A_760 = tpu.memref_slice %arg8[%scan3A_127, %get3A_758, %get3A_759] : memref<2x24x1024xf32, #tpu.memory_space<vmem>> -> memref<1x24x1024xf32, #tpu.memory_space<vmem>>
        %get3A_761 = tpu.memref_squeeze %get3A_760 : memref<1x24x1024xf32, #tpu.memory_space<vmem>> -> memref<24x1024xf32, #tpu.memory_space<vmem>>
        %get3A_762 = arith.index_cast %scan3A_283 : i32 to index
        %get3A_763 = arith.constant 448 : index
        %get3A_764 = tpu.vector_load %get3A_761[%get3A_762, %get3A_763] {strides = array<i32>} : memref<24x1024xf32, #tpu.memory_space<vmem>>, vector<16xf32>,
        %mul3A_765 = arith.constant 3.000000e+01 : f32
        %mul3A_766 = vector.broadcast %mul3A_765 : f32 to vector<16xf32>
        %mul3A_767 = arith.mulf %get3A_764, %mul3A_766 : vector<16xf32>
        %swap3A_768 = arith.constant 0 : i32
        %swap3A_769 = arith.constant 0 : i32
        %swap3A_770 = tpu.memref_slice %arg9[%scan3A_128, %swap3A_768, %swap3A_769] : memref<2x24x1024xf32, #tpu.memory_space<vmem>> -> memref<1x24x1024xf32, #tpu.memory_space<vmem>>
        %swap3A_771 = tpu.memref_squeeze %swap3A_770 : memref<1x24x1024xf32, #tpu.memory_space<vmem>> -> memref<24x1024xf32, #tpu.memory_space<vmem>>
        %swap3A_772 = arith.index_cast %scan3A_283 : i32 to index
        %swap3A_773 = arith.constant 448 : index
        %swap3A_774 = tpu.vector_load %swap3A_771[%swap3A_772, %swap3A_773] {strides = array<i32>} : memref<24x1024xf32, #tpu.memory_space<vmem>>, vector<16xf32>,
        tpu.vector_store %swap3A_771[%swap3A_772, %swap3A_773], %mul3A_767 {strides = array<i32>} : memref<24x1024xf32, #tpu.memory_space<vmem>>, vector<16xf32>,
        %get3A_775 = arith.constant 0 : i32
        %get3A_776 = arith.constant 0 : i32
        %get3A_777 = tpu.memref_slice %arg8[%scan3A_127, %get3A_775, %get3A_776] : memref<2x24x1024xf32, #tpu.memory_space<vmem>> -> memref<1x24x1024xf32, #tpu.memory_space<vmem>>
        %get3A_778 = tpu.memref_squeeze %get3A_777 : memref<1x24x1024xf32, #tpu.memory_space<vmem>> -> memref<24x1024xf32, #tpu.memory_space<vmem>>
        %get3A_779 = arith.index_cast %scan3A_283 : i32 to index
        %get3A_780 = arith.constant 464 : index
        %get3A_781 = tpu.vector_load %get3A_778[%get3A_779, %get3A_780] {strides = array<i32>} : memref<24x1024xf32, #tpu.memory_space<vmem>>, vector<16xf32>,
        %mul3A_782 = arith.constant 3.000000e+01 : f32
        %mul3A_783 = vector.broadcast %mul3A_782 : f32 to vector<16xf32>
        %mul3A_784 = arith.mulf %get3A_781, %mul3A_783 : vector<16xf32>
        %swap3A_785 = arith.constant 0 : i32
        %swap3A_786 = arith.constant 0 : i32
        %swap3A_787 = tpu.memref_slice %arg9[%scan3A_128, %swap3A_785, %swap3A_786] : memref<2x24x1024xf32, #tpu.memory_space<vmem>> -> memref<1x24x1024xf32, #tpu.memory_space<vmem>>
        %swap3A_788 = tpu.memref_squeeze %swap3A_787 : memref<1x24x1024xf32, #tpu.memory_space<vmem>> -> memref<24x1024xf32, #tpu.memory_space<vmem>>
        %swap3A_789 = arith.index_cast %scan3A_283 : i32 to index
        %swap3A_790 = arith.constant 464 : index
        %swap3A_791 = tpu.vector_load %swap3A_788[%swap3A_789, %swap3A_790] {strides = array<i32>} : memref<24x1024xf32, #tpu.memory_space<vmem>>, vector<16xf32>,
        tpu.vector_store %swap3A_788[%swap3A_789, %swap3A_790], %mul3A_784 {strides = array<i32>} : memref<24x1024xf32, #tpu.memory_space<vmem>>, vector<16xf32>,
        %get3A_792 = arith.constant 0 : i32
        %get3A_793 = arith.constant 0 : i32
        %get3A_794 = tpu.memref_slice %arg8[%scan3A_127, %get3A_792, %get3A_793] : memref<2x24x1024xf32, #tpu.memory_space<vmem>> -> memref<1x24x1024xf32, #tpu.memory_space<vmem>>
        %get3A_795 = tpu.memref_squeeze %get3A_794 : memref<1x24x1024xf32, #tpu.memory_space<vmem>> -> memref<24x1024xf32, #tpu.memory_space<vmem>>
        %get3A_796 = arith.index_cast %scan3A_283 : i32 to index
        %get3A_797 = arith.constant 480 : index
        %get3A_798 = tpu.vector_load %get3A_795[%get3A_796, %get3A_797] {strides = array<i32>} : memref<24x1024xf32, #tpu.memory_space<vmem>>, vector<16xf32>,
        %mul3A_799 = arith.constant 3.000000e+01 : f32
        %mul3A_800 = vector.broadcast %mul3A_799 : f32 to vector<16xf32>
        %mul3A_801 = arith.mulf %get3A_798, %mul3A_800 : vector<16xf32>
        %swap3A_802 = arith.constant 0 : i32
        %swap3A_803 = arith.constant 0 : i32
        %swap3A_804 = tpu.memref_slice %arg9[%scan3A_128, %swap3A_802, %swap3A_803] : memref<2x24x1024xf32, #tpu.memory_space<vmem>> -> memref<1x24x1024xf32, #tpu.memory_space<vmem>>
        %swap3A_805 = tpu.memref_squeeze %swap3A_804 : memref<1x24x1024xf32, #tpu.memory_space<vmem>> -> memref<24x1024xf32, #tpu.memory_space<vmem>>
        %swap3A_806 = arith.index_cast %scan3A_283 : i32 to index
        %swap3A_807 = arith.constant 480 : index
        %swap3A_808 = tpu.vector_load %swap3A_805[%swap3A_806, %swap3A_807] {strides = array<i32>} : memref<24x1024xf32, #tpu.memory_space<vmem>>, vector<16xf32>,
        tpu.vector_store %swap3A_805[%swap3A_806, %swap3A_807], %mul3A_801 {strides = array<i32>} : memref<24x1024xf32, #tpu.memory_space<vmem>>, vector<16xf32>,
        %get3A_809 = arith.constant 0 : i32
        %get3A_810 = arith.constant 0 : i32
        %get3A_811 = tpu.memref_slice %arg8[%scan3A_127, %get3A_809, %get3A_810] : memref<2x24x1024xf32, #tpu.memory_space<vmem>> -> memref<1x24x1024xf32, #tpu.memory_space<vmem>>
        %get3A_812 = tpu.memref_squeeze %get3A_811 : memref<1x24x1024xf32, #tpu.memory_space<vmem>> -> memref<24x1024xf32, #tpu.memory_space<vmem>>
        %get3A_813 = arith.index_cast %scan3A_283 : i32 to index
        %get3A_814 = arith.constant 496 : index
        %get3A_815 = tpu.vector_load %get3A_812[%get3A_813, %get3A_814] {strides = array<i32>} : memref<24x1024xf32, #tpu.memory_space<vmem>>, vector<16xf32>,
        %mul3A_816 = arith.constant 3.000000e+01 : f32
        %mul3A_817 = vector.broadcast %mul3A_816 : f32 to vector<16xf32>
        %mul3A_818 = arith.mulf %get3A_815, %mul3A_817 : vector<16xf32>
        %swap3A_819 = arith.constant 0 : i32
        %swap3A_820 = arith.constant 0 : i32
        %swap3A_821 = tpu.memref_slice %arg9[%scan3A_128, %swap3A_819, %swap3A_820] : memref<2x24x1024xf32, #tpu.memory_space<vmem>> -> memref<1x24x1024xf32, #tpu.memory_space<vmem>>
        %swap3A_822 = tpu.memref_squeeze %swap3A_821 : memref<1x24x1024xf32, #tpu.memory_space<vmem>> -> memref<24x1024xf32, #tpu.memory_space<vmem>>
        %swap3A_823 = arith.index_cast %scan3A_283 : i32 to index
        %swap3A_824 = arith.constant 496 : index
        %swap3A_825 = tpu.vector_load %swap3A_822[%swap3A_823, %swap3A_824] {strides = array<i32>} : memref<24x1024xf32, #tpu.memory_space<vmem>>, vector<16xf32>,
        tpu.vector_store %swap3A_822[%swap3A_823, %swap3A_824], %mul3A_818 {strides = array<i32>} : memref<24x1024xf32, #tpu.memory_space<vmem>>, vector<16xf32>,
        %get3A_826 = arith.constant 0 : i32
        %get3A_827 = arith.constant 0 : i32
        %get3A_828 = tpu.memref_slice %arg8[%scan3A_127, %get3A_826, %get3A_827] : memref<2x24x1024xf32, #tpu.memory_space<vmem>> -> memref<1x24x1024xf32, #tpu.memory_space<vmem>>
        %get3A_829 = tpu.memref_squeeze %get3A_828 : memref<1x24x1024xf32, #tpu.memory_space<vmem>> -> memref<24x1024xf32, #tpu.memory_space<vmem>>
        %get3A_830 = arith.index_cast %scan3A_283 : i32 to index
        %get3A_831 = arith.constant 512 : index
        %get3A_832 = tpu.vector_load %get3A_829[%get3A_830, %get3A_831] {strides = array<i32>} : memref<24x1024xf32, #tpu.memory_space<vmem>>, vector<16xf32>,
        %mul3A_833 = arith.constant 3.000000e+01 : f32
        %mul3A_834 = vector.broadcast %mul3A_833 : f32 to vector<16xf32>
        %mul3A_835 = arith.mulf %get3A_832, %mul3A_834 : vector<16xf32>
        %swap3A_836 = arith.constant 0 : i32
        %swap3A_837 = arith.constant 0 : i32
        %swap3A_838 = tpu.memref_slice %arg9[%scan3A_128, %swap3A_836, %swap3A_837] : memref<2x24x1024xf32, #tpu.memory_space<vmem>> -> memref<1x24x1024xf32, #tpu.memory_space<vmem>>
        %swap3A_839 = tpu.memref_squeeze %swap3A_838 : memref<1x24x1024xf32, #tpu.memory_space<vmem>> -> memref<24x1024xf32, #tpu.memory_space<vmem>>
        %swap3A_840 = arith.index_cast %scan3A_283 : i32 to index
        %swap3A_841 = arith.constant 512 : index
        %swap3A_842 = tpu.vector_load %swap3A_839[%swap3A_840, %swap3A_841] {strides = array<i32>} : memref<24x1024xf32, #tpu.memory_space<vmem>>, vector<16xf32>,
        tpu.vector_store %swap3A_839[%swap3A_840, %swap3A_841], %mul3A_835 {strides = array<i32>} : memref<24x1024xf32, #tpu.memory_space<vmem>>, vector<16xf32>,
        %get3A_843 = arith.constant 0 : i32
        %get3A_844 = arith.constant 0 : i32
        %get3A_845 = tpu.memref_slice %arg8[%scan3A_127, %get3A_843, %get3A_844] : memref<2x24x1024xf32, #tpu.memory_space<vmem>> -> memref<1x24x1024xf32, #tpu.memory_space<vmem>>
        %get3A_846 = tpu.memref_squeeze %get3A_845 : memref<1x24x1024xf32, #tpu.memory_space<vmem>> -> memref<24x1024xf32, #tpu.memory_space<vmem>>
        %get3A_847 = arith.index_cast %scan3A_283 : i32 to index
        %get3A_848 = arith.constant 528 : index
        %get3A_849 = tpu.vector_load %get3A_846[%get3A_847, %get3A_848] {strides = array<i32>} : memref<24x1024xf32, #tpu.memory_space<vmem>>, vector<16xf32>,
        %mul3A_850 = arith.constant 3.000000e+01 : f32
        %mul3A_851 = vector.broadcast %mul3A_850 : f32 to vector<16xf32>
        %mul3A_852 = arith.mulf %get3A_849, %mul3A_851 : vector<16xf32>
        %swap3A_853 = arith.constant 0 : i32
        %swap3A_854 = arith.constant 0 : i32
        %swap3A_855 = tpu.memref_slice %arg9[%scan3A_128, %swap3A_853, %swap3A_854] : memref<2x24x1024xf32, #tpu.memory_space<vmem>> -> memref<1x24x1024xf32, #tpu.memory_space<vmem>>
        %swap3A_856 = tpu.memref_squeeze %swap3A_855 : memref<1x24x1024xf32, #tpu.memory_space<vmem>> -> memref<24x1024xf32, #tpu.memory_space<vmem>>
        %swap3A_857 = arith.index_cast %scan3A_283 : i32 to index
        %swap3A_858 = arith.constant 528 : index
        %swap3A_859 = tpu.vector_load %swap3A_856[%swap3A_857, %swap3A_858] {strides = array<i32>} : memref<24x1024xf32, #tpu.memory_space<vmem>>, vector<16xf32>,
        tpu.vector_store %swap3A_856[%swap3A_857, %swap3A_858], %mul3A_852 {strides = array<i32>} : memref<24x1024xf32, #tpu.memory_space<vmem>>, vector<16xf32>,
        %get3A_860 = arith.constant 0 : i32
        %get3A_861 = arith.constant 0 : i32
        %get3A_862 = tpu.memref_slice %arg8[%scan3A_127, %get3A_860, %get3A_861] : memref<2x24x1024xf32, #tpu.memory_space<vmem>> -> memref<1x24x1024xf32, #tpu.memory_space<vmem>>
        %get3A_863 = tpu.memref_squeeze %get3A_862 : memref<1x24x1024xf32, #tpu.memory_space<vmem>> -> memref<24x1024xf32, #tpu.memory_space<vmem>>
        %get3A_864 = arith.index_cast %scan3A_283 : i32 to index
        %get3A_865 = arith.constant 544 : index
        %get3A_866 = tpu.vector_load %get3A_863[%get3A_864, %get3A_865] {strides = array<i32>} : memref<24x1024xf32, #tpu.memory_space<vmem>>, vector<16xf32>,
        %mul3A_867 = arith.constant 3.000000e+01 : f32
        %mul3A_868 = vector.broadcast %mul3A_867 : f32 to vector<16xf32>
        %mul3A_869 = arith.mulf %get3A_866, %mul3A_868 : vector<16xf32>
        %swap3A_870 = arith.constant 0 : i32
        %swap3A_871 = arith.constant 0 : i32
        %swap3A_872 = tpu.memref_slice %arg9[%scan3A_128, %swap3A_870, %swap3A_871] : memref<2x24x1024xf32, #tpu.memory_space<vmem>> -> memref<1x24x1024xf32, #tpu.memory_space<vmem>>
        %swap3A_873 = tpu.memref_squeeze %swap3A_872 : memref<1x24x1024xf32, #tpu.memory_space<vmem>> -> memref<24x1024xf32, #tpu.memory_space<vmem>>
        %swap3A_874 = arith.index_cast %scan3A_283 : i32 to index
        %swap3A_875 = arith.constant 544 : index
        %swap3A_876 = tpu.vector_load %swap3A_873[%swap3A_874, %swap3A_875] {strides = array<i32>} : memref<24x1024xf32, #tpu.memory_space<vmem>>, vector<16xf32>,
        tpu.vector_store %swap3A_873[%swap3A_874, %swap3A_875], %mul3A_869 {strides = array<i32>} : memref<24x1024xf32, #tpu.memory_space<vmem>>, vector<16xf32>,
        %get3A_877 = arith.constant 0 : i32
        %get3A_878 = arith.constant 0 : i32
        %get3A_879 = tpu.memref_slice %arg8[%scan3A_127, %get3A_877, %get3A_878] : memref<2x24x1024xf32, #tpu.memory_space<vmem>> -> memref<1x24x1024xf32, #tpu.memory_space<vmem>>
        %get3A_880 = tpu.memref_squeeze %get3A_879 : memref<1x24x1024xf32, #tpu.memory_space<vmem>> -> memref<24x1024xf32, #tpu.memory_space<vmem>>
        %get3A_881 = arith.index_cast %scan3A_283 : i32 to index
        %get3A_882 = arith.constant 560 : index
        %get3A_883 = tpu.vector_load %get3A_880[%get3A_881, %get3A_882] {strides = array<i32>} : memref<24x1024xf32, #tpu.memory_space<vmem>>, vector<16xf32>,
        %mul3A_884 = arith.constant 3.000000e+01 : f32
        %mul3A_885 = vector.broadcast %mul3A_884 : f32 to vector<16xf32>
        %mul3A_886 = arith.mulf %get3A_883, %mul3A_885 : vector<16xf32>
        %swap3A_887 = arith.constant 0 : i32
        %swap3A_888 = arith.constant 0 : i32
        %swap3A_889 = tpu.memref_slice %arg9[%scan3A_128, %swap3A_887, %swap3A_888] : memref<2x24x1024xf32, #tpu.memory_space<vmem>> -> memref<1x24x1024xf32, #tpu.memory_space<vmem>>
        %swap3A_890 = tpu.memref_squeeze %swap3A_889 : memref<1x24x1024xf32, #tpu.memory_space<vmem>> -> memref<24x1024xf32, #tpu.memory_space<vmem>>
        %swap3A_891 = arith.index_cast %scan3A_283 : i32 to index
        %swap3A_892 = arith.constant 560 : index
        %swap3A_893 = tpu.vector_load %swap3A_890[%swap3A_891, %swap3A_892] {strides = array<i32>} : memref<24x1024xf32, #tpu.memory_space<vmem>>, vector<16xf32>,
        tpu.vector_store %swap3A_890[%swap3A_891, %swap3A_892], %mul3A_886 {strides = array<i32>} : memref<24x1024xf32, #tpu.memory_space<vmem>>, vector<16xf32>,
        %get3A_894 = arith.constant 0 : i32
        %get3A_895 = arith.constant 0 : i32
        %get3A_896 = tpu.memref_slice %arg8[%scan3A_127, %get3A_894, %get3A_895] : memref<2x24x1024xf32, #tpu.memory_space<vmem>> -> memref<1x24x1024xf32, #tpu.memory_space<vmem>>
        %get3A_897 = tpu.memref_squeeze %get3A_896 : memref<1x24x1024xf32, #tpu.memory_space<vmem>> -> memref<24x1024xf32, #tpu.memory_space<vmem>>
        %get3A_898 = arith.index_cast %scan3A_283 : i32 to index
        %get3A_899 = arith.constant 576 : index
        %get3A_900 = tpu.vector_load %get3A_897[%get3A_898, %get3A_899] {strides = array<i32>} : memref<24x1024xf32, #tpu.memory_space<vmem>>, vector<16xf32>,
        %mul3A_901 = arith.constant 3.000000e+01 : f32
        %mul3A_902 = vector.broadcast %mul3A_901 : f32 to vector<16xf32>
        %mul3A_903 = arith.mulf %get3A_900, %mul3A_902 : vector<16xf32>
        %swap3A_904 = arith.constant 0 : i32
        %swap3A_905 = arith.constant 0 : i32
        %swap3A_906 = tpu.memref_slice %arg9[%scan3A_128, %swap3A_904, %swap3A_905] : memref<2x24x1024xf32, #tpu.memory_space<vmem>> -> memref<1x24x1024xf32, #tpu.memory_space<vmem>>
        %swap3A_907 = tpu.memref_squeeze %swap3A_906 : memref<1x24x1024xf32, #tpu.memory_space<vmem>> -> memref<24x1024xf32, #tpu.memory_space<vmem>>
        %swap3A_908 = arith.index_cast %scan3A_283 : i32 to index
        %swap3A_909 = arith.constant 576 : index
        %swap3A_910 = tpu.vector_load %swap3A_907[%swap3A_908, %swap3A_909] {strides = array<i32>} : memref<24x1024xf32, #tpu.memory_space<vmem>>, vector<16xf32>,
        tpu.vector_store %swap3A_907[%swap3A_908, %swap3A_909], %mul3A_903 {strides = array<i32>} : memref<24x1024xf32, #tpu.memory_space<vmem>>, vector<16xf32>,
        %get3A_911 = arith.constant 0 : i32
        %get3A_912 = arith.constant 0 : i32
        %get3A_913 = tpu.memref_slice %arg8[%scan3A_127, %get3A_911, %get3A_912] : memref<2x24x1024xf32, #tpu.memory_space<vmem>> -> memref<1x24x1024xf32, #tpu.memory_space<vmem>>
        %get3A_914 = tpu.memref_squeeze %get3A_913 : memref<1x24x1024xf32, #tpu.memory_space<vmem>> -> memref<24x1024xf32, #tpu.memory_space<vmem>>
        %get3A_915 = arith.index_cast %scan3A_283 : i32 to index
        %get3A_916 = arith.constant 592 : index
        %get3A_917 = tpu.vector_load %get3A_914[%get3A_915, %get3A_916] {strides = array<i32>} : memref<24x1024xf32, #tpu.memory_space<vmem>>, vector<16xf32>,
        %mul3A_918 = arith.constant 3.000000e+01 : f32
        %mul3A_919 = vector.broadcast %mul3A_918 : f32 to vector<16xf32>
        %mul3A_920 = arith.mulf %get3A_917, %mul3A_919 : vector<16xf32>
        %swap3A_921 = arith.constant 0 : i32
        %swap3A_922 = arith.constant 0 : i32
        %swap3A_923 = tpu.memref_slice %arg9[%scan3A_128, %swap3A_921, %swap3A_922] : memref<2x24x1024xf32, #tpu.memory_space<vmem>> -> memref<1x24x1024xf32, #tpu.memory_space<vmem>>
        %swap3A_924 = tpu.memref_squeeze %swap3A_923 : memref<1x24x1024xf32, #tpu.memory_space<vmem>> -> memref<24x1024xf32, #tpu.memory_space<vmem>>
        %swap3A_925 = arith.index_cast %scan3A_283 : i32 to index
        %swap3A_926 = arith.constant 592 : index
        %swap3A_927 = tpu.vector_load %swap3A_924[%swap3A_925, %swap3A_926] {strides = array<i32>} : memref<24x1024xf32, #tpu.memory_space<vmem>>, vector<16xf32>,
        tpu.vector_store %swap3A_924[%swap3A_925, %swap3A_926], %mul3A_920 {strides = array<i32>} : memref<24x1024xf32, #tpu.memory_space<vmem>>, vector<16xf32>,
        %get3A_928 = arith.constant 0 : i32
        %get3A_929 = arith.constant 0 : i32
        %get3A_930 = tpu.memref_slice %arg8[%scan3A_127, %get3A_928, %get3A_929] : memref<2x24x1024xf32, #tpu.memory_space<vmem>> -> memref<1x24x1024xf32, #tpu.memory_space<vmem>>
        %get3A_931 = tpu.memref_squeeze %get3A_930 : memref<1x24x1024xf32, #tpu.memory_space<vmem>> -> memref<24x1024xf32, #tpu.memory_space<vmem>>
        %get3A_932 = arith.index_cast %scan3A_283 : i32 to index
        %get3A_933 = arith.constant 608 : index
        %get3A_934 = tpu.vector_load %get3A_931[%get3A_932, %get3A_933] {strides = array<i32>} : memref<24x1024xf32, #tpu.memory_space<vmem>>, vector<16xf32>,
        %mul3A_935 = arith.constant 3.000000e+01 : f32
        %mul3A_936 = vector.broadcast %mul3A_935 : f32 to vector<16xf32>
        %mul3A_937 = arith.mulf %get3A_934, %mul3A_936 : vector<16xf32>
        %swap3A_938 = arith.constant 0 : i32
        %swap3A_939 = arith.constant 0 : i32
        %swap3A_940 = tpu.memref_slice %arg9[%scan3A_128, %swap3A_938, %swap3A_939] : memref<2x24x1024xf32, #tpu.memory_space<vmem>> -> memref<1x24x1024xf32, #tpu.memory_space<vmem>>
        %swap3A_941 = tpu.memref_squeeze %swap3A_940 : memref<1x24x1024xf32, #tpu.memory_space<vmem>> -> memref<24x1024xf32, #tpu.memory_space<vmem>>
        %swap3A_942 = arith.index_cast %scan3A_283 : i32 to index
        %swap3A_943 = arith.constant 608 : index
        %swap3A_944 = tpu.vector_load %swap3A_941[%swap3A_942, %swap3A_943] {strides = array<i32>} : memref<24x1024xf32, #tpu.memory_space<vmem>>, vector<16xf32>,
        tpu.vector_store %swap3A_941[%swap3A_942, %swap3A_943], %mul3A_937 {strides = array<i32>} : memref<24x1024xf32, #tpu.memory_space<vmem>>, vector<16xf32>,
        %get3A_945 = arith.constant 0 : i32
        %get3A_946 = arith.constant 0 : i32
        %get3A_947 = tpu.memref_slice %arg8[%scan3A_127, %get3A_945, %get3A_946] : memref<2x24x1024xf32, #tpu.memory_space<vmem>> -> memref<1x24x1024xf32, #tpu.memory_space<vmem>>
        %get3A_948 = tpu.memref_squeeze %get3A_947 : memref<1x24x1024xf32, #tpu.memory_space<vmem>> -> memref<24x1024xf32, #tpu.memory_space<vmem>>
        %get3A_949 = arith.index_cast %scan3A_283 : i32 to index
        %get3A_950 = arith.constant 624 : index
        %get3A_951 = tpu.vector_load %get3A_948[%get3A_949, %get3A_950] {strides = array<i32>} : memref<24x1024xf32, #tpu.memory_space<vmem>>, vector<16xf32>,
        %mul3A_952 = arith.constant 3.000000e+01 : f32
        %mul3A_953 = vector.broadcast %mul3A_952 : f32 to vector<16xf32>
        %mul3A_954 = arith.mulf %get3A_951, %mul3A_953 : vector<16xf32>
        %swap3A_955 = arith.constant 0 : i32
        %swap3A_956 = arith.constant 0 : i32
        %swap3A_957 = tpu.memref_slice %arg9[%scan3A_128, %swap3A_955, %swap3A_956] : memref<2x24x1024xf32, #tpu.memory_space<vmem>> -> memref<1x24x1024xf32, #tpu.memory_space<vmem>>
        %swap3A_958 = tpu.memref_squeeze %swap3A_957 : memref<1x24x1024xf32, #tpu.memory_space<vmem>> -> memref<24x1024xf32, #tpu.memory_space<vmem>>
        %swap3A_959 = arith.index_cast %scan3A_283 : i32 to index
        %swap3A_960 = arith.constant 624 : index
        %swap3A_961 = tpu.vector_load %swap3A_958[%swap3A_959, %swap3A_960] {strides = array<i32>} : memref<24x1024xf32, #tpu.memory_space<vmem>>, vector<16xf32>,
        tpu.vector_store %swap3A_958[%swap3A_959, %swap3A_960], %mul3A_954 {strides = array<i32>} : memref<24x1024xf32, #tpu.memory_space<vmem>>, vector<16xf32>,
        %get3A_962 = arith.constant 0 : i32
        %get3A_963 = arith.constant 0 : i32
        %get3A_964 = tpu.memref_slice %arg8[%scan3A_127, %get3A_962, %get3A_963] : memref<2x24x1024xf32, #tpu.memory_space<vmem>> -> memref<1x24x1024xf32, #tpu.memory_space<vmem>>
        %get3A_965 = tpu.memref_squeeze %get3A_964 : memref<1x24x1024xf32, #tpu.memory_space<vmem>> -> memref<24x1024xf32, #tpu.memory_space<vmem>>
        %get3A_966 = arith.index_cast %scan3A_283 : i32 to index
        %get3A_967 = arith.constant 640 : index
        %get3A_968 = tpu.vector_load %get3A_965[%get3A_966, %get3A_967] {strides = array<i32>} : memref<24x1024xf32, #tpu.memory_space<vmem>>, vector<16xf32>,
        %mul3A_969 = arith.constant 3.000000e+01 : f32
        %mul3A_970 = vector.broadcast %mul3A_969 : f32 to vector<16xf32>
        %mul3A_971 = arith.mulf %get3A_968, %mul3A_970 : vector<16xf32>
        %swap3A_972 = arith.constant 0 : i32
        %swap3A_973 = arith.constant 0 : i32
        %swap3A_974 = tpu.memref_slice %arg9[%scan3A_128, %swap3A_972, %swap3A_973] : memref<2x24x1024xf32, #tpu.memory_space<vmem>> -> memref<1x24x1024xf32, #tpu.memory_space<vmem>>
        %swap3A_975 = tpu.memref_squeeze %swap3A_974 : memref<1x24x1024xf32, #tpu.memory_space<vmem>> -> memref<24x1024xf32, #tpu.memory_space<vmem>>
        %swap3A_976 = arith.index_cast %scan3A_283 : i32 to index
        %swap3A_977 = arith.constant 640 : index
        %swap3A_978 = tpu.vector_load %swap3A_975[%swap3A_976, %swap3A_977] {strides = array<i32>} : memref<24x1024xf32, #tpu.memory_space<vmem>>, vector<16xf32>,
        tpu.vector_store %swap3A_975[%swap3A_976, %swap3A_977], %mul3A_971 {strides = array<i32>} : memref<24x1024xf32, #tpu.memory_space<vmem>>, vector<16xf32>,
        %get3A_979 = arith.constant 0 : i32
        %get3A_980 = arith.constant 0 : i32
        %get3A_981 = tpu.memref_slice %arg8[%scan3A_127, %get3A_979, %get3A_980] : memref<2x24x1024xf32, #tpu.memory_space<vmem>> -> memref<1x24x1024xf32, #tpu.memory_space<vmem>>
        %get3A_982 = tpu.memref_squeeze %get3A_981 : memref<1x24x1024xf32, #tpu.memory_space<vmem>> -> memref<24x1024xf32, #tpu.memory_space<vmem>>
        %get3A_983 = arith.index_cast %scan3A_283 : i32 to index
        %get3A_984 = arith.constant 656 : index
        %get3A_985 = tpu.vector_load %get3A_982[%get3A_983, %get3A_984] {strides = array<i32>} : memref<24x1024xf32, #tpu.memory_space<vmem>>, vector<16xf32>,
        %mul3A_986 = arith.constant 3.000000e+01 : f32
        %mul3A_987 = vector.broadcast %mul3A_986 : f32 to vector<16xf32>
        %mul3A_988 = arith.mulf %get3A_985, %mul3A_987 : vector<16xf32>
        %swap3A_989 = arith.constant 0 : i32
        %swap3A_990 = arith.constant 0 : i32
        %swap3A_991 = tpu.memref_slice %arg9[%scan3A_128, %swap3A_989, %swap3A_990] : memref<2x24x1024xf32, #tpu.memory_space<vmem>> -> memref<1x24x1024xf32, #tpu.memory_space<vmem>>
        %swap3A_992 = tpu.memref_squeeze %swap3A_991 : memref<1x24x1024xf32, #tpu.memory_space<vmem>> -> memref<24x1024xf32, #tpu.memory_space<vmem>>
        %swap3A_993 = arith.index_cast %scan3A_283 : i32 to index
        %swap3A_994 = arith.constant 656 : index
        %swap3A_995 = tpu.vector_load %swap3A_992[%swap3A_993, %swap3A_994] {strides = array<i32>} : memref<24x1024xf32, #tpu.memory_space<vmem>>, vector<16xf32>,
        tpu.vector_store %swap3A_992[%swap3A_993, %swap3A_994], %mul3A_988 {strides = array<i32>} : memref<24x1024xf32, #tpu.memory_space<vmem>>, vector<16xf32>,
        %get3A_996 = arith.constant 0 : i32
        %get3A_997 = arith.constant 0 : i32
        %get3A_998 = tpu.memref_slice %arg8[%scan3A_127, %get3A_996, %get3A_997] : memref<2x24x1024xf32, #tpu.memory_space<vmem>> -> memref<1x24x1024xf32, #tpu.memory_space<vmem>>
        %get3A_999 = tpu.memref_squeeze %get3A_998 : memref<1x24x1024xf32, #tpu.memory_space<vmem>> -> memref<24x1024xf32, #tpu.memory_space<vmem>>
        %get3A_1000 = arith.index_cast %scan3A_283 : i32 to index
        %get3A_1001 = arith.constant 672 : index
        %get3A_1002 = tpu.vector_load %get3A_999[%get3A_1000, %get3A_1001] {strides = array<i32>} : memref<24x1024xf32, #tpu.memory_space<vmem>>, vector<16xf32>,
        %mul3A_1003 = arith.constant 3.000000e+01 : f32
        %mul3A_1004 = vector.broadcast %mul3A_1003 : f32 to vector<16xf32>
        %mul3A_1005 = arith.mulf %get3A_1002, %mul3A_1004 : vector<16xf32>
        %swap3A_1006 = arith.constant 0 : i32
        %swap3A_1007 = arith.constant 0 : i32
        %swap3A_1008 = tpu.memref_slice %arg9[%scan3A_128, %swap3A_1006, %swap3A_1007] : memref<2x24x1024xf32, #tpu.memory_space<vmem>> -> memref<1x24x1024xf32, #tpu.memory_space<vmem>>
        %swap3A_1009 = tpu.memref_squeeze %swap3A_1008 : memref<1x24x1024xf32, #tpu.memory_space<vmem>> -> memref<24x1024xf32, #tpu.memory_space<vmem>>
        %swap3A_1010 = arith.index_cast %scan3A_283 : i32 to index
        %swap3A_1011 = arith.constant 672 : index
        %swap3A_1012 = tpu.vector_load %swap3A_1009[%swap3A_1010, %swap3A_1011] {strides = array<i32>} : memref<24x1024xf32, #tpu.memory_space<vmem>>, vector<16xf32>,
        tpu.vector_store %swap3A_1009[%swap3A_1010, %swap3A_1011], %mul3A_1005 {strides = array<i32>} : memref<24x1024xf32, #tpu.memory_space<vmem>>, vector<16xf32>,
        %get3A_1013 = arith.constant 0 : i32
        %get3A_1014 = arith.constant 0 : i32
        %get3A_1015 = tpu.memref_slice %arg8[%scan3A_127, %get3A_1013, %get3A_1014] : memref<2x24x1024xf32, #tpu.memory_space<vmem>> -> memref<1x24x1024xf32, #tpu.memory_space<vmem>>
        %get3A_1016 = tpu.memref_squeeze %get3A_1015 : memref<1x24x1024xf32, #tpu.memory_space<vmem>> -> memref<24x1024xf32, #tpu.memory_space<vmem>>
        %get3A_1017 = arith.index_cast %scan3A_283 : i32 to index
        %get3A_1018 = arith.constant 688 : index
        %get3A_1019 = tpu.vector_load %get3A_1016[%get3A_1017, %get3A_1018] {strides = array<i32>} : memref<24x1024xf32, #tpu.memory_space<vmem>>, vector<16xf32>,
        %mul3A_1020 = arith.constant 3.000000e+01 : f32
        %mul3A_1021 = vector.broadcast %mul3A_1020 : f32 to vector<16xf32>
        %mul3A_1022 = arith.mulf %get3A_1019, %mul3A_1021 : vector<16xf32>
        %swap3A_1023 = arith.constant 0 : i32
        %swap3A_1024 = arith.constant 0 : i32
        %swap3A_1025 = tpu.memref_slice %arg9[%scan3A_128, %swap3A_1023, %swap3A_1024] : memref<2x24x1024xf32, #tpu.memory_space<vmem>> -> memref<1x24x1024xf32, #tpu.memory_space<vmem>>
        %swap3A_1026 = tpu.memref_squeeze %swap3A_1025 : memref<1x24x1024xf32, #tpu.memory_space<vmem>> -> memref<24x1024xf32, #tpu.memory_space<vmem>>
        %swap3A_1027 = arith.index_cast %scan3A_283 : i32 to index
        %swap3A_1028 = arith.constant 688 : index
        %swap3A_1029 = tpu.vector_load %swap3A_1026[%swap3A_1027, %swap3A_1028] {strides = array<i32>} : memref<24x1024xf32, #tpu.memory_space<vmem>>, vector<16xf32>,
        tpu.vector_store %swap3A_1026[%swap3A_1027, %swap3A_1028], %mul3A_1022 {strides = array<i32>} : memref<24x1024xf32, #tpu.memory_space<vmem>>, vector<16xf32>,
        %get3A_1030 = arith.constant 0 : i32
        %get3A_1031 = arith.constant 0 : i32
        %get3A_1032 = tpu.memref_slice %arg8[%scan3A_127, %get3A_1030, %get3A_1031] : memref<2x24x1024xf32, #tpu.memory_space<vmem>> -> memref<1x24x1024xf32, #tpu.memory_space<vmem>>
        %get3A_1033 = tpu.memref_squeeze %get3A_1032 : memref<1x24x1024xf32, #tpu.memory_space<vmem>> -> memref<24x1024xf32, #tpu.memory_space<vmem>>
        %get3A_1034 = arith.index_cast %scan3A_283 : i32 to index
        %get3A_1035 = arith.constant 704 : index
        %get3A_1036 = tpu.vector_load %get3A_1033[%get3A_1034, %get3A_1035] {strides = array<i32>} : memref<24x1024xf32, #tpu.memory_space<vmem>>, vector<16xf32>,
        %mul3A_1037 = arith.constant 3.000000e+01 : f32
        %mul3A_1038 = vector.broadcast %mul3A_1037 : f32 to vector<16xf32>
        %mul3A_1039 = arith.mulf %get3A_1036, %mul3A_1038 : vector<16xf32>
        %swap3A_1040 = arith.constant 0 : i32
        %swap3A_1041 = arith.constant 0 : i32
        %swap3A_1042 = tpu.memref_slice %arg9[%scan3A_128, %swap3A_1040, %swap3A_1041] : memref<2x24x1024xf32, #tpu.memory_space<vmem>> -> memref<1x24x1024xf32, #tpu.memory_space<vmem>>
        %swap3A_1043 = tpu.memref_squeeze %swap3A_1042 : memref<1x24x1024xf32, #tpu.memory_space<vmem>> -> memref<24x1024xf32, #tpu.memory_space<vmem>>
        %swap3A_1044 = arith.index_cast %scan3A_283 : i32 to index
        %swap3A_1045 = arith.constant 704 : index
        %swap3A_1046 = tpu.vector_load %swap3A_1043[%swap3A_1044, %swap3A_1045] {strides = array<i32>} : memref<24x1024xf32, #tpu.memory_space<vmem>>, vector<16xf32>,
        tpu.vector_store %swap3A_1043[%swap3A_1044, %swap3A_1045], %mul3A_1039 {strides = array<i32>} : memref<24x1024xf32, #tpu.memory_space<vmem>>, vector<16xf32>,
        %get3A_1047 = arith.constant 0 : i32
        %get3A_1048 = arith.constant 0 : i32
        %get3A_1049 = tpu.memref_slice %arg8[%scan3A_127, %get3A_1047, %get3A_1048] : memref<2x24x1024xf32, #tpu.memory_space<vmem>> -> memref<1x24x1024xf32, #tpu.memory_space<vmem>>
        %get3A_1050 = tpu.memref_squeeze %get3A_1049 : memref<1x24x1024xf32, #tpu.memory_space<vmem>> -> memref<24x1024xf32, #tpu.memory_space<vmem>>
        %get3A_1051 = arith.index_cast %scan3A_283 : i32 to index
        %get3A_1052 = arith.constant 720 : index
        %get3A_1053 = tpu.vector_load %get3A_1050[%get3A_1051, %get3A_1052] {strides = array<i32>} : memref<24x1024xf32, #tpu.memory_space<vmem>>, vector<16xf32>,
        %mul3A_1054 = arith.constant 3.000000e+01 : f32
        %mul3A_1055 = vector.broadcast %mul3A_1054 : f32 to vector<16xf32>
        %mul3A_1056 = arith.mulf %get3A_1053, %mul3A_1055 : vector<16xf32>
        %swap3A_1057 = arith.constant 0 : i32
        %swap3A_1058 = arith.constant 0 : i32
        %swap3A_1059 = tpu.memref_slice %arg9[%scan3A_128, %swap3A_1057, %swap3A_1058] : memref<2x24x1024xf32, #tpu.memory_space<vmem>> -> memref<1x24x1024xf32, #tpu.memory_space<vmem>>
        %swap3A_1060 = tpu.memref_squeeze %swap3A_1059 : memref<1x24x1024xf32, #tpu.memory_space<vmem>> -> memref<24x1024xf32, #tpu.memory_space<vmem>>
        %swap3A_1061 = arith.index_cast %scan3A_283 : i32 to index
        %swap3A_1062 = arith.constant 720 : index
        %swap3A_1063 = tpu.vector_load %swap3A_1060[%swap3A_1061, %swap3A_1062] {strides = array<i32>} : memref<24x1024xf32, #tpu.memory_space<vmem>>, vector<16xf32>,
        tpu.vector_store %swap3A_1060[%swap3A_1061, %swap3A_1062], %mul3A_1056 {strides = array<i32>} : memref<24x1024xf32, #tpu.memory_space<vmem>>, vector<16xf32>,
        %get3A_1064 = arith.constant 0 : i32
        %get3A_1065 = arith.constant 0 : i32
        %get3A_1066 = tpu.memref_slice %arg8[%scan3A_127, %get3A_1064, %get3A_1065] : memref<2x24x1024xf32, #tpu.memory_space<vmem>> -> memref<1x24x1024xf32, #tpu.memory_space<vmem>>
        %get3A_1067 = tpu.memref_squeeze %get3A_1066 : memref<1x24x1024xf32, #tpu.memory_space<vmem>> -> memref<24x1024xf32, #tpu.memory_space<vmem>>
        %get3A_1068 = arith.index_cast %scan3A_283 : i32 to index
        %get3A_1069 = arith.constant 736 : index
        %get3A_1070 = tpu.vector_load %get3A_1067[%get3A_1068, %get3A_1069] {strides = array<i32>} : memref<24x1024xf32, #tpu.memory_space<vmem>>, vector<16xf32>,
        %mul3A_1071 = arith.constant 3.000000e+01 : f32
        %mul3A_1072 = vector.broadcast %mul3A_1071 : f32 to vector<16xf32>
        %mul3A_1073 = arith.mulf %get3A_1070, %mul3A_1072 : vector<16xf32>
        %swap3A_1074 = arith.constant 0 : i32
        %swap3A_1075 = arith.constant 0 : i32
        %swap3A_1076 = tpu.memref_slice %arg9[%scan3A_128, %swap3A_1074, %swap3A_1075] : memref<2x24x1024xf32, #tpu.memory_space<vmem>> -> memref<1x24x1024xf32, #tpu.memory_space<vmem>>
        %swap3A_1077 = tpu.memref_squeeze %swap3A_1076 : memref<1x24x1024xf32, #tpu.memory_space<vmem>> -> memref<24x1024xf32, #tpu.memory_space<vmem>>
        %swap3A_1078 = arith.index_cast %scan3A_283 : i32 to index
        %swap3A_1079 = arith.constant 736 : index
        %swap3A_1080 = tpu.vector_load %swap3A_1077[%swap3A_1078, %swap3A_1079] {strides = array<i32>} : memref<24x1024xf32, #tpu.memory_space<vmem>>, vector<16xf32>,
        tpu.vector_store %swap3A_1077[%swap3A_1078, %swap3A_1079], %mul3A_1073 {strides = array<i32>} : memref<24x1024xf32, #tpu.memory_space<vmem>>, vector<16xf32>,
        %get3A_1081 = arith.constant 0 : i32
        %get3A_1082 = arith.constant 0 : i32
        %get3A_1083 = tpu.memref_slice %arg8[%scan3A_127, %get3A_1081, %get3A_1082] : memref<2x24x1024xf32, #tpu.memory_space<vmem>> -> memref<1x24x1024xf32, #tpu.memory_space<vmem>>
        %get3A_1084 = tpu.memref_squeeze %get3A_1083 : memref<1x24x1024xf32, #tpu.memory_space<vmem>> -> memref<24x1024xf32, #tpu.memory_space<vmem>>
        %get3A_1085 = arith.index_cast %scan3A_283 : i32 to index
        %get3A_1086 = arith.constant 752 : index
        %get3A_1087 = tpu.vector_load %get3A_1084[%get3A_1085, %get3A_1086] {strides = array<i32>} : memref<24x1024xf32, #tpu.memory_space<vmem>>, vector<16xf32>,
        %mul3A_1088 = arith.constant 3.000000e+01 : f32
        %mul3A_1089 = vector.broadcast %mul3A_1088 : f32 to vector<16xf32>
        %mul3A_1090 = arith.mulf %get3A_1087, %mul3A_1089 : vector<16xf32>
        %swap3A_1091 = arith.constant 0 : i32
        %swap3A_1092 = arith.constant 0 : i32
        %swap3A_1093 = tpu.memref_slice %arg9[%scan3A_128, %swap3A_1091, %swap3A_1092] : memref<2x24x1024xf32, #tpu.memory_space<vmem>> -> memref<1x24x1024xf32, #tpu.memory_space<vmem>>
        %swap3A_1094 = tpu.memref_squeeze %swap3A_1093 : memref<1x24x1024xf32, #tpu.memory_space<vmem>> -> memref<24x1024xf32, #tpu.memory_space<vmem>>
        %swap3A_1095 = arith.index_cast %scan3A_283 : i32 to index
        %swap3A_1096 = arith.constant 752 : index
        %swap3A_1097 = tpu.vector_load %swap3A_1094[%swap3A_1095, %swap3A_1096] {strides = array<i32>} : memref<24x1024xf32, #tpu.memory_space<vmem>>, vector<16xf32>,
        tpu.vector_store %swap3A_1094[%swap3A_1095, %swap3A_1096], %mul3A_1090 {strides = array<i32>} : memref<24x1024xf32, #tpu.memory_space<vmem>>, vector<16xf32>,
        %get3A_1098 = arith.constant 0 : i32
        %get3A_1099 = arith.constant 0 : i32
        %get3A_1100 = tpu.memref_slice %arg8[%scan3A_127, %get3A_1098, %get3A_1099] : memref<2x24x1024xf32, #tpu.memory_space<vmem>> -> memref<1x24x1024xf32, #tpu.memory_space<vmem>>
        %get3A_1101 = tpu.memref_squeeze %get3A_1100 : memref<1x24x1024xf32, #tpu.memory_space<vmem>> -> memref<24x1024xf32, #tpu.memory_space<vmem>>
        %get3A_1102 = arith.index_cast %scan3A_283 : i32 to index
        %get3A_1103 = arith.constant 768 : index
        %get3A_1104 = tpu.vector_load %get3A_1101[%get3A_1102, %get3A_1103] {strides = array<i32>} : memref<24x1024xf32, #tpu.memory_space<vmem>>, vector<16xf32>,
        %mul3A_1105 = arith.constant 3.000000e+01 : f32
        %mul3A_1106 = vector.broadcast %mul3A_1105 : f32 to vector<16xf32>
        %mul3A_1107 = arith.mulf %get3A_1104, %mul3A_1106 : vector<16xf32>
        %swap3A_1108 = arith.constant 0 : i32
        %swap3A_1109 = arith.constant 0 : i32
        %swap3A_1110 = tpu.memref_slice %arg9[%scan3A_128, %swap3A_1108, %swap3A_1109] : memref<2x24x1024xf32, #tpu.memory_space<vmem>> -> memref<1x24x1024xf32, #tpu.memory_space<vmem>>
        %swap3A_1111 = tpu.memref_squeeze %swap3A_1110 : memref<1x24x1024xf32, #tpu.memory_space<vmem>> -> memref<24x1024xf32, #tpu.memory_space<vmem>>
        %swap3A_1112 = arith.index_cast %scan3A_283 : i32 to index
        %swap3A_1113 = arith.constant 768 : index
        %swap3A_1114 = tpu.vector_load %swap3A_1111[%swap3A_1112, %swap3A_1113] {strides = array<i32>} : memref<24x1024xf32, #tpu.memory_space<vmem>>, vector<16xf32>,
        tpu.vector_store %swap3A_1111[%swap3A_1112, %swap3A_1113], %mul3A_1107 {strides = array<i32>} : memref<24x1024xf32, #tpu.memory_space<vmem>>, vector<16xf32>,
        %get3A_1115 = arith.constant 0 : i32
        %get3A_1116 = arith.constant 0 : i32
        %get3A_1117 = tpu.memref_slice %arg8[%scan3A_127, %get3A_1115, %get3A_1116] : memref<2x24x1024xf32, #tpu.memory_space<vmem>> -> memref<1x24x1024xf32, #tpu.memory_space<vmem>>
        %get3A_1118 = tpu.memref_squeeze %get3A_1117 : memref<1x24x1024xf32, #tpu.memory_space<vmem>> -> memref<24x1024xf32, #tpu.memory_space<vmem>>
        %get3A_1119 = arith.index_cast %scan3A_283 : i32 to index
        %get3A_1120 = arith.constant 784 : index
        %get3A_1121 = tpu.vector_load %get3A_1118[%get3A_1119, %get3A_1120] {strides = array<i32>} : memref<24x1024xf32, #tpu.memory_space<vmem>>, vector<16xf32>,
        %mul3A_1122 = arith.constant 3.000000e+01 : f32
        %mul3A_1123 = vector.broadcast %mul3A_1122 : f32 to vector<16xf32>
        %mul3A_1124 = arith.mulf %get3A_1121, %mul3A_1123 : vector<16xf32>
        %swap3A_1125 = arith.constant 0 : i32
        %swap3A_1126 = arith.constant 0 : i32
        %swap3A_1127 = tpu.memref_slice %arg9[%scan3A_128, %swap3A_1125, %swap3A_1126] : memref<2x24x1024xf32, #tpu.memory_space<vmem>> -> memref<1x24x1024xf32, #tpu.memory_space<vmem>>
        %swap3A_1128 = tpu.memref_squeeze %swap3A_1127 : memref<1x24x1024xf32, #tpu.memory_space<vmem>> -> memref<24x1024xf32, #tpu.memory_space<vmem>>
        %swap3A_1129 = arith.index_cast %scan3A_283 : i32 to index
        %swap3A_1130 = arith.constant 784 : index
        %swap3A_1131 = tpu.vector_load %swap3A_1128[%swap3A_1129, %swap3A_1130] {strides = array<i32>} : memref<24x1024xf32, #tpu.memory_space<vmem>>, vector<16xf32>,
        tpu.vector_store %swap3A_1128[%swap3A_1129, %swap3A_1130], %mul3A_1124 {strides = array<i32>} : memref<24x1024xf32, #tpu.memory_space<vmem>>, vector<16xf32>,
        %get3A_1132 = arith.constant 0 : i32
        %get3A_1133 = arith.constant 0 : i32
        %get3A_1134 = tpu.memref_slice %arg8[%scan3A_127, %get3A_1132, %get3A_1133] : memref<2x24x1024xf32, #tpu.memory_space<vmem>> -> memref<1x24x1024xf32, #tpu.memory_space<vmem>>
        %get3A_1135 = tpu.memref_squeeze %get3A_1134 : memref<1x24x1024xf32, #tpu.memory_space<vmem>> -> memref<24x1024xf32, #tpu.memory_space<vmem>>
        %get3A_1136 = arith.index_cast %scan3A_283 : i32 to index
        %get3A_1137 = arith.constant 800 : index
        %get3A_1138 = tpu.vector_load %get3A_1135[%get3A_1136, %get3A_1137] {strides = array<i32>} : memref<24x1024xf32, #tpu.memory_space<vmem>>, vector<16xf32>,
        %mul3A_1139 = arith.constant 3.000000e+01 : f32
        %mul3A_1140 = vector.broadcast %mul3A_1139 : f32 to vector<16xf32>
        %mul3A_1141 = arith.mulf %get3A_1138, %mul3A_1140 : vector<16xf32>
        %swap3A_1142 = arith.constant 0 : i32
        %swap3A_1143 = arith.constant 0 : i32
        %swap3A_1144 = tpu.memref_slice %arg9[%scan3A_128, %swap3A_1142, %swap3A_1143] : memref<2x24x1024xf32, #tpu.memory_space<vmem>> -> memref<1x24x1024xf32, #tpu.memory_space<vmem>>
        %swap3A_1145 = tpu.memref_squeeze %swap3A_1144 : memref<1x24x1024xf32, #tpu.memory_space<vmem>> -> memref<24x1024xf32, #tpu.memory_space<vmem>>
        %swap3A_1146 = arith.index_cast %scan3A_283 : i32 to index
        %swap3A_1147 = arith.constant 800 : index
        %swap3A_1148 = tpu.vector_load %swap3A_1145[%swap3A_1146, %swap3A_1147] {strides = array<i32>} : memref<24x1024xf32, #tpu.memory_space<vmem>>, vector<16xf32>,
        tpu.vector_store %swap3A_1145[%swap3A_1146, %swap3A_1147], %mul3A_1141 {strides = array<i32>} : memref<24x1024xf32, #tpu.memory_space<vmem>>, vector<16xf32>,
        %get3A_1149 = arith.constant 0 : i32
        %get3A_1150 = arith.constant 0 : i32
        %get3A_1151 = tpu.memref_slice %arg8[%scan3A_127, %get3A_1149, %get3A_1150] : memref<2x24x1024xf32, #tpu.memory_space<vmem>> -> memref<1x24x1024xf32, #tpu.memory_space<vmem>>
        %get3A_1152 = tpu.memref_squeeze %get3A_1151 : memref<1x24x1024xf32, #tpu.memory_space<vmem>> -> memref<24x1024xf32, #tpu.memory_space<vmem>>
        %get3A_1153 = arith.index_cast %scan3A_283 : i32 to index
        %get3A_1154 = arith.constant 816 : index
        %get3A_1155 = tpu.vector_load %get3A_1152[%get3A_1153, %get3A_1154] {strides = array<i32>} : memref<24x1024xf32, #tpu.memory_space<vmem>>, vector<16xf32>,
        %mul3A_1156 = arith.constant 3.000000e+01 : f32
        %mul3A_1157 = vector.broadcast %mul3A_1156 : f32 to vector<16xf32>
        %mul3A_1158 = arith.mulf %get3A_1155, %mul3A_1157 : vector<16xf32>
        %swap3A_1159 = arith.constant 0 : i32
        %swap3A_1160 = arith.constant 0 : i32
        %swap3A_1161 = tpu.memref_slice %arg9[%scan3A_128, %swap3A_1159, %swap3A_1160] : memref<2x24x1024xf32, #tpu.memory_space<vmem>> -> memref<1x24x1024xf32, #tpu.memory_space<vmem>>
        %swap3A_1162 = tpu.memref_squeeze %swap3A_1161 : memref<1x24x1024xf32, #tpu.memory_space<vmem>> -> memref<24x1024xf32, #tpu.memory_space<vmem>>
        %swap3A_1163 = arith.index_cast %scan3A_283 : i32 to index
        %swap3A_1164 = arith.constant 816 : index
        %swap3A_1165 = tpu.vector_load %swap3A_1162[%swap3A_1163, %swap3A_1164] {strides = array<i32>} : memref<24x1024xf32, #tpu.memory_space<vmem>>, vector<16xf32>,
        tpu.vector_store %swap3A_1162[%swap3A_1163, %swap3A_1164], %mul3A_1158 {strides = array<i32>} : memref<24x1024xf32, #tpu.memory_space<vmem>>, vector<16xf32>,
        %get3A_1166 = arith.constant 0 : i32
        %get3A_1167 = arith.constant 0 : i32
        %get3A_1168 = tpu.memref_slice %arg8[%scan3A_127, %get3A_1166, %get3A_1167] : memref<2x24x1024xf32, #tpu.memory_space<vmem>> -> memref<1x24x1024xf32, #tpu.memory_space<vmem>>
        %get3A_1169 = tpu.memref_squeeze %get3A_1168 : memref<1x24x1024xf32, #tpu.memory_space<vmem>> -> memref<24x1024xf32, #tpu.memory_space<vmem>>
        %get3A_1170 = arith.index_cast %scan3A_283 : i32 to index
        %get3A_1171 = arith.constant 832 : index
        %get3A_1172 = tpu.vector_load %get3A_1169[%get3A_1170, %get3A_1171] {strides = array<i32>} : memref<24x1024xf32, #tpu.memory_space<vmem>>, vector<16xf32>,
        %mul3A_1173 = arith.constant 3.000000e+01 : f32
        %mul3A_1174 = vector.broadcast %mul3A_1173 : f32 to vector<16xf32>
        %mul3A_1175 = arith.mulf %get3A_1172, %mul3A_1174 : vector<16xf32>
        %swap3A_1176 = arith.constant 0 : i32
        %swap3A_1177 = arith.constant 0 : i32
        %swap3A_1178 = tpu.memref_slice %arg9[%scan3A_128, %swap3A_1176, %swap3A_1177] : memref<2x24x1024xf32, #tpu.memory_space<vmem>> -> memref<1x24x1024xf32, #tpu.memory_space<vmem>>
        %swap3A_1179 = tpu.memref_squeeze %swap3A_1178 : memref<1x24x1024xf32, #tpu.memory_space<vmem>> -> memref<24x1024xf32, #tpu.memory_space<vmem>>
        %swap3A_1180 = arith.index_cast %scan3A_283 : i32 to index
        %swap3A_1181 = arith.constant 832 : index
        %swap3A_1182 = tpu.vector_load %swap3A_1179[%swap3A_1180, %swap3A_1181] {strides = array<i32>} : memref<24x1024xf32, #tpu.memory_space<vmem>>, vector<16xf32>,
        tpu.vector_store %swap3A_1179[%swap3A_1180, %swap3A_1181], %mul3A_1175 {strides = array<i32>} : memref<24x1024xf32, #tpu.memory_space<vmem>>, vector<16xf32>,
        %get3A_1183 = arith.constant 0 : i32
        %get3A_1184 = arith.constant 0 : i32
        %get3A_1185 = tpu.memref_slice %arg8[%scan3A_127, %get3A_1183, %get3A_1184] : memref<2x24x1024xf32, #tpu.memory_space<vmem>> -> memref<1x24x1024xf32, #tpu.memory_space<vmem>>
        %get3A_1186 = tpu.memref_squeeze %get3A_1185 : memref<1x24x1024xf32, #tpu.memory_space<vmem>> -> memref<24x1024xf32, #tpu.memory_space<vmem>>
        %get3A_1187 = arith.index_cast %scan3A_283 : i32 to index
        %get3A_1188 = arith.constant 848 : index
        %get3A_1189 = tpu.vector_load %get3A_1186[%get3A_1187, %get3A_1188] {strides = array<i32>} : memref<24x1024xf32, #tpu.memory_space<vmem>>, vector<16xf32>,
        %mul3A_1190 = arith.constant 3.000000e+01 : f32
        %mul3A_1191 = vector.broadcast %mul3A_1190 : f32 to vector<16xf32>
        %mul3A_1192 = arith.mulf %get3A_1189, %mul3A_1191 : vector<16xf32>
        %swap3A_1193 = arith.constant 0 : i32
        %swap3A_1194 = arith.constant 0 : i32
        %swap3A_1195 = tpu.memref_slice %arg9[%scan3A_128, %swap3A_1193, %swap3A_1194] : memref<2x24x1024xf32, #tpu.memory_space<vmem>> -> memref<1x24x1024xf32, #tpu.memory_space<vmem>>
        %swap3A_1196 = tpu.memref_squeeze %swap3A_1195 : memref<1x24x1024xf32, #tpu.memory_space<vmem>> -> memref<24x1024xf32, #tpu.memory_space<vmem>>
        %swap3A_1197 = arith.index_cast %scan3A_283 : i32 to index
        %swap3A_1198 = arith.constant 848 : index
        %swap3A_1199 = tpu.vector_load %swap3A_1196[%swap3A_1197, %swap3A_1198] {strides = array<i32>} : memref<24x1024xf32, #tpu.memory_space<vmem>>, vector<16xf32>,
        tpu.vector_store %swap3A_1196[%swap3A_1197, %swap3A_1198], %mul3A_1192 {strides = array<i32>} : memref<24x1024xf32, #tpu.memory_space<vmem>>, vector<16xf32>,
        %get3A_1200 = arith.constant 0 : i32
        %get3A_1201 = arith.constant 0 : i32
        %get3A_1202 = tpu.memref_slice %arg8[%scan3A_127, %get3A_1200, %get3A_1201] : memref<2x24x1024xf32, #tpu.memory_space<vmem>> -> memref<1x24x1024xf32, #tpu.memory_space<vmem>>
        %get3A_1203 = tpu.memref_squeeze %get3A_1202 : memref<1x24x1024xf32, #tpu.memory_space<vmem>> -> memref<24x1024xf32, #tpu.memory_space<vmem>>
        %get3A_1204 = arith.index_cast %scan3A_283 : i32 to index
        %get3A_1205 = arith.constant 864 : index
        %get3A_1206 = tpu.vector_load %get3A_1203[%get3A_1204, %get3A_1205] {strides = array<i32>} : memref<24x1024xf32, #tpu.memory_space<vmem>>, vector<16xf32>,
        %mul3A_1207 = arith.constant 3.000000e+01 : f32
        %mul3A_1208 = vector.broadcast %mul3A_1207 : f32 to vector<16xf32>
        %mul3A_1209 = arith.mulf %get3A_1206, %mul3A_1208 : vector<16xf32>
        %swap3A_1210 = arith.constant 0 : i32
        %swap3A_1211 = arith.constant 0 : i32
        %swap3A_1212 = tpu.memref_slice %arg9[%scan3A_128, %swap3A_1210, %swap3A_1211] : memref<2x24x1024xf32, #tpu.memory_space<vmem>> -> memref<1x24x1024xf32, #tpu.memory_space<vmem>>
        %swap3A_1213 = tpu.memref_squeeze %swap3A_1212 : memref<1x24x1024xf32, #tpu.memory_space<vmem>> -> memref<24x1024xf32, #tpu.memory_space<vmem>>
        %swap3A_1214 = arith.index_cast %scan3A_283 : i32 to index
        %swap3A_1215 = arith.constant 864 : index
        %swap3A_1216 = tpu.vector_load %swap3A_1213[%swap3A_1214, %swap3A_1215] {strides = array<i32>} : memref<24x1024xf32, #tpu.memory_space<vmem>>, vector<16xf32>,
        tpu.vector_store %swap3A_1213[%swap3A_1214, %swap3A_1215], %mul3A_1209 {strides = array<i32>} : memref<24x1024xf32, #tpu.memory_space<vmem>>, vector<16xf32>,
        %get3A_1217 = arith.constant 0 : i32
        %get3A_1218 = arith.constant 0 : i32
        %get3A_1219 = tpu.memref_slice %arg8[%scan3A_127, %get3A_1217, %get3A_1218] : memref<2x24x1024xf32, #tpu.memory_space<vmem>> -> memref<1x24x1024xf32, #tpu.memory_space<vmem>>
        %get3A_1220 = tpu.memref_squeeze %get3A_1219 : memref<1x24x1024xf32, #tpu.memory_space<vmem>> -> memref<24x1024xf32, #tpu.memory_space<vmem>>
        %get3A_1221 = arith.index_cast %scan3A_283 : i32 to index
        %get3A_1222 = arith.constant 880 : index
        %get3A_1223 = tpu.vector_load %get3A_1220[%get3A_1221, %get3A_1222] {strides = array<i32>} : memref<24x1024xf32, #tpu.memory_space<vmem>>, vector<16xf32>,
        %mul3A_1224 = arith.constant 3.000000e+01 : f32
        %mul3A_1225 = vector.broadcast %mul3A_1224 : f32 to vector<16xf32>
        %mul3A_1226 = arith.mulf %get3A_1223, %mul3A_1225 : vector<16xf32>
        %swap3A_1227 = arith.constant 0 : i32
        %swap3A_1228 = arith.constant 0 : i32
        %swap3A_1229 = tpu.memref_slice %arg9[%scan3A_128, %swap3A_1227, %swap3A_1228] : memref<2x24x1024xf32, #tpu.memory_space<vmem>> -> memref<1x24x1024xf32, #tpu.memory_space<vmem>>
        %swap3A_1230 = tpu.memref_squeeze %swap3A_1229 : memref<1x24x1024xf32, #tpu.memory_space<vmem>> -> memref<24x1024xf32, #tpu.memory_space<vmem>>
        %swap3A_1231 = arith.index_cast %scan3A_283 : i32 to index
        %swap3A_1232 = arith.constant 880 : index
        %swap3A_1233 = tpu.vector_load %swap3A_1230[%swap3A_1231, %swap3A_1232] {strides = array<i32>} : memref<24x1024xf32, #tpu.memory_space<vmem>>, vector<16xf32>,
        tpu.vector_store %swap3A_1230[%swap3A_1231, %swap3A_1232], %mul3A_1226 {strides = array<i32>} : memref<24x1024xf32, #tpu.memory_space<vmem>>, vector<16xf32>,
        %get3A_1234 = arith.constant 0 : i32
        %get3A_1235 = arith.constant 0 : i32
        %get3A_1236 = tpu.memref_slice %arg8[%scan3A_127, %get3A_1234, %get3A_1235] : memref<2x24x1024xf32, #tpu.memory_space<vmem>> -> memref<1x24x1024xf32, #tpu.memory_space<vmem>>
        %get3A_1237 = tpu.memref_squeeze %get3A_1236 : memref<1x24x1024xf32, #tpu.memory_space<vmem>> -> memref<24x1024xf32, #tpu.memory_space<vmem>>
        %get3A_1238 = arith.index_cast %scan3A_283 : i32 to index
        %get3A_1239 = arith.constant 896 : index
        %get3A_1240 = tpu.vector_load %get3A_1237[%get3A_1238, %get3A_1239] {strides = array<i32>} : memref<24x1024xf32, #tpu.memory_space<vmem>>, vector<16xf32>,
        %mul3A_1241 = arith.constant 3.000000e+01 : f32
        %mul3A_1242 = vector.broadcast %mul3A_1241 : f32 to vector<16xf32>
        %mul3A_1243 = arith.mulf %get3A_1240, %mul3A_1242 : vector<16xf32>
        %swap3A_1244 = arith.constant 0 : i32
        %swap3A_1245 = arith.constant 0 : i32
        %swap3A_1246 = tpu.memref_slice %arg9[%scan3A_128, %swap3A_1244, %swap3A_1245] : memref<2x24x1024xf32, #tpu.memory_space<vmem>> -> memref<1x24x1024xf32, #tpu.memory_space<vmem>>
        %swap3A_1247 = tpu.memref_squeeze %swap3A_1246 : memref<1x24x1024xf32, #tpu.memory_space<vmem>> -> memref<24x1024xf32, #tpu.memory_space<vmem>>
        %swap3A_1248 = arith.index_cast %scan3A_283 : i32 to index
        %swap3A_1249 = arith.constant 896 : index
        %swap3A_1250 = tpu.vector_load %swap3A_1247[%swap3A_1248, %swap3A_1249] {strides = array<i32>} : memref<24x1024xf32, #tpu.memory_space<vmem>>, vector<16xf32>,
        tpu.vector_store %swap3A_1247[%swap3A_1248, %swap3A_1249], %mul3A_1243 {strides = array<i32>} : memref<24x1024xf32, #tpu.memory_space<vmem>>, vector<16xf32>,
        %get3A_1251 = arith.constant 0 : i32
        %get3A_1252 = arith.constant 0 : i32
        %get3A_1253 = tpu.memref_slice %arg8[%scan3A_127, %get3A_1251, %get3A_1252] : memref<2x24x1024xf32, #tpu.memory_space<vmem>> -> memref<1x24x1024xf32, #tpu.memory_space<vmem>>
        %get3A_1254 = tpu.memref_squeeze %get3A_1253 : memref<1x24x1024xf32, #tpu.memory_space<vmem>> -> memref<24x1024xf32, #tpu.memory_space<vmem>>
        %get3A_1255 = arith.index_cast %scan3A_283 : i32 to index
        %get3A_1256 = arith.constant 912 : index
        %get3A_1257 = tpu.vector_load %get3A_1254[%get3A_1255, %get3A_1256] {strides = array<i32>} : memref<24x1024xf32, #tpu.memory_space<vmem>>, vector<16xf32>,
        %mul3A_1258 = arith.constant 3.000000e+01 : f32
        %mul3A_1259 = vector.broadcast %mul3A_1258 : f32 to vector<16xf32>
        %mul3A_1260 = arith.mulf %get3A_1257, %mul3A_1259 : vector<16xf32>
        %swap3A_1261 = arith.constant 0 : i32
        %swap3A_1262 = arith.constant 0 : i32
        %swap3A_1263 = tpu.memref_slice %arg9[%scan3A_128, %swap3A_1261, %swap3A_1262] : memref<2x24x1024xf32, #tpu.memory_space<vmem>> -> memref<1x24x1024xf32, #tpu.memory_space<vmem>>
        %swap3A_1264 = tpu.memref_squeeze %swap3A_1263 : memref<1x24x1024xf32, #tpu.memory_space<vmem>> -> memref<24x1024xf32, #tpu.memory_space<vmem>>
        %swap3A_1265 = arith.index_cast %scan3A_283 : i32 to index
        %swap3A_1266 = arith.constant 912 : index
        %swap3A_1267 = tpu.vector_load %swap3A_1264[%swap3A_1265, %swap3A_1266] {strides = array<i32>} : memref<24x1024xf32, #tpu.memory_space<vmem>>, vector<16xf32>,
        tpu.vector_store %swap3A_1264[%swap3A_1265, %swap3A_1266], %mul3A_1260 {strides = array<i32>} : memref<24x1024xf32, #tpu.memory_space<vmem>>, vector<16xf32>,
        %get3A_1268 = arith.constant 0 : i32
        %get3A_1269 = arith.constant 0 : i32
        %get3A_1270 = tpu.memref_slice %arg8[%scan3A_127, %get3A_1268, %get3A_1269] : memref<2x24x1024xf32, #tpu.memory_space<vmem>> -> memref<1x24x1024xf32, #tpu.memory_space<vmem>>
        %get3A_1271 = tpu.memref_squeeze %get3A_1270 : memref<1x24x1024xf32, #tpu.memory_space<vmem>> -> memref<24x1024xf32, #tpu.memory_space<vmem>>
        %get3A_1272 = arith.index_cast %scan3A_283 : i32 to index
        %get3A_1273 = arith.constant 928 : index
        %get3A_1274 = tpu.vector_load %get3A_1271[%get3A_1272, %get3A_1273] {strides = array<i32>} : memref<24x1024xf32, #tpu.memory_space<vmem>>, vector<16xf32>,
        %mul3A_1275 = arith.constant 3.000000e+01 : f32
        %mul3A_1276 = vector.broadcast %mul3A_1275 : f32 to vector<16xf32>
        %mul3A_1277 = arith.mulf %get3A_1274, %mul3A_1276 : vector<16xf32>
        %swap3A_1278 = arith.constant 0 : i32
        %swap3A_1279 = arith.constant 0 : i32
        %swap3A_1280 = tpu.memref_slice %arg9[%scan3A_128, %swap3A_1278, %swap3A_1279] : memref<2x24x1024xf32, #tpu.memory_space<vmem>> -> memref<1x24x1024xf32, #tpu.memory_space<vmem>>
        %swap3A_1281 = tpu.memref_squeeze %swap3A_1280 : memref<1x24x1024xf32, #tpu.memory_space<vmem>> -> memref<24x1024xf32, #tpu.memory_space<vmem>>
        %swap3A_1282 = arith.index_cast %scan3A_283 : i32 to index
        %swap3A_1283 = arith.constant 928 : index
        %swap3A_1284 = tpu.vector_load %swap3A_1281[%swap3A_1282, %swap3A_1283] {strides = array<i32>} : memref<24x1024xf32, #tpu.memory_space<vmem>>, vector<16xf32>,
        tpu.vector_store %swap3A_1281[%swap3A_1282, %swap3A_1283], %mul3A_1277 {strides = array<i32>} : memref<24x1024xf32, #tpu.memory_space<vmem>>, vector<16xf32>,
        %get3A_1285 = arith.constant 0 : i32
        %get3A_1286 = arith.constant 0 : i32
        %get3A_1287 = tpu.memref_slice %arg8[%scan3A_127, %get3A_1285, %get3A_1286] : memref<2x24x1024xf32, #tpu.memory_space<vmem>> -> memref<1x24x1024xf32, #tpu.memory_space<vmem>>
        %get3A_1288 = tpu.memref_squeeze %get3A_1287 : memref<1x24x1024xf32, #tpu.memory_space<vmem>> -> memref<24x1024xf32, #tpu.memory_space<vmem>>
        %get3A_1289 = arith.index_cast %scan3A_283 : i32 to index
        %get3A_1290 = arith.constant 944 : index
        %get3A_1291 = tpu.vector_load %get3A_1288[%get3A_1289, %get3A_1290] {strides = array<i32>} : memref<24x1024xf32, #tpu.memory_space<vmem>>, vector<16xf32>,
        %mul3A_1292 = arith.constant 3.000000e+01 : f32
        %mul3A_1293 = vector.broadcast %mul3A_1292 : f32 to vector<16xf32>
        %mul3A_1294 = arith.mulf %get3A_1291, %mul3A_1293 : vector<16xf32>
        %swap3A_1295 = arith.constant 0 : i32
        %swap3A_1296 = arith.constant 0 : i32
        %swap3A_1297 = tpu.memref_slice %arg9[%scan3A_128, %swap3A_1295, %swap3A_1296] : memref<2x24x1024xf32, #tpu.memory_space<vmem>> -> memref<1x24x1024xf32, #tpu.memory_space<vmem>>
        %swap3A_1298 = tpu.memref_squeeze %swap3A_1297 : memref<1x24x1024xf32, #tpu.memory_space<vmem>> -> memref<24x1024xf32, #tpu.memory_space<vmem>>
        %swap3A_1299 = arith.index_cast %scan3A_283 : i32 to index
        %swap3A_1300 = arith.constant 944 : index
        %swap3A_1301 = tpu.vector_load %swap3A_1298[%swap3A_1299, %swap3A_1300] {strides = array<i32>} : memref<24x1024xf32, #tpu.memory_space<vmem>>, vector<16xf32>,
        tpu.vector_store %swap3A_1298[%swap3A_1299, %swap3A_1300], %mul3A_1294 {strides = array<i32>} : memref<24x1024xf32, #tpu.memory_space<vmem>>, vector<16xf32>,
        %get3A_1302 = arith.constant 0 : i32
        %get3A_1303 = arith.constant 0 : i32
        %get3A_1304 = tpu.memref_slice %arg8[%scan3A_127, %get3A_1302, %get3A_1303] : memref<2x24x1024xf32, #tpu.memory_space<vmem>> -> memref<1x24x1024xf32, #tpu.memory_space<vmem>>
        %get3A_1305 = tpu.memref_squeeze %get3A_1304 : memref<1x24x1024xf32, #tpu.memory_space<vmem>> -> memref<24x1024xf32, #tpu.memory_space<vmem>>
        %get3A_1306 = arith.index_cast %scan3A_283 : i32 to index
        %get3A_1307 = arith.constant 960 : index
        %get3A_1308 = tpu.vector_load %get3A_1305[%get3A_1306, %get3A_1307] {strides = array<i32>} : memref<24x1024xf32, #tpu.memory_space<vmem>>, vector<16xf32>,
        %mul3A_1309 = arith.constant 3.000000e+01 : f32
        %mul3A_1310 = vector.broadcast %mul3A_1309 : f32 to vector<16xf32>
        %mul3A_1311 = arith.mulf %get3A_1308, %mul3A_1310 : vector<16xf32>
        %swap3A_1312 = arith.constant 0 : i32
        %swap3A_1313 = arith.constant 0 : i32
        %swap3A_1314 = tpu.memref_slice %arg9[%scan3A_128, %swap3A_1312, %swap3A_1313] : memref<2x24x1024xf32, #tpu.memory_space<vmem>> -> memref<1x24x1024xf32, #tpu.memory_space<vmem>>
        %swap3A_1315 = tpu.memref_squeeze %swap3A_1314 : memref<1x24x1024xf32, #tpu.memory_space<vmem>> -> memref<24x1024xf32, #tpu.memory_space<vmem>>
        %swap3A_1316 = arith.index_cast %scan3A_283 : i32 to index
        %swap3A_1317 = arith.constant 960 : index
        %swap3A_1318 = tpu.vector_load %swap3A_1315[%swap3A_1316, %swap3A_1317] {strides = array<i32>} : memref<24x1024xf32, #tpu.memory_space<vmem>>, vector<16xf32>,
        tpu.vector_store %swap3A_1315[%swap3A_1316, %swap3A_1317], %mul3A_1311 {strides = array<i32>} : memref<24x1024xf32, #tpu.memory_space<vmem>>, vector<16xf32>,
        %get3A_1319 = arith.constant 0 : i32
        %get3A_1320 = arith.constant 0 : i32
        %get3A_1321 = tpu.memref_slice %arg8[%scan3A_127, %get3A_1319, %get3A_1320] : memref<2x24x1024xf32, #tpu.memory_space<vmem>> -> memref<1x24x1024xf32, #tpu.memory_space<vmem>>
        %get3A_1322 = tpu.memref_squeeze %get3A_1321 : memref<1x24x1024xf32, #tpu.memory_space<vmem>> -> memref<24x1024xf32, #tpu.memory_space<vmem>>
        %get3A_1323 = arith.index_cast %scan3A_283 : i32 to index
        %get3A_1324 = arith.constant 976 : index
        %get3A_1325 = tpu.vector_load %get3A_1322[%get3A_1323, %get3A_1324] {strides = array<i32>} : memref<24x1024xf32, #tpu.memory_space<vmem>>, vector<16xf32>,
        %mul3A_1326 = arith.constant 3.000000e+01 : f32
        %mul3A_1327 = vector.broadcast %mul3A_1326 : f32 to vector<16xf32>
        %mul3A_1328 = arith.mulf %get3A_1325, %mul3A_1327 : vector<16xf32>
        %swap3A_1329 = arith.constant 0 : i32
        %swap3A_1330 = arith.constant 0 : i32
        %swap3A_1331 = tpu.memref_slice %arg9[%scan3A_128, %swap3A_1329, %swap3A_1330] : memref<2x24x1024xf32, #tpu.memory_space<vmem>> -> memref<1x24x1024xf32, #tpu.memory_space<vmem>>
        %swap3A_1332 = tpu.memref_squeeze %swap3A_1331 : memref<1x24x1024xf32, #tpu.memory_space<vmem>> -> memref<24x1024xf32, #tpu.memory_space<vmem>>
        %swap3A_1333 = arith.index_cast %scan3A_283 : i32 to index
        %swap3A_1334 = arith.constant 976 : index
        %swap3A_1335 = tpu.vector_load %swap3A_1332[%swap3A_1333, %swap3A_1334] {strides = array<i32>} : memref<24x1024xf32, #tpu.memory_space<vmem>>, vector<16xf32>,
        tpu.vector_store %swap3A_1332[%swap3A_1333, %swap3A_1334], %mul3A_1328 {strides = array<i32>} : memref<24x1024xf32, #tpu.memory_space<vmem>>, vector<16xf32>,
        %get3A_1336 = arith.constant 0 : i32
        %get3A_1337 = arith.constant 0 : i32
        %get3A_1338 = tpu.memref_slice %arg8[%scan3A_127, %get3A_1336, %get3A_1337] : memref<2x24x1024xf32, #tpu.memory_space<vmem>> -> memref<1x24x1024xf32, #tpu.memory_space<vmem>>
        %get3A_1339 = tpu.memref_squeeze %get3A_1338 : memref<1x24x1024xf32, #tpu.memory_space<vmem>> -> memref<24x1024xf32, #tpu.memory_space<vmem>>
        %get3A_1340 = arith.index_cast %scan3A_283 : i32 to index
        %get3A_1341 = arith.constant 992 : index
        %get3A_1342 = tpu.vector_load %get3A_1339[%get3A_1340, %get3A_1341] {strides = array<i32>} : memref<24x1024xf32, #tpu.memory_space<vmem>>, vector<16xf32>,
        %mul3A_1343 = arith.constant 3.000000e+01 : f32
        %mul3A_1344 = vector.broadcast %mul3A_1343 : f32 to vector<16xf32>
        %mul3A_1345 = arith.mulf %get3A_1342, %mul3A_1344 : vector<16xf32>
        %swap3A_1346 = arith.constant 0 : i32
        %swap3A_1347 = arith.constant 0 : i32
        %swap3A_1348 = tpu.memref_slice %arg9[%scan3A_128, %swap3A_1346, %swap3A_1347] : memref<2x24x1024xf32, #tpu.memory_space<vmem>> -> memref<1x24x1024xf32, #tpu.memory_space<vmem>>
        %swap3A_1349 = tpu.memref_squeeze %swap3A_1348 : memref<1x24x1024xf32, #tpu.memory_space<vmem>> -> memref<24x1024xf32, #tpu.memory_space<vmem>>
        %swap3A_1350 = arith.index_cast %scan3A_283 : i32 to index
        %swap3A_1351 = arith.constant 992 : index
        %swap3A_1352 = tpu.vector_load %swap3A_1349[%swap3A_1350, %swap3A_1351] {strides = array<i32>} : memref<24x1024xf32, #tpu.memory_space<vmem>>, vector<16xf32>,
        tpu.vector_store %swap3A_1349[%swap3A_1350, %swap3A_1351], %mul3A_1345 {strides = array<i32>} : memref<24x1024xf32, #tpu.memory_space<vmem>>, vector<16xf32>,
        %get3A_1353 = arith.constant 0 : i32
        %get3A_1354 = arith.constant 0 : i32
        %get3A_1355 = tpu.memref_slice %arg8[%scan3A_127, %get3A_1353, %get3A_1354] : memref<2x24x1024xf32, #tpu.memory_space<vmem>> -> memref<1x24x1024xf32, #tpu.memory_space<vmem>>
        %get3A_1356 = tpu.memref_squeeze %get3A_1355 : memref<1x24x1024xf32, #tpu.memory_space<vmem>> -> memref<24x1024xf32, #tpu.memory_space<vmem>>
        %get3A_1357 = arith.index_cast %scan3A_283 : i32 to index
        %get3A_1358 = arith.constant 1008 : index
        %get3A_1359 = tpu.vector_load %get3A_1356[%get3A_1357, %get3A_1358] {strides = array<i32>} : memref<24x1024xf32, #tpu.memory_space<vmem>>, vector<16xf32>,
        %mul3A_1360 = arith.constant 3.000000e+01 : f32
        %mul3A_1361 = vector.broadcast %mul3A_1360 : f32 to vector<16xf32>
        %mul3A_1362 = arith.mulf %get3A_1359, %mul3A_1361 : vector<16xf32>
        %swap3A_1363 = arith.constant 0 : i32
        %swap3A_1364 = arith.constant 0 : i32
        %swap3A_1365 = tpu.memref_slice %arg9[%scan3A_128, %swap3A_1363, %swap3A_1364] : memref<2x24x1024xf32, #tpu.memory_space<vmem>> -> memref<1x24x1024xf32, #tpu.memory_space<vmem>>
        %swap3A_1366 = tpu.memref_squeeze %swap3A_1365 : memref<1x24x1024xf32, #tpu.memory_space<vmem>> -> memref<24x1024xf32, #tpu.memory_space<vmem>>
        %swap3A_1367 = arith.index_cast %scan3A_283 : i32 to index
        %swap3A_1368 = arith.constant 1008 : index
        %swap3A_1369 = tpu.vector_load %swap3A_1366[%swap3A_1367, %swap3A_1368] {strides = array<i32>} : memref<24x1024xf32, #tpu.memory_space<vmem>>, vector<16xf32>,
        tpu.vector_store %swap3A_1366[%swap3A_1367, %swap3A_1368], %mul3A_1362 {strides = array<i32>} : memref<24x1024xf32, #tpu.memory_space<vmem>>, vector<16xf32>,
      }
      %scan3A_133 = arith.constant 24 : i32
      %add3A_134 = arith.constant 15 : i32
      %add3A_135 = arith.addi %reduce_max3A_55, %add3A_134 : i32
      %jit3A = arith.constant 16 : i32
      %div3A = arith.divsi %add3A_135, %jit3A : i32
      %sign3A = arith.constant 0 : i32
      %sign3A_136 = arith.cmpi sgt, %add3A_135, %sign3A : i32
      %sign3A_137 = arith.extui %sign3A_136 : i1 to i32
      %sign3A_138 = arith.constant 0 : i32
      %sign3A_139 = arith.cmpi slt, %add3A_135, %sign3A_138 : i32
      %sign3A_140 = arith.extui %sign3A_139 : i1 to i32
      %sign3A_141 = arith.subi %sign3A_137, %sign3A_140 : i32
      %sign3A_142 = arith.constant 0 : i32
      %sign3A_143 = arith.cmpi sgt, %jit3A, %sign3A_142 : i32
      %sign3A_144 = arith.extui %sign3A_143 : i1 to i32
      %sign3A_145 = arith.constant 0 : i32
      %sign3A_146 = arith.cmpi slt, %jit3A, %sign3A_145 : i32
      %sign3A_147 = arith.extui %sign3A_146 : i1 to i32
      %sign3A_148 = arith.subi %sign3A_144, %sign3A_147 : i32
      %ne3A = arith.cmpi ne, %sign3A_141, %sign3A_148 : i32
      %rem3A = arith.remsi %add3A_135, %jit3A : i32
      %ne3A_149 = arith.constant 0 : i32
      %ne3A_150 = arith.cmpi ne, %rem3A, %ne3A_149 : i32
      %and3A = arith.andi %ne3A, %ne3A_150 : i1
      %sub3A = arith.constant 1 : i32
      %sub3A_151 = arith.subi %div3A, %sub3A : i32
      %select_n3A = arith.select %and3A, %sub3A_151, %div3A : i32
      %while3A = arith.constant 0 : i32
      %while3A_152 = arith.constant 0 : i32
      %while3A_153 = arith.constant 0 : i32
      %while3A_154 = arith.constant 0 : i32
      %while3A_155 = arith.subi %select_n3A, %while3A_154 : i32
      %while3A_156 = arith.addi %while3A_154, %while3A_155 : i32
      %while3A_157 = arith.constant 1 : i32
      %while3A_158 = arith.divsi %while3A_155, %while3A_157 : i32
      %while3A_159 = arith.muli %while3A_158, %while3A_157 : i32
      %while3A_160 = arith.addi %while3A_154, %while3A_159 : i32
      %while3A_161 = arith.constant 1 : i32
      scf.for %while3A_283 = %while3A_154 to %while3A_160 step %while3A_161  : i32 {
        %mul3A_284 = arith.constant 16 : i32
        %mul3A_285 = arith.muli %while3A_283, %mul3A_284 : i32
        %add3A_286 = vector.broadcast %mul3A_285 : i32 to vector<16xi32>
        %add3A_287 = arith.addi %add3A_286, %iota3A : vector<16xi32>
        %lt3A_288 = vector.broadcast %reduce_max3A_55 : i32 to vector<16xi32>
        %lt3A_289 = arith.cmpi slt, %add3A_287, %lt3A_288 : vector<16xi32>
        %gather3A = tpu.vector_load_idx %arg6[%add3A_287] : memref<1024xi32, #tpu.memory_space<vmem>>[vector<16xi32>], vector<16xi32>,
        %gather3A_290 = tpu.vector_load_idx %arg7[%add3A_287] : memref<1024xi32, #tpu.memory_space<vmem>>[vector<16xi32>], vector<16xi32>,
        %sub3A_291 = vector.broadcast %add3A_105 : i32 to vector<16xi32>
        %sub3A_292 = arith.subi %gather3A, %sub3A_291 : vector<16xi32>
        %ge3A_293 = arith.constant 0 : i32
        %ge3A_294 = vector.broadcast %ge3A_293 : i32 to vector<16xi32>
        %ge3A_295 = arith.cmpi sge, %sub3A_292, %ge3A_294 : vector<16xi32>
        %and3A_296 = arith.andi %lt3A_289, %ge3A_295 : vector<16xi1>
        %lt3A_297 = arith.constant 24 : i32
        %lt3A_298 = vector.broadcast %lt3A_297 : i32 to vector<16xi32>
        %lt3A_299 = arith.cmpi slt, %sub3A_292, %lt3A_298 : vector<16xi32>
        %and3A_300 = arith.andi %and3A_296, %lt3A_299 : vector<16xi1>
        %jit3A_301 = arith.constant 0 : i32
        %jit3A_302 = arith.constant 23 : i32
        %max3A = vector.broadcast %jit3A_301 : i32 to vector<16xi32>
        %max3A_303 = arith.maxsi %max3A, %sub3A_292 : vector<16xi32>
        %min3A = vector.broadcast %jit3A_302 : i32 to vector<16xi32>
        %min3A_304 = arith.minsi %min3A, %max3A_303 : vector<16xi32>
        %jit3A_305 = arith.constant 0 : i32
        %jit3A_306 = arith.constant 1023 : i32
        %max3A_307 = vector.broadcast %jit3A_305 : i32 to vector<16xi32>
        %max3A_308 = arith.maxsi %max3A_307, %gather3A_290 : vector<16xi32>
        %min3A_309 = vector.broadcast %jit3A_306 : i32 to vector<16xi32>
        %min3A_310 = arith.minsi %min3A_309, %max3A_308 : vector<16xi32>
        %gather3A_311 = arith.constant 0 : i32
        %gather3A_312 = arith.constant 0 : i32
        %gather3A_313 = tpu.memref_slice %arg8[%while3A_152, %gather3A_311, %gather3A_312] : memref<2x24x1024xf32, #tpu.memory_space<vmem>> -> memref<1x24x1024xf32, #tpu.memory_space<vmem>>
        %gather3A_314 = tpu.memref_squeeze %gather3A_313 : memref<1x24x1024xf32, #tpu.memory_space<vmem>> -> memref<24x1024xf32, #tpu.memory_space<vmem>>
        %gather3A_315 = tpu.vector_load_idx %gather3A_314[%min3A_304, %min3A_310] masked %and3A_300 : memref<24x1024xf32, #tpu.memory_space<vmem>>[vector<16xi32>, vector<16xi32>], vector<16xf32>, vector<16xi1>
        %mul3A_316 = arith.mulf %gather3A_315, %gather3A_315 : vector<16xf32>
        %sub3A_317 = arith.constant 1.000000e+00 : f32
        %sub3A_318 = vector.broadcast %sub3A_317 : f32 to vector<16xf32>
        %sub3A_319 = arith.subf %sub3A_318, %mul3A_316 : vector<16xf32>
        %max3A_320 = arith.constant 1.000000e-30 : f32
        %max3A_321 = vector.broadcast %max3A_320 : f32 to vector<16xf32>
        %max3A_322 = arith.maximumf %sub3A_319, %max3A_321 : vector<16xf32>
        %bitcast3A = vector.bitcast %max3A_322 : vector<16xf32> to vector<16xi32>
        %shift_right_arithmetic3A = arith.constant 1 : i32
        %shift_right_arithmetic3A_323 = vector.broadcast %shift_right_arithmetic3A : i32 to vector<16xi32>
        %shift_right_arithmetic3A_324 = arith.shrsi %bitcast3A, %shift_right_arithmetic3A_323 : vector<16xi32>
        %sub3A_325 = arith.constant 1597463007 : i32
        %sub3A_326 = vector.broadcast %sub3A_325 : i32 to vector<16xi32>
        %sub3A_327 = arith.subi %sub3A_326, %shift_right_arithmetic3A_324 : vector<16xi32>
        %bitcast3A_328 = vector.bitcast %sub3A_327 : vector<16xi32> to vector<16xf32>
        %mul3A_329 = arith.constant 5.000000e-01 : f32
        %mul3A_330 = vector.broadcast %mul3A_329 : f32 to vector<16xf32>
        %mul3A_331 = arith.mulf %mul3A_330, %max3A_322 : vector<16xf32>
        %mul3A_332 = arith.mulf %mul3A_331, %bitcast3A_328 : vector<16xf32>
        %mul3A_333 = arith.mulf %mul3A_332, %bitcast3A_328 : vector<16xf32>
        %sub3A_334 = arith.constant 1.500000e+00 : f32
        %sub3A_335 = vector.broadcast %sub3A_334 : f32 to vector<16xf32>
        %sub3A_336 = arith.subf %sub3A_335, %mul3A_333 : vector<16xf32>
        %mul3A_337 = arith.mulf %bitcast3A_328, %sub3A_336 : vector<16xf32>
        %mul3A_338 = arith.constant 5.000000e-01 : f32
        %mul3A_339 = vector.broadcast %mul3A_338 : f32 to vector<16xf32>
        %mul3A_340 = arith.mulf %mul3A_339, %max3A_322 : vector<16xf32>
        %mul3A_341 = arith.mulf %mul3A_340, %mul3A_337 : vector<16xf32>
        %mul3A_342 = arith.mulf %mul3A_341, %mul3A_337 : vector<16xf32>
        %sub3A_343 = arith.constant 1.500000e+00 : f32
        %sub3A_344 = vector.broadcast %sub3A_343 : f32 to vector<16xf32>
        %sub3A_345 = arith.subf %sub3A_344, %mul3A_342 : vector<16xf32>
        %mul3A_346 = arith.mulf %mul3A_337, %sub3A_345 : vector<16xf32>
        %mul3A_347 = arith.constant 5.000000e-01 : f32
        %mul3A_348 = vector.broadcast %mul3A_347 : f32 to vector<16xf32>
        %mul3A_349 = arith.mulf %mul3A_348, %max3A_322 : vector<16xf32>
        %mul3A_350 = arith.mulf %mul3A_349, %mul3A_346 : vector<16xf32>
        %mul3A_351 = arith.mulf %mul3A_350, %mul3A_346 : vector<16xf32>
        %sub3A_352 = arith.constant 1.500000e+00 : f32
        %sub3A_353 = vector.broadcast %sub3A_352 : f32 to vector<16xf32>
        %sub3A_354 = arith.subf %sub3A_353, %mul3A_351 : vector<16xf32>
        %mul3A_355 = arith.mulf %mul3A_346, %sub3A_354 : vector<16xf32>
        %mul3A_356 = arith.mulf %max3A_322, %mul3A_355 : vector<16xf32>
        %mul3A_357 = arith.constant 26.3274765 : f32
        %mul3A_358 = vector.broadcast %mul3A_357 : f32 to vector<16xf32>
        %mul3A_359 = arith.mulf %gather3A_315, %mul3A_358 : vector<16xf32>
        %mul3A_360 = arith.constant 14.3827658 : f32
        %mul3A_361 = vector.broadcast %mul3A_360 : f32 to vector<16xf32>
        %mul3A_362 = arith.mulf %mul3A_356, %mul3A_361 : vector<16xf32>
        %sub3A_363 = arith.subf %mul3A_359, %mul3A_362 : vector<16xf32>
        %gt3A = arith.constant -0.87758255 : f32
        %gt3A_364 = vector.broadcast %gt3A : f32 to vector<16xf32>
        %gt3A_365 = arith.cmpf ogt, %gather3A_315, %gt3A_364 : vector<16xf32>
        %mul3A_366 = arith.constant 3.000000e+01 : f32
        %mul3A_367 = vector.broadcast %mul3A_366 : f32 to vector<16xf32>
        %mul3A_368 = arith.mulf %gather3A_315, %mul3A_367 : vector<16xf32>
        %sub3A_369 = arith.constant 7.19138288 : f32
        %sub3A_370 = vector.broadcast %sub3A_369 : f32 to vector<16xf32>
        %sub3A_371 = arith.subf %mul3A_368, %sub3A_370 : vector<16xf32>
        %select_n3A_372 = arith.select %gt3A_365, %sub3A_363, %sub3A_371 : vector<16xi1>, vector<16xf32>
        %scatter3A = arith.constant 0 : i32
        %scatter3A_373 = arith.constant 0 : i32
        %scatter3A_374 = tpu.memref_slice %arg9[%while3A_153, %scatter3A, %scatter3A_373] : memref<2x24x1024xf32, #tpu.memory_space<vmem>> -> memref<1x24x1024xf32, #tpu.memory_space<vmem>>
        %scatter3A_375 = tpu.memref_squeeze %scatter3A_374 : memref<1x24x1024xf32, #tpu.memory_space<vmem>> -> memref<24x1024xf32, #tpu.memory_space<vmem>>
        tpu.vector_store_idx %scatter3A_375[%min3A_304, %min3A_310], %select_n3A_372 masked %and3A_300 : memref<24x1024xf32, #tpu.memory_space<vmem>>[vector<16xi32>, vector<16xi32>], vector<16xf32>, vector<16xi1>
      }
      %while3A_162 = arith.constant 1 : i32
      scf.for %while3A_283 = %while3A_160 to %while3A_156 step %while3A_162  : i32 {
        %mul3A_284 = arith.constant 16 : i32
        %mul3A_285 = arith.muli %while3A_283, %mul3A_284 : i32
        %add3A_286 = vector.broadcast %mul3A_285 : i32 to vector<16xi32>
        %add3A_287 = arith.addi %add3A_286, %iota3A : vector<16xi32>
        %lt3A_288 = vector.broadcast %reduce_max3A_55 : i32 to vector<16xi32>
        %lt3A_289 = arith.cmpi slt, %add3A_287, %lt3A_288 : vector<16xi32>
        %gather3A = tpu.vector_load_idx %arg6[%add3A_287] : memref<1024xi32, #tpu.memory_space<vmem>>[vector<16xi32>], vector<16xi32>,
        %gather3A_290 = tpu.vector_load_idx %arg7[%add3A_287] : memref<1024xi32, #tpu.memory_space<vmem>>[vector<16xi32>], vector<16xi32>,
        %sub3A_291 = vector.broadcast %add3A_105 : i32 to vector<16xi32>
        %sub3A_292 = arith.subi %gather3A, %sub3A_291 : vector<16xi32>
        %ge3A_293 = arith.constant 0 : i32
        %ge3A_294 = vector.broadcast %ge3A_293 : i32 to vector<16xi32>
        %ge3A_295 = arith.cmpi sge, %sub3A_292, %ge3A_294 : vector<16xi32>
        %and3A_296 = arith.andi %lt3A_289, %ge3A_295 : vector<16xi1>
        %lt3A_297 = arith.constant 24 : i32
        %lt3A_298 = vector.broadcast %lt3A_297 : i32 to vector<16xi32>
        %lt3A_299 = arith.cmpi slt, %sub3A_292, %lt3A_298 : vector<16xi32>
        %and3A_300 = arith.andi %and3A_296, %lt3A_299 : vector<16xi1>
        %jit3A_301 = arith.constant 0 : i32
        %jit3A_302 = arith.constant 23 : i32
        %max3A = vector.broadcast %jit3A_301 : i32 to vector<16xi32>
        %max3A_303 = arith.maxsi %max3A, %sub3A_292 : vector<16xi32>
        %min3A = vector.broadcast %jit3A_302 : i32 to vector<16xi32>
        %min3A_304 = arith.minsi %min3A, %max3A_303 : vector<16xi32>
        %jit3A_305 = arith.constant 0 : i32
        %jit3A_306 = arith.constant 1023 : i32
        %max3A_307 = vector.broadcast %jit3A_305 : i32 to vector<16xi32>
        %max3A_308 = arith.maxsi %max3A_307, %gather3A_290 : vector<16xi32>
        %min3A_309 = vector.broadcast %jit3A_306 : i32 to vector<16xi32>
        %min3A_310 = arith.minsi %min3A_309, %max3A_308 : vector<16xi32>
        %gather3A_311 = arith.constant 0 : i32
        %gather3A_312 = arith.constant 0 : i32
        %gather3A_313 = tpu.memref_slice %arg8[%while3A_152, %gather3A_311, %gather3A_312] : memref<2x24x1024xf32, #tpu.memory_space<vmem>> -> memref<1x24x1024xf32, #tpu.memory_space<vmem>>
        %gather3A_314 = tpu.memref_squeeze %gather3A_313 : memref<1x24x1024xf32, #tpu.memory_space<vmem>> -> memref<24x1024xf32, #tpu.memory_space<vmem>>
        %gather3A_315 = tpu.vector_load_idx %gather3A_314[%min3A_304, %min3A_310] masked %and3A_300 : memref<24x1024xf32, #tpu.memory_space<vmem>>[vector<16xi32>, vector<16xi32>], vector<16xf32>, vector<16xi1>
        %mul3A_316 = arith.mulf %gather3A_315, %gather3A_315 : vector<16xf32>
        %sub3A_317 = arith.constant 1.000000e+00 : f32
        %sub3A_318 = vector.broadcast %sub3A_317 : f32 to vector<16xf32>
        %sub3A_319 = arith.subf %sub3A_318, %mul3A_316 : vector<16xf32>
        %max3A_320 = arith.constant 1.000000e-30 : f32
        %max3A_321 = vector.broadcast %max3A_320 : f32 to vector<16xf32>
        %max3A_322 = arith.maximumf %sub3A_319, %max3A_321 : vector<16xf32>
        %bitcast3A = vector.bitcast %max3A_322 : vector<16xf32> to vector<16xi32>
        %shift_right_arithmetic3A = arith.constant 1 : i32
        %shift_right_arithmetic3A_323 = vector.broadcast %shift_right_arithmetic3A : i32 to vector<16xi32>
        %shift_right_arithmetic3A_324 = arith.shrsi %bitcast3A, %shift_right_arithmetic3A_323 : vector<16xi32>
        %sub3A_325 = arith.constant 1597463007 : i32
        %sub3A_326 = vector.broadcast %sub3A_325 : i32 to vector<16xi32>
        %sub3A_327 = arith.subi %sub3A_326, %shift_right_arithmetic3A_324 : vector<16xi32>
        %bitcast3A_328 = vector.bitcast %sub3A_327 : vector<16xi32> to vector<16xf32>
        %mul3A_329 = arith.constant 5.000000e-01 : f32
        %mul3A_330 = vector.broadcast %mul3A_329 : f32 to vector<16xf32>
        %mul3A_331 = arith.mulf %mul3A_330, %max3A_322 : vector<16xf32>
        %mul3A_332 = arith.mulf %mul3A_331, %bitcast3A_328 : vector<16xf32>
        %mul3A_333 = arith.mulf %mul3A_332, %bitcast3A_328 : vector<16xf32>
        %sub3A_334 = arith.constant 1.500000e+00 : f32
        %sub3A_335 = vector.broadcast %sub3A_334 : f32 to vector<16xf32>
        %sub3A_336 = arith.subf %sub3A_335, %mul3A_333 : vector<16xf32>
        %mul3A_337 = arith.mulf %bitcast3A_328, %sub3A_336 : vector<16xf32>
        %mul3A_338 = arith.constant 5.000000e-01 : f32
        %mul3A_339 = vector.broadcast %mul3A_338 : f32 to vector<16xf32>
        %mul3A_340 = arith.mulf %mul3A_339, %max3A_322 : vector<16xf32>
        %mul3A_341 = arith.mulf %mul3A_340, %mul3A_337 : vector<16xf32>
        %mul3A_342 = arith.mulf %mul3A_341, %mul3A_337 : vector<16xf32>
        %sub3A_343 = arith.constant 1.500000e+00 : f32
        %sub3A_344 = vector.broadcast %sub3A_343 : f32 to vector<16xf32>
        %sub3A_345 = arith.subf %sub3A_344, %mul3A_342 : vector<16xf32>
        %mul3A_346 = arith.mulf %mul3A_337, %sub3A_345 : vector<16xf32>
        %mul3A_347 = arith.constant 5.000000e-01 : f32
        %mul3A_348 = vector.broadcast %mul3A_347 : f32 to vector<16xf32>
        %mul3A_349 = arith.mulf %mul3A_348, %max3A_322 : vector<16xf32>
        %mul3A_350 = arith.mulf %mul3A_349, %mul3A_346 : vector<16xf32>
        %mul3A_351 = arith.mulf %mul3A_350, %mul3A_346 : vector<16xf32>
        %sub3A_352 = arith.constant 1.500000e+00 : f32
        %sub3A_353 = vector.broadcast %sub3A_352 : f32 to vector<16xf32>
        %sub3A_354 = arith.subf %sub3A_353, %mul3A_351 : vector<16xf32>
        %mul3A_355 = arith.mulf %mul3A_346, %sub3A_354 : vector<16xf32>
        %mul3A_356 = arith.mulf %max3A_322, %mul3A_355 : vector<16xf32>
        %mul3A_357 = arith.constant 26.3274765 : f32
        %mul3A_358 = vector.broadcast %mul3A_357 : f32 to vector<16xf32>
        %mul3A_359 = arith.mulf %gather3A_315, %mul3A_358 : vector<16xf32>
        %mul3A_360 = arith.constant 14.3827658 : f32
        %mul3A_361 = vector.broadcast %mul3A_360 : f32 to vector<16xf32>
        %mul3A_362 = arith.mulf %mul3A_356, %mul3A_361 : vector<16xf32>
        %sub3A_363 = arith.subf %mul3A_359, %mul3A_362 : vector<16xf32>
        %gt3A = arith.constant -0.87758255 : f32
        %gt3A_364 = vector.broadcast %gt3A : f32 to vector<16xf32>
        %gt3A_365 = arith.cmpf ogt, %gather3A_315, %gt3A_364 : vector<16xf32>
        %mul3A_366 = arith.constant 3.000000e+01 : f32
        %mul3A_367 = vector.broadcast %mul3A_366 : f32 to vector<16xf32>
        %mul3A_368 = arith.mulf %gather3A_315, %mul3A_367 : vector<16xf32>
        %sub3A_369 = arith.constant 7.19138288 : f32
        %sub3A_370 = vector.broadcast %sub3A_369 : f32 to vector<16xf32>
        %sub3A_371 = arith.subf %mul3A_368, %sub3A_370 : vector<16xf32>
        %select_n3A_372 = arith.select %gt3A_365, %sub3A_363, %sub3A_371 : vector<16xi1>, vector<16xf32>
        %scatter3A = arith.constant 0 : i32
        %scatter3A_373 = arith.constant 0 : i32
        %scatter3A_374 = tpu.memref_slice %arg9[%while3A_153, %scatter3A, %scatter3A_373] : memref<2x24x1024xf32, #tpu.memory_space<vmem>> -> memref<1x24x1024xf32, #tpu.memory_space<vmem>>
        %scatter3A_375 = tpu.memref_squeeze %scatter3A_374 : memref<1x24x1024xf32, #tpu.memory_space<vmem>> -> memref<24x1024xf32, #tpu.memory_space<vmem>>
        tpu.vector_store_idx %scatter3A_375[%min3A_304, %min3A_310], %select_n3A_372 masked %and3A_300 : memref<24x1024xf32, #tpu.memory_space<vmem>>[vector<16xi32>, vector<16xi32>], vector<16xf32>, vector<16xi1>
      }
      %dma_start3A_163 = arith.constant 0 : i32
      %dma_start3A_164 = arith.constant 0 : i32
      %dma_start3A_165 = arith.constant 0 : i32
      %dma_start3A_166 = arith.constant 0 : i32
      %dma_start3A_167 = tpu.memref_slice %arg9[%dma_start3A_163, %dma_start3A_165, %dma_start3A_166] : memref<2x24x1024xf32, #tpu.memory_space<vmem>> -> memref<1x24x1024xf32, #tpu.memory_space<vmem>>
      %dma_start3A_168 = tpu.memref_squeeze %dma_start3A_167 : memref<1x24x1024xf32, #tpu.memory_space<vmem>> -> memref<24x1024xf32, #tpu.memory_space<vmem>>
      %dma_start3A_169 = arith.constant 0 : i32
      %dma_start3A_170 = tpu.memref_slice %arg4[%add3A_105, %dma_start3A_169] : memref<100000x1024xf32, #tpu.memory_space<hbm>> -> memref<24x1024xf32, #tpu.memory_space<hbm>>
      %dma_start3A_171 = tpu.memref_slice %arg11[%dma_start3A_164] : memref<2x!tpu.dma_semaphore, #tpu.memory_space<semaphore_mem>> -> memref<1x!tpu.dma_semaphore, #tpu.memory_space<semaphore_mem>>
      %dma_start3A_172 = tpu.memref_squeeze %dma_start3A_171 : memref<1x!tpu.dma_semaphore, #tpu.memory_space<semaphore_mem>> -> memref<!tpu.dma_semaphore, #tpu.memory_space<semaphore_mem>>
      %dma_start3A_173 = arith.constant 0 : i32
      %dma_start3A_174 = tpu.memref_slice %arg4[%add3A_105, %dma_start3A_173] : memref<100000x1024xf32, #tpu.memory_space<hbm>> -> memref<24x1024xf32, #tpu.memory_space<hbm>>
      %dma_start3A_175 = arith.constant 0 : i32
      %dma_start3A_176 = arith.constant 0 : i32
      %dma_start3A_177 = tpu.memref_slice %arg9[%dma_start3A_163, %dma_start3A_175, %dma_start3A_176] : memref<2x24x1024xf32, #tpu.memory_space<vmem>> -> memref<1x24x1024xf32, #tpu.memory_space<vmem>>
      %dma_start3A_178 = tpu.memref_squeeze %dma_start3A_177 : memref<1x24x1024xf32, #tpu.memory_space<vmem>> -> memref<24x1024xf32, #tpu.memory_space<vmem>>
      tpu.enqueue_dma source(%dma_start3A_178 : memref<24x1024xf32, #tpu.memory_space<vmem>>) target(%dma_start3A_174 : memref<24x1024xf32, #tpu.memory_space<hbm>>) target_semaphore(%dma_start3A_172 : memref<!tpu.dma_semaphore, #tpu.memory_space<semaphore_mem>>)
      %add3A_179 = arith.constant 2 : i32
      %add3A_180 = arith.addi %add3A_102, %add3A_179 : i32
      %lt3A_181 = arith.constant 130 : i32
      %lt3A_182 = arith.cmpi slt, %add3A_180, %lt3A_181 : i32
      %convert_element_type3A_183 = arith.extui %lt3A_182 : i1 to i32
      %cond3A_184 = arith.constant 0 : i32
      %cond3A_185 = arith.cmpi ne, %convert_element_type3A_183, %cond3A_184 : i32
      scf.if %cond3A_185 {
        %add3A_283 = arith.constant 2 : i32
        %add3A_284 = arith.addi %add3A_102, %add3A_283 : i32
        %mul3A_285 = arith.constant 24 : i32
        %mul3A_286 = arith.muli %add3A_284, %mul3A_285 : i32
        %add3A_287 = arith.addi %mul3A_2, %mul3A_286 : i32
        %dma_start3A_288 = arith.constant 0 : i32
        %dma_start3A_289 = arith.constant 0 : i32
        %dma_start3A_290 = arith.constant 0 : i32
        %dma_start3A_291 = arith.constant 0 : i32
        %dma_start3A_292 = tpu.memref_slice %arg8[%dma_start3A_288, %dma_start3A_290, %dma_start3A_291] : memref<2x24x1024xf32, #tpu.memory_space<vmem>> -> memref<1x24x1024xf32, #tpu.memory_space<vmem>>
        %dma_start3A_293 = tpu.memref_squeeze %dma_start3A_292 : memref<1x24x1024xf32, #tpu.memory_space<vmem>> -> memref<24x1024xf32, #tpu.memory_space<vmem>>
        %dma_start3A_294 = arith.constant 0 : i32
        %dma_start3A_295 = tpu.memref_slice %arg2[%add3A_287, %dma_start3A_294] : memref<100000x1024xf32, #tpu.memory_space<hbm>> -> memref<24x1024xf32, #tpu.memory_space<hbm>>
        %dma_start3A_296 = tpu.memref_slice %arg10[%dma_start3A_289] : memref<2x!tpu.dma_semaphore, #tpu.memory_space<semaphore_mem>> -> memref<1x!tpu.dma_semaphore, #tpu.memory_space<semaphore_mem>>
        %dma_start3A_297 = tpu.memref_squeeze %dma_start3A_296 : memref<1x!tpu.dma_semaphore, #tpu.memory_space<semaphore_mem>> -> memref<!tpu.dma_semaphore, #tpu.memory_space<semaphore_mem>>
        %dma_start3A_298 = arith.constant 0 : i32
        %dma_start3A_299 = arith.constant 0 : i32
        %dma_start3A_300 = tpu.memref_slice %arg8[%dma_start3A_288, %dma_start3A_298, %dma_start3A_299] : memref<2x24x1024xf32, #tpu.memory_space<vmem>> -> memref<1x24x1024xf32, #tpu.memory_space<vmem>>
        %dma_start3A_301 = tpu.memref_squeeze %dma_start3A_300 : memref<1x24x1024xf32, #tpu.memory_space<vmem>> -> memref<24x1024xf32, #tpu.memory_space<vmem>>
        %dma_start3A_302 = arith.constant 0 : i32
        %dma_start3A_303 = tpu.memref_slice %arg2[%add3A_287, %dma_start3A_302] : memref<100000x1024xf32, #tpu.memory_space<hbm>> -> memref<24x1024xf32, #tpu.memory_space<hbm>>
        tpu.enqueue_dma source(%dma_start3A_303 : memref<24x1024xf32, #tpu.memory_space<hbm>>) target(%dma_start3A_301 : memref<24x1024xf32, #tpu.memory_space<vmem>>) target_semaphore(%dma_start3A_297 : memref<!tpu.dma_semaphore, #tpu.memory_space<semaphore_mem>>)
      } else {
      }
      %mul3A_186 = arith.constant 2 : i32
      %mul3A_187 = arith.muli %scan3A_98, %mul3A_186 : i32
      %add3A_188 = arith.constant 1 : i32
      %add3A_189 = arith.addi %mul3A_187, %add3A_188 : i32
      %mul3A_190 = arith.constant 24 : i32
      %mul3A_191 = arith.muli %add3A_189, %mul3A_190 : i32
      %add3A_192 = arith.addi %mul3A_2, %mul3A_191 : i32
      %dma_wait3A_193 = arith.constant 1 : i32
      %dma_wait3A_194 = arith.constant 1 : i32
      %dma_wait3A_195 = arith.constant 0 : i32
      %dma_wait3A_196 = arith.constant 0 : i32
      %dma_wait3A_197 = tpu.memref_slice %arg8[%dma_wait3A_193, %dma_wait3A_195, %dma_wait3A_196] : memref<2x24x1024xf32, #tpu.memory_space<vmem>> -> memref<1x24x1024xf32, #tpu.memory_space<vmem>>
      %dma_wait3A_198 = tpu.memref_squeeze %dma_wait3A_197 : memref<1x24x1024xf32, #tpu.memory_space<vmem>> -> memref<24x1024xf32, #tpu.memory_space<vmem>>
      %dma_wait3A_199 = arith.constant 0 : i32
      %dma_wait3A_200 = tpu.memref_slice %arg2[%add3A_192, %dma_wait3A_199] : memref<100000x1024xf32, #tpu.memory_space<hbm>> -> memref<24x1024xf32, #tpu.memory_space<hbm>>
      %dma_wait3A_201 = tpu.memref_slice %arg10[%dma_wait3A_194] : memref<2x!tpu.dma_semaphore, #tpu.memory_space<semaphore_mem>> -> memref<1x!tpu.dma_semaphore, #tpu.memory_space<semaphore_mem>>
      %dma_wait3A_202 = tpu.memref_squeeze %dma_wait3A_201 : memref<1x!tpu.dma_semaphore, #tpu.memory_space<semaphore_mem>> -> memref<!tpu.dma_semaphore, #tpu.memory_space<semaphore_mem>>
      %dma_wait3A_203 = arith.constant 0 : i32
      %dma_wait3A_204 = arith.constant 0 : i32
      %dma_wait3A_205 = tpu.memref_slice %arg8[%dma_wait3A_193, %dma_wait3A_203, %dma_wait3A_204] : memref<2x24x1024xf32, #tpu.memory_space<vmem>> -> memref<1x24x1024xf32, #tpu.memory_space<vmem>>
      %dma_wait3A_206 = tpu.memref_squeeze %dma_wait3A_205 : memref<1x24x1024xf32, #tpu.memory_space<vmem>> -> memref<24x1024xf32, #tpu.memory_space<vmem>>
      %dma_wait3A_207 = arith.constant 0 : i32
      %dma_wait3A_208 = tpu.memref_slice %arg2[%add3A_192, %dma_wait3A_207] : memref<100000x1024xf32, #tpu.memory_space<hbm>> -> memref<24x1024xf32, #tpu.memory_space<hbm>>
      tpu.wait_dma2 semaphore(%dma_wait3A_202 : memref<!tpu.dma_semaphore, #tpu.memory_space<semaphore_mem>>) src(%dma_wait3A_208 : memref<24x1024xf32, #tpu.memory_space<hbm>>) dst(%dma_wait3A_206 : memref<24x1024xf32, #tpu.memory_space<vmem>>)
      %ge3A_209 = arith.constant 2 : i32
      %ge3A_210 = arith.cmpi sge, %add3A_189, %ge3A_209 : i32
      %convert_element_type3A_211 = arith.extui %ge3A_210 : i1 to i32
      %cond3A_212 = arith.constant 0 : i32
      %cond3A_213 = arith.cmpi ne, %convert_element_type3A_211, %cond3A_212 : i32
      scf.if %cond3A_213 {
        %sub3A_283 = arith.constant 2 : i32
        %sub3A_284 = arith.subi %add3A_189, %sub3A_283 : i32
        %mul3A_285 = arith.constant 24 : i32
        %mul3A_286 = arith.muli %sub3A_284, %mul3A_285 : i32
        %add3A_287 = arith.addi %mul3A_2, %mul3A_286 : i32
        %dma_wait3A_288 = arith.constant 1 : i32
        %dma_wait3A_289 = arith.constant 1 : i32
        %dma_wait3A_290 = arith.constant 0 : i32
        %dma_wait3A_291 = arith.constant 0 : i32
        %dma_wait3A_292 = tpu.memref_slice %arg9[%dma_wait3A_288, %dma_wait3A_290, %dma_wait3A_291] : memref<2x24x1024xf32, #tpu.memory_space<vmem>> -> memref<1x24x1024xf32, #tpu.memory_space<vmem>>
        %dma_wait3A_293 = tpu.memref_squeeze %dma_wait3A_292 : memref<1x24x1024xf32, #tpu.memory_space<vmem>> -> memref<24x1024xf32, #tpu.memory_space<vmem>>
        %dma_wait3A_294 = arith.constant 0 : i32
        %dma_wait3A_295 = tpu.memref_slice %arg4[%add3A_287, %dma_wait3A_294] : memref<100000x1024xf32, #tpu.memory_space<hbm>> -> memref<24x1024xf32, #tpu.memory_space<hbm>>
        %dma_wait3A_296 = tpu.memref_slice %arg11[%dma_wait3A_289] : memref<2x!tpu.dma_semaphore, #tpu.memory_space<semaphore_mem>> -> memref<1x!tpu.dma_semaphore, #tpu.memory_space<semaphore_mem>>
        %dma_wait3A_297 = tpu.memref_squeeze %dma_wait3A_296 : memref<1x!tpu.dma_semaphore, #tpu.memory_space<semaphore_mem>> -> memref<!tpu.dma_semaphore, #tpu.memory_space<semaphore_mem>>
        %dma_wait3A_298 = arith.constant 0 : i32
        %dma_wait3A_299 = tpu.memref_slice %arg4[%add3A_287, %dma_wait3A_298] : memref<100000x1024xf32, #tpu.memory_space<hbm>> -> memref<24x1024xf32, #tpu.memory_space<hbm>>
        %dma_wait3A_300 = arith.constant 0 : i32
        %dma_wait3A_301 = arith.constant 0 : i32
        %dma_wait3A_302 = tpu.memref_slice %arg9[%dma_wait3A_288, %dma_wait3A_300, %dma_wait3A_301] : memref<2x24x1024xf32, #tpu.memory_space<vmem>> -> memref<1x24x1024xf32, #tpu.memory_space<vmem>>
        %dma_wait3A_303 = tpu.memref_squeeze %dma_wait3A_302 : memref<1x24x1024xf32, #tpu.memory_space<vmem>> -> memref<24x1024xf32, #tpu.memory_space<vmem>>
        tpu.wait_dma2 semaphore(%dma_wait3A_297 : memref<!tpu.dma_semaphore, #tpu.memory_space<semaphore_mem>>) src(%dma_wait3A_303 : memref<24x1024xf32, #tpu.memory_space<vmem>>) dst(%dma_wait3A_299 : memref<24x1024xf32, #tpu.memory_space<hbm>>)
      } else {
      }
      %scan3A_214 = arith.constant 0 : i32
      %scan3A_215 = arith.constant 1 : i32
      %scan3A_216 = arith.constant 1 : i32
      %scan3A_217 = arith.constant 0 : i32
      %scan3A_218 = arith.constant 24 : i32
      %scan3A_219 = arith.addi %scan3A_217, %scan3A_218 : i32
      %scan3A_220 = arith.constant 1 : i32
      scf.for %scan3A_283 = %scan3A_217 to %scan3A_219 step %scan3A_220  : i32 {
        %get3A = arith.constant 0 : i32
        %get3A_284 = arith.constant 0 : i32
        %get3A_285 = tpu.memref_slice %arg8[%scan3A_215, %get3A, %get3A_284] : memref<2x24x1024xf32, #tpu.memory_space<vmem>> -> memref<1x24x1024xf32, #tpu.memory_space<vmem>>
        %get3A_286 = tpu.memref_squeeze %get3A_285 : memref<1x24x1024xf32, #tpu.memory_space<vmem>> -> memref<24x1024xf32, #tpu.memory_space<vmem>>
        %get3A_287 = arith.index_cast %scan3A_283 : i32 to index
        %get3A_288 = arith.constant 0 : index
        %get3A_289 = tpu.vector_load %get3A_286[%get3A_287, %get3A_288] {strides = array<i32>} : memref<24x1024xf32, #tpu.memory_space<vmem>>, vector<16xf32>,
        %mul3A_290 = arith.constant 3.000000e+01 : f32
        %mul3A_291 = vector.broadcast %mul3A_290 : f32 to vector<16xf32>
        %mul3A_292 = arith.mulf %get3A_289, %mul3A_291 : vector<16xf32>
        %swap3A = arith.constant 0 : i32
        %swap3A_293 = arith.constant 0 : i32
        %swap3A_294 = tpu.memref_slice %arg9[%scan3A_216, %swap3A, %swap3A_293] : memref<2x24x1024xf32, #tpu.memory_space<vmem>> -> memref<1x24x1024xf32, #tpu.memory_space<vmem>>
        %swap3A_295 = tpu.memref_squeeze %swap3A_294 : memref<1x24x1024xf32, #tpu.memory_space<vmem>> -> memref<24x1024xf32, #tpu.memory_space<vmem>>
        %swap3A_296 = arith.index_cast %scan3A_283 : i32 to index
        %swap3A_297 = arith.constant 0 : index
        %swap3A_298 = tpu.vector_load %swap3A_295[%swap3A_296, %swap3A_297] {strides = array<i32>} : memref<24x1024xf32, #tpu.memory_space<vmem>>, vector<16xf32>,
        tpu.vector_store %swap3A_295[%swap3A_296, %swap3A_297], %mul3A_292 {strides = array<i32>} : memref<24x1024xf32, #tpu.memory_space<vmem>>, vector<16xf32>,
        %get3A_299 = arith.constant 0 : i32
        %get3A_300 = arith.constant 0 : i32
        %get3A_301 = tpu.memref_slice %arg8[%scan3A_215, %get3A_299, %get3A_300] : memref<2x24x1024xf32, #tpu.memory_space<vmem>> -> memref<1x24x1024xf32, #tpu.memory_space<vmem>>
        %get3A_302 = tpu.memref_squeeze %get3A_301 : memref<1x24x1024xf32, #tpu.memory_space<vmem>> -> memref<24x1024xf32, #tpu.memory_space<vmem>>
        %get3A_303 = arith.index_cast %scan3A_283 : i32 to index
        %get3A_304 = arith.constant 16 : index
        %get3A_305 = tpu.vector_load %get3A_302[%get3A_303, %get3A_304] {strides = array<i32>} : memref<24x1024xf32, #tpu.memory_space<vmem>>, vector<16xf32>,
        %mul3A_306 = arith.constant 3.000000e+01 : f32
        %mul3A_307 = vector.broadcast %mul3A_306 : f32 to vector<16xf32>
        %mul3A_308 = arith.mulf %get3A_305, %mul3A_307 : vector<16xf32>
        %swap3A_309 = arith.constant 0 : i32
        %swap3A_310 = arith.constant 0 : i32
        %swap3A_311 = tpu.memref_slice %arg9[%scan3A_216, %swap3A_309, %swap3A_310] : memref<2x24x1024xf32, #tpu.memory_space<vmem>> -> memref<1x24x1024xf32, #tpu.memory_space<vmem>>
        %swap3A_312 = tpu.memref_squeeze %swap3A_311 : memref<1x24x1024xf32, #tpu.memory_space<vmem>> -> memref<24x1024xf32, #tpu.memory_space<vmem>>
        %swap3A_313 = arith.index_cast %scan3A_283 : i32 to index
        %swap3A_314 = arith.constant 16 : index
        %swap3A_315 = tpu.vector_load %swap3A_312[%swap3A_313, %swap3A_314] {strides = array<i32>} : memref<24x1024xf32, #tpu.memory_space<vmem>>, vector<16xf32>,
        tpu.vector_store %swap3A_312[%swap3A_313, %swap3A_314], %mul3A_308 {strides = array<i32>} : memref<24x1024xf32, #tpu.memory_space<vmem>>, vector<16xf32>,
        %get3A_316 = arith.constant 0 : i32
        %get3A_317 = arith.constant 0 : i32
        %get3A_318 = tpu.memref_slice %arg8[%scan3A_215, %get3A_316, %get3A_317] : memref<2x24x1024xf32, #tpu.memory_space<vmem>> -> memref<1x24x1024xf32, #tpu.memory_space<vmem>>
        %get3A_319 = tpu.memref_squeeze %get3A_318 : memref<1x24x1024xf32, #tpu.memory_space<vmem>> -> memref<24x1024xf32, #tpu.memory_space<vmem>>
        %get3A_320 = arith.index_cast %scan3A_283 : i32 to index
        %get3A_321 = arith.constant 32 : index
        %get3A_322 = tpu.vector_load %get3A_319[%get3A_320, %get3A_321] {strides = array<i32>} : memref<24x1024xf32, #tpu.memory_space<vmem>>, vector<16xf32>,
        %mul3A_323 = arith.constant 3.000000e+01 : f32
        %mul3A_324 = vector.broadcast %mul3A_323 : f32 to vector<16xf32>
        %mul3A_325 = arith.mulf %get3A_322, %mul3A_324 : vector<16xf32>
        %swap3A_326 = arith.constant 0 : i32
        %swap3A_327 = arith.constant 0 : i32
        %swap3A_328 = tpu.memref_slice %arg9[%scan3A_216, %swap3A_326, %swap3A_327] : memref<2x24x1024xf32, #tpu.memory_space<vmem>> -> memref<1x24x1024xf32, #tpu.memory_space<vmem>>
        %swap3A_329 = tpu.memref_squeeze %swap3A_328 : memref<1x24x1024xf32, #tpu.memory_space<vmem>> -> memref<24x1024xf32, #tpu.memory_space<vmem>>
        %swap3A_330 = arith.index_cast %scan3A_283 : i32 to index
        %swap3A_331 = arith.constant 32 : index
        %swap3A_332 = tpu.vector_load %swap3A_329[%swap3A_330, %swap3A_331] {strides = array<i32>} : memref<24x1024xf32, #tpu.memory_space<vmem>>, vector<16xf32>,
        tpu.vector_store %swap3A_329[%swap3A_330, %swap3A_331], %mul3A_325 {strides = array<i32>} : memref<24x1024xf32, #tpu.memory_space<vmem>>, vector<16xf32>,
        %get3A_333 = arith.constant 0 : i32
        %get3A_334 = arith.constant 0 : i32
        %get3A_335 = tpu.memref_slice %arg8[%scan3A_215, %get3A_333, %get3A_334] : memref<2x24x1024xf32, #tpu.memory_space<vmem>> -> memref<1x24x1024xf32, #tpu.memory_space<vmem>>
        %get3A_336 = tpu.memref_squeeze %get3A_335 : memref<1x24x1024xf32, #tpu.memory_space<vmem>> -> memref<24x1024xf32, #tpu.memory_space<vmem>>
        %get3A_337 = arith.index_cast %scan3A_283 : i32 to index
        %get3A_338 = arith.constant 48 : index
        %get3A_339 = tpu.vector_load %get3A_336[%get3A_337, %get3A_338] {strides = array<i32>} : memref<24x1024xf32, #tpu.memory_space<vmem>>, vector<16xf32>,
        %mul3A_340 = arith.constant 3.000000e+01 : f32
        %mul3A_341 = vector.broadcast %mul3A_340 : f32 to vector<16xf32>
        %mul3A_342 = arith.mulf %get3A_339, %mul3A_341 : vector<16xf32>
        %swap3A_343 = arith.constant 0 : i32
        %swap3A_344 = arith.constant 0 : i32
        %swap3A_345 = tpu.memref_slice %arg9[%scan3A_216, %swap3A_343, %swap3A_344] : memref<2x24x1024xf32, #tpu.memory_space<vmem>> -> memref<1x24x1024xf32, #tpu.memory_space<vmem>>
        %swap3A_346 = tpu.memref_squeeze %swap3A_345 : memref<1x24x1024xf32, #tpu.memory_space<vmem>> -> memref<24x1024xf32, #tpu.memory_space<vmem>>
        %swap3A_347 = arith.index_cast %scan3A_283 : i32 to index
        %swap3A_348 = arith.constant 48 : index
        %swap3A_349 = tpu.vector_load %swap3A_346[%swap3A_347, %swap3A_348] {strides = array<i32>} : memref<24x1024xf32, #tpu.memory_space<vmem>>, vector<16xf32>,
        tpu.vector_store %swap3A_346[%swap3A_347, %swap3A_348], %mul3A_342 {strides = array<i32>} : memref<24x1024xf32, #tpu.memory_space<vmem>>, vector<16xf32>,
        %get3A_350 = arith.constant 0 : i32
        %get3A_351 = arith.constant 0 : i32
        %get3A_352 = tpu.memref_slice %arg8[%scan3A_215, %get3A_350, %get3A_351] : memref<2x24x1024xf32, #tpu.memory_space<vmem>> -> memref<1x24x1024xf32, #tpu.memory_space<vmem>>
        %get3A_353 = tpu.memref_squeeze %get3A_352 : memref<1x24x1024xf32, #tpu.memory_space<vmem>> -> memref<24x1024xf32, #tpu.memory_space<vmem>>
        %get3A_354 = arith.index_cast %scan3A_283 : i32 to index
        %get3A_355 = arith.constant 64 : index
        %get3A_356 = tpu.vector_load %get3A_353[%get3A_354, %get3A_355] {strides = array<i32>} : memref<24x1024xf32, #tpu.memory_space<vmem>>, vector<16xf32>,
        %mul3A_357 = arith.constant 3.000000e+01 : f32
        %mul3A_358 = vector.broadcast %mul3A_357 : f32 to vector<16xf32>
        %mul3A_359 = arith.mulf %get3A_356, %mul3A_358 : vector<16xf32>
        %swap3A_360 = arith.constant 0 : i32
        %swap3A_361 = arith.constant 0 : i32
        %swap3A_362 = tpu.memref_slice %arg9[%scan3A_216, %swap3A_360, %swap3A_361] : memref<2x24x1024xf32, #tpu.memory_space<vmem>> -> memref<1x24x1024xf32, #tpu.memory_space<vmem>>
        %swap3A_363 = tpu.memref_squeeze %swap3A_362 : memref<1x24x1024xf32, #tpu.memory_space<vmem>> -> memref<24x1024xf32, #tpu.memory_space<vmem>>
        %swap3A_364 = arith.index_cast %scan3A_283 : i32 to index
        %swap3A_365 = arith.constant 64 : index
        %swap3A_366 = tpu.vector_load %swap3A_363[%swap3A_364, %swap3A_365] {strides = array<i32>} : memref<24x1024xf32, #tpu.memory_space<vmem>>, vector<16xf32>,
        tpu.vector_store %swap3A_363[%swap3A_364, %swap3A_365], %mul3A_359 {strides = array<i32>} : memref<24x1024xf32, #tpu.memory_space<vmem>>, vector<16xf32>,
        %get3A_367 = arith.constant 0 : i32
        %get3A_368 = arith.constant 0 : i32
        %get3A_369 = tpu.memref_slice %arg8[%scan3A_215, %get3A_367, %get3A_368] : memref<2x24x1024xf32, #tpu.memory_space<vmem>> -> memref<1x24x1024xf32, #tpu.memory_space<vmem>>
        %get3A_370 = tpu.memref_squeeze %get3A_369 : memref<1x24x1024xf32, #tpu.memory_space<vmem>> -> memref<24x1024xf32, #tpu.memory_space<vmem>>
        %get3A_371 = arith.index_cast %scan3A_283 : i32 to index
        %get3A_372 = arith.constant 80 : index
        %get3A_373 = tpu.vector_load %get3A_370[%get3A_371, %get3A_372] {strides = array<i32>} : memref<24x1024xf32, #tpu.memory_space<vmem>>, vector<16xf32>,
        %mul3A_374 = arith.constant 3.000000e+01 : f32
        %mul3A_375 = vector.broadcast %mul3A_374 : f32 to vector<16xf32>
        %mul3A_376 = arith.mulf %get3A_373, %mul3A_375 : vector<16xf32>
        %swap3A_377 = arith.constant 0 : i32
        %swap3A_378 = arith.constant 0 : i32
        %swap3A_379 = tpu.memref_slice %arg9[%scan3A_216, %swap3A_377, %swap3A_378] : memref<2x24x1024xf32, #tpu.memory_space<vmem>> -> memref<1x24x1024xf32, #tpu.memory_space<vmem>>
        %swap3A_380 = tpu.memref_squeeze %swap3A_379 : memref<1x24x1024xf32, #tpu.memory_space<vmem>> -> memref<24x1024xf32, #tpu.memory_space<vmem>>
        %swap3A_381 = arith.index_cast %scan3A_283 : i32 to index
        %swap3A_382 = arith.constant 80 : index
        %swap3A_383 = tpu.vector_load %swap3A_380[%swap3A_381, %swap3A_382] {strides = array<i32>} : memref<24x1024xf32, #tpu.memory_space<vmem>>, vector<16xf32>,
        tpu.vector_store %swap3A_380[%swap3A_381, %swap3A_382], %mul3A_376 {strides = array<i32>} : memref<24x1024xf32, #tpu.memory_space<vmem>>, vector<16xf32>,
        %get3A_384 = arith.constant 0 : i32
        %get3A_385 = arith.constant 0 : i32
        %get3A_386 = tpu.memref_slice %arg8[%scan3A_215, %get3A_384, %get3A_385] : memref<2x24x1024xf32, #tpu.memory_space<vmem>> -> memref<1x24x1024xf32, #tpu.memory_space<vmem>>
        %get3A_387 = tpu.memref_squeeze %get3A_386 : memref<1x24x1024xf32, #tpu.memory_space<vmem>> -> memref<24x1024xf32, #tpu.memory_space<vmem>>
        %get3A_388 = arith.index_cast %scan3A_283 : i32 to index
        %get3A_389 = arith.constant 96 : index
        %get3A_390 = tpu.vector_load %get3A_387[%get3A_388, %get3A_389] {strides = array<i32>} : memref<24x1024xf32, #tpu.memory_space<vmem>>, vector<16xf32>,
        %mul3A_391 = arith.constant 3.000000e+01 : f32
        %mul3A_392 = vector.broadcast %mul3A_391 : f32 to vector<16xf32>
        %mul3A_393 = arith.mulf %get3A_390, %mul3A_392 : vector<16xf32>
        %swap3A_394 = arith.constant 0 : i32
        %swap3A_395 = arith.constant 0 : i32
        %swap3A_396 = tpu.memref_slice %arg9[%scan3A_216, %swap3A_394, %swap3A_395] : memref<2x24x1024xf32, #tpu.memory_space<vmem>> -> memref<1x24x1024xf32, #tpu.memory_space<vmem>>
        %swap3A_397 = tpu.memref_squeeze %swap3A_396 : memref<1x24x1024xf32, #tpu.memory_space<vmem>> -> memref<24x1024xf32, #tpu.memory_space<vmem>>
        %swap3A_398 = arith.index_cast %scan3A_283 : i32 to index
        %swap3A_399 = arith.constant 96 : index
        %swap3A_400 = tpu.vector_load %swap3A_397[%swap3A_398, %swap3A_399] {strides = array<i32>} : memref<24x1024xf32, #tpu.memory_space<vmem>>, vector<16xf32>,
        tpu.vector_store %swap3A_397[%swap3A_398, %swap3A_399], %mul3A_393 {strides = array<i32>} : memref<24x1024xf32, #tpu.memory_space<vmem>>, vector<16xf32>,
        %get3A_401 = arith.constant 0 : i32
        %get3A_402 = arith.constant 0 : i32
        %get3A_403 = tpu.memref_slice %arg8[%scan3A_215, %get3A_401, %get3A_402] : memref<2x24x1024xf32, #tpu.memory_space<vmem>> -> memref<1x24x1024xf32, #tpu.memory_space<vmem>>
        %get3A_404 = tpu.memref_squeeze %get3A_403 : memref<1x24x1024xf32, #tpu.memory_space<vmem>> -> memref<24x1024xf32, #tpu.memory_space<vmem>>
        %get3A_405 = arith.index_cast %scan3A_283 : i32 to index
        %get3A_406 = arith.constant 112 : index
        %get3A_407 = tpu.vector_load %get3A_404[%get3A_405, %get3A_406] {strides = array<i32>} : memref<24x1024xf32, #tpu.memory_space<vmem>>, vector<16xf32>,
        %mul3A_408 = arith.constant 3.000000e+01 : f32
        %mul3A_409 = vector.broadcast %mul3A_408 : f32 to vector<16xf32>
        %mul3A_410 = arith.mulf %get3A_407, %mul3A_409 : vector<16xf32>
        %swap3A_411 = arith.constant 0 : i32
        %swap3A_412 = arith.constant 0 : i32
        %swap3A_413 = tpu.memref_slice %arg9[%scan3A_216, %swap3A_411, %swap3A_412] : memref<2x24x1024xf32, #tpu.memory_space<vmem>> -> memref<1x24x1024xf32, #tpu.memory_space<vmem>>
        %swap3A_414 = tpu.memref_squeeze %swap3A_413 : memref<1x24x1024xf32, #tpu.memory_space<vmem>> -> memref<24x1024xf32, #tpu.memory_space<vmem>>
        %swap3A_415 = arith.index_cast %scan3A_283 : i32 to index
        %swap3A_416 = arith.constant 112 : index
        %swap3A_417 = tpu.vector_load %swap3A_414[%swap3A_415, %swap3A_416] {strides = array<i32>} : memref<24x1024xf32, #tpu.memory_space<vmem>>, vector<16xf32>,
        tpu.vector_store %swap3A_414[%swap3A_415, %swap3A_416], %mul3A_410 {strides = array<i32>} : memref<24x1024xf32, #tpu.memory_space<vmem>>, vector<16xf32>,
        %get3A_418 = arith.constant 0 : i32
        %get3A_419 = arith.constant 0 : i32
        %get3A_420 = tpu.memref_slice %arg8[%scan3A_215, %get3A_418, %get3A_419] : memref<2x24x1024xf32, #tpu.memory_space<vmem>> -> memref<1x24x1024xf32, #tpu.memory_space<vmem>>
        %get3A_421 = tpu.memref_squeeze %get3A_420 : memref<1x24x1024xf32, #tpu.memory_space<vmem>> -> memref<24x1024xf32, #tpu.memory_space<vmem>>
        %get3A_422 = arith.index_cast %scan3A_283 : i32 to index
        %get3A_423 = arith.constant 128 : index
        %get3A_424 = tpu.vector_load %get3A_421[%get3A_422, %get3A_423] {strides = array<i32>} : memref<24x1024xf32, #tpu.memory_space<vmem>>, vector<16xf32>,
        %mul3A_425 = arith.constant 3.000000e+01 : f32
        %mul3A_426 = vector.broadcast %mul3A_425 : f32 to vector<16xf32>
        %mul3A_427 = arith.mulf %get3A_424, %mul3A_426 : vector<16xf32>
        %swap3A_428 = arith.constant 0 : i32
        %swap3A_429 = arith.constant 0 : i32
        %swap3A_430 = tpu.memref_slice %arg9[%scan3A_216, %swap3A_428, %swap3A_429] : memref<2x24x1024xf32, #tpu.memory_space<vmem>> -> memref<1x24x1024xf32, #tpu.memory_space<vmem>>
        %swap3A_431 = tpu.memref_squeeze %swap3A_430 : memref<1x24x1024xf32, #tpu.memory_space<vmem>> -> memref<24x1024xf32, #tpu.memory_space<vmem>>
        %swap3A_432 = arith.index_cast %scan3A_283 : i32 to index
        %swap3A_433 = arith.constant 128 : index
        %swap3A_434 = tpu.vector_load %swap3A_431[%swap3A_432, %swap3A_433] {strides = array<i32>} : memref<24x1024xf32, #tpu.memory_space<vmem>>, vector<16xf32>,
        tpu.vector_store %swap3A_431[%swap3A_432, %swap3A_433], %mul3A_427 {strides = array<i32>} : memref<24x1024xf32, #tpu.memory_space<vmem>>, vector<16xf32>,
        %get3A_435 = arith.constant 0 : i32
        %get3A_436 = arith.constant 0 : i32
        %get3A_437 = tpu.memref_slice %arg8[%scan3A_215, %get3A_435, %get3A_436] : memref<2x24x1024xf32, #tpu.memory_space<vmem>> -> memref<1x24x1024xf32, #tpu.memory_space<vmem>>
        %get3A_438 = tpu.memref_squeeze %get3A_437 : memref<1x24x1024xf32, #tpu.memory_space<vmem>> -> memref<24x1024xf32, #tpu.memory_space<vmem>>
        %get3A_439 = arith.index_cast %scan3A_283 : i32 to index
        %get3A_440 = arith.constant 144 : index
        %get3A_441 = tpu.vector_load %get3A_438[%get3A_439, %get3A_440] {strides = array<i32>} : memref<24x1024xf32, #tpu.memory_space<vmem>>, vector<16xf32>,
        %mul3A_442 = arith.constant 3.000000e+01 : f32
        %mul3A_443 = vector.broadcast %mul3A_442 : f32 to vector<16xf32>
        %mul3A_444 = arith.mulf %get3A_441, %mul3A_443 : vector<16xf32>
        %swap3A_445 = arith.constant 0 : i32
        %swap3A_446 = arith.constant 0 : i32
        %swap3A_447 = tpu.memref_slice %arg9[%scan3A_216, %swap3A_445, %swap3A_446] : memref<2x24x1024xf32, #tpu.memory_space<vmem>> -> memref<1x24x1024xf32, #tpu.memory_space<vmem>>
        %swap3A_448 = tpu.memref_squeeze %swap3A_447 : memref<1x24x1024xf32, #tpu.memory_space<vmem>> -> memref<24x1024xf32, #tpu.memory_space<vmem>>
        %swap3A_449 = arith.index_cast %scan3A_283 : i32 to index
        %swap3A_450 = arith.constant 144 : index
        %swap3A_451 = tpu.vector_load %swap3A_448[%swap3A_449, %swap3A_450] {strides = array<i32>} : memref<24x1024xf32, #tpu.memory_space<vmem>>, vector<16xf32>,
        tpu.vector_store %swap3A_448[%swap3A_449, %swap3A_450], %mul3A_444 {strides = array<i32>} : memref<24x1024xf32, #tpu.memory_space<vmem>>, vector<16xf32>,
        %get3A_452 = arith.constant 0 : i32
        %get3A_453 = arith.constant 0 : i32
        %get3A_454 = tpu.memref_slice %arg8[%scan3A_215, %get3A_452, %get3A_453] : memref<2x24x1024xf32, #tpu.memory_space<vmem>> -> memref<1x24x1024xf32, #tpu.memory_space<vmem>>
        %get3A_455 = tpu.memref_squeeze %get3A_454 : memref<1x24x1024xf32, #tpu.memory_space<vmem>> -> memref<24x1024xf32, #tpu.memory_space<vmem>>
        %get3A_456 = arith.index_cast %scan3A_283 : i32 to index
        %get3A_457 = arith.constant 160 : index
        %get3A_458 = tpu.vector_load %get3A_455[%get3A_456, %get3A_457] {strides = array<i32>} : memref<24x1024xf32, #tpu.memory_space<vmem>>, vector<16xf32>,
        %mul3A_459 = arith.constant 3.000000e+01 : f32
        %mul3A_460 = vector.broadcast %mul3A_459 : f32 to vector<16xf32>
        %mul3A_461 = arith.mulf %get3A_458, %mul3A_460 : vector<16xf32>
        %swap3A_462 = arith.constant 0 : i32
        %swap3A_463 = arith.constant 0 : i32
        %swap3A_464 = tpu.memref_slice %arg9[%scan3A_216, %swap3A_462, %swap3A_463] : memref<2x24x1024xf32, #tpu.memory_space<vmem>> -> memref<1x24x1024xf32, #tpu.memory_space<vmem>>
        %swap3A_465 = tpu.memref_squeeze %swap3A_464 : memref<1x24x1024xf32, #tpu.memory_space<vmem>> -> memref<24x1024xf32, #tpu.memory_space<vmem>>
        %swap3A_466 = arith.index_cast %scan3A_283 : i32 to index
        %swap3A_467 = arith.constant 160 : index
        %swap3A_468 = tpu.vector_load %swap3A_465[%swap3A_466, %swap3A_467] {strides = array<i32>} : memref<24x1024xf32, #tpu.memory_space<vmem>>, vector<16xf32>,
        tpu.vector_store %swap3A_465[%swap3A_466, %swap3A_467], %mul3A_461 {strides = array<i32>} : memref<24x1024xf32, #tpu.memory_space<vmem>>, vector<16xf32>,
        %get3A_469 = arith.constant 0 : i32
        %get3A_470 = arith.constant 0 : i32
        %get3A_471 = tpu.memref_slice %arg8[%scan3A_215, %get3A_469, %get3A_470] : memref<2x24x1024xf32, #tpu.memory_space<vmem>> -> memref<1x24x1024xf32, #tpu.memory_space<vmem>>
        %get3A_472 = tpu.memref_squeeze %get3A_471 : memref<1x24x1024xf32, #tpu.memory_space<vmem>> -> memref<24x1024xf32, #tpu.memory_space<vmem>>
        %get3A_473 = arith.index_cast %scan3A_283 : i32 to index
        %get3A_474 = arith.constant 176 : index
        %get3A_475 = tpu.vector_load %get3A_472[%get3A_473, %get3A_474] {strides = array<i32>} : memref<24x1024xf32, #tpu.memory_space<vmem>>, vector<16xf32>,
        %mul3A_476 = arith.constant 3.000000e+01 : f32
        %mul3A_477 = vector.broadcast %mul3A_476 : f32 to vector<16xf32>
        %mul3A_478 = arith.mulf %get3A_475, %mul3A_477 : vector<16xf32>
        %swap3A_479 = arith.constant 0 : i32
        %swap3A_480 = arith.constant 0 : i32
        %swap3A_481 = tpu.memref_slice %arg9[%scan3A_216, %swap3A_479, %swap3A_480] : memref<2x24x1024xf32, #tpu.memory_space<vmem>> -> memref<1x24x1024xf32, #tpu.memory_space<vmem>>
        %swap3A_482 = tpu.memref_squeeze %swap3A_481 : memref<1x24x1024xf32, #tpu.memory_space<vmem>> -> memref<24x1024xf32, #tpu.memory_space<vmem>>
        %swap3A_483 = arith.index_cast %scan3A_283 : i32 to index
        %swap3A_484 = arith.constant 176 : index
        %swap3A_485 = tpu.vector_load %swap3A_482[%swap3A_483, %swap3A_484] {strides = array<i32>} : memref<24x1024xf32, #tpu.memory_space<vmem>>, vector<16xf32>,
        tpu.vector_store %swap3A_482[%swap3A_483, %swap3A_484], %mul3A_478 {strides = array<i32>} : memref<24x1024xf32, #tpu.memory_space<vmem>>, vector<16xf32>,
        %get3A_486 = arith.constant 0 : i32
        %get3A_487 = arith.constant 0 : i32
        %get3A_488 = tpu.memref_slice %arg8[%scan3A_215, %get3A_486, %get3A_487] : memref<2x24x1024xf32, #tpu.memory_space<vmem>> -> memref<1x24x1024xf32, #tpu.memory_space<vmem>>
        %get3A_489 = tpu.memref_squeeze %get3A_488 : memref<1x24x1024xf32, #tpu.memory_space<vmem>> -> memref<24x1024xf32, #tpu.memory_space<vmem>>
        %get3A_490 = arith.index_cast %scan3A_283 : i32 to index
        %get3A_491 = arith.constant 192 : index
        %get3A_492 = tpu.vector_load %get3A_489[%get3A_490, %get3A_491] {strides = array<i32>} : memref<24x1024xf32, #tpu.memory_space<vmem>>, vector<16xf32>,
        %mul3A_493 = arith.constant 3.000000e+01 : f32
        %mul3A_494 = vector.broadcast %mul3A_493 : f32 to vector<16xf32>
        %mul3A_495 = arith.mulf %get3A_492, %mul3A_494 : vector<16xf32>
        %swap3A_496 = arith.constant 0 : i32
        %swap3A_497 = arith.constant 0 : i32
        %swap3A_498 = tpu.memref_slice %arg9[%scan3A_216, %swap3A_496, %swap3A_497] : memref<2x24x1024xf32, #tpu.memory_space<vmem>> -> memref<1x24x1024xf32, #tpu.memory_space<vmem>>
        %swap3A_499 = tpu.memref_squeeze %swap3A_498 : memref<1x24x1024xf32, #tpu.memory_space<vmem>> -> memref<24x1024xf32, #tpu.memory_space<vmem>>
        %swap3A_500 = arith.index_cast %scan3A_283 : i32 to index
        %swap3A_501 = arith.constant 192 : index
        %swap3A_502 = tpu.vector_load %swap3A_499[%swap3A_500, %swap3A_501] {strides = array<i32>} : memref<24x1024xf32, #tpu.memory_space<vmem>>, vector<16xf32>,
        tpu.vector_store %swap3A_499[%swap3A_500, %swap3A_501], %mul3A_495 {strides = array<i32>} : memref<24x1024xf32, #tpu.memory_space<vmem>>, vector<16xf32>,
        %get3A_503 = arith.constant 0 : i32
        %get3A_504 = arith.constant 0 : i32
        %get3A_505 = tpu.memref_slice %arg8[%scan3A_215, %get3A_503, %get3A_504] : memref<2x24x1024xf32, #tpu.memory_space<vmem>> -> memref<1x24x1024xf32, #tpu.memory_space<vmem>>
        %get3A_506 = tpu.memref_squeeze %get3A_505 : memref<1x24x1024xf32, #tpu.memory_space<vmem>> -> memref<24x1024xf32, #tpu.memory_space<vmem>>
        %get3A_507 = arith.index_cast %scan3A_283 : i32 to index
        %get3A_508 = arith.constant 208 : index
        %get3A_509 = tpu.vector_load %get3A_506[%get3A_507, %get3A_508] {strides = array<i32>} : memref<24x1024xf32, #tpu.memory_space<vmem>>, vector<16xf32>,
        %mul3A_510 = arith.constant 3.000000e+01 : f32
        %mul3A_511 = vector.broadcast %mul3A_510 : f32 to vector<16xf32>
        %mul3A_512 = arith.mulf %get3A_509, %mul3A_511 : vector<16xf32>
        %swap3A_513 = arith.constant 0 : i32
        %swap3A_514 = arith.constant 0 : i32
        %swap3A_515 = tpu.memref_slice %arg9[%scan3A_216, %swap3A_513, %swap3A_514] : memref<2x24x1024xf32, #tpu.memory_space<vmem>> -> memref<1x24x1024xf32, #tpu.memory_space<vmem>>
        %swap3A_516 = tpu.memref_squeeze %swap3A_515 : memref<1x24x1024xf32, #tpu.memory_space<vmem>> -> memref<24x1024xf32, #tpu.memory_space<vmem>>
        %swap3A_517 = arith.index_cast %scan3A_283 : i32 to index
        %swap3A_518 = arith.constant 208 : index
        %swap3A_519 = tpu.vector_load %swap3A_516[%swap3A_517, %swap3A_518] {strides = array<i32>} : memref<24x1024xf32, #tpu.memory_space<vmem>>, vector<16xf32>,
        tpu.vector_store %swap3A_516[%swap3A_517, %swap3A_518], %mul3A_512 {strides = array<i32>} : memref<24x1024xf32, #tpu.memory_space<vmem>>, vector<16xf32>,
        %get3A_520 = arith.constant 0 : i32
        %get3A_521 = arith.constant 0 : i32
        %get3A_522 = tpu.memref_slice %arg8[%scan3A_215, %get3A_520, %get3A_521] : memref<2x24x1024xf32, #tpu.memory_space<vmem>> -> memref<1x24x1024xf32, #tpu.memory_space<vmem>>
        %get3A_523 = tpu.memref_squeeze %get3A_522 : memref<1x24x1024xf32, #tpu.memory_space<vmem>> -> memref<24x1024xf32, #tpu.memory_space<vmem>>
        %get3A_524 = arith.index_cast %scan3A_283 : i32 to index
        %get3A_525 = arith.constant 224 : index
        %get3A_526 = tpu.vector_load %get3A_523[%get3A_524, %get3A_525] {strides = array<i32>} : memref<24x1024xf32, #tpu.memory_space<vmem>>, vector<16xf32>,
        %mul3A_527 = arith.constant 3.000000e+01 : f32
        %mul3A_528 = vector.broadcast %mul3A_527 : f32 to vector<16xf32>
        %mul3A_529 = arith.mulf %get3A_526, %mul3A_528 : vector<16xf32>
        %swap3A_530 = arith.constant 0 : i32
        %swap3A_531 = arith.constant 0 : i32
        %swap3A_532 = tpu.memref_slice %arg9[%scan3A_216, %swap3A_530, %swap3A_531] : memref<2x24x1024xf32, #tpu.memory_space<vmem>> -> memref<1x24x1024xf32, #tpu.memory_space<vmem>>
        %swap3A_533 = tpu.memref_squeeze %swap3A_532 : memref<1x24x1024xf32, #tpu.memory_space<vmem>> -> memref<24x1024xf32, #tpu.memory_space<vmem>>
        %swap3A_534 = arith.index_cast %scan3A_283 : i32 to index
        %swap3A_535 = arith.constant 224 : index
        %swap3A_536 = tpu.vector_load %swap3A_533[%swap3A_534, %swap3A_535] {strides = array<i32>} : memref<24x1024xf32, #tpu.memory_space<vmem>>, vector<16xf32>,
        tpu.vector_store %swap3A_533[%swap3A_534, %swap3A_535], %mul3A_529 {strides = array<i32>} : memref<24x1024xf32, #tpu.memory_space<vmem>>, vector<16xf32>,
        %get3A_537 = arith.constant 0 : i32
        %get3A_538 = arith.constant 0 : i32
        %get3A_539 = tpu.memref_slice %arg8[%scan3A_215, %get3A_537, %get3A_538] : memref<2x24x1024xf32, #tpu.memory_space<vmem>> -> memref<1x24x1024xf32, #tpu.memory_space<vmem>>
        %get3A_540 = tpu.memref_squeeze %get3A_539 : memref<1x24x1024xf32, #tpu.memory_space<vmem>> -> memref<24x1024xf32, #tpu.memory_space<vmem>>
        %get3A_541 = arith.index_cast %scan3A_283 : i32 to index
        %get3A_542 = arith.constant 240 : index
        %get3A_543 = tpu.vector_load %get3A_540[%get3A_541, %get3A_542] {strides = array<i32>} : memref<24x1024xf32, #tpu.memory_space<vmem>>, vector<16xf32>,
        %mul3A_544 = arith.constant 3.000000e+01 : f32
        %mul3A_545 = vector.broadcast %mul3A_544 : f32 to vector<16xf32>
        %mul3A_546 = arith.mulf %get3A_543, %mul3A_545 : vector<16xf32>
        %swap3A_547 = arith.constant 0 : i32
        %swap3A_548 = arith.constant 0 : i32
        %swap3A_549 = tpu.memref_slice %arg9[%scan3A_216, %swap3A_547, %swap3A_548] : memref<2x24x1024xf32, #tpu.memory_space<vmem>> -> memref<1x24x1024xf32, #tpu.memory_space<vmem>>
        %swap3A_550 = tpu.memref_squeeze %swap3A_549 : memref<1x24x1024xf32, #tpu.memory_space<vmem>> -> memref<24x1024xf32, #tpu.memory_space<vmem>>
        %swap3A_551 = arith.index_cast %scan3A_283 : i32 to index
        %swap3A_552 = arith.constant 240 : index
        %swap3A_553 = tpu.vector_load %swap3A_550[%swap3A_551, %swap3A_552] {strides = array<i32>} : memref<24x1024xf32, #tpu.memory_space<vmem>>, vector<16xf32>,
        tpu.vector_store %swap3A_550[%swap3A_551, %swap3A_552], %mul3A_546 {strides = array<i32>} : memref<24x1024xf32, #tpu.memory_space<vmem>>, vector<16xf32>,
        %get3A_554 = arith.constant 0 : i32
        %get3A_555 = arith.constant 0 : i32
        %get3A_556 = tpu.memref_slice %arg8[%scan3A_215, %get3A_554, %get3A_555] : memref<2x24x1024xf32, #tpu.memory_space<vmem>> -> memref<1x24x1024xf32, #tpu.memory_space<vmem>>
        %get3A_557 = tpu.memref_squeeze %get3A_556 : memref<1x24x1024xf32, #tpu.memory_space<vmem>> -> memref<24x1024xf32, #tpu.memory_space<vmem>>
        %get3A_558 = arith.index_cast %scan3A_283 : i32 to index
        %get3A_559 = arith.constant 256 : index
        %get3A_560 = tpu.vector_load %get3A_557[%get3A_558, %get3A_559] {strides = array<i32>} : memref<24x1024xf32, #tpu.memory_space<vmem>>, vector<16xf32>,
        %mul3A_561 = arith.constant 3.000000e+01 : f32
        %mul3A_562 = vector.broadcast %mul3A_561 : f32 to vector<16xf32>
        %mul3A_563 = arith.mulf %get3A_560, %mul3A_562 : vector<16xf32>
        %swap3A_564 = arith.constant 0 : i32
        %swap3A_565 = arith.constant 0 : i32
        %swap3A_566 = tpu.memref_slice %arg9[%scan3A_216, %swap3A_564, %swap3A_565] : memref<2x24x1024xf32, #tpu.memory_space<vmem>> -> memref<1x24x1024xf32, #tpu.memory_space<vmem>>
        %swap3A_567 = tpu.memref_squeeze %swap3A_566 : memref<1x24x1024xf32, #tpu.memory_space<vmem>> -> memref<24x1024xf32, #tpu.memory_space<vmem>>
        %swap3A_568 = arith.index_cast %scan3A_283 : i32 to index
        %swap3A_569 = arith.constant 256 : index
        %swap3A_570 = tpu.vector_load %swap3A_567[%swap3A_568, %swap3A_569] {strides = array<i32>} : memref<24x1024xf32, #tpu.memory_space<vmem>>, vector<16xf32>,
        tpu.vector_store %swap3A_567[%swap3A_568, %swap3A_569], %mul3A_563 {strides = array<i32>} : memref<24x1024xf32, #tpu.memory_space<vmem>>, vector<16xf32>,
        %get3A_571 = arith.constant 0 : i32
        %get3A_572 = arith.constant 0 : i32
        %get3A_573 = tpu.memref_slice %arg8[%scan3A_215, %get3A_571, %get3A_572] : memref<2x24x1024xf32, #tpu.memory_space<vmem>> -> memref<1x24x1024xf32, #tpu.memory_space<vmem>>
        %get3A_574 = tpu.memref_squeeze %get3A_573 : memref<1x24x1024xf32, #tpu.memory_space<vmem>> -> memref<24x1024xf32, #tpu.memory_space<vmem>>
        %get3A_575 = arith.index_cast %scan3A_283 : i32 to index
        %get3A_576 = arith.constant 272 : index
        %get3A_577 = tpu.vector_load %get3A_574[%get3A_575, %get3A_576] {strides = array<i32>} : memref<24x1024xf32, #tpu.memory_space<vmem>>, vector<16xf32>,
        %mul3A_578 = arith.constant 3.000000e+01 : f32
        %mul3A_579 = vector.broadcast %mul3A_578 : f32 to vector<16xf32>
        %mul3A_580 = arith.mulf %get3A_577, %mul3A_579 : vector<16xf32>
        %swap3A_581 = arith.constant 0 : i32
        %swap3A_582 = arith.constant 0 : i32
        %swap3A_583 = tpu.memref_slice %arg9[%scan3A_216, %swap3A_581, %swap3A_582] : memref<2x24x1024xf32, #tpu.memory_space<vmem>> -> memref<1x24x1024xf32, #tpu.memory_space<vmem>>
        %swap3A_584 = tpu.memref_squeeze %swap3A_583 : memref<1x24x1024xf32, #tpu.memory_space<vmem>> -> memref<24x1024xf32, #tpu.memory_space<vmem>>
        %swap3A_585 = arith.index_cast %scan3A_283 : i32 to index
        %swap3A_586 = arith.constant 272 : index
        %swap3A_587 = tpu.vector_load %swap3A_584[%swap3A_585, %swap3A_586] {strides = array<i32>} : memref<24x1024xf32, #tpu.memory_space<vmem>>, vector<16xf32>,
        tpu.vector_store %swap3A_584[%swap3A_585, %swap3A_586], %mul3A_580 {strides = array<i32>} : memref<24x1024xf32, #tpu.memory_space<vmem>>, vector<16xf32>,
        %get3A_588 = arith.constant 0 : i32
        %get3A_589 = arith.constant 0 : i32
        %get3A_590 = tpu.memref_slice %arg8[%scan3A_215, %get3A_588, %get3A_589] : memref<2x24x1024xf32, #tpu.memory_space<vmem>> -> memref<1x24x1024xf32, #tpu.memory_space<vmem>>
        %get3A_591 = tpu.memref_squeeze %get3A_590 : memref<1x24x1024xf32, #tpu.memory_space<vmem>> -> memref<24x1024xf32, #tpu.memory_space<vmem>>
        %get3A_592 = arith.index_cast %scan3A_283 : i32 to index
        %get3A_593 = arith.constant 288 : index
        %get3A_594 = tpu.vector_load %get3A_591[%get3A_592, %get3A_593] {strides = array<i32>} : memref<24x1024xf32, #tpu.memory_space<vmem>>, vector<16xf32>,
        %mul3A_595 = arith.constant 3.000000e+01 : f32
        %mul3A_596 = vector.broadcast %mul3A_595 : f32 to vector<16xf32>
        %mul3A_597 = arith.mulf %get3A_594, %mul3A_596 : vector<16xf32>
        %swap3A_598 = arith.constant 0 : i32
        %swap3A_599 = arith.constant 0 : i32
        %swap3A_600 = tpu.memref_slice %arg9[%scan3A_216, %swap3A_598, %swap3A_599] : memref<2x24x1024xf32, #tpu.memory_space<vmem>> -> memref<1x24x1024xf32, #tpu.memory_space<vmem>>
        %swap3A_601 = tpu.memref_squeeze %swap3A_600 : memref<1x24x1024xf32, #tpu.memory_space<vmem>> -> memref<24x1024xf32, #tpu.memory_space<vmem>>
        %swap3A_602 = arith.index_cast %scan3A_283 : i32 to index
        %swap3A_603 = arith.constant 288 : index
        %swap3A_604 = tpu.vector_load %swap3A_601[%swap3A_602, %swap3A_603] {strides = array<i32>} : memref<24x1024xf32, #tpu.memory_space<vmem>>, vector<16xf32>,
        tpu.vector_store %swap3A_601[%swap3A_602, %swap3A_603], %mul3A_597 {strides = array<i32>} : memref<24x1024xf32, #tpu.memory_space<vmem>>, vector<16xf32>,
        %get3A_605 = arith.constant 0 : i32
        %get3A_606 = arith.constant 0 : i32
        %get3A_607 = tpu.memref_slice %arg8[%scan3A_215, %get3A_605, %get3A_606] : memref<2x24x1024xf32, #tpu.memory_space<vmem>> -> memref<1x24x1024xf32, #tpu.memory_space<vmem>>
        %get3A_608 = tpu.memref_squeeze %get3A_607 : memref<1x24x1024xf32, #tpu.memory_space<vmem>> -> memref<24x1024xf32, #tpu.memory_space<vmem>>
        %get3A_609 = arith.index_cast %scan3A_283 : i32 to index
        %get3A_610 = arith.constant 304 : index
        %get3A_611 = tpu.vector_load %get3A_608[%get3A_609, %get3A_610] {strides = array<i32>} : memref<24x1024xf32, #tpu.memory_space<vmem>>, vector<16xf32>,
        %mul3A_612 = arith.constant 3.000000e+01 : f32
        %mul3A_613 = vector.broadcast %mul3A_612 : f32 to vector<16xf32>
        %mul3A_614 = arith.mulf %get3A_611, %mul3A_613 : vector<16xf32>
        %swap3A_615 = arith.constant 0 : i32
        %swap3A_616 = arith.constant 0 : i32
        %swap3A_617 = tpu.memref_slice %arg9[%scan3A_216, %swap3A_615, %swap3A_616] : memref<2x24x1024xf32, #tpu.memory_space<vmem>> -> memref<1x24x1024xf32, #tpu.memory_space<vmem>>
        %swap3A_618 = tpu.memref_squeeze %swap3A_617 : memref<1x24x1024xf32, #tpu.memory_space<vmem>> -> memref<24x1024xf32, #tpu.memory_space<vmem>>
        %swap3A_619 = arith.index_cast %scan3A_283 : i32 to index
        %swap3A_620 = arith.constant 304 : index
        %swap3A_621 = tpu.vector_load %swap3A_618[%swap3A_619, %swap3A_620] {strides = array<i32>} : memref<24x1024xf32, #tpu.memory_space<vmem>>, vector<16xf32>,
        tpu.vector_store %swap3A_618[%swap3A_619, %swap3A_620], %mul3A_614 {strides = array<i32>} : memref<24x1024xf32, #tpu.memory_space<vmem>>, vector<16xf32>,
        %get3A_622 = arith.constant 0 : i32
        %get3A_623 = arith.constant 0 : i32
        %get3A_624 = tpu.memref_slice %arg8[%scan3A_215, %get3A_622, %get3A_623] : memref<2x24x1024xf32, #tpu.memory_space<vmem>> -> memref<1x24x1024xf32, #tpu.memory_space<vmem>>
        %get3A_625 = tpu.memref_squeeze %get3A_624 : memref<1x24x1024xf32, #tpu.memory_space<vmem>> -> memref<24x1024xf32, #tpu.memory_space<vmem>>
        %get3A_626 = arith.index_cast %scan3A_283 : i32 to index
        %get3A_627 = arith.constant 320 : index
        %get3A_628 = tpu.vector_load %get3A_625[%get3A_626, %get3A_627] {strides = array<i32>} : memref<24x1024xf32, #tpu.memory_space<vmem>>, vector<16xf32>,
        %mul3A_629 = arith.constant 3.000000e+01 : f32
        %mul3A_630 = vector.broadcast %mul3A_629 : f32 to vector<16xf32>
        %mul3A_631 = arith.mulf %get3A_628, %mul3A_630 : vector<16xf32>
        %swap3A_632 = arith.constant 0 : i32
        %swap3A_633 = arith.constant 0 : i32
        %swap3A_634 = tpu.memref_slice %arg9[%scan3A_216, %swap3A_632, %swap3A_633] : memref<2x24x1024xf32, #tpu.memory_space<vmem>> -> memref<1x24x1024xf32, #tpu.memory_space<vmem>>
        %swap3A_635 = tpu.memref_squeeze %swap3A_634 : memref<1x24x1024xf32, #tpu.memory_space<vmem>> -> memref<24x1024xf32, #tpu.memory_space<vmem>>
        %swap3A_636 = arith.index_cast %scan3A_283 : i32 to index
        %swap3A_637 = arith.constant 320 : index
        %swap3A_638 = tpu.vector_load %swap3A_635[%swap3A_636, %swap3A_637] {strides = array<i32>} : memref<24x1024xf32, #tpu.memory_space<vmem>>, vector<16xf32>,
        tpu.vector_store %swap3A_635[%swap3A_636, %swap3A_637], %mul3A_631 {strides = array<i32>} : memref<24x1024xf32, #tpu.memory_space<vmem>>, vector<16xf32>,
        %get3A_639 = arith.constant 0 : i32
        %get3A_640 = arith.constant 0 : i32
        %get3A_641 = tpu.memref_slice %arg8[%scan3A_215, %get3A_639, %get3A_640] : memref<2x24x1024xf32, #tpu.memory_space<vmem>> -> memref<1x24x1024xf32, #tpu.memory_space<vmem>>
        %get3A_642 = tpu.memref_squeeze %get3A_641 : memref<1x24x1024xf32, #tpu.memory_space<vmem>> -> memref<24x1024xf32, #tpu.memory_space<vmem>>
        %get3A_643 = arith.index_cast %scan3A_283 : i32 to index
        %get3A_644 = arith.constant 336 : index
        %get3A_645 = tpu.vector_load %get3A_642[%get3A_643, %get3A_644] {strides = array<i32>} : memref<24x1024xf32, #tpu.memory_space<vmem>>, vector<16xf32>,
        %mul3A_646 = arith.constant 3.000000e+01 : f32
        %mul3A_647 = vector.broadcast %mul3A_646 : f32 to vector<16xf32>
        %mul3A_648 = arith.mulf %get3A_645, %mul3A_647 : vector<16xf32>
        %swap3A_649 = arith.constant 0 : i32
        %swap3A_650 = arith.constant 0 : i32
        %swap3A_651 = tpu.memref_slice %arg9[%scan3A_216, %swap3A_649, %swap3A_650] : memref<2x24x1024xf32, #tpu.memory_space<vmem>> -> memref<1x24x1024xf32, #tpu.memory_space<vmem>>
        %swap3A_652 = tpu.memref_squeeze %swap3A_651 : memref<1x24x1024xf32, #tpu.memory_space<vmem>> -> memref<24x1024xf32, #tpu.memory_space<vmem>>
        %swap3A_653 = arith.index_cast %scan3A_283 : i32 to index
        %swap3A_654 = arith.constant 336 : index
        %swap3A_655 = tpu.vector_load %swap3A_652[%swap3A_653, %swap3A_654] {strides = array<i32>} : memref<24x1024xf32, #tpu.memory_space<vmem>>, vector<16xf32>,
        tpu.vector_store %swap3A_652[%swap3A_653, %swap3A_654], %mul3A_648 {strides = array<i32>} : memref<24x1024xf32, #tpu.memory_space<vmem>>, vector<16xf32>,
        %get3A_656 = arith.constant 0 : i32
        %get3A_657 = arith.constant 0 : i32
        %get3A_658 = tpu.memref_slice %arg8[%scan3A_215, %get3A_656, %get3A_657] : memref<2x24x1024xf32, #tpu.memory_space<vmem>> -> memref<1x24x1024xf32, #tpu.memory_space<vmem>>
        %get3A_659 = tpu.memref_squeeze %get3A_658 : memref<1x24x1024xf32, #tpu.memory_space<vmem>> -> memref<24x1024xf32, #tpu.memory_space<vmem>>
        %get3A_660 = arith.index_cast %scan3A_283 : i32 to index
        %get3A_661 = arith.constant 352 : index
        %get3A_662 = tpu.vector_load %get3A_659[%get3A_660, %get3A_661] {strides = array<i32>} : memref<24x1024xf32, #tpu.memory_space<vmem>>, vector<16xf32>,
        %mul3A_663 = arith.constant 3.000000e+01 : f32
        %mul3A_664 = vector.broadcast %mul3A_663 : f32 to vector<16xf32>
        %mul3A_665 = arith.mulf %get3A_662, %mul3A_664 : vector<16xf32>
        %swap3A_666 = arith.constant 0 : i32
        %swap3A_667 = arith.constant 0 : i32
        %swap3A_668 = tpu.memref_slice %arg9[%scan3A_216, %swap3A_666, %swap3A_667] : memref<2x24x1024xf32, #tpu.memory_space<vmem>> -> memref<1x24x1024xf32, #tpu.memory_space<vmem>>
        %swap3A_669 = tpu.memref_squeeze %swap3A_668 : memref<1x24x1024xf32, #tpu.memory_space<vmem>> -> memref<24x1024xf32, #tpu.memory_space<vmem>>
        %swap3A_670 = arith.index_cast %scan3A_283 : i32 to index
        %swap3A_671 = arith.constant 352 : index
        %swap3A_672 = tpu.vector_load %swap3A_669[%swap3A_670, %swap3A_671] {strides = array<i32>} : memref<24x1024xf32, #tpu.memory_space<vmem>>, vector<16xf32>,
        tpu.vector_store %swap3A_669[%swap3A_670, %swap3A_671], %mul3A_665 {strides = array<i32>} : memref<24x1024xf32, #tpu.memory_space<vmem>>, vector<16xf32>,
        %get3A_673 = arith.constant 0 : i32
        %get3A_674 = arith.constant 0 : i32
        %get3A_675 = tpu.memref_slice %arg8[%scan3A_215, %get3A_673, %get3A_674] : memref<2x24x1024xf32, #tpu.memory_space<vmem>> -> memref<1x24x1024xf32, #tpu.memory_space<vmem>>
        %get3A_676 = tpu.memref_squeeze %get3A_675 : memref<1x24x1024xf32, #tpu.memory_space<vmem>> -> memref<24x1024xf32, #tpu.memory_space<vmem>>
        %get3A_677 = arith.index_cast %scan3A_283 : i32 to index
        %get3A_678 = arith.constant 368 : index
        %get3A_679 = tpu.vector_load %get3A_676[%get3A_677, %get3A_678] {strides = array<i32>} : memref<24x1024xf32, #tpu.memory_space<vmem>>, vector<16xf32>,
        %mul3A_680 = arith.constant 3.000000e+01 : f32
        %mul3A_681 = vector.broadcast %mul3A_680 : f32 to vector<16xf32>
        %mul3A_682 = arith.mulf %get3A_679, %mul3A_681 : vector<16xf32>
        %swap3A_683 = arith.constant 0 : i32
        %swap3A_684 = arith.constant 0 : i32
        %swap3A_685 = tpu.memref_slice %arg9[%scan3A_216, %swap3A_683, %swap3A_684] : memref<2x24x1024xf32, #tpu.memory_space<vmem>> -> memref<1x24x1024xf32, #tpu.memory_space<vmem>>
        %swap3A_686 = tpu.memref_squeeze %swap3A_685 : memref<1x24x1024xf32, #tpu.memory_space<vmem>> -> memref<24x1024xf32, #tpu.memory_space<vmem>>
        %swap3A_687 = arith.index_cast %scan3A_283 : i32 to index
        %swap3A_688 = arith.constant 368 : index
        %swap3A_689 = tpu.vector_load %swap3A_686[%swap3A_687, %swap3A_688] {strides = array<i32>} : memref<24x1024xf32, #tpu.memory_space<vmem>>, vector<16xf32>,
        tpu.vector_store %swap3A_686[%swap3A_687, %swap3A_688], %mul3A_682 {strides = array<i32>} : memref<24x1024xf32, #tpu.memory_space<vmem>>, vector<16xf32>,
        %get3A_690 = arith.constant 0 : i32
        %get3A_691 = arith.constant 0 : i32
        %get3A_692 = tpu.memref_slice %arg8[%scan3A_215, %get3A_690, %get3A_691] : memref<2x24x1024xf32, #tpu.memory_space<vmem>> -> memref<1x24x1024xf32, #tpu.memory_space<vmem>>
        %get3A_693 = tpu.memref_squeeze %get3A_692 : memref<1x24x1024xf32, #tpu.memory_space<vmem>> -> memref<24x1024xf32, #tpu.memory_space<vmem>>
        %get3A_694 = arith.index_cast %scan3A_283 : i32 to index
        %get3A_695 = arith.constant 384 : index
        %get3A_696 = tpu.vector_load %get3A_693[%get3A_694, %get3A_695] {strides = array<i32>} : memref<24x1024xf32, #tpu.memory_space<vmem>>, vector<16xf32>,
        %mul3A_697 = arith.constant 3.000000e+01 : f32
        %mul3A_698 = vector.broadcast %mul3A_697 : f32 to vector<16xf32>
        %mul3A_699 = arith.mulf %get3A_696, %mul3A_698 : vector<16xf32>
        %swap3A_700 = arith.constant 0 : i32
        %swap3A_701 = arith.constant 0 : i32
        %swap3A_702 = tpu.memref_slice %arg9[%scan3A_216, %swap3A_700, %swap3A_701] : memref<2x24x1024xf32, #tpu.memory_space<vmem>> -> memref<1x24x1024xf32, #tpu.memory_space<vmem>>
        %swap3A_703 = tpu.memref_squeeze %swap3A_702 : memref<1x24x1024xf32, #tpu.memory_space<vmem>> -> memref<24x1024xf32, #tpu.memory_space<vmem>>
        %swap3A_704 = arith.index_cast %scan3A_283 : i32 to index
        %swap3A_705 = arith.constant 384 : index
        %swap3A_706 = tpu.vector_load %swap3A_703[%swap3A_704, %swap3A_705] {strides = array<i32>} : memref<24x1024xf32, #tpu.memory_space<vmem>>, vector<16xf32>,
        tpu.vector_store %swap3A_703[%swap3A_704, %swap3A_705], %mul3A_699 {strides = array<i32>} : memref<24x1024xf32, #tpu.memory_space<vmem>>, vector<16xf32>,
        %get3A_707 = arith.constant 0 : i32
        %get3A_708 = arith.constant 0 : i32
        %get3A_709 = tpu.memref_slice %arg8[%scan3A_215, %get3A_707, %get3A_708] : memref<2x24x1024xf32, #tpu.memory_space<vmem>> -> memref<1x24x1024xf32, #tpu.memory_space<vmem>>
        %get3A_710 = tpu.memref_squeeze %get3A_709 : memref<1x24x1024xf32, #tpu.memory_space<vmem>> -> memref<24x1024xf32, #tpu.memory_space<vmem>>
        %get3A_711 = arith.index_cast %scan3A_283 : i32 to index
        %get3A_712 = arith.constant 400 : index
        %get3A_713 = tpu.vector_load %get3A_710[%get3A_711, %get3A_712] {strides = array<i32>} : memref<24x1024xf32, #tpu.memory_space<vmem>>, vector<16xf32>,
        %mul3A_714 = arith.constant 3.000000e+01 : f32
        %mul3A_715 = vector.broadcast %mul3A_714 : f32 to vector<16xf32>
        %mul3A_716 = arith.mulf %get3A_713, %mul3A_715 : vector<16xf32>
        %swap3A_717 = arith.constant 0 : i32
        %swap3A_718 = arith.constant 0 : i32
        %swap3A_719 = tpu.memref_slice %arg9[%scan3A_216, %swap3A_717, %swap3A_718] : memref<2x24x1024xf32, #tpu.memory_space<vmem>> -> memref<1x24x1024xf32, #tpu.memory_space<vmem>>
        %swap3A_720 = tpu.memref_squeeze %swap3A_719 : memref<1x24x1024xf32, #tpu.memory_space<vmem>> -> memref<24x1024xf32, #tpu.memory_space<vmem>>
        %swap3A_721 = arith.index_cast %scan3A_283 : i32 to index
        %swap3A_722 = arith.constant 400 : index
        %swap3A_723 = tpu.vector_load %swap3A_720[%swap3A_721, %swap3A_722] {strides = array<i32>} : memref<24x1024xf32, #tpu.memory_space<vmem>>, vector<16xf32>,
        tpu.vector_store %swap3A_720[%swap3A_721, %swap3A_722], %mul3A_716 {strides = array<i32>} : memref<24x1024xf32, #tpu.memory_space<vmem>>, vector<16xf32>,
        %get3A_724 = arith.constant 0 : i32
        %get3A_725 = arith.constant 0 : i32
        %get3A_726 = tpu.memref_slice %arg8[%scan3A_215, %get3A_724, %get3A_725] : memref<2x24x1024xf32, #tpu.memory_space<vmem>> -> memref<1x24x1024xf32, #tpu.memory_space<vmem>>
        %get3A_727 = tpu.memref_squeeze %get3A_726 : memref<1x24x1024xf32, #tpu.memory_space<vmem>> -> memref<24x1024xf32, #tpu.memory_space<vmem>>
        %get3A_728 = arith.index_cast %scan3A_283 : i32 to index
        %get3A_729 = arith.constant 416 : index
        %get3A_730 = tpu.vector_load %get3A_727[%get3A_728, %get3A_729] {strides = array<i32>} : memref<24x1024xf32, #tpu.memory_space<vmem>>, vector<16xf32>,
        %mul3A_731 = arith.constant 3.000000e+01 : f32
        %mul3A_732 = vector.broadcast %mul3A_731 : f32 to vector<16xf32>
        %mul3A_733 = arith.mulf %get3A_730, %mul3A_732 : vector<16xf32>
        %swap3A_734 = arith.constant 0 : i32
        %swap3A_735 = arith.constant 0 : i32
        %swap3A_736 = tpu.memref_slice %arg9[%scan3A_216, %swap3A_734, %swap3A_735] : memref<2x24x1024xf32, #tpu.memory_space<vmem>> -> memref<1x24x1024xf32, #tpu.memory_space<vmem>>
        %swap3A_737 = tpu.memref_squeeze %swap3A_736 : memref<1x24x1024xf32, #tpu.memory_space<vmem>> -> memref<24x1024xf32, #tpu.memory_space<vmem>>
        %swap3A_738 = arith.index_cast %scan3A_283 : i32 to index
        %swap3A_739 = arith.constant 416 : index
        %swap3A_740 = tpu.vector_load %swap3A_737[%swap3A_738, %swap3A_739] {strides = array<i32>} : memref<24x1024xf32, #tpu.memory_space<vmem>>, vector<16xf32>,
        tpu.vector_store %swap3A_737[%swap3A_738, %swap3A_739], %mul3A_733 {strides = array<i32>} : memref<24x1024xf32, #tpu.memory_space<vmem>>, vector<16xf32>,
        %get3A_741 = arith.constant 0 : i32
        %get3A_742 = arith.constant 0 : i32
        %get3A_743 = tpu.memref_slice %arg8[%scan3A_215, %get3A_741, %get3A_742] : memref<2x24x1024xf32, #tpu.memory_space<vmem>> -> memref<1x24x1024xf32, #tpu.memory_space<vmem>>
        %get3A_744 = tpu.memref_squeeze %get3A_743 : memref<1x24x1024xf32, #tpu.memory_space<vmem>> -> memref<24x1024xf32, #tpu.memory_space<vmem>>
        %get3A_745 = arith.index_cast %scan3A_283 : i32 to index
        %get3A_746 = arith.constant 432 : index
        %get3A_747 = tpu.vector_load %get3A_744[%get3A_745, %get3A_746] {strides = array<i32>} : memref<24x1024xf32, #tpu.memory_space<vmem>>, vector<16xf32>,
        %mul3A_748 = arith.constant 3.000000e+01 : f32
        %mul3A_749 = vector.broadcast %mul3A_748 : f32 to vector<16xf32>
        %mul3A_750 = arith.mulf %get3A_747, %mul3A_749 : vector<16xf32>
        %swap3A_751 = arith.constant 0 : i32
        %swap3A_752 = arith.constant 0 : i32
        %swap3A_753 = tpu.memref_slice %arg9[%scan3A_216, %swap3A_751, %swap3A_752] : memref<2x24x1024xf32, #tpu.memory_space<vmem>> -> memref<1x24x1024xf32, #tpu.memory_space<vmem>>
        %swap3A_754 = tpu.memref_squeeze %swap3A_753 : memref<1x24x1024xf32, #tpu.memory_space<vmem>> -> memref<24x1024xf32, #tpu.memory_space<vmem>>
        %swap3A_755 = arith.index_cast %scan3A_283 : i32 to index
        %swap3A_756 = arith.constant 432 : index
        %swap3A_757 = tpu.vector_load %swap3A_754[%swap3A_755, %swap3A_756] {strides = array<i32>} : memref<24x1024xf32, #tpu.memory_space<vmem>>, vector<16xf32>,
        tpu.vector_store %swap3A_754[%swap3A_755, %swap3A_756], %mul3A_750 {strides = array<i32>} : memref<24x1024xf32, #tpu.memory_space<vmem>>, vector<16xf32>,
        %get3A_758 = arith.constant 0 : i32
        %get3A_759 = arith.constant 0 : i32
        %get3A_760 = tpu.memref_slice %arg8[%scan3A_215, %get3A_758, %get3A_759] : memref<2x24x1024xf32, #tpu.memory_space<vmem>> -> memref<1x24x1024xf32, #tpu.memory_space<vmem>>
        %get3A_761 = tpu.memref_squeeze %get3A_760 : memref<1x24x1024xf32, #tpu.memory_space<vmem>> -> memref<24x1024xf32, #tpu.memory_space<vmem>>
        %get3A_762 = arith.index_cast %scan3A_283 : i32 to index
        %get3A_763 = arith.constant 448 : index
        %get3A_764 = tpu.vector_load %get3A_761[%get3A_762, %get3A_763] {strides = array<i32>} : memref<24x1024xf32, #tpu.memory_space<vmem>>, vector<16xf32>,
        %mul3A_765 = arith.constant 3.000000e+01 : f32
        %mul3A_766 = vector.broadcast %mul3A_765 : f32 to vector<16xf32>
        %mul3A_767 = arith.mulf %get3A_764, %mul3A_766 : vector<16xf32>
        %swap3A_768 = arith.constant 0 : i32
        %swap3A_769 = arith.constant 0 : i32
        %swap3A_770 = tpu.memref_slice %arg9[%scan3A_216, %swap3A_768, %swap3A_769] : memref<2x24x1024xf32, #tpu.memory_space<vmem>> -> memref<1x24x1024xf32, #tpu.memory_space<vmem>>
        %swap3A_771 = tpu.memref_squeeze %swap3A_770 : memref<1x24x1024xf32, #tpu.memory_space<vmem>> -> memref<24x1024xf32, #tpu.memory_space<vmem>>
        %swap3A_772 = arith.index_cast %scan3A_283 : i32 to index
        %swap3A_773 = arith.constant 448 : index
        %swap3A_774 = tpu.vector_load %swap3A_771[%swap3A_772, %swap3A_773] {strides = array<i32>} : memref<24x1024xf32, #tpu.memory_space<vmem>>, vector<16xf32>,
        tpu.vector_store %swap3A_771[%swap3A_772, %swap3A_773], %mul3A_767 {strides = array<i32>} : memref<24x1024xf32, #tpu.memory_space<vmem>>, vector<16xf32>,
        %get3A_775 = arith.constant 0 : i32
        %get3A_776 = arith.constant 0 : i32
        %get3A_777 = tpu.memref_slice %arg8[%scan3A_215, %get3A_775, %get3A_776] : memref<2x24x1024xf32, #tpu.memory_space<vmem>> -> memref<1x24x1024xf32, #tpu.memory_space<vmem>>
        %get3A_778 = tpu.memref_squeeze %get3A_777 : memref<1x24x1024xf32, #tpu.memory_space<vmem>> -> memref<24x1024xf32, #tpu.memory_space<vmem>>
        %get3A_779 = arith.index_cast %scan3A_283 : i32 to index
        %get3A_780 = arith.constant 464 : index
        %get3A_781 = tpu.vector_load %get3A_778[%get3A_779, %get3A_780] {strides = array<i32>} : memref<24x1024xf32, #tpu.memory_space<vmem>>, vector<16xf32>,
        %mul3A_782 = arith.constant 3.000000e+01 : f32
        %mul3A_783 = vector.broadcast %mul3A_782 : f32 to vector<16xf32>
        %mul3A_784 = arith.mulf %get3A_781, %mul3A_783 : vector<16xf32>
        %swap3A_785 = arith.constant 0 : i32
        %swap3A_786 = arith.constant 0 : i32
        %swap3A_787 = tpu.memref_slice %arg9[%scan3A_216, %swap3A_785, %swap3A_786] : memref<2x24x1024xf32, #tpu.memory_space<vmem>> -> memref<1x24x1024xf32, #tpu.memory_space<vmem>>
        %swap3A_788 = tpu.memref_squeeze %swap3A_787 : memref<1x24x1024xf32, #tpu.memory_space<vmem>> -> memref<24x1024xf32, #tpu.memory_space<vmem>>
        %swap3A_789 = arith.index_cast %scan3A_283 : i32 to index
        %swap3A_790 = arith.constant 464 : index
        %swap3A_791 = tpu.vector_load %swap3A_788[%swap3A_789, %swap3A_790] {strides = array<i32>} : memref<24x1024xf32, #tpu.memory_space<vmem>>, vector<16xf32>,
        tpu.vector_store %swap3A_788[%swap3A_789, %swap3A_790], %mul3A_784 {strides = array<i32>} : memref<24x1024xf32, #tpu.memory_space<vmem>>, vector<16xf32>,
        %get3A_792 = arith.constant 0 : i32
        %get3A_793 = arith.constant 0 : i32
        %get3A_794 = tpu.memref_slice %arg8[%scan3A_215, %get3A_792, %get3A_793] : memref<2x24x1024xf32, #tpu.memory_space<vmem>> -> memref<1x24x1024xf32, #tpu.memory_space<vmem>>
        %get3A_795 = tpu.memref_squeeze %get3A_794 : memref<1x24x1024xf32, #tpu.memory_space<vmem>> -> memref<24x1024xf32, #tpu.memory_space<vmem>>
        %get3A_796 = arith.index_cast %scan3A_283 : i32 to index
        %get3A_797 = arith.constant 480 : index
        %get3A_798 = tpu.vector_load %get3A_795[%get3A_796, %get3A_797] {strides = array<i32>} : memref<24x1024xf32, #tpu.memory_space<vmem>>, vector<16xf32>,
        %mul3A_799 = arith.constant 3.000000e+01 : f32
        %mul3A_800 = vector.broadcast %mul3A_799 : f32 to vector<16xf32>
        %mul3A_801 = arith.mulf %get3A_798, %mul3A_800 : vector<16xf32>
        %swap3A_802 = arith.constant 0 : i32
        %swap3A_803 = arith.constant 0 : i32
        %swap3A_804 = tpu.memref_slice %arg9[%scan3A_216, %swap3A_802, %swap3A_803] : memref<2x24x1024xf32, #tpu.memory_space<vmem>> -> memref<1x24x1024xf32, #tpu.memory_space<vmem>>
        %swap3A_805 = tpu.memref_squeeze %swap3A_804 : memref<1x24x1024xf32, #tpu.memory_space<vmem>> -> memref<24x1024xf32, #tpu.memory_space<vmem>>
        %swap3A_806 = arith.index_cast %scan3A_283 : i32 to index
        %swap3A_807 = arith.constant 480 : index
        %swap3A_808 = tpu.vector_load %swap3A_805[%swap3A_806, %swap3A_807] {strides = array<i32>} : memref<24x1024xf32, #tpu.memory_space<vmem>>, vector<16xf32>,
        tpu.vector_store %swap3A_805[%swap3A_806, %swap3A_807], %mul3A_801 {strides = array<i32>} : memref<24x1024xf32, #tpu.memory_space<vmem>>, vector<16xf32>,
        %get3A_809 = arith.constant 0 : i32
        %get3A_810 = arith.constant 0 : i32
        %get3A_811 = tpu.memref_slice %arg8[%scan3A_215, %get3A_809, %get3A_810] : memref<2x24x1024xf32, #tpu.memory_space<vmem>> -> memref<1x24x1024xf32, #tpu.memory_space<vmem>>
        %get3A_812 = tpu.memref_squeeze %get3A_811 : memref<1x24x1024xf32, #tpu.memory_space<vmem>> -> memref<24x1024xf32, #tpu.memory_space<vmem>>
        %get3A_813 = arith.index_cast %scan3A_283 : i32 to index
        %get3A_814 = arith.constant 496 : index
        %get3A_815 = tpu.vector_load %get3A_812[%get3A_813, %get3A_814] {strides = array<i32>} : memref<24x1024xf32, #tpu.memory_space<vmem>>, vector<16xf32>,
        %mul3A_816 = arith.constant 3.000000e+01 : f32
        %mul3A_817 = vector.broadcast %mul3A_816 : f32 to vector<16xf32>
        %mul3A_818 = arith.mulf %get3A_815, %mul3A_817 : vector<16xf32>
        %swap3A_819 = arith.constant 0 : i32
        %swap3A_820 = arith.constant 0 : i32
        %swap3A_821 = tpu.memref_slice %arg9[%scan3A_216, %swap3A_819, %swap3A_820] : memref<2x24x1024xf32, #tpu.memory_space<vmem>> -> memref<1x24x1024xf32, #tpu.memory_space<vmem>>
        %swap3A_822 = tpu.memref_squeeze %swap3A_821 : memref<1x24x1024xf32, #tpu.memory_space<vmem>> -> memref<24x1024xf32, #tpu.memory_space<vmem>>
        %swap3A_823 = arith.index_cast %scan3A_283 : i32 to index
        %swap3A_824 = arith.constant 496 : index
        %swap3A_825 = tpu.vector_load %swap3A_822[%swap3A_823, %swap3A_824] {strides = array<i32>} : memref<24x1024xf32, #tpu.memory_space<vmem>>, vector<16xf32>,
        tpu.vector_store %swap3A_822[%swap3A_823, %swap3A_824], %mul3A_818 {strides = array<i32>} : memref<24x1024xf32, #tpu.memory_space<vmem>>, vector<16xf32>,
        %get3A_826 = arith.constant 0 : i32
        %get3A_827 = arith.constant 0 : i32
        %get3A_828 = tpu.memref_slice %arg8[%scan3A_215, %get3A_826, %get3A_827] : memref<2x24x1024xf32, #tpu.memory_space<vmem>> -> memref<1x24x1024xf32, #tpu.memory_space<vmem>>
        %get3A_829 = tpu.memref_squeeze %get3A_828 : memref<1x24x1024xf32, #tpu.memory_space<vmem>> -> memref<24x1024xf32, #tpu.memory_space<vmem>>
        %get3A_830 = arith.index_cast %scan3A_283 : i32 to index
        %get3A_831 = arith.constant 512 : index
        %get3A_832 = tpu.vector_load %get3A_829[%get3A_830, %get3A_831] {strides = array<i32>} : memref<24x1024xf32, #tpu.memory_space<vmem>>, vector<16xf32>,
        %mul3A_833 = arith.constant 3.000000e+01 : f32
        %mul3A_834 = vector.broadcast %mul3A_833 : f32 to vector<16xf32>
        %mul3A_835 = arith.mulf %get3A_832, %mul3A_834 : vector<16xf32>
        %swap3A_836 = arith.constant 0 : i32
        %swap3A_837 = arith.constant 0 : i32
        %swap3A_838 = tpu.memref_slice %arg9[%scan3A_216, %swap3A_836, %swap3A_837] : memref<2x24x1024xf32, #tpu.memory_space<vmem>> -> memref<1x24x1024xf32, #tpu.memory_space<vmem>>
        %swap3A_839 = tpu.memref_squeeze %swap3A_838 : memref<1x24x1024xf32, #tpu.memory_space<vmem>> -> memref<24x1024xf32, #tpu.memory_space<vmem>>
        %swap3A_840 = arith.index_cast %scan3A_283 : i32 to index
        %swap3A_841 = arith.constant 512 : index
        %swap3A_842 = tpu.vector_load %swap3A_839[%swap3A_840, %swap3A_841] {strides = array<i32>} : memref<24x1024xf32, #tpu.memory_space<vmem>>, vector<16xf32>,
        tpu.vector_store %swap3A_839[%swap3A_840, %swap3A_841], %mul3A_835 {strides = array<i32>} : memref<24x1024xf32, #tpu.memory_space<vmem>>, vector<16xf32>,
        %get3A_843 = arith.constant 0 : i32
        %get3A_844 = arith.constant 0 : i32
        %get3A_845 = tpu.memref_slice %arg8[%scan3A_215, %get3A_843, %get3A_844] : memref<2x24x1024xf32, #tpu.memory_space<vmem>> -> memref<1x24x1024xf32, #tpu.memory_space<vmem>>
        %get3A_846 = tpu.memref_squeeze %get3A_845 : memref<1x24x1024xf32, #tpu.memory_space<vmem>> -> memref<24x1024xf32, #tpu.memory_space<vmem>>
        %get3A_847 = arith.index_cast %scan3A_283 : i32 to index
        %get3A_848 = arith.constant 528 : index
        %get3A_849 = tpu.vector_load %get3A_846[%get3A_847, %get3A_848] {strides = array<i32>} : memref<24x1024xf32, #tpu.memory_space<vmem>>, vector<16xf32>,
        %mul3A_850 = arith.constant 3.000000e+01 : f32
        %mul3A_851 = vector.broadcast %mul3A_850 : f32 to vector<16xf32>
        %mul3A_852 = arith.mulf %get3A_849, %mul3A_851 : vector<16xf32>
        %swap3A_853 = arith.constant 0 : i32
        %swap3A_854 = arith.constant 0 : i32
        %swap3A_855 = tpu.memref_slice %arg9[%scan3A_216, %swap3A_853, %swap3A_854] : memref<2x24x1024xf32, #tpu.memory_space<vmem>> -> memref<1x24x1024xf32, #tpu.memory_space<vmem>>
        %swap3A_856 = tpu.memref_squeeze %swap3A_855 : memref<1x24x1024xf32, #tpu.memory_space<vmem>> -> memref<24x1024xf32, #tpu.memory_space<vmem>>
        %swap3A_857 = arith.index_cast %scan3A_283 : i32 to index
        %swap3A_858 = arith.constant 528 : index
        %swap3A_859 = tpu.vector_load %swap3A_856[%swap3A_857, %swap3A_858] {strides = array<i32>} : memref<24x1024xf32, #tpu.memory_space<vmem>>, vector<16xf32>,
        tpu.vector_store %swap3A_856[%swap3A_857, %swap3A_858], %mul3A_852 {strides = array<i32>} : memref<24x1024xf32, #tpu.memory_space<vmem>>, vector<16xf32>,
        %get3A_860 = arith.constant 0 : i32
        %get3A_861 = arith.constant 0 : i32
        %get3A_862 = tpu.memref_slice %arg8[%scan3A_215, %get3A_860, %get3A_861] : memref<2x24x1024xf32, #tpu.memory_space<vmem>> -> memref<1x24x1024xf32, #tpu.memory_space<vmem>>
        %get3A_863 = tpu.memref_squeeze %get3A_862 : memref<1x24x1024xf32, #tpu.memory_space<vmem>> -> memref<24x1024xf32, #tpu.memory_space<vmem>>
        %get3A_864 = arith.index_cast %scan3A_283 : i32 to index
        %get3A_865 = arith.constant 544 : index
        %get3A_866 = tpu.vector_load %get3A_863[%get3A_864, %get3A_865] {strides = array<i32>} : memref<24x1024xf32, #tpu.memory_space<vmem>>, vector<16xf32>,
        %mul3A_867 = arith.constant 3.000000e+01 : f32
        %mul3A_868 = vector.broadcast %mul3A_867 : f32 to vector<16xf32>
        %mul3A_869 = arith.mulf %get3A_866, %mul3A_868 : vector<16xf32>
        %swap3A_870 = arith.constant 0 : i32
        %swap3A_871 = arith.constant 0 : i32
        %swap3A_872 = tpu.memref_slice %arg9[%scan3A_216, %swap3A_870, %swap3A_871] : memref<2x24x1024xf32, #tpu.memory_space<vmem>> -> memref<1x24x1024xf32, #tpu.memory_space<vmem>>
        %swap3A_873 = tpu.memref_squeeze %swap3A_872 : memref<1x24x1024xf32, #tpu.memory_space<vmem>> -> memref<24x1024xf32, #tpu.memory_space<vmem>>
        %swap3A_874 = arith.index_cast %scan3A_283 : i32 to index
        %swap3A_875 = arith.constant 544 : index
        %swap3A_876 = tpu.vector_load %swap3A_873[%swap3A_874, %swap3A_875] {strides = array<i32>} : memref<24x1024xf32, #tpu.memory_space<vmem>>, vector<16xf32>,
        tpu.vector_store %swap3A_873[%swap3A_874, %swap3A_875], %mul3A_869 {strides = array<i32>} : memref<24x1024xf32, #tpu.memory_space<vmem>>, vector<16xf32>,
        %get3A_877 = arith.constant 0 : i32
        %get3A_878 = arith.constant 0 : i32
        %get3A_879 = tpu.memref_slice %arg8[%scan3A_215, %get3A_877, %get3A_878] : memref<2x24x1024xf32, #tpu.memory_space<vmem>> -> memref<1x24x1024xf32, #tpu.memory_space<vmem>>
        %get3A_880 = tpu.memref_squeeze %get3A_879 : memref<1x24x1024xf32, #tpu.memory_space<vmem>> -> memref<24x1024xf32, #tpu.memory_space<vmem>>
        %get3A_881 = arith.index_cast %scan3A_283 : i32 to index
        %get3A_882 = arith.constant 560 : index
        %get3A_883 = tpu.vector_load %get3A_880[%get3A_881, %get3A_882] {strides = array<i32>} : memref<24x1024xf32, #tpu.memory_space<vmem>>, vector<16xf32>,
        %mul3A_884 = arith.constant 3.000000e+01 : f32
        %mul3A_885 = vector.broadcast %mul3A_884 : f32 to vector<16xf32>
        %mul3A_886 = arith.mulf %get3A_883, %mul3A_885 : vector<16xf32>
        %swap3A_887 = arith.constant 0 : i32
        %swap3A_888 = arith.constant 0 : i32
        %swap3A_889 = tpu.memref_slice %arg9[%scan3A_216, %swap3A_887, %swap3A_888] : memref<2x24x1024xf32, #tpu.memory_space<vmem>> -> memref<1x24x1024xf32, #tpu.memory_space<vmem>>
        %swap3A_890 = tpu.memref_squeeze %swap3A_889 : memref<1x24x1024xf32, #tpu.memory_space<vmem>> -> memref<24x1024xf32, #tpu.memory_space<vmem>>
        %swap3A_891 = arith.index_cast %scan3A_283 : i32 to index
        %swap3A_892 = arith.constant 560 : index
        %swap3A_893 = tpu.vector_load %swap3A_890[%swap3A_891, %swap3A_892] {strides = array<i32>} : memref<24x1024xf32, #tpu.memory_space<vmem>>, vector<16xf32>,
        tpu.vector_store %swap3A_890[%swap3A_891, %swap3A_892], %mul3A_886 {strides = array<i32>} : memref<24x1024xf32, #tpu.memory_space<vmem>>, vector<16xf32>,
        %get3A_894 = arith.constant 0 : i32
        %get3A_895 = arith.constant 0 : i32
        %get3A_896 = tpu.memref_slice %arg8[%scan3A_215, %get3A_894, %get3A_895] : memref<2x24x1024xf32, #tpu.memory_space<vmem>> -> memref<1x24x1024xf32, #tpu.memory_space<vmem>>
        %get3A_897 = tpu.memref_squeeze %get3A_896 : memref<1x24x1024xf32, #tpu.memory_space<vmem>> -> memref<24x1024xf32, #tpu.memory_space<vmem>>
        %get3A_898 = arith.index_cast %scan3A_283 : i32 to index
        %get3A_899 = arith.constant 576 : index
        %get3A_900 = tpu.vector_load %get3A_897[%get3A_898, %get3A_899] {strides = array<i32>} : memref<24x1024xf32, #tpu.memory_space<vmem>>, vector<16xf32>,
        %mul3A_901 = arith.constant 3.000000e+01 : f32
        %mul3A_902 = vector.broadcast %mul3A_901 : f32 to vector<16xf32>
        %mul3A_903 = arith.mulf %get3A_900, %mul3A_902 : vector<16xf32>
        %swap3A_904 = arith.constant 0 : i32
        %swap3A_905 = arith.constant 0 : i32
        %swap3A_906 = tpu.memref_slice %arg9[%scan3A_216, %swap3A_904, %swap3A_905] : memref<2x24x1024xf32, #tpu.memory_space<vmem>> -> memref<1x24x1024xf32, #tpu.memory_space<vmem>>
        %swap3A_907 = tpu.memref_squeeze %swap3A_906 : memref<1x24x1024xf32, #tpu.memory_space<vmem>> -> memref<24x1024xf32, #tpu.memory_space<vmem>>
        %swap3A_908 = arith.index_cast %scan3A_283 : i32 to index
        %swap3A_909 = arith.constant 576 : index
        %swap3A_910 = tpu.vector_load %swap3A_907[%swap3A_908, %swap3A_909] {strides = array<i32>} : memref<24x1024xf32, #tpu.memory_space<vmem>>, vector<16xf32>,
        tpu.vector_store %swap3A_907[%swap3A_908, %swap3A_909], %mul3A_903 {strides = array<i32>} : memref<24x1024xf32, #tpu.memory_space<vmem>>, vector<16xf32>,
        %get3A_911 = arith.constant 0 : i32
        %get3A_912 = arith.constant 0 : i32
        %get3A_913 = tpu.memref_slice %arg8[%scan3A_215, %get3A_911, %get3A_912] : memref<2x24x1024xf32, #tpu.memory_space<vmem>> -> memref<1x24x1024xf32, #tpu.memory_space<vmem>>
        %get3A_914 = tpu.memref_squeeze %get3A_913 : memref<1x24x1024xf32, #tpu.memory_space<vmem>> -> memref<24x1024xf32, #tpu.memory_space<vmem>>
        %get3A_915 = arith.index_cast %scan3A_283 : i32 to index
        %get3A_916 = arith.constant 592 : index
        %get3A_917 = tpu.vector_load %get3A_914[%get3A_915, %get3A_916] {strides = array<i32>} : memref<24x1024xf32, #tpu.memory_space<vmem>>, vector<16xf32>,
        %mul3A_918 = arith.constant 3.000000e+01 : f32
        %mul3A_919 = vector.broadcast %mul3A_918 : f32 to vector<16xf32>
        %mul3A_920 = arith.mulf %get3A_917, %mul3A_919 : vector<16xf32>
        %swap3A_921 = arith.constant 0 : i32
        %swap3A_922 = arith.constant 0 : i32
        %swap3A_923 = tpu.memref_slice %arg9[%scan3A_216, %swap3A_921, %swap3A_922] : memref<2x24x1024xf32, #tpu.memory_space<vmem>> -> memref<1x24x1024xf32, #tpu.memory_space<vmem>>
        %swap3A_924 = tpu.memref_squeeze %swap3A_923 : memref<1x24x1024xf32, #tpu.memory_space<vmem>> -> memref<24x1024xf32, #tpu.memory_space<vmem>>
        %swap3A_925 = arith.index_cast %scan3A_283 : i32 to index
        %swap3A_926 = arith.constant 592 : index
        %swap3A_927 = tpu.vector_load %swap3A_924[%swap3A_925, %swap3A_926] {strides = array<i32>} : memref<24x1024xf32, #tpu.memory_space<vmem>>, vector<16xf32>,
        tpu.vector_store %swap3A_924[%swap3A_925, %swap3A_926], %mul3A_920 {strides = array<i32>} : memref<24x1024xf32, #tpu.memory_space<vmem>>, vector<16xf32>,
        %get3A_928 = arith.constant 0 : i32
        %get3A_929 = arith.constant 0 : i32
        %get3A_930 = tpu.memref_slice %arg8[%scan3A_215, %get3A_928, %get3A_929] : memref<2x24x1024xf32, #tpu.memory_space<vmem>> -> memref<1x24x1024xf32, #tpu.memory_space<vmem>>
        %get3A_931 = tpu.memref_squeeze %get3A_930 : memref<1x24x1024xf32, #tpu.memory_space<vmem>> -> memref<24x1024xf32, #tpu.memory_space<vmem>>
        %get3A_932 = arith.index_cast %scan3A_283 : i32 to index
        %get3A_933 = arith.constant 608 : index
        %get3A_934 = tpu.vector_load %get3A_931[%get3A_932, %get3A_933] {strides = array<i32>} : memref<24x1024xf32, #tpu.memory_space<vmem>>, vector<16xf32>,
        %mul3A_935 = arith.constant 3.000000e+01 : f32
        %mul3A_936 = vector.broadcast %mul3A_935 : f32 to vector<16xf32>
        %mul3A_937 = arith.mulf %get3A_934, %mul3A_936 : vector<16xf32>
        %swap3A_938 = arith.constant 0 : i32
        %swap3A_939 = arith.constant 0 : i32
        %swap3A_940 = tpu.memref_slice %arg9[%scan3A_216, %swap3A_938, %swap3A_939] : memref<2x24x1024xf32, #tpu.memory_space<vmem>> -> memref<1x24x1024xf32, #tpu.memory_space<vmem>>
        %swap3A_941 = tpu.memref_squeeze %swap3A_940 : memref<1x24x1024xf32, #tpu.memory_space<vmem>> -> memref<24x1024xf32, #tpu.memory_space<vmem>>
        %swap3A_942 = arith.index_cast %scan3A_283 : i32 to index
        %swap3A_943 = arith.constant 608 : index
        %swap3A_944 = tpu.vector_load %swap3A_941[%swap3A_942, %swap3A_943] {strides = array<i32>} : memref<24x1024xf32, #tpu.memory_space<vmem>>, vector<16xf32>,
        tpu.vector_store %swap3A_941[%swap3A_942, %swap3A_943], %mul3A_937 {strides = array<i32>} : memref<24x1024xf32, #tpu.memory_space<vmem>>, vector<16xf32>,
        %get3A_945 = arith.constant 0 : i32
        %get3A_946 = arith.constant 0 : i32
        %get3A_947 = tpu.memref_slice %arg8[%scan3A_215, %get3A_945, %get3A_946] : memref<2x24x1024xf32, #tpu.memory_space<vmem>> -> memref<1x24x1024xf32, #tpu.memory_space<vmem>>
        %get3A_948 = tpu.memref_squeeze %get3A_947 : memref<1x24x1024xf32, #tpu.memory_space<vmem>> -> memref<24x1024xf32, #tpu.memory_space<vmem>>
        %get3A_949 = arith.index_cast %scan3A_283 : i32 to index
        %get3A_950 = arith.constant 624 : index
        %get3A_951 = tpu.vector_load %get3A_948[%get3A_949, %get3A_950] {strides = array<i32>} : memref<24x1024xf32, #tpu.memory_space<vmem>>, vector<16xf32>,
        %mul3A_952 = arith.constant 3.000000e+01 : f32
        %mul3A_953 = vector.broadcast %mul3A_952 : f32 to vector<16xf32>
        %mul3A_954 = arith.mulf %get3A_951, %mul3A_953 : vector<16xf32>
        %swap3A_955 = arith.constant 0 : i32
        %swap3A_956 = arith.constant 0 : i32
        %swap3A_957 = tpu.memref_slice %arg9[%scan3A_216, %swap3A_955, %swap3A_956] : memref<2x24x1024xf32, #tpu.memory_space<vmem>> -> memref<1x24x1024xf32, #tpu.memory_space<vmem>>
        %swap3A_958 = tpu.memref_squeeze %swap3A_957 : memref<1x24x1024xf32, #tpu.memory_space<vmem>> -> memref<24x1024xf32, #tpu.memory_space<vmem>>
        %swap3A_959 = arith.index_cast %scan3A_283 : i32 to index
        %swap3A_960 = arith.constant 624 : index
        %swap3A_961 = tpu.vector_load %swap3A_958[%swap3A_959, %swap3A_960] {strides = array<i32>} : memref<24x1024xf32, #tpu.memory_space<vmem>>, vector<16xf32>,
        tpu.vector_store %swap3A_958[%swap3A_959, %swap3A_960], %mul3A_954 {strides = array<i32>} : memref<24x1024xf32, #tpu.memory_space<vmem>>, vector<16xf32>,
        %get3A_962 = arith.constant 0 : i32
        %get3A_963 = arith.constant 0 : i32
        %get3A_964 = tpu.memref_slice %arg8[%scan3A_215, %get3A_962, %get3A_963] : memref<2x24x1024xf32, #tpu.memory_space<vmem>> -> memref<1x24x1024xf32, #tpu.memory_space<vmem>>
        %get3A_965 = tpu.memref_squeeze %get3A_964 : memref<1x24x1024xf32, #tpu.memory_space<vmem>> -> memref<24x1024xf32, #tpu.memory_space<vmem>>
        %get3A_966 = arith.index_cast %scan3A_283 : i32 to index
        %get3A_967 = arith.constant 640 : index
        %get3A_968 = tpu.vector_load %get3A_965[%get3A_966, %get3A_967] {strides = array<i32>} : memref<24x1024xf32, #tpu.memory_space<vmem>>, vector<16xf32>,
        %mul3A_969 = arith.constant 3.000000e+01 : f32
        %mul3A_970 = vector.broadcast %mul3A_969 : f32 to vector<16xf32>
        %mul3A_971 = arith.mulf %get3A_968, %mul3A_970 : vector<16xf32>
        %swap3A_972 = arith.constant 0 : i32
        %swap3A_973 = arith.constant 0 : i32
        %swap3A_974 = tpu.memref_slice %arg9[%scan3A_216, %swap3A_972, %swap3A_973] : memref<2x24x1024xf32, #tpu.memory_space<vmem>> -> memref<1x24x1024xf32, #tpu.memory_space<vmem>>
        %swap3A_975 = tpu.memref_squeeze %swap3A_974 : memref<1x24x1024xf32, #tpu.memory_space<vmem>> -> memref<24x1024xf32, #tpu.memory_space<vmem>>
        %swap3A_976 = arith.index_cast %scan3A_283 : i32 to index
        %swap3A_977 = arith.constant 640 : index
        %swap3A_978 = tpu.vector_load %swap3A_975[%swap3A_976, %swap3A_977] {strides = array<i32>} : memref<24x1024xf32, #tpu.memory_space<vmem>>, vector<16xf32>,
        tpu.vector_store %swap3A_975[%swap3A_976, %swap3A_977], %mul3A_971 {strides = array<i32>} : memref<24x1024xf32, #tpu.memory_space<vmem>>, vector<16xf32>,
        %get3A_979 = arith.constant 0 : i32
        %get3A_980 = arith.constant 0 : i32
        %get3A_981 = tpu.memref_slice %arg8[%scan3A_215, %get3A_979, %get3A_980] : memref<2x24x1024xf32, #tpu.memory_space<vmem>> -> memref<1x24x1024xf32, #tpu.memory_space<vmem>>
        %get3A_982 = tpu.memref_squeeze %get3A_981 : memref<1x24x1024xf32, #tpu.memory_space<vmem>> -> memref<24x1024xf32, #tpu.memory_space<vmem>>
        %get3A_983 = arith.index_cast %scan3A_283 : i32 to index
        %get3A_984 = arith.constant 656 : index
        %get3A_985 = tpu.vector_load %get3A_982[%get3A_983, %get3A_984] {strides = array<i32>} : memref<24x1024xf32, #tpu.memory_space<vmem>>, vector<16xf32>,
        %mul3A_986 = arith.constant 3.000000e+01 : f32
        %mul3A_987 = vector.broadcast %mul3A_986 : f32 to vector<16xf32>
        %mul3A_988 = arith.mulf %get3A_985, %mul3A_987 : vector<16xf32>
        %swap3A_989 = arith.constant 0 : i32
        %swap3A_990 = arith.constant 0 : i32
        %swap3A_991 = tpu.memref_slice %arg9[%scan3A_216, %swap3A_989, %swap3A_990] : memref<2x24x1024xf32, #tpu.memory_space<vmem>> -> memref<1x24x1024xf32, #tpu.memory_space<vmem>>
        %swap3A_992 = tpu.memref_squeeze %swap3A_991 : memref<1x24x1024xf32, #tpu.memory_space<vmem>> -> memref<24x1024xf32, #tpu.memory_space<vmem>>
        %swap3A_993 = arith.index_cast %scan3A_283 : i32 to index
        %swap3A_994 = arith.constant 656 : index
        %swap3A_995 = tpu.vector_load %swap3A_992[%swap3A_993, %swap3A_994] {strides = array<i32>} : memref<24x1024xf32, #tpu.memory_space<vmem>>, vector<16xf32>,
        tpu.vector_store %swap3A_992[%swap3A_993, %swap3A_994], %mul3A_988 {strides = array<i32>} : memref<24x1024xf32, #tpu.memory_space<vmem>>, vector<16xf32>,
        %get3A_996 = arith.constant 0 : i32
        %get3A_997 = arith.constant 0 : i32
        %get3A_998 = tpu.memref_slice %arg8[%scan3A_215, %get3A_996, %get3A_997] : memref<2x24x1024xf32, #tpu.memory_space<vmem>> -> memref<1x24x1024xf32, #tpu.memory_space<vmem>>
        %get3A_999 = tpu.memref_squeeze %get3A_998 : memref<1x24x1024xf32, #tpu.memory_space<vmem>> -> memref<24x1024xf32, #tpu.memory_space<vmem>>
        %get3A_1000 = arith.index_cast %scan3A_283 : i32 to index
        %get3A_1001 = arith.constant 672 : index
        %get3A_1002 = tpu.vector_load %get3A_999[%get3A_1000, %get3A_1001] {strides = array<i32>} : memref<24x1024xf32, #tpu.memory_space<vmem>>, vector<16xf32>,
        %mul3A_1003 = arith.constant 3.000000e+01 : f32
        %mul3A_1004 = vector.broadcast %mul3A_1003 : f32 to vector<16xf32>
        %mul3A_1005 = arith.mulf %get3A_1002, %mul3A_1004 : vector<16xf32>
        %swap3A_1006 = arith.constant 0 : i32
        %swap3A_1007 = arith.constant 0 : i32
        %swap3A_1008 = tpu.memref_slice %arg9[%scan3A_216, %swap3A_1006, %swap3A_1007] : memref<2x24x1024xf32, #tpu.memory_space<vmem>> -> memref<1x24x1024xf32, #tpu.memory_space<vmem>>
        %swap3A_1009 = tpu.memref_squeeze %swap3A_1008 : memref<1x24x1024xf32, #tpu.memory_space<vmem>> -> memref<24x1024xf32, #tpu.memory_space<vmem>>
        %swap3A_1010 = arith.index_cast %scan3A_283 : i32 to index
        %swap3A_1011 = arith.constant 672 : index
        %swap3A_1012 = tpu.vector_load %swap3A_1009[%swap3A_1010, %swap3A_1011] {strides = array<i32>} : memref<24x1024xf32, #tpu.memory_space<vmem>>, vector<16xf32>,
        tpu.vector_store %swap3A_1009[%swap3A_1010, %swap3A_1011], %mul3A_1005 {strides = array<i32>} : memref<24x1024xf32, #tpu.memory_space<vmem>>, vector<16xf32>,
        %get3A_1013 = arith.constant 0 : i32
        %get3A_1014 = arith.constant 0 : i32
        %get3A_1015 = tpu.memref_slice %arg8[%scan3A_215, %get3A_1013, %get3A_1014] : memref<2x24x1024xf32, #tpu.memory_space<vmem>> -> memref<1x24x1024xf32, #tpu.memory_space<vmem>>
        %get3A_1016 = tpu.memref_squeeze %get3A_1015 : memref<1x24x1024xf32, #tpu.memory_space<vmem>> -> memref<24x1024xf32, #tpu.memory_space<vmem>>
        %get3A_1017 = arith.index_cast %scan3A_283 : i32 to index
        %get3A_1018 = arith.constant 688 : index
        %get3A_1019 = tpu.vector_load %get3A_1016[%get3A_1017, %get3A_1018] {strides = array<i32>} : memref<24x1024xf32, #tpu.memory_space<vmem>>, vector<16xf32>,
        %mul3A_1020 = arith.constant 3.000000e+01 : f32
        %mul3A_1021 = vector.broadcast %mul3A_1020 : f32 to vector<16xf32>
        %mul3A_1022 = arith.mulf %get3A_1019, %mul3A_1021 : vector<16xf32>
        %swap3A_1023 = arith.constant 0 : i32
        %swap3A_1024 = arith.constant 0 : i32
        %swap3A_1025 = tpu.memref_slice %arg9[%scan3A_216, %swap3A_1023, %swap3A_1024] : memref<2x24x1024xf32, #tpu.memory_space<vmem>> -> memref<1x24x1024xf32, #tpu.memory_space<vmem>>
        %swap3A_1026 = tpu.memref_squeeze %swap3A_1025 : memref<1x24x1024xf32, #tpu.memory_space<vmem>> -> memref<24x1024xf32, #tpu.memory_space<vmem>>
        %swap3A_1027 = arith.index_cast %scan3A_283 : i32 to index
        %swap3A_1028 = arith.constant 688 : index
        %swap3A_1029 = tpu.vector_load %swap3A_1026[%swap3A_1027, %swap3A_1028] {strides = array<i32>} : memref<24x1024xf32, #tpu.memory_space<vmem>>, vector<16xf32>,
        tpu.vector_store %swap3A_1026[%swap3A_1027, %swap3A_1028], %mul3A_1022 {strides = array<i32>} : memref<24x1024xf32, #tpu.memory_space<vmem>>, vector<16xf32>,
        %get3A_1030 = arith.constant 0 : i32
        %get3A_1031 = arith.constant 0 : i32
        %get3A_1032 = tpu.memref_slice %arg8[%scan3A_215, %get3A_1030, %get3A_1031] : memref<2x24x1024xf32, #tpu.memory_space<vmem>> -> memref<1x24x1024xf32, #tpu.memory_space<vmem>>
        %get3A_1033 = tpu.memref_squeeze %get3A_1032 : memref<1x24x1024xf32, #tpu.memory_space<vmem>> -> memref<24x1024xf32, #tpu.memory_space<vmem>>
        %get3A_1034 = arith.index_cast %scan3A_283 : i32 to index
        %get3A_1035 = arith.constant 704 : index
        %get3A_1036 = tpu.vector_load %get3A_1033[%get3A_1034, %get3A_1035] {strides = array<i32>} : memref<24x1024xf32, #tpu.memory_space<vmem>>, vector<16xf32>,
        %mul3A_1037 = arith.constant 3.000000e+01 : f32
        %mul3A_1038 = vector.broadcast %mul3A_1037 : f32 to vector<16xf32>
        %mul3A_1039 = arith.mulf %get3A_1036, %mul3A_1038 : vector<16xf32>
        %swap3A_1040 = arith.constant 0 : i32
        %swap3A_1041 = arith.constant 0 : i32
        %swap3A_1042 = tpu.memref_slice %arg9[%scan3A_216, %swap3A_1040, %swap3A_1041] : memref<2x24x1024xf32, #tpu.memory_space<vmem>> -> memref<1x24x1024xf32, #tpu.memory_space<vmem>>
        %swap3A_1043 = tpu.memref_squeeze %swap3A_1042 : memref<1x24x1024xf32, #tpu.memory_space<vmem>> -> memref<24x1024xf32, #tpu.memory_space<vmem>>
        %swap3A_1044 = arith.index_cast %scan3A_283 : i32 to index
        %swap3A_1045 = arith.constant 704 : index
        %swap3A_1046 = tpu.vector_load %swap3A_1043[%swap3A_1044, %swap3A_1045] {strides = array<i32>} : memref<24x1024xf32, #tpu.memory_space<vmem>>, vector<16xf32>,
        tpu.vector_store %swap3A_1043[%swap3A_1044, %swap3A_1045], %mul3A_1039 {strides = array<i32>} : memref<24x1024xf32, #tpu.memory_space<vmem>>, vector<16xf32>,
        %get3A_1047 = arith.constant 0 : i32
        %get3A_1048 = arith.constant 0 : i32
        %get3A_1049 = tpu.memref_slice %arg8[%scan3A_215, %get3A_1047, %get3A_1048] : memref<2x24x1024xf32, #tpu.memory_space<vmem>> -> memref<1x24x1024xf32, #tpu.memory_space<vmem>>
        %get3A_1050 = tpu.memref_squeeze %get3A_1049 : memref<1x24x1024xf32, #tpu.memory_space<vmem>> -> memref<24x1024xf32, #tpu.memory_space<vmem>>
        %get3A_1051 = arith.index_cast %scan3A_283 : i32 to index
        %get3A_1052 = arith.constant 720 : index
        %get3A_1053 = tpu.vector_load %get3A_1050[%get3A_1051, %get3A_1052] {strides = array<i32>} : memref<24x1024xf32, #tpu.memory_space<vmem>>, vector<16xf32>,
        %mul3A_1054 = arith.constant 3.000000e+01 : f32
        %mul3A_1055 = vector.broadcast %mul3A_1054 : f32 to vector<16xf32>
        %mul3A_1056 = arith.mulf %get3A_1053, %mul3A_1055 : vector<16xf32>
        %swap3A_1057 = arith.constant 0 : i32
        %swap3A_1058 = arith.constant 0 : i32
        %swap3A_1059 = tpu.memref_slice %arg9[%scan3A_216, %swap3A_1057, %swap3A_1058] : memref<2x24x1024xf32, #tpu.memory_space<vmem>> -> memref<1x24x1024xf32, #tpu.memory_space<vmem>>
        %swap3A_1060 = tpu.memref_squeeze %swap3A_1059 : memref<1x24x1024xf32, #tpu.memory_space<vmem>> -> memref<24x1024xf32, #tpu.memory_space<vmem>>
        %swap3A_1061 = arith.index_cast %scan3A_283 : i32 to index
        %swap3A_1062 = arith.constant 720 : index
        %swap3A_1063 = tpu.vector_load %swap3A_1060[%swap3A_1061, %swap3A_1062] {strides = array<i32>} : memref<24x1024xf32, #tpu.memory_space<vmem>>, vector<16xf32>,
        tpu.vector_store %swap3A_1060[%swap3A_1061, %swap3A_1062], %mul3A_1056 {strides = array<i32>} : memref<24x1024xf32, #tpu.memory_space<vmem>>, vector<16xf32>,
        %get3A_1064 = arith.constant 0 : i32
        %get3A_1065 = arith.constant 0 : i32
        %get3A_1066 = tpu.memref_slice %arg8[%scan3A_215, %get3A_1064, %get3A_1065] : memref<2x24x1024xf32, #tpu.memory_space<vmem>> -> memref<1x24x1024xf32, #tpu.memory_space<vmem>>
        %get3A_1067 = tpu.memref_squeeze %get3A_1066 : memref<1x24x1024xf32, #tpu.memory_space<vmem>> -> memref<24x1024xf32, #tpu.memory_space<vmem>>
        %get3A_1068 = arith.index_cast %scan3A_283 : i32 to index
        %get3A_1069 = arith.constant 736 : index
        %get3A_1070 = tpu.vector_load %get3A_1067[%get3A_1068, %get3A_1069] {strides = array<i32>} : memref<24x1024xf32, #tpu.memory_space<vmem>>, vector<16xf32>,
        %mul3A_1071 = arith.constant 3.000000e+01 : f32
        %mul3A_1072 = vector.broadcast %mul3A_1071 : f32 to vector<16xf32>
        %mul3A_1073 = arith.mulf %get3A_1070, %mul3A_1072 : vector<16xf32>
        %swap3A_1074 = arith.constant 0 : i32
        %swap3A_1075 = arith.constant 0 : i32
        %swap3A_1076 = tpu.memref_slice %arg9[%scan3A_216, %swap3A_1074, %swap3A_1075] : memref<2x24x1024xf32, #tpu.memory_space<vmem>> -> memref<1x24x1024xf32, #tpu.memory_space<vmem>>
        %swap3A_1077 = tpu.memref_squeeze %swap3A_1076 : memref<1x24x1024xf32, #tpu.memory_space<vmem>> -> memref<24x1024xf32, #tpu.memory_space<vmem>>
        %swap3A_1078 = arith.index_cast %scan3A_283 : i32 to index
        %swap3A_1079 = arith.constant 736 : index
        %swap3A_1080 = tpu.vector_load %swap3A_1077[%swap3A_1078, %swap3A_1079] {strides = array<i32>} : memref<24x1024xf32, #tpu.memory_space<vmem>>, vector<16xf32>,
        tpu.vector_store %swap3A_1077[%swap3A_1078, %swap3A_1079], %mul3A_1073 {strides = array<i32>} : memref<24x1024xf32, #tpu.memory_space<vmem>>, vector<16xf32>,
        %get3A_1081 = arith.constant 0 : i32
        %get3A_1082 = arith.constant 0 : i32
        %get3A_1083 = tpu.memref_slice %arg8[%scan3A_215, %get3A_1081, %get3A_1082] : memref<2x24x1024xf32, #tpu.memory_space<vmem>> -> memref<1x24x1024xf32, #tpu.memory_space<vmem>>
        %get3A_1084 = tpu.memref_squeeze %get3A_1083 : memref<1x24x1024xf32, #tpu.memory_space<vmem>> -> memref<24x1024xf32, #tpu.memory_space<vmem>>
        %get3A_1085 = arith.index_cast %scan3A_283 : i32 to index
        %get3A_1086 = arith.constant 752 : index
        %get3A_1087 = tpu.vector_load %get3A_1084[%get3A_1085, %get3A_1086] {strides = array<i32>} : memref<24x1024xf32, #tpu.memory_space<vmem>>, vector<16xf32>,
        %mul3A_1088 = arith.constant 3.000000e+01 : f32
        %mul3A_1089 = vector.broadcast %mul3A_1088 : f32 to vector<16xf32>
        %mul3A_1090 = arith.mulf %get3A_1087, %mul3A_1089 : vector<16xf32>
        %swap3A_1091 = arith.constant 0 : i32
        %swap3A_1092 = arith.constant 0 : i32
        %swap3A_1093 = tpu.memref_slice %arg9[%scan3A_216, %swap3A_1091, %swap3A_1092] : memref<2x24x1024xf32, #tpu.memory_space<vmem>> -> memref<1x24x1024xf32, #tpu.memory_space<vmem>>
        %swap3A_1094 = tpu.memref_squeeze %swap3A_1093 : memref<1x24x1024xf32, #tpu.memory_space<vmem>> -> memref<24x1024xf32, #tpu.memory_space<vmem>>
        %swap3A_1095 = arith.index_cast %scan3A_283 : i32 to index
        %swap3A_1096 = arith.constant 752 : index
        %swap3A_1097 = tpu.vector_load %swap3A_1094[%swap3A_1095, %swap3A_1096] {strides = array<i32>} : memref<24x1024xf32, #tpu.memory_space<vmem>>, vector<16xf32>,
        tpu.vector_store %swap3A_1094[%swap3A_1095, %swap3A_1096], %mul3A_1090 {strides = array<i32>} : memref<24x1024xf32, #tpu.memory_space<vmem>>, vector<16xf32>,
        %get3A_1098 = arith.constant 0 : i32
        %get3A_1099 = arith.constant 0 : i32
        %get3A_1100 = tpu.memref_slice %arg8[%scan3A_215, %get3A_1098, %get3A_1099] : memref<2x24x1024xf32, #tpu.memory_space<vmem>> -> memref<1x24x1024xf32, #tpu.memory_space<vmem>>
        %get3A_1101 = tpu.memref_squeeze %get3A_1100 : memref<1x24x1024xf32, #tpu.memory_space<vmem>> -> memref<24x1024xf32, #tpu.memory_space<vmem>>
        %get3A_1102 = arith.index_cast %scan3A_283 : i32 to index
        %get3A_1103 = arith.constant 768 : index
        %get3A_1104 = tpu.vector_load %get3A_1101[%get3A_1102, %get3A_1103] {strides = array<i32>} : memref<24x1024xf32, #tpu.memory_space<vmem>>, vector<16xf32>,
        %mul3A_1105 = arith.constant 3.000000e+01 : f32
        %mul3A_1106 = vector.broadcast %mul3A_1105 : f32 to vector<16xf32>
        %mul3A_1107 = arith.mulf %get3A_1104, %mul3A_1106 : vector<16xf32>
        %swap3A_1108 = arith.constant 0 : i32
        %swap3A_1109 = arith.constant 0 : i32
        %swap3A_1110 = tpu.memref_slice %arg9[%scan3A_216, %swap3A_1108, %swap3A_1109] : memref<2x24x1024xf32, #tpu.memory_space<vmem>> -> memref<1x24x1024xf32, #tpu.memory_space<vmem>>
        %swap3A_1111 = tpu.memref_squeeze %swap3A_1110 : memref<1x24x1024xf32, #tpu.memory_space<vmem>> -> memref<24x1024xf32, #tpu.memory_space<vmem>>
        %swap3A_1112 = arith.index_cast %scan3A_283 : i32 to index
        %swap3A_1113 = arith.constant 768 : index
        %swap3A_1114 = tpu.vector_load %swap3A_1111[%swap3A_1112, %swap3A_1113] {strides = array<i32>} : memref<24x1024xf32, #tpu.memory_space<vmem>>, vector<16xf32>,
        tpu.vector_store %swap3A_1111[%swap3A_1112, %swap3A_1113], %mul3A_1107 {strides = array<i32>} : memref<24x1024xf32, #tpu.memory_space<vmem>>, vector<16xf32>,
        %get3A_1115 = arith.constant 0 : i32
        %get3A_1116 = arith.constant 0 : i32
        %get3A_1117 = tpu.memref_slice %arg8[%scan3A_215, %get3A_1115, %get3A_1116] : memref<2x24x1024xf32, #tpu.memory_space<vmem>> -> memref<1x24x1024xf32, #tpu.memory_space<vmem>>
        %get3A_1118 = tpu.memref_squeeze %get3A_1117 : memref<1x24x1024xf32, #tpu.memory_space<vmem>> -> memref<24x1024xf32, #tpu.memory_space<vmem>>
        %get3A_1119 = arith.index_cast %scan3A_283 : i32 to index
        %get3A_1120 = arith.constant 784 : index
        %get3A_1121 = tpu.vector_load %get3A_1118[%get3A_1119, %get3A_1120] {strides = array<i32>} : memref<24x1024xf32, #tpu.memory_space<vmem>>, vector<16xf32>,
        %mul3A_1122 = arith.constant 3.000000e+01 : f32
        %mul3A_1123 = vector.broadcast %mul3A_1122 : f32 to vector<16xf32>
        %mul3A_1124 = arith.mulf %get3A_1121, %mul3A_1123 : vector<16xf32>
        %swap3A_1125 = arith.constant 0 : i32
        %swap3A_1126 = arith.constant 0 : i32
        %swap3A_1127 = tpu.memref_slice %arg9[%scan3A_216, %swap3A_1125, %swap3A_1126] : memref<2x24x1024xf32, #tpu.memory_space<vmem>> -> memref<1x24x1024xf32, #tpu.memory_space<vmem>>
        %swap3A_1128 = tpu.memref_squeeze %swap3A_1127 : memref<1x24x1024xf32, #tpu.memory_space<vmem>> -> memref<24x1024xf32, #tpu.memory_space<vmem>>
        %swap3A_1129 = arith.index_cast %scan3A_283 : i32 to index
        %swap3A_1130 = arith.constant 784 : index
        %swap3A_1131 = tpu.vector_load %swap3A_1128[%swap3A_1129, %swap3A_1130] {strides = array<i32>} : memref<24x1024xf32, #tpu.memory_space<vmem>>, vector<16xf32>,
        tpu.vector_store %swap3A_1128[%swap3A_1129, %swap3A_1130], %mul3A_1124 {strides = array<i32>} : memref<24x1024xf32, #tpu.memory_space<vmem>>, vector<16xf32>,
        %get3A_1132 = arith.constant 0 : i32
        %get3A_1133 = arith.constant 0 : i32
        %get3A_1134 = tpu.memref_slice %arg8[%scan3A_215, %get3A_1132, %get3A_1133] : memref<2x24x1024xf32, #tpu.memory_space<vmem>> -> memref<1x24x1024xf32, #tpu.memory_space<vmem>>
        %get3A_1135 = tpu.memref_squeeze %get3A_1134 : memref<1x24x1024xf32, #tpu.memory_space<vmem>> -> memref<24x1024xf32, #tpu.memory_space<vmem>>
        %get3A_1136 = arith.index_cast %scan3A_283 : i32 to index
        %get3A_1137 = arith.constant 800 : index
        %get3A_1138 = tpu.vector_load %get3A_1135[%get3A_1136, %get3A_1137] {strides = array<i32>} : memref<24x1024xf32, #tpu.memory_space<vmem>>, vector<16xf32>,
        %mul3A_1139 = arith.constant 3.000000e+01 : f32
        %mul3A_1140 = vector.broadcast %mul3A_1139 : f32 to vector<16xf32>
        %mul3A_1141 = arith.mulf %get3A_1138, %mul3A_1140 : vector<16xf32>
        %swap3A_1142 = arith.constant 0 : i32
        %swap3A_1143 = arith.constant 0 : i32
        %swap3A_1144 = tpu.memref_slice %arg9[%scan3A_216, %swap3A_1142, %swap3A_1143] : memref<2x24x1024xf32, #tpu.memory_space<vmem>> -> memref<1x24x1024xf32, #tpu.memory_space<vmem>>
        %swap3A_1145 = tpu.memref_squeeze %swap3A_1144 : memref<1x24x1024xf32, #tpu.memory_space<vmem>> -> memref<24x1024xf32, #tpu.memory_space<vmem>>
        %swap3A_1146 = arith.index_cast %scan3A_283 : i32 to index
        %swap3A_1147 = arith.constant 800 : index
        %swap3A_1148 = tpu.vector_load %swap3A_1145[%swap3A_1146, %swap3A_1147] {strides = array<i32>} : memref<24x1024xf32, #tpu.memory_space<vmem>>, vector<16xf32>,
        tpu.vector_store %swap3A_1145[%swap3A_1146, %swap3A_1147], %mul3A_1141 {strides = array<i32>} : memref<24x1024xf32, #tpu.memory_space<vmem>>, vector<16xf32>,
        %get3A_1149 = arith.constant 0 : i32
        %get3A_1150 = arith.constant 0 : i32
        %get3A_1151 = tpu.memref_slice %arg8[%scan3A_215, %get3A_1149, %get3A_1150] : memref<2x24x1024xf32, #tpu.memory_space<vmem>> -> memref<1x24x1024xf32, #tpu.memory_space<vmem>>
        %get3A_1152 = tpu.memref_squeeze %get3A_1151 : memref<1x24x1024xf32, #tpu.memory_space<vmem>> -> memref<24x1024xf32, #tpu.memory_space<vmem>>
        %get3A_1153 = arith.index_cast %scan3A_283 : i32 to index
        %get3A_1154 = arith.constant 816 : index
        %get3A_1155 = tpu.vector_load %get3A_1152[%get3A_1153, %get3A_1154] {strides = array<i32>} : memref<24x1024xf32, #tpu.memory_space<vmem>>, vector<16xf32>,
        %mul3A_1156 = arith.constant 3.000000e+01 : f32
        %mul3A_1157 = vector.broadcast %mul3A_1156 : f32 to vector<16xf32>
        %mul3A_1158 = arith.mulf %get3A_1155, %mul3A_1157 : vector<16xf32>
        %swap3A_1159 = arith.constant 0 : i32
        %swap3A_1160 = arith.constant 0 : i32
        %swap3A_1161 = tpu.memref_slice %arg9[%scan3A_216, %swap3A_1159, %swap3A_1160] : memref<2x24x1024xf32, #tpu.memory_space<vmem>> -> memref<1x24x1024xf32, #tpu.memory_space<vmem>>
        %swap3A_1162 = tpu.memref_squeeze %swap3A_1161 : memref<1x24x1024xf32, #tpu.memory_space<vmem>> -> memref<24x1024xf32, #tpu.memory_space<vmem>>
        %swap3A_1163 = arith.index_cast %scan3A_283 : i32 to index
        %swap3A_1164 = arith.constant 816 : index
        %swap3A_1165 = tpu.vector_load %swap3A_1162[%swap3A_1163, %swap3A_1164] {strides = array<i32>} : memref<24x1024xf32, #tpu.memory_space<vmem>>, vector<16xf32>,
        tpu.vector_store %swap3A_1162[%swap3A_1163, %swap3A_1164], %mul3A_1158 {strides = array<i32>} : memref<24x1024xf32, #tpu.memory_space<vmem>>, vector<16xf32>,
        %get3A_1166 = arith.constant 0 : i32
        %get3A_1167 = arith.constant 0 : i32
        %get3A_1168 = tpu.memref_slice %arg8[%scan3A_215, %get3A_1166, %get3A_1167] : memref<2x24x1024xf32, #tpu.memory_space<vmem>> -> memref<1x24x1024xf32, #tpu.memory_space<vmem>>
        %get3A_1169 = tpu.memref_squeeze %get3A_1168 : memref<1x24x1024xf32, #tpu.memory_space<vmem>> -> memref<24x1024xf32, #tpu.memory_space<vmem>>
        %get3A_1170 = arith.index_cast %scan3A_283 : i32 to index
        %get3A_1171 = arith.constant 832 : index
        %get3A_1172 = tpu.vector_load %get3A_1169[%get3A_1170, %get3A_1171] {strides = array<i32>} : memref<24x1024xf32, #tpu.memory_space<vmem>>, vector<16xf32>,
        %mul3A_1173 = arith.constant 3.000000e+01 : f32
        %mul3A_1174 = vector.broadcast %mul3A_1173 : f32 to vector<16xf32>
        %mul3A_1175 = arith.mulf %get3A_1172, %mul3A_1174 : vector<16xf32>
        %swap3A_1176 = arith.constant 0 : i32
        %swap3A_1177 = arith.constant 0 : i32
        %swap3A_1178 = tpu.memref_slice %arg9[%scan3A_216, %swap3A_1176, %swap3A_1177] : memref<2x24x1024xf32, #tpu.memory_space<vmem>> -> memref<1x24x1024xf32, #tpu.memory_space<vmem>>
        %swap3A_1179 = tpu.memref_squeeze %swap3A_1178 : memref<1x24x1024xf32, #tpu.memory_space<vmem>> -> memref<24x1024xf32, #tpu.memory_space<vmem>>
        %swap3A_1180 = arith.index_cast %scan3A_283 : i32 to index
        %swap3A_1181 = arith.constant 832 : index
        %swap3A_1182 = tpu.vector_load %swap3A_1179[%swap3A_1180, %swap3A_1181] {strides = array<i32>} : memref<24x1024xf32, #tpu.memory_space<vmem>>, vector<16xf32>,
        tpu.vector_store %swap3A_1179[%swap3A_1180, %swap3A_1181], %mul3A_1175 {strides = array<i32>} : memref<24x1024xf32, #tpu.memory_space<vmem>>, vector<16xf32>,
        %get3A_1183 = arith.constant 0 : i32
        %get3A_1184 = arith.constant 0 : i32
        %get3A_1185 = tpu.memref_slice %arg8[%scan3A_215, %get3A_1183, %get3A_1184] : memref<2x24x1024xf32, #tpu.memory_space<vmem>> -> memref<1x24x1024xf32, #tpu.memory_space<vmem>>
        %get3A_1186 = tpu.memref_squeeze %get3A_1185 : memref<1x24x1024xf32, #tpu.memory_space<vmem>> -> memref<24x1024xf32, #tpu.memory_space<vmem>>
        %get3A_1187 = arith.index_cast %scan3A_283 : i32 to index
        %get3A_1188 = arith.constant 848 : index
        %get3A_1189 = tpu.vector_load %get3A_1186[%get3A_1187, %get3A_1188] {strides = array<i32>} : memref<24x1024xf32, #tpu.memory_space<vmem>>, vector<16xf32>,
        %mul3A_1190 = arith.constant 3.000000e+01 : f32
        %mul3A_1191 = vector.broadcast %mul3A_1190 : f32 to vector<16xf32>
        %mul3A_1192 = arith.mulf %get3A_1189, %mul3A_1191 : vector<16xf32>
        %swap3A_1193 = arith.constant 0 : i32
        %swap3A_1194 = arith.constant 0 : i32
        %swap3A_1195 = tpu.memref_slice %arg9[%scan3A_216, %swap3A_1193, %swap3A_1194] : memref<2x24x1024xf32, #tpu.memory_space<vmem>> -> memref<1x24x1024xf32, #tpu.memory_space<vmem>>
        %swap3A_1196 = tpu.memref_squeeze %swap3A_1195 : memref<1x24x1024xf32, #tpu.memory_space<vmem>> -> memref<24x1024xf32, #tpu.memory_space<vmem>>
        %swap3A_1197 = arith.index_cast %scan3A_283 : i32 to index
        %swap3A_1198 = arith.constant 848 : index
        %swap3A_1199 = tpu.vector_load %swap3A_1196[%swap3A_1197, %swap3A_1198] {strides = array<i32>} : memref<24x1024xf32, #tpu.memory_space<vmem>>, vector<16xf32>,
        tpu.vector_store %swap3A_1196[%swap3A_1197, %swap3A_1198], %mul3A_1192 {strides = array<i32>} : memref<24x1024xf32, #tpu.memory_space<vmem>>, vector<16xf32>,
        %get3A_1200 = arith.constant 0 : i32
        %get3A_1201 = arith.constant 0 : i32
        %get3A_1202 = tpu.memref_slice %arg8[%scan3A_215, %get3A_1200, %get3A_1201] : memref<2x24x1024xf32, #tpu.memory_space<vmem>> -> memref<1x24x1024xf32, #tpu.memory_space<vmem>>
        %get3A_1203 = tpu.memref_squeeze %get3A_1202 : memref<1x24x1024xf32, #tpu.memory_space<vmem>> -> memref<24x1024xf32, #tpu.memory_space<vmem>>
        %get3A_1204 = arith.index_cast %scan3A_283 : i32 to index
        %get3A_1205 = arith.constant 864 : index
        %get3A_1206 = tpu.vector_load %get3A_1203[%get3A_1204, %get3A_1205] {strides = array<i32>} : memref<24x1024xf32, #tpu.memory_space<vmem>>, vector<16xf32>,
        %mul3A_1207 = arith.constant 3.000000e+01 : f32
        %mul3A_1208 = vector.broadcast %mul3A_1207 : f32 to vector<16xf32>
        %mul3A_1209 = arith.mulf %get3A_1206, %mul3A_1208 : vector<16xf32>
        %swap3A_1210 = arith.constant 0 : i32
        %swap3A_1211 = arith.constant 0 : i32
        %swap3A_1212 = tpu.memref_slice %arg9[%scan3A_216, %swap3A_1210, %swap3A_1211] : memref<2x24x1024xf32, #tpu.memory_space<vmem>> -> memref<1x24x1024xf32, #tpu.memory_space<vmem>>
        %swap3A_1213 = tpu.memref_squeeze %swap3A_1212 : memref<1x24x1024xf32, #tpu.memory_space<vmem>> -> memref<24x1024xf32, #tpu.memory_space<vmem>>
        %swap3A_1214 = arith.index_cast %scan3A_283 : i32 to index
        %swap3A_1215 = arith.constant 864 : index
        %swap3A_1216 = tpu.vector_load %swap3A_1213[%swap3A_1214, %swap3A_1215] {strides = array<i32>} : memref<24x1024xf32, #tpu.memory_space<vmem>>, vector<16xf32>,
        tpu.vector_store %swap3A_1213[%swap3A_1214, %swap3A_1215], %mul3A_1209 {strides = array<i32>} : memref<24x1024xf32, #tpu.memory_space<vmem>>, vector<16xf32>,
        %get3A_1217 = arith.constant 0 : i32
        %get3A_1218 = arith.constant 0 : i32
        %get3A_1219 = tpu.memref_slice %arg8[%scan3A_215, %get3A_1217, %get3A_1218] : memref<2x24x1024xf32, #tpu.memory_space<vmem>> -> memref<1x24x1024xf32, #tpu.memory_space<vmem>>
        %get3A_1220 = tpu.memref_squeeze %get3A_1219 : memref<1x24x1024xf32, #tpu.memory_space<vmem>> -> memref<24x1024xf32, #tpu.memory_space<vmem>>
        %get3A_1221 = arith.index_cast %scan3A_283 : i32 to index
        %get3A_1222 = arith.constant 880 : index
        %get3A_1223 = tpu.vector_load %get3A_1220[%get3A_1221, %get3A_1222] {strides = array<i32>} : memref<24x1024xf32, #tpu.memory_space<vmem>>, vector<16xf32>,
        %mul3A_1224 = arith.constant 3.000000e+01 : f32
        %mul3A_1225 = vector.broadcast %mul3A_1224 : f32 to vector<16xf32>
        %mul3A_1226 = arith.mulf %get3A_1223, %mul3A_1225 : vector<16xf32>
        %swap3A_1227 = arith.constant 0 : i32
        %swap3A_1228 = arith.constant 0 : i32
        %swap3A_1229 = tpu.memref_slice %arg9[%scan3A_216, %swap3A_1227, %swap3A_1228] : memref<2x24x1024xf32, #tpu.memory_space<vmem>> -> memref<1x24x1024xf32, #tpu.memory_space<vmem>>
        %swap3A_1230 = tpu.memref_squeeze %swap3A_1229 : memref<1x24x1024xf32, #tpu.memory_space<vmem>> -> memref<24x1024xf32, #tpu.memory_space<vmem>>
        %swap3A_1231 = arith.index_cast %scan3A_283 : i32 to index
        %swap3A_1232 = arith.constant 880 : index
        %swap3A_1233 = tpu.vector_load %swap3A_1230[%swap3A_1231, %swap3A_1232] {strides = array<i32>} : memref<24x1024xf32, #tpu.memory_space<vmem>>, vector<16xf32>,
        tpu.vector_store %swap3A_1230[%swap3A_1231, %swap3A_1232], %mul3A_1226 {strides = array<i32>} : memref<24x1024xf32, #tpu.memory_space<vmem>>, vector<16xf32>,
        %get3A_1234 = arith.constant 0 : i32
        %get3A_1235 = arith.constant 0 : i32
        %get3A_1236 = tpu.memref_slice %arg8[%scan3A_215, %get3A_1234, %get3A_1235] : memref<2x24x1024xf32, #tpu.memory_space<vmem>> -> memref<1x24x1024xf32, #tpu.memory_space<vmem>>
        %get3A_1237 = tpu.memref_squeeze %get3A_1236 : memref<1x24x1024xf32, #tpu.memory_space<vmem>> -> memref<24x1024xf32, #tpu.memory_space<vmem>>
        %get3A_1238 = arith.index_cast %scan3A_283 : i32 to index
        %get3A_1239 = arith.constant 896 : index
        %get3A_1240 = tpu.vector_load %get3A_1237[%get3A_1238, %get3A_1239] {strides = array<i32>} : memref<24x1024xf32, #tpu.memory_space<vmem>>, vector<16xf32>,
        %mul3A_1241 = arith.constant 3.000000e+01 : f32
        %mul3A_1242 = vector.broadcast %mul3A_1241 : f32 to vector<16xf32>
        %mul3A_1243 = arith.mulf %get3A_1240, %mul3A_1242 : vector<16xf32>
        %swap3A_1244 = arith.constant 0 : i32
        %swap3A_1245 = arith.constant 0 : i32
        %swap3A_1246 = tpu.memref_slice %arg9[%scan3A_216, %swap3A_1244, %swap3A_1245] : memref<2x24x1024xf32, #tpu.memory_space<vmem>> -> memref<1x24x1024xf32, #tpu.memory_space<vmem>>
        %swap3A_1247 = tpu.memref_squeeze %swap3A_1246 : memref<1x24x1024xf32, #tpu.memory_space<vmem>> -> memref<24x1024xf32, #tpu.memory_space<vmem>>
        %swap3A_1248 = arith.index_cast %scan3A_283 : i32 to index
        %swap3A_1249 = arith.constant 896 : index
        %swap3A_1250 = tpu.vector_load %swap3A_1247[%swap3A_1248, %swap3A_1249] {strides = array<i32>} : memref<24x1024xf32, #tpu.memory_space<vmem>>, vector<16xf32>,
        tpu.vector_store %swap3A_1247[%swap3A_1248, %swap3A_1249], %mul3A_1243 {strides = array<i32>} : memref<24x1024xf32, #tpu.memory_space<vmem>>, vector<16xf32>,
        %get3A_1251 = arith.constant 0 : i32
        %get3A_1252 = arith.constant 0 : i32
        %get3A_1253 = tpu.memref_slice %arg8[%scan3A_215, %get3A_1251, %get3A_1252] : memref<2x24x1024xf32, #tpu.memory_space<vmem>> -> memref<1x24x1024xf32, #tpu.memory_space<vmem>>
        %get3A_1254 = tpu.memref_squeeze %get3A_1253 : memref<1x24x1024xf32, #tpu.memory_space<vmem>> -> memref<24x1024xf32, #tpu.memory_space<vmem>>
        %get3A_1255 = arith.index_cast %scan3A_283 : i32 to index
        %get3A_1256 = arith.constant 912 : index
        %get3A_1257 = tpu.vector_load %get3A_1254[%get3A_1255, %get3A_1256] {strides = array<i32>} : memref<24x1024xf32, #tpu.memory_space<vmem>>, vector<16xf32>,
        %mul3A_1258 = arith.constant 3.000000e+01 : f32
        %mul3A_1259 = vector.broadcast %mul3A_1258 : f32 to vector<16xf32>
        %mul3A_1260 = arith.mulf %get3A_1257, %mul3A_1259 : vector<16xf32>
        %swap3A_1261 = arith.constant 0 : i32
        %swap3A_1262 = arith.constant 0 : i32
        %swap3A_1263 = tpu.memref_slice %arg9[%scan3A_216, %swap3A_1261, %swap3A_1262] : memref<2x24x1024xf32, #tpu.memory_space<vmem>> -> memref<1x24x1024xf32, #tpu.memory_space<vmem>>
        %swap3A_1264 = tpu.memref_squeeze %swap3A_1263 : memref<1x24x1024xf32, #tpu.memory_space<vmem>> -> memref<24x1024xf32, #tpu.memory_space<vmem>>
        %swap3A_1265 = arith.index_cast %scan3A_283 : i32 to index
        %swap3A_1266 = arith.constant 912 : index
        %swap3A_1267 = tpu.vector_load %swap3A_1264[%swap3A_1265, %swap3A_1266] {strides = array<i32>} : memref<24x1024xf32, #tpu.memory_space<vmem>>, vector<16xf32>,
        tpu.vector_store %swap3A_1264[%swap3A_1265, %swap3A_1266], %mul3A_1260 {strides = array<i32>} : memref<24x1024xf32, #tpu.memory_space<vmem>>, vector<16xf32>,
        %get3A_1268 = arith.constant 0 : i32
        %get3A_1269 = arith.constant 0 : i32
        %get3A_1270 = tpu.memref_slice %arg8[%scan3A_215, %get3A_1268, %get3A_1269] : memref<2x24x1024xf32, #tpu.memory_space<vmem>> -> memref<1x24x1024xf32, #tpu.memory_space<vmem>>
        %get3A_1271 = tpu.memref_squeeze %get3A_1270 : memref<1x24x1024xf32, #tpu.memory_space<vmem>> -> memref<24x1024xf32, #tpu.memory_space<vmem>>
        %get3A_1272 = arith.index_cast %scan3A_283 : i32 to index
        %get3A_1273 = arith.constant 928 : index
        %get3A_1274 = tpu.vector_load %get3A_1271[%get3A_1272, %get3A_1273] {strides = array<i32>} : memref<24x1024xf32, #tpu.memory_space<vmem>>, vector<16xf32>,
        %mul3A_1275 = arith.constant 3.000000e+01 : f32
        %mul3A_1276 = vector.broadcast %mul3A_1275 : f32 to vector<16xf32>
        %mul3A_1277 = arith.mulf %get3A_1274, %mul3A_1276 : vector<16xf32>
        %swap3A_1278 = arith.constant 0 : i32
        %swap3A_1279 = arith.constant 0 : i32
        %swap3A_1280 = tpu.memref_slice %arg9[%scan3A_216, %swap3A_1278, %swap3A_1279] : memref<2x24x1024xf32, #tpu.memory_space<vmem>> -> memref<1x24x1024xf32, #tpu.memory_space<vmem>>
        %swap3A_1281 = tpu.memref_squeeze %swap3A_1280 : memref<1x24x1024xf32, #tpu.memory_space<vmem>> -> memref<24x1024xf32, #tpu.memory_space<vmem>>
        %swap3A_1282 = arith.index_cast %scan3A_283 : i32 to index
        %swap3A_1283 = arith.constant 928 : index
        %swap3A_1284 = tpu.vector_load %swap3A_1281[%swap3A_1282, %swap3A_1283] {strides = array<i32>} : memref<24x1024xf32, #tpu.memory_space<vmem>>, vector<16xf32>,
        tpu.vector_store %swap3A_1281[%swap3A_1282, %swap3A_1283], %mul3A_1277 {strides = array<i32>} : memref<24x1024xf32, #tpu.memory_space<vmem>>, vector<16xf32>,
        %get3A_1285 = arith.constant 0 : i32
        %get3A_1286 = arith.constant 0 : i32
        %get3A_1287 = tpu.memref_slice %arg8[%scan3A_215, %get3A_1285, %get3A_1286] : memref<2x24x1024xf32, #tpu.memory_space<vmem>> -> memref<1x24x1024xf32, #tpu.memory_space<vmem>>
        %get3A_1288 = tpu.memref_squeeze %get3A_1287 : memref<1x24x1024xf32, #tpu.memory_space<vmem>> -> memref<24x1024xf32, #tpu.memory_space<vmem>>
        %get3A_1289 = arith.index_cast %scan3A_283 : i32 to index
        %get3A_1290 = arith.constant 944 : index
        %get3A_1291 = tpu.vector_load %get3A_1288[%get3A_1289, %get3A_1290] {strides = array<i32>} : memref<24x1024xf32, #tpu.memory_space<vmem>>, vector<16xf32>,
        %mul3A_1292 = arith.constant 3.000000e+01 : f32
        %mul3A_1293 = vector.broadcast %mul3A_1292 : f32 to vector<16xf32>
        %mul3A_1294 = arith.mulf %get3A_1291, %mul3A_1293 : vector<16xf32>
        %swap3A_1295 = arith.constant 0 : i32
        %swap3A_1296 = arith.constant 0 : i32
        %swap3A_1297 = tpu.memref_slice %arg9[%scan3A_216, %swap3A_1295, %swap3A_1296] : memref<2x24x1024xf32, #tpu.memory_space<vmem>> -> memref<1x24x1024xf32, #tpu.memory_space<vmem>>
        %swap3A_1298 = tpu.memref_squeeze %swap3A_1297 : memref<1x24x1024xf32, #tpu.memory_space<vmem>> -> memref<24x1024xf32, #tpu.memory_space<vmem>>
        %swap3A_1299 = arith.index_cast %scan3A_283 : i32 to index
        %swap3A_1300 = arith.constant 944 : index
        %swap3A_1301 = tpu.vector_load %swap3A_1298[%swap3A_1299, %swap3A_1300] {strides = array<i32>} : memref<24x1024xf32, #tpu.memory_space<vmem>>, vector<16xf32>,
        tpu.vector_store %swap3A_1298[%swap3A_1299, %swap3A_1300], %mul3A_1294 {strides = array<i32>} : memref<24x1024xf32, #tpu.memory_space<vmem>>, vector<16xf32>,
        %get3A_1302 = arith.constant 0 : i32
        %get3A_1303 = arith.constant 0 : i32
        %get3A_1304 = tpu.memref_slice %arg8[%scan3A_215, %get3A_1302, %get3A_1303] : memref<2x24x1024xf32, #tpu.memory_space<vmem>> -> memref<1x24x1024xf32, #tpu.memory_space<vmem>>
        %get3A_1305 = tpu.memref_squeeze %get3A_1304 : memref<1x24x1024xf32, #tpu.memory_space<vmem>> -> memref<24x1024xf32, #tpu.memory_space<vmem>>
        %get3A_1306 = arith.index_cast %scan3A_283 : i32 to index
        %get3A_1307 = arith.constant 960 : index
        %get3A_1308 = tpu.vector_load %get3A_1305[%get3A_1306, %get3A_1307] {strides = array<i32>} : memref<24x1024xf32, #tpu.memory_space<vmem>>, vector<16xf32>,
        %mul3A_1309 = arith.constant 3.000000e+01 : f32
        %mul3A_1310 = vector.broadcast %mul3A_1309 : f32 to vector<16xf32>
        %mul3A_1311 = arith.mulf %get3A_1308, %mul3A_1310 : vector<16xf32>
        %swap3A_1312 = arith.constant 0 : i32
        %swap3A_1313 = arith.constant 0 : i32
        %swap3A_1314 = tpu.memref_slice %arg9[%scan3A_216, %swap3A_1312, %swap3A_1313] : memref<2x24x1024xf32, #tpu.memory_space<vmem>> -> memref<1x24x1024xf32, #tpu.memory_space<vmem>>
        %swap3A_1315 = tpu.memref_squeeze %swap3A_1314 : memref<1x24x1024xf32, #tpu.memory_space<vmem>> -> memref<24x1024xf32, #tpu.memory_space<vmem>>
        %swap3A_1316 = arith.index_cast %scan3A_283 : i32 to index
        %swap3A_1317 = arith.constant 960 : index
        %swap3A_1318 = tpu.vector_load %swap3A_1315[%swap3A_1316, %swap3A_1317] {strides = array<i32>} : memref<24x1024xf32, #tpu.memory_space<vmem>>, vector<16xf32>,
        tpu.vector_store %swap3A_1315[%swap3A_1316, %swap3A_1317], %mul3A_1311 {strides = array<i32>} : memref<24x1024xf32, #tpu.memory_space<vmem>>, vector<16xf32>,
        %get3A_1319 = arith.constant 0 : i32
        %get3A_1320 = arith.constant 0 : i32
        %get3A_1321 = tpu.memref_slice %arg8[%scan3A_215, %get3A_1319, %get3A_1320] : memref<2x24x1024xf32, #tpu.memory_space<vmem>> -> memref<1x24x1024xf32, #tpu.memory_space<vmem>>
        %get3A_1322 = tpu.memref_squeeze %get3A_1321 : memref<1x24x1024xf32, #tpu.memory_space<vmem>> -> memref<24x1024xf32, #tpu.memory_space<vmem>>
        %get3A_1323 = arith.index_cast %scan3A_283 : i32 to index
        %get3A_1324 = arith.constant 976 : index
        %get3A_1325 = tpu.vector_load %get3A_1322[%get3A_1323, %get3A_1324] {strides = array<i32>} : memref<24x1024xf32, #tpu.memory_space<vmem>>, vector<16xf32>,
        %mul3A_1326 = arith.constant 3.000000e+01 : f32
        %mul3A_1327 = vector.broadcast %mul3A_1326 : f32 to vector<16xf32>
        %mul3A_1328 = arith.mulf %get3A_1325, %mul3A_1327 : vector<16xf32>
        %swap3A_1329 = arith.constant 0 : i32
        %swap3A_1330 = arith.constant 0 : i32
        %swap3A_1331 = tpu.memref_slice %arg9[%scan3A_216, %swap3A_1329, %swap3A_1330] : memref<2x24x1024xf32, #tpu.memory_space<vmem>> -> memref<1x24x1024xf32, #tpu.memory_space<vmem>>
        %swap3A_1332 = tpu.memref_squeeze %swap3A_1331 : memref<1x24x1024xf32, #tpu.memory_space<vmem>> -> memref<24x1024xf32, #tpu.memory_space<vmem>>
        %swap3A_1333 = arith.index_cast %scan3A_283 : i32 to index
        %swap3A_1334 = arith.constant 976 : index
        %swap3A_1335 = tpu.vector_load %swap3A_1332[%swap3A_1333, %swap3A_1334] {strides = array<i32>} : memref<24x1024xf32, #tpu.memory_space<vmem>>, vector<16xf32>,
        tpu.vector_store %swap3A_1332[%swap3A_1333, %swap3A_1334], %mul3A_1328 {strides = array<i32>} : memref<24x1024xf32, #tpu.memory_space<vmem>>, vector<16xf32>,
        %get3A_1336 = arith.constant 0 : i32
        %get3A_1337 = arith.constant 0 : i32
        %get3A_1338 = tpu.memref_slice %arg8[%scan3A_215, %get3A_1336, %get3A_1337] : memref<2x24x1024xf32, #tpu.memory_space<vmem>> -> memref<1x24x1024xf32, #tpu.memory_space<vmem>>
        %get3A_1339 = tpu.memref_squeeze %get3A_1338 : memref<1x24x1024xf32, #tpu.memory_space<vmem>> -> memref<24x1024xf32, #tpu.memory_space<vmem>>
        %get3A_1340 = arith.index_cast %scan3A_283 : i32 to index
        %get3A_1341 = arith.constant 992 : index
        %get3A_1342 = tpu.vector_load %get3A_1339[%get3A_1340, %get3A_1341] {strides = array<i32>} : memref<24x1024xf32, #tpu.memory_space<vmem>>, vector<16xf32>,
        %mul3A_1343 = arith.constant 3.000000e+01 : f32
        %mul3A_1344 = vector.broadcast %mul3A_1343 : f32 to vector<16xf32>
        %mul3A_1345 = arith.mulf %get3A_1342, %mul3A_1344 : vector<16xf32>
        %swap3A_1346 = arith.constant 0 : i32
        %swap3A_1347 = arith.constant 0 : i32
        %swap3A_1348 = tpu.memref_slice %arg9[%scan3A_216, %swap3A_1346, %swap3A_1347] : memref<2x24x1024xf32, #tpu.memory_space<vmem>> -> memref<1x24x1024xf32, #tpu.memory_space<vmem>>
        %swap3A_1349 = tpu.memref_squeeze %swap3A_1348 : memref<1x24x1024xf32, #tpu.memory_space<vmem>> -> memref<24x1024xf32, #tpu.memory_space<vmem>>
        %swap3A_1350 = arith.index_cast %scan3A_283 : i32 to index
        %swap3A_1351 = arith.constant 992 : index
        %swap3A_1352 = tpu.vector_load %swap3A_1349[%swap3A_1350, %swap3A_1351] {strides = array<i32>} : memref<24x1024xf32, #tpu.memory_space<vmem>>, vector<16xf32>,
        tpu.vector_store %swap3A_1349[%swap3A_1350, %swap3A_1351], %mul3A_1345 {strides = array<i32>} : memref<24x1024xf32, #tpu.memory_space<vmem>>, vector<16xf32>,
        %get3A_1353 = arith.constant 0 : i32
        %get3A_1354 = arith.constant 0 : i32
        %get3A_1355 = tpu.memref_slice %arg8[%scan3A_215, %get3A_1353, %get3A_1354] : memref<2x24x1024xf32, #tpu.memory_space<vmem>> -> memref<1x24x1024xf32, #tpu.memory_space<vmem>>
        %get3A_1356 = tpu.memref_squeeze %get3A_1355 : memref<1x24x1024xf32, #tpu.memory_space<vmem>> -> memref<24x1024xf32, #tpu.memory_space<vmem>>
        %get3A_1357 = arith.index_cast %scan3A_283 : i32 to index
        %get3A_1358 = arith.constant 1008 : index
        %get3A_1359 = tpu.vector_load %get3A_1356[%get3A_1357, %get3A_1358] {strides = array<i32>} : memref<24x1024xf32, #tpu.memory_space<vmem>>, vector<16xf32>,
        %mul3A_1360 = arith.constant 3.000000e+01 : f32
        %mul3A_1361 = vector.broadcast %mul3A_1360 : f32 to vector<16xf32>
        %mul3A_1362 = arith.mulf %get3A_1359, %mul3A_1361 : vector<16xf32>
        %swap3A_1363 = arith.constant 0 : i32
        %swap3A_1364 = arith.constant 0 : i32
        %swap3A_1365 = tpu.memref_slice %arg9[%scan3A_216, %swap3A_1363, %swap3A_1364] : memref<2x24x1024xf32, #tpu.memory_space<vmem>> -> memref<1x24x1024xf32, #tpu.memory_space<vmem>>
        %swap3A_1366 = tpu.memref_squeeze %swap3A_1365 : memref<1x24x1024xf32, #tpu.memory_space<vmem>> -> memref<24x1024xf32, #tpu.memory_space<vmem>>
        %swap3A_1367 = arith.index_cast %scan3A_283 : i32 to index
        %swap3A_1368 = arith.constant 1008 : index
        %swap3A_1369 = tpu.vector_load %swap3A_1366[%swap3A_1367, %swap3A_1368] {strides = array<i32>} : memref<24x1024xf32, #tpu.memory_space<vmem>>, vector<16xf32>,
        tpu.vector_store %swap3A_1366[%swap3A_1367, %swap3A_1368], %mul3A_1362 {strides = array<i32>} : memref<24x1024xf32, #tpu.memory_space<vmem>>, vector<16xf32>,
      }
      %scan3A_221 = arith.constant 24 : i32
      %add3A_222 = arith.constant 15 : i32
      %add3A_223 = arith.addi %reduce_max3A_55, %add3A_222 : i32
      %jit3A_224 = arith.constant 16 : i32
      %div3A_225 = arith.divsi %add3A_223, %jit3A_224 : i32
      %sign3A_226 = arith.constant 0 : i32
      %sign3A_227 = arith.cmpi sgt, %add3A_223, %sign3A_226 : i32
      %sign3A_228 = arith.extui %sign3A_227 : i1 to i32
      %sign3A_229 = arith.constant 0 : i32
      %sign3A_230 = arith.cmpi slt, %add3A_223, %sign3A_229 : i32
      %sign3A_231 = arith.extui %sign3A_230 : i1 to i32
      %sign3A_232 = arith.subi %sign3A_228, %sign3A_231 : i32
      %sign3A_233 = arith.constant 0 : i32
      %sign3A_234 = arith.cmpi sgt, %jit3A_224, %sign3A_233 : i32
      %sign3A_235 = arith.extui %sign3A_234 : i1 to i32
      %sign3A_236 = arith.constant 0 : i32
      %sign3A_237 = arith.cmpi slt, %jit3A_224, %sign3A_236 : i32
      %sign3A_238 = arith.extui %sign3A_237 : i1 to i32
      %sign3A_239 = arith.subi %sign3A_235, %sign3A_238 : i32
      %ne3A_240 = arith.cmpi ne, %sign3A_232, %sign3A_239 : i32
      %rem3A_241 = arith.remsi %add3A_223, %jit3A_224 : i32
      %ne3A_242 = arith.constant 0 : i32
      %ne3A_243 = arith.cmpi ne, %rem3A_241, %ne3A_242 : i32
      %and3A_244 = arith.andi %ne3A_240, %ne3A_243 : i1
      %sub3A_245 = arith.constant 1 : i32
      %sub3A_246 = arith.subi %div3A_225, %sub3A_245 : i32
      %select_n3A_247 = arith.select %and3A_244, %sub3A_246, %div3A_225 : i32
      %while3A_248 = arith.constant 0 : i32
      %while3A_249 = arith.constant 1 : i32
      %while3A_250 = arith.constant 1 : i32
      %while3A_251 = arith.constant 0 : i32
      %while3A_252 = arith.subi %select_n3A_247, %while3A_251 : i32
      %while3A_253 = arith.addi %while3A_251, %while3A_252 : i32
      %while3A_254 = arith.constant 1 : i32
      %while3A_255 = arith.divsi %while3A_252, %while3A_254 : i32
      %while3A_256 = arith.muli %while3A_255, %while3A_254 : i32
      %while3A_257 = arith.addi %while3A_251, %while3A_256 : i32
      %while3A_258 = arith.constant 1 : i32
      scf.for %while3A_283 = %while3A_251 to %while3A_257 step %while3A_258  : i32 {
        %mul3A_284 = arith.constant 16 : i32
        %mul3A_285 = arith.muli %while3A_283, %mul3A_284 : i32
        %add3A_286 = vector.broadcast %mul3A_285 : i32 to vector<16xi32>
        %add3A_287 = arith.addi %add3A_286, %iota3A : vector<16xi32>
        %lt3A_288 = vector.broadcast %reduce_max3A_55 : i32 to vector<16xi32>
        %lt3A_289 = arith.cmpi slt, %add3A_287, %lt3A_288 : vector<16xi32>
        %gather3A = tpu.vector_load_idx %arg6[%add3A_287] : memref<1024xi32, #tpu.memory_space<vmem>>[vector<16xi32>], vector<16xi32>,
        %gather3A_290 = tpu.vector_load_idx %arg7[%add3A_287] : memref<1024xi32, #tpu.memory_space<vmem>>[vector<16xi32>], vector<16xi32>,
        %sub3A_291 = vector.broadcast %add3A_192 : i32 to vector<16xi32>
        %sub3A_292 = arith.subi %gather3A, %sub3A_291 : vector<16xi32>
        %ge3A_293 = arith.constant 0 : i32
        %ge3A_294 = vector.broadcast %ge3A_293 : i32 to vector<16xi32>
        %ge3A_295 = arith.cmpi sge, %sub3A_292, %ge3A_294 : vector<16xi32>
        %and3A_296 = arith.andi %lt3A_289, %ge3A_295 : vector<16xi1>
        %lt3A_297 = arith.constant 24 : i32
        %lt3A_298 = vector.broadcast %lt3A_297 : i32 to vector<16xi32>
        %lt3A_299 = arith.cmpi slt, %sub3A_292, %lt3A_298 : vector<16xi32>
        %and3A_300 = arith.andi %and3A_296, %lt3A_299 : vector<16xi1>
        %jit3A_301 = arith.constant 0 : i32
        %jit3A_302 = arith.constant 23 : i32
        %max3A = vector.broadcast %jit3A_301 : i32 to vector<16xi32>
        %max3A_303 = arith.maxsi %max3A, %sub3A_292 : vector<16xi32>
        %min3A = vector.broadcast %jit3A_302 : i32 to vector<16xi32>
        %min3A_304 = arith.minsi %min3A, %max3A_303 : vector<16xi32>
        %jit3A_305 = arith.constant 0 : i32
        %jit3A_306 = arith.constant 1023 : i32
        %max3A_307 = vector.broadcast %jit3A_305 : i32 to vector<16xi32>
        %max3A_308 = arith.maxsi %max3A_307, %gather3A_290 : vector<16xi32>
        %min3A_309 = vector.broadcast %jit3A_306 : i32 to vector<16xi32>
        %min3A_310 = arith.minsi %min3A_309, %max3A_308 : vector<16xi32>
        %gather3A_311 = arith.constant 0 : i32
        %gather3A_312 = arith.constant 0 : i32
        %gather3A_313 = tpu.memref_slice %arg8[%while3A_249, %gather3A_311, %gather3A_312] : memref<2x24x1024xf32, #tpu.memory_space<vmem>> -> memref<1x24x1024xf32, #tpu.memory_space<vmem>>
        %gather3A_314 = tpu.memref_squeeze %gather3A_313 : memref<1x24x1024xf32, #tpu.memory_space<vmem>> -> memref<24x1024xf32, #tpu.memory_space<vmem>>
        %gather3A_315 = tpu.vector_load_idx %gather3A_314[%min3A_304, %min3A_310] masked %and3A_300 : memref<24x1024xf32, #tpu.memory_space<vmem>>[vector<16xi32>, vector<16xi32>], vector<16xf32>, vector<16xi1>
        %mul3A_316 = arith.mulf %gather3A_315, %gather3A_315 : vector<16xf32>
        %sub3A_317 = arith.constant 1.000000e+00 : f32
        %sub3A_318 = vector.broadcast %sub3A_317 : f32 to vector<16xf32>
        %sub3A_319 = arith.subf %sub3A_318, %mul3A_316 : vector<16xf32>
        %max3A_320 = arith.constant 1.000000e-30 : f32
        %max3A_321 = vector.broadcast %max3A_320 : f32 to vector<16xf32>
        %max3A_322 = arith.maximumf %sub3A_319, %max3A_321 : vector<16xf32>
        %bitcast3A = vector.bitcast %max3A_322 : vector<16xf32> to vector<16xi32>
        %shift_right_arithmetic3A = arith.constant 1 : i32
        %shift_right_arithmetic3A_323 = vector.broadcast %shift_right_arithmetic3A : i32 to vector<16xi32>
        %shift_right_arithmetic3A_324 = arith.shrsi %bitcast3A, %shift_right_arithmetic3A_323 : vector<16xi32>
        %sub3A_325 = arith.constant 1597463007 : i32
        %sub3A_326 = vector.broadcast %sub3A_325 : i32 to vector<16xi32>
        %sub3A_327 = arith.subi %sub3A_326, %shift_right_arithmetic3A_324 : vector<16xi32>
        %bitcast3A_328 = vector.bitcast %sub3A_327 : vector<16xi32> to vector<16xf32>
        %mul3A_329 = arith.constant 5.000000e-01 : f32
        %mul3A_330 = vector.broadcast %mul3A_329 : f32 to vector<16xf32>
        %mul3A_331 = arith.mulf %mul3A_330, %max3A_322 : vector<16xf32>
        %mul3A_332 = arith.mulf %mul3A_331, %bitcast3A_328 : vector<16xf32>
        %mul3A_333 = arith.mulf %mul3A_332, %bitcast3A_328 : vector<16xf32>
        %sub3A_334 = arith.constant 1.500000e+00 : f32
        %sub3A_335 = vector.broadcast %sub3A_334 : f32 to vector<16xf32>
        %sub3A_336 = arith.subf %sub3A_335, %mul3A_333 : vector<16xf32>
        %mul3A_337 = arith.mulf %bitcast3A_328, %sub3A_336 : vector<16xf32>
        %mul3A_338 = arith.constant 5.000000e-01 : f32
        %mul3A_339 = vector.broadcast %mul3A_338 : f32 to vector<16xf32>
        %mul3A_340 = arith.mulf %mul3A_339, %max3A_322 : vector<16xf32>
        %mul3A_341 = arith.mulf %mul3A_340, %mul3A_337 : vector<16xf32>
        %mul3A_342 = arith.mulf %mul3A_341, %mul3A_337 : vector<16xf32>
        %sub3A_343 = arith.constant 1.500000e+00 : f32
        %sub3A_344 = vector.broadcast %sub3A_343 : f32 to vector<16xf32>
        %sub3A_345 = arith.subf %sub3A_344, %mul3A_342 : vector<16xf32>
        %mul3A_346 = arith.mulf %mul3A_337, %sub3A_345 : vector<16xf32>
        %mul3A_347 = arith.constant 5.000000e-01 : f32
        %mul3A_348 = vector.broadcast %mul3A_347 : f32 to vector<16xf32>
        %mul3A_349 = arith.mulf %mul3A_348, %max3A_322 : vector<16xf32>
        %mul3A_350 = arith.mulf %mul3A_349, %mul3A_346 : vector<16xf32>
        %mul3A_351 = arith.mulf %mul3A_350, %mul3A_346 : vector<16xf32>
        %sub3A_352 = arith.constant 1.500000e+00 : f32
        %sub3A_353 = vector.broadcast %sub3A_352 : f32 to vector<16xf32>
        %sub3A_354 = arith.subf %sub3A_353, %mul3A_351 : vector<16xf32>
        %mul3A_355 = arith.mulf %mul3A_346, %sub3A_354 : vector<16xf32>
        %mul3A_356 = arith.mulf %max3A_322, %mul3A_355 : vector<16xf32>
        %mul3A_357 = arith.constant 26.3274765 : f32
        %mul3A_358 = vector.broadcast %mul3A_357 : f32 to vector<16xf32>
        %mul3A_359 = arith.mulf %gather3A_315, %mul3A_358 : vector<16xf32>
        %mul3A_360 = arith.constant 14.3827658 : f32
        %mul3A_361 = vector.broadcast %mul3A_360 : f32 to vector<16xf32>
        %mul3A_362 = arith.mulf %mul3A_356, %mul3A_361 : vector<16xf32>
        %sub3A_363 = arith.subf %mul3A_359, %mul3A_362 : vector<16xf32>
        %gt3A = arith.constant -0.87758255 : f32
        %gt3A_364 = vector.broadcast %gt3A : f32 to vector<16xf32>
        %gt3A_365 = arith.cmpf ogt, %gather3A_315, %gt3A_364 : vector<16xf32>
        %mul3A_366 = arith.constant 3.000000e+01 : f32
        %mul3A_367 = vector.broadcast %mul3A_366 : f32 to vector<16xf32>
        %mul3A_368 = arith.mulf %gather3A_315, %mul3A_367 : vector<16xf32>
        %sub3A_369 = arith.constant 7.19138288 : f32
        %sub3A_370 = vector.broadcast %sub3A_369 : f32 to vector<16xf32>
        %sub3A_371 = arith.subf %mul3A_368, %sub3A_370 : vector<16xf32>
        %select_n3A_372 = arith.select %gt3A_365, %sub3A_363, %sub3A_371 : vector<16xi1>, vector<16xf32>
        %scatter3A = arith.constant 0 : i32
        %scatter3A_373 = arith.constant 0 : i32
        %scatter3A_374 = tpu.memref_slice %arg9[%while3A_250, %scatter3A, %scatter3A_373] : memref<2x24x1024xf32, #tpu.memory_space<vmem>> -> memref<1x24x1024xf32, #tpu.memory_space<vmem>>
        %scatter3A_375 = tpu.memref_squeeze %scatter3A_374 : memref<1x24x1024xf32, #tpu.memory_space<vmem>> -> memref<24x1024xf32, #tpu.memory_space<vmem>>
        tpu.vector_store_idx %scatter3A_375[%min3A_304, %min3A_310], %select_n3A_372 masked %and3A_300 : memref<24x1024xf32, #tpu.memory_space<vmem>>[vector<16xi32>, vector<16xi32>], vector<16xf32>, vector<16xi1>
      }
      %while3A_259 = arith.constant 1 : i32
      scf.for %while3A_283 = %while3A_257 to %while3A_253 step %while3A_259  : i32 {
        %mul3A_284 = arith.constant 16 : i32
        %mul3A_285 = arith.muli %while3A_283, %mul3A_284 : i32
        %add3A_286 = vector.broadcast %mul3A_285 : i32 to vector<16xi32>
        %add3A_287 = arith.addi %add3A_286, %iota3A : vector<16xi32>
        %lt3A_288 = vector.broadcast %reduce_max3A_55 : i32 to vector<16xi32>
        %lt3A_289 = arith.cmpi slt, %add3A_287, %lt3A_288 : vector<16xi32>
        %gather3A = tpu.vector_load_idx %arg6[%add3A_287] : memref<1024xi32, #tpu.memory_space<vmem>>[vector<16xi32>], vector<16xi32>,
        %gather3A_290 = tpu.vector_load_idx %arg7[%add3A_287] : memref<1024xi32, #tpu.memory_space<vmem>>[vector<16xi32>], vector<16xi32>,
        %sub3A_291 = vector.broadcast %add3A_192 : i32 to vector<16xi32>
        %sub3A_292 = arith.subi %gather3A, %sub3A_291 : vector<16xi32>
        %ge3A_293 = arith.constant 0 : i32
        %ge3A_294 = vector.broadcast %ge3A_293 : i32 to vector<16xi32>
        %ge3A_295 = arith.cmpi sge, %sub3A_292, %ge3A_294 : vector<16xi32>
        %and3A_296 = arith.andi %lt3A_289, %ge3A_295 : vector<16xi1>
        %lt3A_297 = arith.constant 24 : i32
        %lt3A_298 = vector.broadcast %lt3A_297 : i32 to vector<16xi32>
        %lt3A_299 = arith.cmpi slt, %sub3A_292, %lt3A_298 : vector<16xi32>
        %and3A_300 = arith.andi %and3A_296, %lt3A_299 : vector<16xi1>
        %jit3A_301 = arith.constant 0 : i32
        %jit3A_302 = arith.constant 23 : i32
        %max3A = vector.broadcast %jit3A_301 : i32 to vector<16xi32>
        %max3A_303 = arith.maxsi %max3A, %sub3A_292 : vector<16xi32>
        %min3A = vector.broadcast %jit3A_302 : i32 to vector<16xi32>
        %min3A_304 = arith.minsi %min3A, %max3A_303 : vector<16xi32>
        %jit3A_305 = arith.constant 0 : i32
        %jit3A_306 = arith.constant 1023 : i32
        %max3A_307 = vector.broadcast %jit3A_305 : i32 to vector<16xi32>
        %max3A_308 = arith.maxsi %max3A_307, %gather3A_290 : vector<16xi32>
        %min3A_309 = vector.broadcast %jit3A_306 : i32 to vector<16xi32>
        %min3A_310 = arith.minsi %min3A_309, %max3A_308 : vector<16xi32>
        %gather3A_311 = arith.constant 0 : i32
        %gather3A_312 = arith.constant 0 : i32
        %gather3A_313 = tpu.memref_slice %arg8[%while3A_249, %gather3A_311, %gather3A_312] : memref<2x24x1024xf32, #tpu.memory_space<vmem>> -> memref<1x24x1024xf32, #tpu.memory_space<vmem>>
        %gather3A_314 = tpu.memref_squeeze %gather3A_313 : memref<1x24x1024xf32, #tpu.memory_space<vmem>> -> memref<24x1024xf32, #tpu.memory_space<vmem>>
        %gather3A_315 = tpu.vector_load_idx %gather3A_314[%min3A_304, %min3A_310] masked %and3A_300 : memref<24x1024xf32, #tpu.memory_space<vmem>>[vector<16xi32>, vector<16xi32>], vector<16xf32>, vector<16xi1>
        %mul3A_316 = arith.mulf %gather3A_315, %gather3A_315 : vector<16xf32>
        %sub3A_317 = arith.constant 1.000000e+00 : f32
        %sub3A_318 = vector.broadcast %sub3A_317 : f32 to vector<16xf32>
        %sub3A_319 = arith.subf %sub3A_318, %mul3A_316 : vector<16xf32>
        %max3A_320 = arith.constant 1.000000e-30 : f32
        %max3A_321 = vector.broadcast %max3A_320 : f32 to vector<16xf32>
        %max3A_322 = arith.maximumf %sub3A_319, %max3A_321 : vector<16xf32>
        %bitcast3A = vector.bitcast %max3A_322 : vector<16xf32> to vector<16xi32>
        %shift_right_arithmetic3A = arith.constant 1 : i32
        %shift_right_arithmetic3A_323 = vector.broadcast %shift_right_arithmetic3A : i32 to vector<16xi32>
        %shift_right_arithmetic3A_324 = arith.shrsi %bitcast3A, %shift_right_arithmetic3A_323 : vector<16xi32>
        %sub3A_325 = arith.constant 1597463007 : i32
        %sub3A_326 = vector.broadcast %sub3A_325 : i32 to vector<16xi32>
        %sub3A_327 = arith.subi %sub3A_326, %shift_right_arithmetic3A_324 : vector<16xi32>
        %bitcast3A_328 = vector.bitcast %sub3A_327 : vector<16xi32> to vector<16xf32>
        %mul3A_329 = arith.constant 5.000000e-01 : f32
        %mul3A_330 = vector.broadcast %mul3A_329 : f32 to vector<16xf32>
        %mul3A_331 = arith.mulf %mul3A_330, %max3A_322 : vector<16xf32>
        %mul3A_332 = arith.mulf %mul3A_331, %bitcast3A_328 : vector<16xf32>
        %mul3A_333 = arith.mulf %mul3A_332, %bitcast3A_328 : vector<16xf32>
        %sub3A_334 = arith.constant 1.500000e+00 : f32
        %sub3A_335 = vector.broadcast %sub3A_334 : f32 to vector<16xf32>
        %sub3A_336 = arith.subf %sub3A_335, %mul3A_333 : vector<16xf32>
        %mul3A_337 = arith.mulf %bitcast3A_328, %sub3A_336 : vector<16xf32>
        %mul3A_338 = arith.constant 5.000000e-01 : f32
        %mul3A_339 = vector.broadcast %mul3A_338 : f32 to vector<16xf32>
        %mul3A_340 = arith.mulf %mul3A_339, %max3A_322 : vector<16xf32>
        %mul3A_341 = arith.mulf %mul3A_340, %mul3A_337 : vector<16xf32>
        %mul3A_342 = arith.mulf %mul3A_341, %mul3A_337 : vector<16xf32>
        %sub3A_343 = arith.constant 1.500000e+00 : f32
        %sub3A_344 = vector.broadcast %sub3A_343 : f32 to vector<16xf32>
        %sub3A_345 = arith.subf %sub3A_344, %mul3A_342 : vector<16xf32>
        %mul3A_346 = arith.mulf %mul3A_337, %sub3A_345 : vector<16xf32>
        %mul3A_347 = arith.constant 5.000000e-01 : f32
        %mul3A_348 = vector.broadcast %mul3A_347 : f32 to vector<16xf32>
        %mul3A_349 = arith.mulf %mul3A_348, %max3A_322 : vector<16xf32>
        %mul3A_350 = arith.mulf %mul3A_349, %mul3A_346 : vector<16xf32>
        %mul3A_351 = arith.mulf %mul3A_350, %mul3A_346 : vector<16xf32>
        %sub3A_352 = arith.constant 1.500000e+00 : f32
        %sub3A_353 = vector.broadcast %sub3A_352 : f32 to vector<16xf32>
        %sub3A_354 = arith.subf %sub3A_353, %mul3A_351 : vector<16xf32>
        %mul3A_355 = arith.mulf %mul3A_346, %sub3A_354 : vector<16xf32>
        %mul3A_356 = arith.mulf %max3A_322, %mul3A_355 : vector<16xf32>
        %mul3A_357 = arith.constant 26.3274765 : f32
        %mul3A_358 = vector.broadcast %mul3A_357 : f32 to vector<16xf32>
        %mul3A_359 = arith.mulf %gather3A_315, %mul3A_358 : vector<16xf32>
        %mul3A_360 = arith.constant 14.3827658 : f32
        %mul3A_361 = vector.broadcast %mul3A_360 : f32 to vector<16xf32>
        %mul3A_362 = arith.mulf %mul3A_356, %mul3A_361 : vector<16xf32>
        %sub3A_363 = arith.subf %mul3A_359, %mul3A_362 : vector<16xf32>
        %gt3A = arith.constant -0.87758255 : f32
        %gt3A_364 = vector.broadcast %gt3A : f32 to vector<16xf32>
        %gt3A_365 = arith.cmpf ogt, %gather3A_315, %gt3A_364 : vector<16xf32>
        %mul3A_366 = arith.constant 3.000000e+01 : f32
        %mul3A_367 = vector.broadcast %mul3A_366 : f32 to vector<16xf32>
        %mul3A_368 = arith.mulf %gather3A_315, %mul3A_367 : vector<16xf32>
        %sub3A_369 = arith.constant 7.19138288 : f32
        %sub3A_370 = vector.broadcast %sub3A_369 : f32 to vector<16xf32>
        %sub3A_371 = arith.subf %mul3A_368, %sub3A_370 : vector<16xf32>
        %select_n3A_372 = arith.select %gt3A_365, %sub3A_363, %sub3A_371 : vector<16xi1>, vector<16xf32>
        %scatter3A = arith.constant 0 : i32
        %scatter3A_373 = arith.constant 0 : i32
        %scatter3A_374 = tpu.memref_slice %arg9[%while3A_250, %scatter3A, %scatter3A_373] : memref<2x24x1024xf32, #tpu.memory_space<vmem>> -> memref<1x24x1024xf32, #tpu.memory_space<vmem>>
        %scatter3A_375 = tpu.memref_squeeze %scatter3A_374 : memref<1x24x1024xf32, #tpu.memory_space<vmem>> -> memref<24x1024xf32, #tpu.memory_space<vmem>>
        tpu.vector_store_idx %scatter3A_375[%min3A_304, %min3A_310], %select_n3A_372 masked %and3A_300 : memref<24x1024xf32, #tpu.memory_space<vmem>>[vector<16xi32>, vector<16xi32>], vector<16xf32>, vector<16xi1>
      }
      %dma_start3A_260 = arith.constant 1 : i32
      %dma_start3A_261 = arith.constant 1 : i32
      %dma_start3A_262 = arith.constant 0 : i32
      %dma_start3A_263 = arith.constant 0 : i32
      %dma_start3A_264 = tpu.memref_slice %arg9[%dma_start3A_260, %dma_start3A_262, %dma_start3A_263] : memref<2x24x1024xf32, #tpu.memory_space<vmem>> -> memref<1x24x1024xf32, #tpu.memory_space<vmem>>
      %dma_start3A_265 = tpu.memref_squeeze %dma_start3A_264 : memref<1x24x1024xf32, #tpu.memory_space<vmem>> -> memref<24x1024xf32, #tpu.memory_space<vmem>>
      %dma_start3A_266 = arith.constant 0 : i32
      %dma_start3A_267 = tpu.memref_slice %arg4[%add3A_192, %dma_start3A_266] : memref<100000x1024xf32, #tpu.memory_space<hbm>> -> memref<24x1024xf32, #tpu.memory_space<hbm>>
      %dma_start3A_268 = tpu.memref_slice %arg11[%dma_start3A_261] : memref<2x!tpu.dma_semaphore, #tpu.memory_space<semaphore_mem>> -> memref<1x!tpu.dma_semaphore, #tpu.memory_space<semaphore_mem>>
      %dma_start3A_269 = tpu.memref_squeeze %dma_start3A_268 : memref<1x!tpu.dma_semaphore, #tpu.memory_space<semaphore_mem>> -> memref<!tpu.dma_semaphore, #tpu.memory_space<semaphore_mem>>
      %dma_start3A_270 = arith.constant 0 : i32
      %dma_start3A_271 = tpu.memref_slice %arg4[%add3A_192, %dma_start3A_270] : memref<100000x1024xf32, #tpu.memory_space<hbm>> -> memref<24x1024xf32, #tpu.memory_space<hbm>>
      %dma_start3A_272 = arith.constant 0 : i32
      %dma_start3A_273 = arith.constant 0 : i32
      %dma_start3A_274 = tpu.memref_slice %arg9[%dma_start3A_260, %dma_start3A_272, %dma_start3A_273] : memref<2x24x1024xf32, #tpu.memory_space<vmem>> -> memref<1x24x1024xf32, #tpu.memory_space<vmem>>
      %dma_start3A_275 = tpu.memref_squeeze %dma_start3A_274 : memref<1x24x1024xf32, #tpu.memory_space<vmem>> -> memref<24x1024xf32, #tpu.memory_space<vmem>>
      tpu.enqueue_dma source(%dma_start3A_275 : memref<24x1024xf32, #tpu.memory_space<vmem>>) target(%dma_start3A_271 : memref<24x1024xf32, #tpu.memory_space<hbm>>) target_semaphore(%dma_start3A_269 : memref<!tpu.dma_semaphore, #tpu.memory_space<semaphore_mem>>)
      %add3A_276 = arith.constant 2 : i32
      %add3A_277 = arith.addi %add3A_189, %add3A_276 : i32
      %lt3A_278 = arith.constant 130 : i32
      %lt3A_279 = arith.cmpi slt, %add3A_277, %lt3A_278 : i32
      %convert_element_type3A_280 = arith.extui %lt3A_279 : i1 to i32
      %cond3A_281 = arith.constant 0 : i32
      %cond3A_282 = arith.cmpi ne, %convert_element_type3A_280, %cond3A_281 : i32
      scf.if %cond3A_282 {
        %add3A_283 = arith.constant 2 : i32
        %add3A_284 = arith.addi %add3A_189, %add3A_283 : i32
        %mul3A_285 = arith.constant 24 : i32
        %mul3A_286 = arith.muli %add3A_284, %mul3A_285 : i32
        %add3A_287 = arith.addi %mul3A_2, %mul3A_286 : i32
        %dma_start3A_288 = arith.constant 1 : i32
        %dma_start3A_289 = arith.constant 1 : i32
        %dma_start3A_290 = arith.constant 0 : i32
        %dma_start3A_291 = arith.constant 0 : i32
        %dma_start3A_292 = tpu.memref_slice %arg8[%dma_start3A_288, %dma_start3A_290, %dma_start3A_291] : memref<2x24x1024xf32, #tpu.memory_space<vmem>> -> memref<1x24x1024xf32, #tpu.memory_space<vmem>>
        %dma_start3A_293 = tpu.memref_squeeze %dma_start3A_292 : memref<1x24x1024xf32, #tpu.memory_space<vmem>> -> memref<24x1024xf32, #tpu.memory_space<vmem>>
        %dma_start3A_294 = arith.constant 0 : i32
        %dma_start3A_295 = tpu.memref_slice %arg2[%add3A_287, %dma_start3A_294] : memref<100000x1024xf32, #tpu.memory_space<hbm>> -> memref<24x1024xf32, #tpu.memory_space<hbm>>
        %dma_start3A_296 = tpu.memref_slice %arg10[%dma_start3A_289] : memref<2x!tpu.dma_semaphore, #tpu.memory_space<semaphore_mem>> -> memref<1x!tpu.dma_semaphore, #tpu.memory_space<semaphore_mem>>
        %dma_start3A_297 = tpu.memref_squeeze %dma_start3A_296 : memref<1x!tpu.dma_semaphore, #tpu.memory_space<semaphore_mem>> -> memref<!tpu.dma_semaphore, #tpu.memory_space<semaphore_mem>>
        %dma_start3A_298 = arith.constant 0 : i32
        %dma_start3A_299 = arith.constant 0 : i32
        %dma_start3A_300 = tpu.memref_slice %arg8[%dma_start3A_288, %dma_start3A_298, %dma_start3A_299] : memref<2x24x1024xf32, #tpu.memory_space<vmem>> -> memref<1x24x1024xf32, #tpu.memory_space<vmem>>
        %dma_start3A_301 = tpu.memref_squeeze %dma_start3A_300 : memref<1x24x1024xf32, #tpu.memory_space<vmem>> -> memref<24x1024xf32, #tpu.memory_space<vmem>>
        %dma_start3A_302 = arith.constant 0 : i32
        %dma_start3A_303 = tpu.memref_slice %arg2[%add3A_287, %dma_start3A_302] : memref<100000x1024xf32, #tpu.memory_space<hbm>> -> memref<24x1024xf32, #tpu.memory_space<hbm>>
        tpu.enqueue_dma source(%dma_start3A_303 : memref<24x1024xf32, #tpu.memory_space<hbm>>) target(%dma_start3A_301 : memref<24x1024xf32, #tpu.memory_space<vmem>>) target_semaphore(%dma_start3A_297 : memref<!tpu.dma_semaphore, #tpu.memory_space<semaphore_mem>>)
      } else {
      }
    }
    %scan3A_61 = arith.constant 65 : i32
    %add3A_62 = arith.constant 3072 : i32
    %add3A_63 = arith.addi %mul3A_2, %add3A_62 : i32
    %dma_wait3A = arith.constant 0 : i32
    %dma_wait3A_64 = arith.constant 0 : i32
    %dma_wait3A_65 = arith.constant 0 : i32
    %dma_wait3A_66 = arith.constant 0 : i32
    %dma_wait3A_67 = tpu.memref_slice %arg9[%dma_wait3A, %dma_wait3A_65, %dma_wait3A_66] : memref<2x24x1024xf32, #tpu.memory_space<vmem>> -> memref<1x24x1024xf32, #tpu.memory_space<vmem>>
    %dma_wait3A_68 = tpu.memref_squeeze %dma_wait3A_67 : memref<1x24x1024xf32, #tpu.memory_space<vmem>> -> memref<24x1024xf32, #tpu.memory_space<vmem>>
    %dma_wait3A_69 = arith.constant 0 : i32
    %dma_wait3A_70 = tpu.memref_slice %arg4[%add3A_63, %dma_wait3A_69] : memref<100000x1024xf32, #tpu.memory_space<hbm>> -> memref<24x1024xf32, #tpu.memory_space<hbm>>
    %dma_wait3A_71 = tpu.memref_slice %arg11[%dma_wait3A_64] : memref<2x!tpu.dma_semaphore, #tpu.memory_space<semaphore_mem>> -> memref<1x!tpu.dma_semaphore, #tpu.memory_space<semaphore_mem>>
    %dma_wait3A_72 = tpu.memref_squeeze %dma_wait3A_71 : memref<1x!tpu.dma_semaphore, #tpu.memory_space<semaphore_mem>> -> memref<!tpu.dma_semaphore, #tpu.memory_space<semaphore_mem>>
    %dma_wait3A_73 = arith.constant 0 : i32
    %dma_wait3A_74 = tpu.memref_slice %arg4[%add3A_63, %dma_wait3A_73] : memref<100000x1024xf32, #tpu.memory_space<hbm>> -> memref<24x1024xf32, #tpu.memory_space<hbm>>
    %dma_wait3A_75 = arith.constant 0 : i32
    %dma_wait3A_76 = arith.constant 0 : i32
    %dma_wait3A_77 = tpu.memref_slice %arg9[%dma_wait3A, %dma_wait3A_75, %dma_wait3A_76] : memref<2x24x1024xf32, #tpu.memory_space<vmem>> -> memref<1x24x1024xf32, #tpu.memory_space<vmem>>
    %dma_wait3A_78 = tpu.memref_squeeze %dma_wait3A_77 : memref<1x24x1024xf32, #tpu.memory_space<vmem>> -> memref<24x1024xf32, #tpu.memory_space<vmem>>
    tpu.wait_dma2 semaphore(%dma_wait3A_72 : memref<!tpu.dma_semaphore, #tpu.memory_space<semaphore_mem>>) src(%dma_wait3A_78 : memref<24x1024xf32, #tpu.memory_space<vmem>>) dst(%dma_wait3A_74 : memref<24x1024xf32, #tpu.memory_space<hbm>>)
    %add3A_79 = arith.constant 3096 : i32
    %add3A_80 = arith.addi %mul3A_2, %add3A_79 : i32
    %dma_wait3A_81 = arith.constant 1 : i32
    %dma_wait3A_82 = arith.constant 1 : i32
    %dma_wait3A_83 = arith.constant 0 : i32
    %dma_wait3A_84 = arith.constant 0 : i32
    %dma_wait3A_85 = tpu.memref_slice %arg9[%dma_wait3A_81, %dma_wait3A_83, %dma_wait3A_84] : memref<2x24x1024xf32, #tpu.memory_space<vmem>> -> memref<1x24x1024xf32, #tpu.memory_space<vmem>>
    %dma_wait3A_86 = tpu.memref_squeeze %dma_wait3A_85 : memref<1x24x1024xf32, #tpu.memory_space<vmem>> -> memref<24x1024xf32, #tpu.memory_space<vmem>>
    %dma_wait3A_87 = arith.constant 0 : i32
    %dma_wait3A_88 = tpu.memref_slice %arg4[%add3A_80, %dma_wait3A_87] : memref<100000x1024xf32, #tpu.memory_space<hbm>> -> memref<24x1024xf32, #tpu.memory_space<hbm>>
    %dma_wait3A_89 = tpu.memref_slice %arg11[%dma_wait3A_82] : memref<2x!tpu.dma_semaphore, #tpu.memory_space<semaphore_mem>> -> memref<1x!tpu.dma_semaphore, #tpu.memory_space<semaphore_mem>>
    %dma_wait3A_90 = tpu.memref_squeeze %dma_wait3A_89 : memref<1x!tpu.dma_semaphore, #tpu.memory_space<semaphore_mem>> -> memref<!tpu.dma_semaphore, #tpu.memory_space<semaphore_mem>>
    %dma_wait3A_91 = arith.constant 0 : i32
    %dma_wait3A_92 = tpu.memref_slice %arg4[%add3A_80, %dma_wait3A_91] : memref<100000x1024xf32, #tpu.memory_space<hbm>> -> memref<24x1024xf32, #tpu.memory_space<hbm>>
    %dma_wait3A_93 = arith.constant 0 : i32
    %dma_wait3A_94 = arith.constant 0 : i32
    %dma_wait3A_95 = tpu.memref_slice %arg9[%dma_wait3A_81, %dma_wait3A_93, %dma_wait3A_94] : memref<2x24x1024xf32, #tpu.memory_space<vmem>> -> memref<1x24x1024xf32, #tpu.memory_space<vmem>>
    %dma_wait3A_96 = tpu.memref_squeeze %dma_wait3A_95 : memref<1x24x1024xf32, #tpu.memory_space<vmem>> -> memref<24x1024xf32, #tpu.memory_space<vmem>>
    tpu.wait_dma2 semaphore(%dma_wait3A_90 : memref<!tpu.dma_semaphore, #tpu.memory_space<semaphore_mem>>) src(%dma_wait3A_96 : memref<24x1024xf32, #tpu.memory_space<vmem>>) dst(%dma_wait3A_92 : memref<24x1024xf32, #tpu.memory_space<hbm>>)
    %convert_element_type3A = arith.extui %lt3A_7 : i1 to i32
    %cond3A = arith.constant 0 : i32
    %cond3A_97 = arith.cmpi ne, %convert_element_type3A, %cond3A : i32
    scf.if %cond3A_97 {
      %run_scoped3A = arith.constant 0 : i32
      "tpu.region"() ({
        %run_scoped3A_136 = tpu.sem_alloc : memref<!tpu.dma_semaphore, #tpu.memory_space<semaphore_mem>>
        %dma_start3A_137 = arith.constant 0 : i32
        %dma_start3A_138 = arith.constant 0 : i32
        %dma_start3A_139 = tpu.memref_slice %arg8[%run_scoped3A, %dma_start3A_137, %dma_start3A_138] : memref<2x24x1024xf32, #tpu.memory_space<vmem>> -> memref<1x8x1024xf32, #tpu.memory_space<vmem>>
        %dma_start3A_140 = tpu.memref_squeeze %dma_start3A_139 : memref<1x8x1024xf32, #tpu.memory_space<vmem>> -> memref<8x1024xf32, #tpu.memory_space<vmem>>
        %dma_start3A_141 = arith.constant 0 : i32
        %dma_start3A_142 = tpu.memref_slice %arg2[%add3A_6, %dma_start3A_141] : memref<100000x1024xf32, #tpu.memory_space<hbm>> -> memref<8x1024xf32, #tpu.memory_space<hbm>>
        %dma_start3A_143 = arith.constant 0 : i32
        %dma_start3A_144 = arith.constant 0 : i32
        %dma_start3A_145 = tpu.memref_slice %arg8[%run_scoped3A, %dma_start3A_143, %dma_start3A_144] : memref<2x24x1024xf32, #tpu.memory_space<vmem>> -> memref<1x8x1024xf32, #tpu.memory_space<vmem>>
        %dma_start3A_146 = tpu.memref_squeeze %dma_start3A_145 : memref<1x8x1024xf32, #tpu.memory_space<vmem>> -> memref<8x1024xf32, #tpu.memory_space<vmem>>
        %dma_start3A_147 = arith.constant 0 : i32
        %dma_start3A_148 = tpu.memref_slice %arg2[%add3A_6, %dma_start3A_147] : memref<100000x1024xf32, #tpu.memory_space<hbm>> -> memref<8x1024xf32, #tpu.memory_space<hbm>>
        tpu.enqueue_dma source(%dma_start3A_148 : memref<8x1024xf32, #tpu.memory_space<hbm>>) target(%dma_start3A_146 : memref<8x1024xf32, #tpu.memory_space<vmem>>) target_semaphore(%run_scoped3A_136 : memref<!tpu.dma_semaphore, #tpu.memory_space<semaphore_mem>>)
        %dma_wait3A_149 = arith.constant 0 : i32
        %dma_wait3A_150 = arith.constant 0 : i32
        %dma_wait3A_151 = tpu.memref_slice %arg8[%run_scoped3A, %dma_wait3A_149, %dma_wait3A_150] : memref<2x24x1024xf32, #tpu.memory_space<vmem>> -> memref<1x8x1024xf32, #tpu.memory_space<vmem>>
        %dma_wait3A_152 = tpu.memref_squeeze %dma_wait3A_151 : memref<1x8x1024xf32, #tpu.memory_space<vmem>> -> memref<8x1024xf32, #tpu.memory_space<vmem>>
        %dma_wait3A_153 = arith.constant 0 : i32
        %dma_wait3A_154 = tpu.memref_slice %arg2[%add3A_6, %dma_wait3A_153] : memref<100000x1024xf32, #tpu.memory_space<hbm>> -> memref<8x1024xf32, #tpu.memory_space<hbm>>
        %dma_wait3A_155 = arith.constant 0 : i32
        %dma_wait3A_156 = arith.constant 0 : i32
        %dma_wait3A_157 = tpu.memref_slice %arg8[%run_scoped3A, %dma_wait3A_155, %dma_wait3A_156] : memref<2x24x1024xf32, #tpu.memory_space<vmem>> -> memref<1x8x1024xf32, #tpu.memory_space<vmem>>
        %dma_wait3A_158 = tpu.memref_squeeze %dma_wait3A_157 : memref<1x8x1024xf32, #tpu.memory_space<vmem>> -> memref<8x1024xf32, #tpu.memory_space<vmem>>
        %dma_wait3A_159 = arith.constant 0 : i32
        %dma_wait3A_160 = tpu.memref_slice %arg2[%add3A_6, %dma_wait3A_159] : memref<100000x1024xf32, #tpu.memory_space<hbm>> -> memref<8x1024xf32, #tpu.memory_space<hbm>>
        tpu.wait_dma2 semaphore(%run_scoped3A_136 : memref<!tpu.dma_semaphore, #tpu.memory_space<semaphore_mem>>) src(%dma_wait3A_160 : memref<8x1024xf32, #tpu.memory_space<hbm>>) dst(%dma_wait3A_158 : memref<8x1024xf32, #tpu.memory_space<vmem>>)
        tpu.yield
      }) : () -> ()
      %scan3A_98 = arith.constant 0 : i32
      %scan3A_99 = arith.constant 0 : i32
      %scan3A_100 = arith.constant 0 : i32
      %scan3A_101 = arith.constant 0 : i32
      %scan3A_102 = arith.constant 8 : i32
      %scan3A_103 = arith.addi %scan3A_101, %scan3A_102 : i32
      %scan3A_104 = arith.constant 1 : i32
      scf.for %scan3A_136 = %scan3A_101 to %scan3A_103 step %scan3A_104  : i32 {
        %get3A = arith.constant 0 : i32
        %get3A_137 = arith.constant 0 : i32
        %get3A_138 = tpu.memref_slice %arg8[%scan3A_99, %get3A, %get3A_137] : memref<2x24x1024xf32, #tpu.memory_space<vmem>> -> memref<1x24x1024xf32, #tpu.memory_space<vmem>>
        %get3A_139 = tpu.memref_squeeze %get3A_138 : memref<1x24x1024xf32, #tpu.memory_space<vmem>> -> memref<24x1024xf32, #tpu.memory_space<vmem>>
        %get3A_140 = arith.index_cast %scan3A_136 : i32 to index
        %get3A_141 = arith.constant 0 : index
        %get3A_142 = tpu.vector_load %get3A_139[%get3A_140, %get3A_141] {strides = array<i32>} : memref<24x1024xf32, #tpu.memory_space<vmem>>, vector<16xf32>,
        %mul3A_143 = arith.constant 3.000000e+01 : f32
        %mul3A_144 = vector.broadcast %mul3A_143 : f32 to vector<16xf32>
        %mul3A_145 = arith.mulf %get3A_142, %mul3A_144 : vector<16xf32>
        %swap3A = arith.constant 0 : i32
        %swap3A_146 = arith.constant 0 : i32
        %swap3A_147 = tpu.memref_slice %arg9[%scan3A_100, %swap3A, %swap3A_146] : memref<2x24x1024xf32, #tpu.memory_space<vmem>> -> memref<1x24x1024xf32, #tpu.memory_space<vmem>>
        %swap3A_148 = tpu.memref_squeeze %swap3A_147 : memref<1x24x1024xf32, #tpu.memory_space<vmem>> -> memref<24x1024xf32, #tpu.memory_space<vmem>>
        %swap3A_149 = arith.index_cast %scan3A_136 : i32 to index
        %swap3A_150 = arith.constant 0 : index
        %swap3A_151 = tpu.vector_load %swap3A_148[%swap3A_149, %swap3A_150] {strides = array<i32>} : memref<24x1024xf32, #tpu.memory_space<vmem>>, vector<16xf32>,
        tpu.vector_store %swap3A_148[%swap3A_149, %swap3A_150], %mul3A_145 {strides = array<i32>} : memref<24x1024xf32, #tpu.memory_space<vmem>>, vector<16xf32>,
        %get3A_152 = arith.constant 0 : i32
        %get3A_153 = arith.constant 0 : i32
        %get3A_154 = tpu.memref_slice %arg8[%scan3A_99, %get3A_152, %get3A_153] : memref<2x24x1024xf32, #tpu.memory_space<vmem>> -> memref<1x24x1024xf32, #tpu.memory_space<vmem>>
        %get3A_155 = tpu.memref_squeeze %get3A_154 : memref<1x24x1024xf32, #tpu.memory_space<vmem>> -> memref<24x1024xf32, #tpu.memory_space<vmem>>
        %get3A_156 = arith.index_cast %scan3A_136 : i32 to index
        %get3A_157 = arith.constant 16 : index
        %get3A_158 = tpu.vector_load %get3A_155[%get3A_156, %get3A_157] {strides = array<i32>} : memref<24x1024xf32, #tpu.memory_space<vmem>>, vector<16xf32>,
        %mul3A_159 = arith.constant 3.000000e+01 : f32
        %mul3A_160 = vector.broadcast %mul3A_159 : f32 to vector<16xf32>
        %mul3A_161 = arith.mulf %get3A_158, %mul3A_160 : vector<16xf32>
        %swap3A_162 = arith.constant 0 : i32
        %swap3A_163 = arith.constant 0 : i32
        %swap3A_164 = tpu.memref_slice %arg9[%scan3A_100, %swap3A_162, %swap3A_163] : memref<2x24x1024xf32, #tpu.memory_space<vmem>> -> memref<1x24x1024xf32, #tpu.memory_space<vmem>>
        %swap3A_165 = tpu.memref_squeeze %swap3A_164 : memref<1x24x1024xf32, #tpu.memory_space<vmem>> -> memref<24x1024xf32, #tpu.memory_space<vmem>>
        %swap3A_166 = arith.index_cast %scan3A_136 : i32 to index
        %swap3A_167 = arith.constant 16 : index
        %swap3A_168 = tpu.vector_load %swap3A_165[%swap3A_166, %swap3A_167] {strides = array<i32>} : memref<24x1024xf32, #tpu.memory_space<vmem>>, vector<16xf32>,
        tpu.vector_store %swap3A_165[%swap3A_166, %swap3A_167], %mul3A_161 {strides = array<i32>} : memref<24x1024xf32, #tpu.memory_space<vmem>>, vector<16xf32>,
        %get3A_169 = arith.constant 0 : i32
        %get3A_170 = arith.constant 0 : i32
        %get3A_171 = tpu.memref_slice %arg8[%scan3A_99, %get3A_169, %get3A_170] : memref<2x24x1024xf32, #tpu.memory_space<vmem>> -> memref<1x24x1024xf32, #tpu.memory_space<vmem>>
        %get3A_172 = tpu.memref_squeeze %get3A_171 : memref<1x24x1024xf32, #tpu.memory_space<vmem>> -> memref<24x1024xf32, #tpu.memory_space<vmem>>
        %get3A_173 = arith.index_cast %scan3A_136 : i32 to index
        %get3A_174 = arith.constant 32 : index
        %get3A_175 = tpu.vector_load %get3A_172[%get3A_173, %get3A_174] {strides = array<i32>} : memref<24x1024xf32, #tpu.memory_space<vmem>>, vector<16xf32>,
        %mul3A_176 = arith.constant 3.000000e+01 : f32
        %mul3A_177 = vector.broadcast %mul3A_176 : f32 to vector<16xf32>
        %mul3A_178 = arith.mulf %get3A_175, %mul3A_177 : vector<16xf32>
        %swap3A_179 = arith.constant 0 : i32
        %swap3A_180 = arith.constant 0 : i32
        %swap3A_181 = tpu.memref_slice %arg9[%scan3A_100, %swap3A_179, %swap3A_180] : memref<2x24x1024xf32, #tpu.memory_space<vmem>> -> memref<1x24x1024xf32, #tpu.memory_space<vmem>>
        %swap3A_182 = tpu.memref_squeeze %swap3A_181 : memref<1x24x1024xf32, #tpu.memory_space<vmem>> -> memref<24x1024xf32, #tpu.memory_space<vmem>>
        %swap3A_183 = arith.index_cast %scan3A_136 : i32 to index
        %swap3A_184 = arith.constant 32 : index
        %swap3A_185 = tpu.vector_load %swap3A_182[%swap3A_183, %swap3A_184] {strides = array<i32>} : memref<24x1024xf32, #tpu.memory_space<vmem>>, vector<16xf32>,
        tpu.vector_store %swap3A_182[%swap3A_183, %swap3A_184], %mul3A_178 {strides = array<i32>} : memref<24x1024xf32, #tpu.memory_space<vmem>>, vector<16xf32>,
        %get3A_186 = arith.constant 0 : i32
        %get3A_187 = arith.constant 0 : i32
        %get3A_188 = tpu.memref_slice %arg8[%scan3A_99, %get3A_186, %get3A_187] : memref<2x24x1024xf32, #tpu.memory_space<vmem>> -> memref<1x24x1024xf32, #tpu.memory_space<vmem>>
        %get3A_189 = tpu.memref_squeeze %get3A_188 : memref<1x24x1024xf32, #tpu.memory_space<vmem>> -> memref<24x1024xf32, #tpu.memory_space<vmem>>
        %get3A_190 = arith.index_cast %scan3A_136 : i32 to index
        %get3A_191 = arith.constant 48 : index
        %get3A_192 = tpu.vector_load %get3A_189[%get3A_190, %get3A_191] {strides = array<i32>} : memref<24x1024xf32, #tpu.memory_space<vmem>>, vector<16xf32>,
        %mul3A_193 = arith.constant 3.000000e+01 : f32
        %mul3A_194 = vector.broadcast %mul3A_193 : f32 to vector<16xf32>
        %mul3A_195 = arith.mulf %get3A_192, %mul3A_194 : vector<16xf32>
        %swap3A_196 = arith.constant 0 : i32
        %swap3A_197 = arith.constant 0 : i32
        %swap3A_198 = tpu.memref_slice %arg9[%scan3A_100, %swap3A_196, %swap3A_197] : memref<2x24x1024xf32, #tpu.memory_space<vmem>> -> memref<1x24x1024xf32, #tpu.memory_space<vmem>>
        %swap3A_199 = tpu.memref_squeeze %swap3A_198 : memref<1x24x1024xf32, #tpu.memory_space<vmem>> -> memref<24x1024xf32, #tpu.memory_space<vmem>>
        %swap3A_200 = arith.index_cast %scan3A_136 : i32 to index
        %swap3A_201 = arith.constant 48 : index
        %swap3A_202 = tpu.vector_load %swap3A_199[%swap3A_200, %swap3A_201] {strides = array<i32>} : memref<24x1024xf32, #tpu.memory_space<vmem>>, vector<16xf32>,
        tpu.vector_store %swap3A_199[%swap3A_200, %swap3A_201], %mul3A_195 {strides = array<i32>} : memref<24x1024xf32, #tpu.memory_space<vmem>>, vector<16xf32>,
        %get3A_203 = arith.constant 0 : i32
        %get3A_204 = arith.constant 0 : i32
        %get3A_205 = tpu.memref_slice %arg8[%scan3A_99, %get3A_203, %get3A_204] : memref<2x24x1024xf32, #tpu.memory_space<vmem>> -> memref<1x24x1024xf32, #tpu.memory_space<vmem>>
        %get3A_206 = tpu.memref_squeeze %get3A_205 : memref<1x24x1024xf32, #tpu.memory_space<vmem>> -> memref<24x1024xf32, #tpu.memory_space<vmem>>
        %get3A_207 = arith.index_cast %scan3A_136 : i32 to index
        %get3A_208 = arith.constant 64 : index
        %get3A_209 = tpu.vector_load %get3A_206[%get3A_207, %get3A_208] {strides = array<i32>} : memref<24x1024xf32, #tpu.memory_space<vmem>>, vector<16xf32>,
        %mul3A_210 = arith.constant 3.000000e+01 : f32
        %mul3A_211 = vector.broadcast %mul3A_210 : f32 to vector<16xf32>
        %mul3A_212 = arith.mulf %get3A_209, %mul3A_211 : vector<16xf32>
        %swap3A_213 = arith.constant 0 : i32
        %swap3A_214 = arith.constant 0 : i32
        %swap3A_215 = tpu.memref_slice %arg9[%scan3A_100, %swap3A_213, %swap3A_214] : memref<2x24x1024xf32, #tpu.memory_space<vmem>> -> memref<1x24x1024xf32, #tpu.memory_space<vmem>>
        %swap3A_216 = tpu.memref_squeeze %swap3A_215 : memref<1x24x1024xf32, #tpu.memory_space<vmem>> -> memref<24x1024xf32, #tpu.memory_space<vmem>>
        %swap3A_217 = arith.index_cast %scan3A_136 : i32 to index
        %swap3A_218 = arith.constant 64 : index
        %swap3A_219 = tpu.vector_load %swap3A_216[%swap3A_217, %swap3A_218] {strides = array<i32>} : memref<24x1024xf32, #tpu.memory_space<vmem>>, vector<16xf32>,
        tpu.vector_store %swap3A_216[%swap3A_217, %swap3A_218], %mul3A_212 {strides = array<i32>} : memref<24x1024xf32, #tpu.memory_space<vmem>>, vector<16xf32>,
        %get3A_220 = arith.constant 0 : i32
        %get3A_221 = arith.constant 0 : i32
        %get3A_222 = tpu.memref_slice %arg8[%scan3A_99, %get3A_220, %get3A_221] : memref<2x24x1024xf32, #tpu.memory_space<vmem>> -> memref<1x24x1024xf32, #tpu.memory_space<vmem>>
        %get3A_223 = tpu.memref_squeeze %get3A_222 : memref<1x24x1024xf32, #tpu.memory_space<vmem>> -> memref<24x1024xf32, #tpu.memory_space<vmem>>
        %get3A_224 = arith.index_cast %scan3A_136 : i32 to index
        %get3A_225 = arith.constant 80 : index
        %get3A_226 = tpu.vector_load %get3A_223[%get3A_224, %get3A_225] {strides = array<i32>} : memref<24x1024xf32, #tpu.memory_space<vmem>>, vector<16xf32>,
        %mul3A_227 = arith.constant 3.000000e+01 : f32
        %mul3A_228 = vector.broadcast %mul3A_227 : f32 to vector<16xf32>
        %mul3A_229 = arith.mulf %get3A_226, %mul3A_228 : vector<16xf32>
        %swap3A_230 = arith.constant 0 : i32
        %swap3A_231 = arith.constant 0 : i32
        %swap3A_232 = tpu.memref_slice %arg9[%scan3A_100, %swap3A_230, %swap3A_231] : memref<2x24x1024xf32, #tpu.memory_space<vmem>> -> memref<1x24x1024xf32, #tpu.memory_space<vmem>>
        %swap3A_233 = tpu.memref_squeeze %swap3A_232 : memref<1x24x1024xf32, #tpu.memory_space<vmem>> -> memref<24x1024xf32, #tpu.memory_space<vmem>>
        %swap3A_234 = arith.index_cast %scan3A_136 : i32 to index
        %swap3A_235 = arith.constant 80 : index
        %swap3A_236 = tpu.vector_load %swap3A_233[%swap3A_234, %swap3A_235] {strides = array<i32>} : memref<24x1024xf32, #tpu.memory_space<vmem>>, vector<16xf32>,
        tpu.vector_store %swap3A_233[%swap3A_234, %swap3A_235], %mul3A_229 {strides = array<i32>} : memref<24x1024xf32, #tpu.memory_space<vmem>>, vector<16xf32>,
        %get3A_237 = arith.constant 0 : i32
        %get3A_238 = arith.constant 0 : i32
        %get3A_239 = tpu.memref_slice %arg8[%scan3A_99, %get3A_237, %get3A_238] : memref<2x24x1024xf32, #tpu.memory_space<vmem>> -> memref<1x24x1024xf32, #tpu.memory_space<vmem>>
        %get3A_240 = tpu.memref_squeeze %get3A_239 : memref<1x24x1024xf32, #tpu.memory_space<vmem>> -> memref<24x1024xf32, #tpu.memory_space<vmem>>
        %get3A_241 = arith.index_cast %scan3A_136 : i32 to index
        %get3A_242 = arith.constant 96 : index
        %get3A_243 = tpu.vector_load %get3A_240[%get3A_241, %get3A_242] {strides = array<i32>} : memref<24x1024xf32, #tpu.memory_space<vmem>>, vector<16xf32>,
        %mul3A_244 = arith.constant 3.000000e+01 : f32
        %mul3A_245 = vector.broadcast %mul3A_244 : f32 to vector<16xf32>
        %mul3A_246 = arith.mulf %get3A_243, %mul3A_245 : vector<16xf32>
        %swap3A_247 = arith.constant 0 : i32
        %swap3A_248 = arith.constant 0 : i32
        %swap3A_249 = tpu.memref_slice %arg9[%scan3A_100, %swap3A_247, %swap3A_248] : memref<2x24x1024xf32, #tpu.memory_space<vmem>> -> memref<1x24x1024xf32, #tpu.memory_space<vmem>>
        %swap3A_250 = tpu.memref_squeeze %swap3A_249 : memref<1x24x1024xf32, #tpu.memory_space<vmem>> -> memref<24x1024xf32, #tpu.memory_space<vmem>>
        %swap3A_251 = arith.index_cast %scan3A_136 : i32 to index
        %swap3A_252 = arith.constant 96 : index
        %swap3A_253 = tpu.vector_load %swap3A_250[%swap3A_251, %swap3A_252] {strides = array<i32>} : memref<24x1024xf32, #tpu.memory_space<vmem>>, vector<16xf32>,
        tpu.vector_store %swap3A_250[%swap3A_251, %swap3A_252], %mul3A_246 {strides = array<i32>} : memref<24x1024xf32, #tpu.memory_space<vmem>>, vector<16xf32>,
        %get3A_254 = arith.constant 0 : i32
        %get3A_255 = arith.constant 0 : i32
        %get3A_256 = tpu.memref_slice %arg8[%scan3A_99, %get3A_254, %get3A_255] : memref<2x24x1024xf32, #tpu.memory_space<vmem>> -> memref<1x24x1024xf32, #tpu.memory_space<vmem>>
        %get3A_257 = tpu.memref_squeeze %get3A_256 : memref<1x24x1024xf32, #tpu.memory_space<vmem>> -> memref<24x1024xf32, #tpu.memory_space<vmem>>
        %get3A_258 = arith.index_cast %scan3A_136 : i32 to index
        %get3A_259 = arith.constant 112 : index
        %get3A_260 = tpu.vector_load %get3A_257[%get3A_258, %get3A_259] {strides = array<i32>} : memref<24x1024xf32, #tpu.memory_space<vmem>>, vector<16xf32>,
        %mul3A_261 = arith.constant 3.000000e+01 : f32
        %mul3A_262 = vector.broadcast %mul3A_261 : f32 to vector<16xf32>
        %mul3A_263 = arith.mulf %get3A_260, %mul3A_262 : vector<16xf32>
        %swap3A_264 = arith.constant 0 : i32
        %swap3A_265 = arith.constant 0 : i32
        %swap3A_266 = tpu.memref_slice %arg9[%scan3A_100, %swap3A_264, %swap3A_265] : memref<2x24x1024xf32, #tpu.memory_space<vmem>> -> memref<1x24x1024xf32, #tpu.memory_space<vmem>>
        %swap3A_267 = tpu.memref_squeeze %swap3A_266 : memref<1x24x1024xf32, #tpu.memory_space<vmem>> -> memref<24x1024xf32, #tpu.memory_space<vmem>>
        %swap3A_268 = arith.index_cast %scan3A_136 : i32 to index
        %swap3A_269 = arith.constant 112 : index
        %swap3A_270 = tpu.vector_load %swap3A_267[%swap3A_268, %swap3A_269] {strides = array<i32>} : memref<24x1024xf32, #tpu.memory_space<vmem>>, vector<16xf32>,
        tpu.vector_store %swap3A_267[%swap3A_268, %swap3A_269], %mul3A_263 {strides = array<i32>} : memref<24x1024xf32, #tpu.memory_space<vmem>>, vector<16xf32>,
        %get3A_271 = arith.constant 0 : i32
        %get3A_272 = arith.constant 0 : i32
        %get3A_273 = tpu.memref_slice %arg8[%scan3A_99, %get3A_271, %get3A_272] : memref<2x24x1024xf32, #tpu.memory_space<vmem>> -> memref<1x24x1024xf32, #tpu.memory_space<vmem>>
        %get3A_274 = tpu.memref_squeeze %get3A_273 : memref<1x24x1024xf32, #tpu.memory_space<vmem>> -> memref<24x1024xf32, #tpu.memory_space<vmem>>
        %get3A_275 = arith.index_cast %scan3A_136 : i32 to index
        %get3A_276 = arith.constant 128 : index
        %get3A_277 = tpu.vector_load %get3A_274[%get3A_275, %get3A_276] {strides = array<i32>} : memref<24x1024xf32, #tpu.memory_space<vmem>>, vector<16xf32>,
        %mul3A_278 = arith.constant 3.000000e+01 : f32
        %mul3A_279 = vector.broadcast %mul3A_278 : f32 to vector<16xf32>
        %mul3A_280 = arith.mulf %get3A_277, %mul3A_279 : vector<16xf32>
        %swap3A_281 = arith.constant 0 : i32
        %swap3A_282 = arith.constant 0 : i32
        %swap3A_283 = tpu.memref_slice %arg9[%scan3A_100, %swap3A_281, %swap3A_282] : memref<2x24x1024xf32, #tpu.memory_space<vmem>> -> memref<1x24x1024xf32, #tpu.memory_space<vmem>>
        %swap3A_284 = tpu.memref_squeeze %swap3A_283 : memref<1x24x1024xf32, #tpu.memory_space<vmem>> -> memref<24x1024xf32, #tpu.memory_space<vmem>>
        %swap3A_285 = arith.index_cast %scan3A_136 : i32 to index
        %swap3A_286 = arith.constant 128 : index
        %swap3A_287 = tpu.vector_load %swap3A_284[%swap3A_285, %swap3A_286] {strides = array<i32>} : memref<24x1024xf32, #tpu.memory_space<vmem>>, vector<16xf32>,
        tpu.vector_store %swap3A_284[%swap3A_285, %swap3A_286], %mul3A_280 {strides = array<i32>} : memref<24x1024xf32, #tpu.memory_space<vmem>>, vector<16xf32>,
        %get3A_288 = arith.constant 0 : i32
        %get3A_289 = arith.constant 0 : i32
        %get3A_290 = tpu.memref_slice %arg8[%scan3A_99, %get3A_288, %get3A_289] : memref<2x24x1024xf32, #tpu.memory_space<vmem>> -> memref<1x24x1024xf32, #tpu.memory_space<vmem>>
        %get3A_291 = tpu.memref_squeeze %get3A_290 : memref<1x24x1024xf32, #tpu.memory_space<vmem>> -> memref<24x1024xf32, #tpu.memory_space<vmem>>
        %get3A_292 = arith.index_cast %scan3A_136 : i32 to index
        %get3A_293 = arith.constant 144 : index
        %get3A_294 = tpu.vector_load %get3A_291[%get3A_292, %get3A_293] {strides = array<i32>} : memref<24x1024xf32, #tpu.memory_space<vmem>>, vector<16xf32>,
        %mul3A_295 = arith.constant 3.000000e+01 : f32
        %mul3A_296 = vector.broadcast %mul3A_295 : f32 to vector<16xf32>
        %mul3A_297 = arith.mulf %get3A_294, %mul3A_296 : vector<16xf32>
        %swap3A_298 = arith.constant 0 : i32
        %swap3A_299 = arith.constant 0 : i32
        %swap3A_300 = tpu.memref_slice %arg9[%scan3A_100, %swap3A_298, %swap3A_299] : memref<2x24x1024xf32, #tpu.memory_space<vmem>> -> memref<1x24x1024xf32, #tpu.memory_space<vmem>>
        %swap3A_301 = tpu.memref_squeeze %swap3A_300 : memref<1x24x1024xf32, #tpu.memory_space<vmem>> -> memref<24x1024xf32, #tpu.memory_space<vmem>>
        %swap3A_302 = arith.index_cast %scan3A_136 : i32 to index
        %swap3A_303 = arith.constant 144 : index
        %swap3A_304 = tpu.vector_load %swap3A_301[%swap3A_302, %swap3A_303] {strides = array<i32>} : memref<24x1024xf32, #tpu.memory_space<vmem>>, vector<16xf32>,
        tpu.vector_store %swap3A_301[%swap3A_302, %swap3A_303], %mul3A_297 {strides = array<i32>} : memref<24x1024xf32, #tpu.memory_space<vmem>>, vector<16xf32>,
        %get3A_305 = arith.constant 0 : i32
        %get3A_306 = arith.constant 0 : i32
        %get3A_307 = tpu.memref_slice %arg8[%scan3A_99, %get3A_305, %get3A_306] : memref<2x24x1024xf32, #tpu.memory_space<vmem>> -> memref<1x24x1024xf32, #tpu.memory_space<vmem>>
        %get3A_308 = tpu.memref_squeeze %get3A_307 : memref<1x24x1024xf32, #tpu.memory_space<vmem>> -> memref<24x1024xf32, #tpu.memory_space<vmem>>
        %get3A_309 = arith.index_cast %scan3A_136 : i32 to index
        %get3A_310 = arith.constant 160 : index
        %get3A_311 = tpu.vector_load %get3A_308[%get3A_309, %get3A_310] {strides = array<i32>} : memref<24x1024xf32, #tpu.memory_space<vmem>>, vector<16xf32>,
        %mul3A_312 = arith.constant 3.000000e+01 : f32
        %mul3A_313 = vector.broadcast %mul3A_312 : f32 to vector<16xf32>
        %mul3A_314 = arith.mulf %get3A_311, %mul3A_313 : vector<16xf32>
        %swap3A_315 = arith.constant 0 : i32
        %swap3A_316 = arith.constant 0 : i32
        %swap3A_317 = tpu.memref_slice %arg9[%scan3A_100, %swap3A_315, %swap3A_316] : memref<2x24x1024xf32, #tpu.memory_space<vmem>> -> memref<1x24x1024xf32, #tpu.memory_space<vmem>>
        %swap3A_318 = tpu.memref_squeeze %swap3A_317 : memref<1x24x1024xf32, #tpu.memory_space<vmem>> -> memref<24x1024xf32, #tpu.memory_space<vmem>>
        %swap3A_319 = arith.index_cast %scan3A_136 : i32 to index
        %swap3A_320 = arith.constant 160 : index
        %swap3A_321 = tpu.vector_load %swap3A_318[%swap3A_319, %swap3A_320] {strides = array<i32>} : memref<24x1024xf32, #tpu.memory_space<vmem>>, vector<16xf32>,
        tpu.vector_store %swap3A_318[%swap3A_319, %swap3A_320], %mul3A_314 {strides = array<i32>} : memref<24x1024xf32, #tpu.memory_space<vmem>>, vector<16xf32>,
        %get3A_322 = arith.constant 0 : i32
        %get3A_323 = arith.constant 0 : i32
        %get3A_324 = tpu.memref_slice %arg8[%scan3A_99, %get3A_322, %get3A_323] : memref<2x24x1024xf32, #tpu.memory_space<vmem>> -> memref<1x24x1024xf32, #tpu.memory_space<vmem>>
        %get3A_325 = tpu.memref_squeeze %get3A_324 : memref<1x24x1024xf32, #tpu.memory_space<vmem>> -> memref<24x1024xf32, #tpu.memory_space<vmem>>
        %get3A_326 = arith.index_cast %scan3A_136 : i32 to index
        %get3A_327 = arith.constant 176 : index
        %get3A_328 = tpu.vector_load %get3A_325[%get3A_326, %get3A_327] {strides = array<i32>} : memref<24x1024xf32, #tpu.memory_space<vmem>>, vector<16xf32>,
        %mul3A_329 = arith.constant 3.000000e+01 : f32
        %mul3A_330 = vector.broadcast %mul3A_329 : f32 to vector<16xf32>
        %mul3A_331 = arith.mulf %get3A_328, %mul3A_330 : vector<16xf32>
        %swap3A_332 = arith.constant 0 : i32
        %swap3A_333 = arith.constant 0 : i32
        %swap3A_334 = tpu.memref_slice %arg9[%scan3A_100, %swap3A_332, %swap3A_333] : memref<2x24x1024xf32, #tpu.memory_space<vmem>> -> memref<1x24x1024xf32, #tpu.memory_space<vmem>>
        %swap3A_335 = tpu.memref_squeeze %swap3A_334 : memref<1x24x1024xf32, #tpu.memory_space<vmem>> -> memref<24x1024xf32, #tpu.memory_space<vmem>>
        %swap3A_336 = arith.index_cast %scan3A_136 : i32 to index
        %swap3A_337 = arith.constant 176 : index
        %swap3A_338 = tpu.vector_load %swap3A_335[%swap3A_336, %swap3A_337] {strides = array<i32>} : memref<24x1024xf32, #tpu.memory_space<vmem>>, vector<16xf32>,
        tpu.vector_store %swap3A_335[%swap3A_336, %swap3A_337], %mul3A_331 {strides = array<i32>} : memref<24x1024xf32, #tpu.memory_space<vmem>>, vector<16xf32>,
        %get3A_339 = arith.constant 0 : i32
        %get3A_340 = arith.constant 0 : i32
        %get3A_341 = tpu.memref_slice %arg8[%scan3A_99, %get3A_339, %get3A_340] : memref<2x24x1024xf32, #tpu.memory_space<vmem>> -> memref<1x24x1024xf32, #tpu.memory_space<vmem>>
        %get3A_342 = tpu.memref_squeeze %get3A_341 : memref<1x24x1024xf32, #tpu.memory_space<vmem>> -> memref<24x1024xf32, #tpu.memory_space<vmem>>
        %get3A_343 = arith.index_cast %scan3A_136 : i32 to index
        %get3A_344 = arith.constant 192 : index
        %get3A_345 = tpu.vector_load %get3A_342[%get3A_343, %get3A_344] {strides = array<i32>} : memref<24x1024xf32, #tpu.memory_space<vmem>>, vector<16xf32>,
        %mul3A_346 = arith.constant 3.000000e+01 : f32
        %mul3A_347 = vector.broadcast %mul3A_346 : f32 to vector<16xf32>
        %mul3A_348 = arith.mulf %get3A_345, %mul3A_347 : vector<16xf32>
        %swap3A_349 = arith.constant 0 : i32
        %swap3A_350 = arith.constant 0 : i32
        %swap3A_351 = tpu.memref_slice %arg9[%scan3A_100, %swap3A_349, %swap3A_350] : memref<2x24x1024xf32, #tpu.memory_space<vmem>> -> memref<1x24x1024xf32, #tpu.memory_space<vmem>>
        %swap3A_352 = tpu.memref_squeeze %swap3A_351 : memref<1x24x1024xf32, #tpu.memory_space<vmem>> -> memref<24x1024xf32, #tpu.memory_space<vmem>>
        %swap3A_353 = arith.index_cast %scan3A_136 : i32 to index
        %swap3A_354 = arith.constant 192 : index
        %swap3A_355 = tpu.vector_load %swap3A_352[%swap3A_353, %swap3A_354] {strides = array<i32>} : memref<24x1024xf32, #tpu.memory_space<vmem>>, vector<16xf32>,
        tpu.vector_store %swap3A_352[%swap3A_353, %swap3A_354], %mul3A_348 {strides = array<i32>} : memref<24x1024xf32, #tpu.memory_space<vmem>>, vector<16xf32>,
        %get3A_356 = arith.constant 0 : i32
        %get3A_357 = arith.constant 0 : i32
        %get3A_358 = tpu.memref_slice %arg8[%scan3A_99, %get3A_356, %get3A_357] : memref<2x24x1024xf32, #tpu.memory_space<vmem>> -> memref<1x24x1024xf32, #tpu.memory_space<vmem>>
        %get3A_359 = tpu.memref_squeeze %get3A_358 : memref<1x24x1024xf32, #tpu.memory_space<vmem>> -> memref<24x1024xf32, #tpu.memory_space<vmem>>
        %get3A_360 = arith.index_cast %scan3A_136 : i32 to index
        %get3A_361 = arith.constant 208 : index
        %get3A_362 = tpu.vector_load %get3A_359[%get3A_360, %get3A_361] {strides = array<i32>} : memref<24x1024xf32, #tpu.memory_space<vmem>>, vector<16xf32>,
        %mul3A_363 = arith.constant 3.000000e+01 : f32
        %mul3A_364 = vector.broadcast %mul3A_363 : f32 to vector<16xf32>
        %mul3A_365 = arith.mulf %get3A_362, %mul3A_364 : vector<16xf32>
        %swap3A_366 = arith.constant 0 : i32
        %swap3A_367 = arith.constant 0 : i32
        %swap3A_368 = tpu.memref_slice %arg9[%scan3A_100, %swap3A_366, %swap3A_367] : memref<2x24x1024xf32, #tpu.memory_space<vmem>> -> memref<1x24x1024xf32, #tpu.memory_space<vmem>>
        %swap3A_369 = tpu.memref_squeeze %swap3A_368 : memref<1x24x1024xf32, #tpu.memory_space<vmem>> -> memref<24x1024xf32, #tpu.memory_space<vmem>>
        %swap3A_370 = arith.index_cast %scan3A_136 : i32 to index
        %swap3A_371 = arith.constant 208 : index
        %swap3A_372 = tpu.vector_load %swap3A_369[%swap3A_370, %swap3A_371] {strides = array<i32>} : memref<24x1024xf32, #tpu.memory_space<vmem>>, vector<16xf32>,
        tpu.vector_store %swap3A_369[%swap3A_370, %swap3A_371], %mul3A_365 {strides = array<i32>} : memref<24x1024xf32, #tpu.memory_space<vmem>>, vector<16xf32>,
        %get3A_373 = arith.constant 0 : i32
        %get3A_374 = arith.constant 0 : i32
        %get3A_375 = tpu.memref_slice %arg8[%scan3A_99, %get3A_373, %get3A_374] : memref<2x24x1024xf32, #tpu.memory_space<vmem>> -> memref<1x24x1024xf32, #tpu.memory_space<vmem>>
        %get3A_376 = tpu.memref_squeeze %get3A_375 : memref<1x24x1024xf32, #tpu.memory_space<vmem>> -> memref<24x1024xf32, #tpu.memory_space<vmem>>
        %get3A_377 = arith.index_cast %scan3A_136 : i32 to index
        %get3A_378 = arith.constant 224 : index
        %get3A_379 = tpu.vector_load %get3A_376[%get3A_377, %get3A_378] {strides = array<i32>} : memref<24x1024xf32, #tpu.memory_space<vmem>>, vector<16xf32>,
        %mul3A_380 = arith.constant 3.000000e+01 : f32
        %mul3A_381 = vector.broadcast %mul3A_380 : f32 to vector<16xf32>
        %mul3A_382 = arith.mulf %get3A_379, %mul3A_381 : vector<16xf32>
        %swap3A_383 = arith.constant 0 : i32
        %swap3A_384 = arith.constant 0 : i32
        %swap3A_385 = tpu.memref_slice %arg9[%scan3A_100, %swap3A_383, %swap3A_384] : memref<2x24x1024xf32, #tpu.memory_space<vmem>> -> memref<1x24x1024xf32, #tpu.memory_space<vmem>>
        %swap3A_386 = tpu.memref_squeeze %swap3A_385 : memref<1x24x1024xf32, #tpu.memory_space<vmem>> -> memref<24x1024xf32, #tpu.memory_space<vmem>>
        %swap3A_387 = arith.index_cast %scan3A_136 : i32 to index
        %swap3A_388 = arith.constant 224 : index
        %swap3A_389 = tpu.vector_load %swap3A_386[%swap3A_387, %swap3A_388] {strides = array<i32>} : memref<24x1024xf32, #tpu.memory_space<vmem>>, vector<16xf32>,
        tpu.vector_store %swap3A_386[%swap3A_387, %swap3A_388], %mul3A_382 {strides = array<i32>} : memref<24x1024xf32, #tpu.memory_space<vmem>>, vector<16xf32>,
        %get3A_390 = arith.constant 0 : i32
        %get3A_391 = arith.constant 0 : i32
        %get3A_392 = tpu.memref_slice %arg8[%scan3A_99, %get3A_390, %get3A_391] : memref<2x24x1024xf32, #tpu.memory_space<vmem>> -> memref<1x24x1024xf32, #tpu.memory_space<vmem>>
        %get3A_393 = tpu.memref_squeeze %get3A_392 : memref<1x24x1024xf32, #tpu.memory_space<vmem>> -> memref<24x1024xf32, #tpu.memory_space<vmem>>
        %get3A_394 = arith.index_cast %scan3A_136 : i32 to index
        %get3A_395 = arith.constant 240 : index
        %get3A_396 = tpu.vector_load %get3A_393[%get3A_394, %get3A_395] {strides = array<i32>} : memref<24x1024xf32, #tpu.memory_space<vmem>>, vector<16xf32>,
        %mul3A_397 = arith.constant 3.000000e+01 : f32
        %mul3A_398 = vector.broadcast %mul3A_397 : f32 to vector<16xf32>
        %mul3A_399 = arith.mulf %get3A_396, %mul3A_398 : vector<16xf32>
        %swap3A_400 = arith.constant 0 : i32
        %swap3A_401 = arith.constant 0 : i32
        %swap3A_402 = tpu.memref_slice %arg9[%scan3A_100, %swap3A_400, %swap3A_401] : memref<2x24x1024xf32, #tpu.memory_space<vmem>> -> memref<1x24x1024xf32, #tpu.memory_space<vmem>>
        %swap3A_403 = tpu.memref_squeeze %swap3A_402 : memref<1x24x1024xf32, #tpu.memory_space<vmem>> -> memref<24x1024xf32, #tpu.memory_space<vmem>>
        %swap3A_404 = arith.index_cast %scan3A_136 : i32 to index
        %swap3A_405 = arith.constant 240 : index
        %swap3A_406 = tpu.vector_load %swap3A_403[%swap3A_404, %swap3A_405] {strides = array<i32>} : memref<24x1024xf32, #tpu.memory_space<vmem>>, vector<16xf32>,
        tpu.vector_store %swap3A_403[%swap3A_404, %swap3A_405], %mul3A_399 {strides = array<i32>} : memref<24x1024xf32, #tpu.memory_space<vmem>>, vector<16xf32>,
        %get3A_407 = arith.constant 0 : i32
        %get3A_408 = arith.constant 0 : i32
        %get3A_409 = tpu.memref_slice %arg8[%scan3A_99, %get3A_407, %get3A_408] : memref<2x24x1024xf32, #tpu.memory_space<vmem>> -> memref<1x24x1024xf32, #tpu.memory_space<vmem>>
        %get3A_410 = tpu.memref_squeeze %get3A_409 : memref<1x24x1024xf32, #tpu.memory_space<vmem>> -> memref<24x1024xf32, #tpu.memory_space<vmem>>
        %get3A_411 = arith.index_cast %scan3A_136 : i32 to index
        %get3A_412 = arith.constant 256 : index
        %get3A_413 = tpu.vector_load %get3A_410[%get3A_411, %get3A_412] {strides = array<i32>} : memref<24x1024xf32, #tpu.memory_space<vmem>>, vector<16xf32>,
        %mul3A_414 = arith.constant 3.000000e+01 : f32
        %mul3A_415 = vector.broadcast %mul3A_414 : f32 to vector<16xf32>
        %mul3A_416 = arith.mulf %get3A_413, %mul3A_415 : vector<16xf32>
        %swap3A_417 = arith.constant 0 : i32
        %swap3A_418 = arith.constant 0 : i32
        %swap3A_419 = tpu.memref_slice %arg9[%scan3A_100, %swap3A_417, %swap3A_418] : memref<2x24x1024xf32, #tpu.memory_space<vmem>> -> memref<1x24x1024xf32, #tpu.memory_space<vmem>>
        %swap3A_420 = tpu.memref_squeeze %swap3A_419 : memref<1x24x1024xf32, #tpu.memory_space<vmem>> -> memref<24x1024xf32, #tpu.memory_space<vmem>>
        %swap3A_421 = arith.index_cast %scan3A_136 : i32 to index
        %swap3A_422 = arith.constant 256 : index
        %swap3A_423 = tpu.vector_load %swap3A_420[%swap3A_421, %swap3A_422] {strides = array<i32>} : memref<24x1024xf32, #tpu.memory_space<vmem>>, vector<16xf32>,
        tpu.vector_store %swap3A_420[%swap3A_421, %swap3A_422], %mul3A_416 {strides = array<i32>} : memref<24x1024xf32, #tpu.memory_space<vmem>>, vector<16xf32>,
        %get3A_424 = arith.constant 0 : i32
        %get3A_425 = arith.constant 0 : i32
        %get3A_426 = tpu.memref_slice %arg8[%scan3A_99, %get3A_424, %get3A_425] : memref<2x24x1024xf32, #tpu.memory_space<vmem>> -> memref<1x24x1024xf32, #tpu.memory_space<vmem>>
        %get3A_427 = tpu.memref_squeeze %get3A_426 : memref<1x24x1024xf32, #tpu.memory_space<vmem>> -> memref<24x1024xf32, #tpu.memory_space<vmem>>
        %get3A_428 = arith.index_cast %scan3A_136 : i32 to index
        %get3A_429 = arith.constant 272 : index
        %get3A_430 = tpu.vector_load %get3A_427[%get3A_428, %get3A_429] {strides = array<i32>} : memref<24x1024xf32, #tpu.memory_space<vmem>>, vector<16xf32>,
        %mul3A_431 = arith.constant 3.000000e+01 : f32
        %mul3A_432 = vector.broadcast %mul3A_431 : f32 to vector<16xf32>
        %mul3A_433 = arith.mulf %get3A_430, %mul3A_432 : vector<16xf32>
        %swap3A_434 = arith.constant 0 : i32
        %swap3A_435 = arith.constant 0 : i32
        %swap3A_436 = tpu.memref_slice %arg9[%scan3A_100, %swap3A_434, %swap3A_435] : memref<2x24x1024xf32, #tpu.memory_space<vmem>> -> memref<1x24x1024xf32, #tpu.memory_space<vmem>>
        %swap3A_437 = tpu.memref_squeeze %swap3A_436 : memref<1x24x1024xf32, #tpu.memory_space<vmem>> -> memref<24x1024xf32, #tpu.memory_space<vmem>>
        %swap3A_438 = arith.index_cast %scan3A_136 : i32 to index
        %swap3A_439 = arith.constant 272 : index
        %swap3A_440 = tpu.vector_load %swap3A_437[%swap3A_438, %swap3A_439] {strides = array<i32>} : memref<24x1024xf32, #tpu.memory_space<vmem>>, vector<16xf32>,
        tpu.vector_store %swap3A_437[%swap3A_438, %swap3A_439], %mul3A_433 {strides = array<i32>} : memref<24x1024xf32, #tpu.memory_space<vmem>>, vector<16xf32>,
        %get3A_441 = arith.constant 0 : i32
        %get3A_442 = arith.constant 0 : i32
        %get3A_443 = tpu.memref_slice %arg8[%scan3A_99, %get3A_441, %get3A_442] : memref<2x24x1024xf32, #tpu.memory_space<vmem>> -> memref<1x24x1024xf32, #tpu.memory_space<vmem>>
        %get3A_444 = tpu.memref_squeeze %get3A_443 : memref<1x24x1024xf32, #tpu.memory_space<vmem>> -> memref<24x1024xf32, #tpu.memory_space<vmem>>
        %get3A_445 = arith.index_cast %scan3A_136 : i32 to index
        %get3A_446 = arith.constant 288 : index
        %get3A_447 = tpu.vector_load %get3A_444[%get3A_445, %get3A_446] {strides = array<i32>} : memref<24x1024xf32, #tpu.memory_space<vmem>>, vector<16xf32>,
        %mul3A_448 = arith.constant 3.000000e+01 : f32
        %mul3A_449 = vector.broadcast %mul3A_448 : f32 to vector<16xf32>
        %mul3A_450 = arith.mulf %get3A_447, %mul3A_449 : vector<16xf32>
        %swap3A_451 = arith.constant 0 : i32
        %swap3A_452 = arith.constant 0 : i32
        %swap3A_453 = tpu.memref_slice %arg9[%scan3A_100, %swap3A_451, %swap3A_452] : memref<2x24x1024xf32, #tpu.memory_space<vmem>> -> memref<1x24x1024xf32, #tpu.memory_space<vmem>>
        %swap3A_454 = tpu.memref_squeeze %swap3A_453 : memref<1x24x1024xf32, #tpu.memory_space<vmem>> -> memref<24x1024xf32, #tpu.memory_space<vmem>>
        %swap3A_455 = arith.index_cast %scan3A_136 : i32 to index
        %swap3A_456 = arith.constant 288 : index
        %swap3A_457 = tpu.vector_load %swap3A_454[%swap3A_455, %swap3A_456] {strides = array<i32>} : memref<24x1024xf32, #tpu.memory_space<vmem>>, vector<16xf32>,
        tpu.vector_store %swap3A_454[%swap3A_455, %swap3A_456], %mul3A_450 {strides = array<i32>} : memref<24x1024xf32, #tpu.memory_space<vmem>>, vector<16xf32>,
        %get3A_458 = arith.constant 0 : i32
        %get3A_459 = arith.constant 0 : i32
        %get3A_460 = tpu.memref_slice %arg8[%scan3A_99, %get3A_458, %get3A_459] : memref<2x24x1024xf32, #tpu.memory_space<vmem>> -> memref<1x24x1024xf32, #tpu.memory_space<vmem>>
        %get3A_461 = tpu.memref_squeeze %get3A_460 : memref<1x24x1024xf32, #tpu.memory_space<vmem>> -> memref<24x1024xf32, #tpu.memory_space<vmem>>
        %get3A_462 = arith.index_cast %scan3A_136 : i32 to index
        %get3A_463 = arith.constant 304 : index
        %get3A_464 = tpu.vector_load %get3A_461[%get3A_462, %get3A_463] {strides = array<i32>} : memref<24x1024xf32, #tpu.memory_space<vmem>>, vector<16xf32>,
        %mul3A_465 = arith.constant 3.000000e+01 : f32
        %mul3A_466 = vector.broadcast %mul3A_465 : f32 to vector<16xf32>
        %mul3A_467 = arith.mulf %get3A_464, %mul3A_466 : vector<16xf32>
        %swap3A_468 = arith.constant 0 : i32
        %swap3A_469 = arith.constant 0 : i32
        %swap3A_470 = tpu.memref_slice %arg9[%scan3A_100, %swap3A_468, %swap3A_469] : memref<2x24x1024xf32, #tpu.memory_space<vmem>> -> memref<1x24x1024xf32, #tpu.memory_space<vmem>>
        %swap3A_471 = tpu.memref_squeeze %swap3A_470 : memref<1x24x1024xf32, #tpu.memory_space<vmem>> -> memref<24x1024xf32, #tpu.memory_space<vmem>>
        %swap3A_472 = arith.index_cast %scan3A_136 : i32 to index
        %swap3A_473 = arith.constant 304 : index
        %swap3A_474 = tpu.vector_load %swap3A_471[%swap3A_472, %swap3A_473] {strides = array<i32>} : memref<24x1024xf32, #tpu.memory_space<vmem>>, vector<16xf32>,
        tpu.vector_store %swap3A_471[%swap3A_472, %swap3A_473], %mul3A_467 {strides = array<i32>} : memref<24x1024xf32, #tpu.memory_space<vmem>>, vector<16xf32>,
        %get3A_475 = arith.constant 0 : i32
        %get3A_476 = arith.constant 0 : i32
        %get3A_477 = tpu.memref_slice %arg8[%scan3A_99, %get3A_475, %get3A_476] : memref<2x24x1024xf32, #tpu.memory_space<vmem>> -> memref<1x24x1024xf32, #tpu.memory_space<vmem>>
        %get3A_478 = tpu.memref_squeeze %get3A_477 : memref<1x24x1024xf32, #tpu.memory_space<vmem>> -> memref<24x1024xf32, #tpu.memory_space<vmem>>
        %get3A_479 = arith.index_cast %scan3A_136 : i32 to index
        %get3A_480 = arith.constant 320 : index
        %get3A_481 = tpu.vector_load %get3A_478[%get3A_479, %get3A_480] {strides = array<i32>} : memref<24x1024xf32, #tpu.memory_space<vmem>>, vector<16xf32>,
        %mul3A_482 = arith.constant 3.000000e+01 : f32
        %mul3A_483 = vector.broadcast %mul3A_482 : f32 to vector<16xf32>
        %mul3A_484 = arith.mulf %get3A_481, %mul3A_483 : vector<16xf32>
        %swap3A_485 = arith.constant 0 : i32
        %swap3A_486 = arith.constant 0 : i32
        %swap3A_487 = tpu.memref_slice %arg9[%scan3A_100, %swap3A_485, %swap3A_486] : memref<2x24x1024xf32, #tpu.memory_space<vmem>> -> memref<1x24x1024xf32, #tpu.memory_space<vmem>>
        %swap3A_488 = tpu.memref_squeeze %swap3A_487 : memref<1x24x1024xf32, #tpu.memory_space<vmem>> -> memref<24x1024xf32, #tpu.memory_space<vmem>>
        %swap3A_489 = arith.index_cast %scan3A_136 : i32 to index
        %swap3A_490 = arith.constant 320 : index
        %swap3A_491 = tpu.vector_load %swap3A_488[%swap3A_489, %swap3A_490] {strides = array<i32>} : memref<24x1024xf32, #tpu.memory_space<vmem>>, vector<16xf32>,
        tpu.vector_store %swap3A_488[%swap3A_489, %swap3A_490], %mul3A_484 {strides = array<i32>} : memref<24x1024xf32, #tpu.memory_space<vmem>>, vector<16xf32>,
        %get3A_492 = arith.constant 0 : i32
        %get3A_493 = arith.constant 0 : i32
        %get3A_494 = tpu.memref_slice %arg8[%scan3A_99, %get3A_492, %get3A_493] : memref<2x24x1024xf32, #tpu.memory_space<vmem>> -> memref<1x24x1024xf32, #tpu.memory_space<vmem>>
        %get3A_495 = tpu.memref_squeeze %get3A_494 : memref<1x24x1024xf32, #tpu.memory_space<vmem>> -> memref<24x1024xf32, #tpu.memory_space<vmem>>
        %get3A_496 = arith.index_cast %scan3A_136 : i32 to index
        %get3A_497 = arith.constant 336 : index
        %get3A_498 = tpu.vector_load %get3A_495[%get3A_496, %get3A_497] {strides = array<i32>} : memref<24x1024xf32, #tpu.memory_space<vmem>>, vector<16xf32>,
        %mul3A_499 = arith.constant 3.000000e+01 : f32
        %mul3A_500 = vector.broadcast %mul3A_499 : f32 to vector<16xf32>
        %mul3A_501 = arith.mulf %get3A_498, %mul3A_500 : vector<16xf32>
        %swap3A_502 = arith.constant 0 : i32
        %swap3A_503 = arith.constant 0 : i32
        %swap3A_504 = tpu.memref_slice %arg9[%scan3A_100, %swap3A_502, %swap3A_503] : memref<2x24x1024xf32, #tpu.memory_space<vmem>> -> memref<1x24x1024xf32, #tpu.memory_space<vmem>>
        %swap3A_505 = tpu.memref_squeeze %swap3A_504 : memref<1x24x1024xf32, #tpu.memory_space<vmem>> -> memref<24x1024xf32, #tpu.memory_space<vmem>>
        %swap3A_506 = arith.index_cast %scan3A_136 : i32 to index
        %swap3A_507 = arith.constant 336 : index
        %swap3A_508 = tpu.vector_load %swap3A_505[%swap3A_506, %swap3A_507] {strides = array<i32>} : memref<24x1024xf32, #tpu.memory_space<vmem>>, vector<16xf32>,
        tpu.vector_store %swap3A_505[%swap3A_506, %swap3A_507], %mul3A_501 {strides = array<i32>} : memref<24x1024xf32, #tpu.memory_space<vmem>>, vector<16xf32>,
        %get3A_509 = arith.constant 0 : i32
        %get3A_510 = arith.constant 0 : i32
        %get3A_511 = tpu.memref_slice %arg8[%scan3A_99, %get3A_509, %get3A_510] : memref<2x24x1024xf32, #tpu.memory_space<vmem>> -> memref<1x24x1024xf32, #tpu.memory_space<vmem>>
        %get3A_512 = tpu.memref_squeeze %get3A_511 : memref<1x24x1024xf32, #tpu.memory_space<vmem>> -> memref<24x1024xf32, #tpu.memory_space<vmem>>
        %get3A_513 = arith.index_cast %scan3A_136 : i32 to index
        %get3A_514 = arith.constant 352 : index
        %get3A_515 = tpu.vector_load %get3A_512[%get3A_513, %get3A_514] {strides = array<i32>} : memref<24x1024xf32, #tpu.memory_space<vmem>>, vector<16xf32>,
        %mul3A_516 = arith.constant 3.000000e+01 : f32
        %mul3A_517 = vector.broadcast %mul3A_516 : f32 to vector<16xf32>
        %mul3A_518 = arith.mulf %get3A_515, %mul3A_517 : vector<16xf32>
        %swap3A_519 = arith.constant 0 : i32
        %swap3A_520 = arith.constant 0 : i32
        %swap3A_521 = tpu.memref_slice %arg9[%scan3A_100, %swap3A_519, %swap3A_520] : memref<2x24x1024xf32, #tpu.memory_space<vmem>> -> memref<1x24x1024xf32, #tpu.memory_space<vmem>>
        %swap3A_522 = tpu.memref_squeeze %swap3A_521 : memref<1x24x1024xf32, #tpu.memory_space<vmem>> -> memref<24x1024xf32, #tpu.memory_space<vmem>>
        %swap3A_523 = arith.index_cast %scan3A_136 : i32 to index
        %swap3A_524 = arith.constant 352 : index
        %swap3A_525 = tpu.vector_load %swap3A_522[%swap3A_523, %swap3A_524] {strides = array<i32>} : memref<24x1024xf32, #tpu.memory_space<vmem>>, vector<16xf32>,
        tpu.vector_store %swap3A_522[%swap3A_523, %swap3A_524], %mul3A_518 {strides = array<i32>} : memref<24x1024xf32, #tpu.memory_space<vmem>>, vector<16xf32>,
        %get3A_526 = arith.constant 0 : i32
        %get3A_527 = arith.constant 0 : i32
        %get3A_528 = tpu.memref_slice %arg8[%scan3A_99, %get3A_526, %get3A_527] : memref<2x24x1024xf32, #tpu.memory_space<vmem>> -> memref<1x24x1024xf32, #tpu.memory_space<vmem>>
        %get3A_529 = tpu.memref_squeeze %get3A_528 : memref<1x24x1024xf32, #tpu.memory_space<vmem>> -> memref<24x1024xf32, #tpu.memory_space<vmem>>
        %get3A_530 = arith.index_cast %scan3A_136 : i32 to index
        %get3A_531 = arith.constant 368 : index
        %get3A_532 = tpu.vector_load %get3A_529[%get3A_530, %get3A_531] {strides = array<i32>} : memref<24x1024xf32, #tpu.memory_space<vmem>>, vector<16xf32>,
        %mul3A_533 = arith.constant 3.000000e+01 : f32
        %mul3A_534 = vector.broadcast %mul3A_533 : f32 to vector<16xf32>
        %mul3A_535 = arith.mulf %get3A_532, %mul3A_534 : vector<16xf32>
        %swap3A_536 = arith.constant 0 : i32
        %swap3A_537 = arith.constant 0 : i32
        %swap3A_538 = tpu.memref_slice %arg9[%scan3A_100, %swap3A_536, %swap3A_537] : memref<2x24x1024xf32, #tpu.memory_space<vmem>> -> memref<1x24x1024xf32, #tpu.memory_space<vmem>>
        %swap3A_539 = tpu.memref_squeeze %swap3A_538 : memref<1x24x1024xf32, #tpu.memory_space<vmem>> -> memref<24x1024xf32, #tpu.memory_space<vmem>>
        %swap3A_540 = arith.index_cast %scan3A_136 : i32 to index
        %swap3A_541 = arith.constant 368 : index
        %swap3A_542 = tpu.vector_load %swap3A_539[%swap3A_540, %swap3A_541] {strides = array<i32>} : memref<24x1024xf32, #tpu.memory_space<vmem>>, vector<16xf32>,
        tpu.vector_store %swap3A_539[%swap3A_540, %swap3A_541], %mul3A_535 {strides = array<i32>} : memref<24x1024xf32, #tpu.memory_space<vmem>>, vector<16xf32>,
        %get3A_543 = arith.constant 0 : i32
        %get3A_544 = arith.constant 0 : i32
        %get3A_545 = tpu.memref_slice %arg8[%scan3A_99, %get3A_543, %get3A_544] : memref<2x24x1024xf32, #tpu.memory_space<vmem>> -> memref<1x24x1024xf32, #tpu.memory_space<vmem>>
        %get3A_546 = tpu.memref_squeeze %get3A_545 : memref<1x24x1024xf32, #tpu.memory_space<vmem>> -> memref<24x1024xf32, #tpu.memory_space<vmem>>
        %get3A_547 = arith.index_cast %scan3A_136 : i32 to index
        %get3A_548 = arith.constant 384 : index
        %get3A_549 = tpu.vector_load %get3A_546[%get3A_547, %get3A_548] {strides = array<i32>} : memref<24x1024xf32, #tpu.memory_space<vmem>>, vector<16xf32>,
        %mul3A_550 = arith.constant 3.000000e+01 : f32
        %mul3A_551 = vector.broadcast %mul3A_550 : f32 to vector<16xf32>
        %mul3A_552 = arith.mulf %get3A_549, %mul3A_551 : vector<16xf32>
        %swap3A_553 = arith.constant 0 : i32
        %swap3A_554 = arith.constant 0 : i32
        %swap3A_555 = tpu.memref_slice %arg9[%scan3A_100, %swap3A_553, %swap3A_554] : memref<2x24x1024xf32, #tpu.memory_space<vmem>> -> memref<1x24x1024xf32, #tpu.memory_space<vmem>>
        %swap3A_556 = tpu.memref_squeeze %swap3A_555 : memref<1x24x1024xf32, #tpu.memory_space<vmem>> -> memref<24x1024xf32, #tpu.memory_space<vmem>>
        %swap3A_557 = arith.index_cast %scan3A_136 : i32 to index
        %swap3A_558 = arith.constant 384 : index
        %swap3A_559 = tpu.vector_load %swap3A_556[%swap3A_557, %swap3A_558] {strides = array<i32>} : memref<24x1024xf32, #tpu.memory_space<vmem>>, vector<16xf32>,
        tpu.vector_store %swap3A_556[%swap3A_557, %swap3A_558], %mul3A_552 {strides = array<i32>} : memref<24x1024xf32, #tpu.memory_space<vmem>>, vector<16xf32>,
        %get3A_560 = arith.constant 0 : i32
        %get3A_561 = arith.constant 0 : i32
        %get3A_562 = tpu.memref_slice %arg8[%scan3A_99, %get3A_560, %get3A_561] : memref<2x24x1024xf32, #tpu.memory_space<vmem>> -> memref<1x24x1024xf32, #tpu.memory_space<vmem>>
        %get3A_563 = tpu.memref_squeeze %get3A_562 : memref<1x24x1024xf32, #tpu.memory_space<vmem>> -> memref<24x1024xf32, #tpu.memory_space<vmem>>
        %get3A_564 = arith.index_cast %scan3A_136 : i32 to index
        %get3A_565 = arith.constant 400 : index
        %get3A_566 = tpu.vector_load %get3A_563[%get3A_564, %get3A_565] {strides = array<i32>} : memref<24x1024xf32, #tpu.memory_space<vmem>>, vector<16xf32>,
        %mul3A_567 = arith.constant 3.000000e+01 : f32
        %mul3A_568 = vector.broadcast %mul3A_567 : f32 to vector<16xf32>
        %mul3A_569 = arith.mulf %get3A_566, %mul3A_568 : vector<16xf32>
        %swap3A_570 = arith.constant 0 : i32
        %swap3A_571 = arith.constant 0 : i32
        %swap3A_572 = tpu.memref_slice %arg9[%scan3A_100, %swap3A_570, %swap3A_571] : memref<2x24x1024xf32, #tpu.memory_space<vmem>> -> memref<1x24x1024xf32, #tpu.memory_space<vmem>>
        %swap3A_573 = tpu.memref_squeeze %swap3A_572 : memref<1x24x1024xf32, #tpu.memory_space<vmem>> -> memref<24x1024xf32, #tpu.memory_space<vmem>>
        %swap3A_574 = arith.index_cast %scan3A_136 : i32 to index
        %swap3A_575 = arith.constant 400 : index
        %swap3A_576 = tpu.vector_load %swap3A_573[%swap3A_574, %swap3A_575] {strides = array<i32>} : memref<24x1024xf32, #tpu.memory_space<vmem>>, vector<16xf32>,
        tpu.vector_store %swap3A_573[%swap3A_574, %swap3A_575], %mul3A_569 {strides = array<i32>} : memref<24x1024xf32, #tpu.memory_space<vmem>>, vector<16xf32>,
        %get3A_577 = arith.constant 0 : i32
        %get3A_578 = arith.constant 0 : i32
        %get3A_579 = tpu.memref_slice %arg8[%scan3A_99, %get3A_577, %get3A_578] : memref<2x24x1024xf32, #tpu.memory_space<vmem>> -> memref<1x24x1024xf32, #tpu.memory_space<vmem>>
        %get3A_580 = tpu.memref_squeeze %get3A_579 : memref<1x24x1024xf32, #tpu.memory_space<vmem>> -> memref<24x1024xf32, #tpu.memory_space<vmem>>
        %get3A_581 = arith.index_cast %scan3A_136 : i32 to index
        %get3A_582 = arith.constant 416 : index
        %get3A_583 = tpu.vector_load %get3A_580[%get3A_581, %get3A_582] {strides = array<i32>} : memref<24x1024xf32, #tpu.memory_space<vmem>>, vector<16xf32>,
        %mul3A_584 = arith.constant 3.000000e+01 : f32
        %mul3A_585 = vector.broadcast %mul3A_584 : f32 to vector<16xf32>
        %mul3A_586 = arith.mulf %get3A_583, %mul3A_585 : vector<16xf32>
        %swap3A_587 = arith.constant 0 : i32
        %swap3A_588 = arith.constant 0 : i32
        %swap3A_589 = tpu.memref_slice %arg9[%scan3A_100, %swap3A_587, %swap3A_588] : memref<2x24x1024xf32, #tpu.memory_space<vmem>> -> memref<1x24x1024xf32, #tpu.memory_space<vmem>>
        %swap3A_590 = tpu.memref_squeeze %swap3A_589 : memref<1x24x1024xf32, #tpu.memory_space<vmem>> -> memref<24x1024xf32, #tpu.memory_space<vmem>>
        %swap3A_591 = arith.index_cast %scan3A_136 : i32 to index
        %swap3A_592 = arith.constant 416 : index
        %swap3A_593 = tpu.vector_load %swap3A_590[%swap3A_591, %swap3A_592] {strides = array<i32>} : memref<24x1024xf32, #tpu.memory_space<vmem>>, vector<16xf32>,
        tpu.vector_store %swap3A_590[%swap3A_591, %swap3A_592], %mul3A_586 {strides = array<i32>} : memref<24x1024xf32, #tpu.memory_space<vmem>>, vector<16xf32>,
        %get3A_594 = arith.constant 0 : i32
        %get3A_595 = arith.constant 0 : i32
        %get3A_596 = tpu.memref_slice %arg8[%scan3A_99, %get3A_594, %get3A_595] : memref<2x24x1024xf32, #tpu.memory_space<vmem>> -> memref<1x24x1024xf32, #tpu.memory_space<vmem>>
        %get3A_597 = tpu.memref_squeeze %get3A_596 : memref<1x24x1024xf32, #tpu.memory_space<vmem>> -> memref<24x1024xf32, #tpu.memory_space<vmem>>
        %get3A_598 = arith.index_cast %scan3A_136 : i32 to index
        %get3A_599 = arith.constant 432 : index
        %get3A_600 = tpu.vector_load %get3A_597[%get3A_598, %get3A_599] {strides = array<i32>} : memref<24x1024xf32, #tpu.memory_space<vmem>>, vector<16xf32>,
        %mul3A_601 = arith.constant 3.000000e+01 : f32
        %mul3A_602 = vector.broadcast %mul3A_601 : f32 to vector<16xf32>
        %mul3A_603 = arith.mulf %get3A_600, %mul3A_602 : vector<16xf32>
        %swap3A_604 = arith.constant 0 : i32
        %swap3A_605 = arith.constant 0 : i32
        %swap3A_606 = tpu.memref_slice %arg9[%scan3A_100, %swap3A_604, %swap3A_605] : memref<2x24x1024xf32, #tpu.memory_space<vmem>> -> memref<1x24x1024xf32, #tpu.memory_space<vmem>>
        %swap3A_607 = tpu.memref_squeeze %swap3A_606 : memref<1x24x1024xf32, #tpu.memory_space<vmem>> -> memref<24x1024xf32, #tpu.memory_space<vmem>>
        %swap3A_608 = arith.index_cast %scan3A_136 : i32 to index
        %swap3A_609 = arith.constant 432 : index
        %swap3A_610 = tpu.vector_load %swap3A_607[%swap3A_608, %swap3A_609] {strides = array<i32>} : memref<24x1024xf32, #tpu.memory_space<vmem>>, vector<16xf32>,
        tpu.vector_store %swap3A_607[%swap3A_608, %swap3A_609], %mul3A_603 {strides = array<i32>} : memref<24x1024xf32, #tpu.memory_space<vmem>>, vector<16xf32>,
        %get3A_611 = arith.constant 0 : i32
        %get3A_612 = arith.constant 0 : i32
        %get3A_613 = tpu.memref_slice %arg8[%scan3A_99, %get3A_611, %get3A_612] : memref<2x24x1024xf32, #tpu.memory_space<vmem>> -> memref<1x24x1024xf32, #tpu.memory_space<vmem>>
        %get3A_614 = tpu.memref_squeeze %get3A_613 : memref<1x24x1024xf32, #tpu.memory_space<vmem>> -> memref<24x1024xf32, #tpu.memory_space<vmem>>
        %get3A_615 = arith.index_cast %scan3A_136 : i32 to index
        %get3A_616 = arith.constant 448 : index
        %get3A_617 = tpu.vector_load %get3A_614[%get3A_615, %get3A_616] {strides = array<i32>} : memref<24x1024xf32, #tpu.memory_space<vmem>>, vector<16xf32>,
        %mul3A_618 = arith.constant 3.000000e+01 : f32
        %mul3A_619 = vector.broadcast %mul3A_618 : f32 to vector<16xf32>
        %mul3A_620 = arith.mulf %get3A_617, %mul3A_619 : vector<16xf32>
        %swap3A_621 = arith.constant 0 : i32
        %swap3A_622 = arith.constant 0 : i32
        %swap3A_623 = tpu.memref_slice %arg9[%scan3A_100, %swap3A_621, %swap3A_622] : memref<2x24x1024xf32, #tpu.memory_space<vmem>> -> memref<1x24x1024xf32, #tpu.memory_space<vmem>>
        %swap3A_624 = tpu.memref_squeeze %swap3A_623 : memref<1x24x1024xf32, #tpu.memory_space<vmem>> -> memref<24x1024xf32, #tpu.memory_space<vmem>>
        %swap3A_625 = arith.index_cast %scan3A_136 : i32 to index
        %swap3A_626 = arith.constant 448 : index
        %swap3A_627 = tpu.vector_load %swap3A_624[%swap3A_625, %swap3A_626] {strides = array<i32>} : memref<24x1024xf32, #tpu.memory_space<vmem>>, vector<16xf32>,
        tpu.vector_store %swap3A_624[%swap3A_625, %swap3A_626], %mul3A_620 {strides = array<i32>} : memref<24x1024xf32, #tpu.memory_space<vmem>>, vector<16xf32>,
        %get3A_628 = arith.constant 0 : i32
        %get3A_629 = arith.constant 0 : i32
        %get3A_630 = tpu.memref_slice %arg8[%scan3A_99, %get3A_628, %get3A_629] : memref<2x24x1024xf32, #tpu.memory_space<vmem>> -> memref<1x24x1024xf32, #tpu.memory_space<vmem>>
        %get3A_631 = tpu.memref_squeeze %get3A_630 : memref<1x24x1024xf32, #tpu.memory_space<vmem>> -> memref<24x1024xf32, #tpu.memory_space<vmem>>
        %get3A_632 = arith.index_cast %scan3A_136 : i32 to index
        %get3A_633 = arith.constant 464 : index
        %get3A_634 = tpu.vector_load %get3A_631[%get3A_632, %get3A_633] {strides = array<i32>} : memref<24x1024xf32, #tpu.memory_space<vmem>>, vector<16xf32>,
        %mul3A_635 = arith.constant 3.000000e+01 : f32
        %mul3A_636 = vector.broadcast %mul3A_635 : f32 to vector<16xf32>
        %mul3A_637 = arith.mulf %get3A_634, %mul3A_636 : vector<16xf32>
        %swap3A_638 = arith.constant 0 : i32
        %swap3A_639 = arith.constant 0 : i32
        %swap3A_640 = tpu.memref_slice %arg9[%scan3A_100, %swap3A_638, %swap3A_639] : memref<2x24x1024xf32, #tpu.memory_space<vmem>> -> memref<1x24x1024xf32, #tpu.memory_space<vmem>>
        %swap3A_641 = tpu.memref_squeeze %swap3A_640 : memref<1x24x1024xf32, #tpu.memory_space<vmem>> -> memref<24x1024xf32, #tpu.memory_space<vmem>>
        %swap3A_642 = arith.index_cast %scan3A_136 : i32 to index
        %swap3A_643 = arith.constant 464 : index
        %swap3A_644 = tpu.vector_load %swap3A_641[%swap3A_642, %swap3A_643] {strides = array<i32>} : memref<24x1024xf32, #tpu.memory_space<vmem>>, vector<16xf32>,
        tpu.vector_store %swap3A_641[%swap3A_642, %swap3A_643], %mul3A_637 {strides = array<i32>} : memref<24x1024xf32, #tpu.memory_space<vmem>>, vector<16xf32>,
        %get3A_645 = arith.constant 0 : i32
        %get3A_646 = arith.constant 0 : i32
        %get3A_647 = tpu.memref_slice %arg8[%scan3A_99, %get3A_645, %get3A_646] : memref<2x24x1024xf32, #tpu.memory_space<vmem>> -> memref<1x24x1024xf32, #tpu.memory_space<vmem>>
        %get3A_648 = tpu.memref_squeeze %get3A_647 : memref<1x24x1024xf32, #tpu.memory_space<vmem>> -> memref<24x1024xf32, #tpu.memory_space<vmem>>
        %get3A_649 = arith.index_cast %scan3A_136 : i32 to index
        %get3A_650 = arith.constant 480 : index
        %get3A_651 = tpu.vector_load %get3A_648[%get3A_649, %get3A_650] {strides = array<i32>} : memref<24x1024xf32, #tpu.memory_space<vmem>>, vector<16xf32>,
        %mul3A_652 = arith.constant 3.000000e+01 : f32
        %mul3A_653 = vector.broadcast %mul3A_652 : f32 to vector<16xf32>
        %mul3A_654 = arith.mulf %get3A_651, %mul3A_653 : vector<16xf32>
        %swap3A_655 = arith.constant 0 : i32
        %swap3A_656 = arith.constant 0 : i32
        %swap3A_657 = tpu.memref_slice %arg9[%scan3A_100, %swap3A_655, %swap3A_656] : memref<2x24x1024xf32, #tpu.memory_space<vmem>> -> memref<1x24x1024xf32, #tpu.memory_space<vmem>>
        %swap3A_658 = tpu.memref_squeeze %swap3A_657 : memref<1x24x1024xf32, #tpu.memory_space<vmem>> -> memref<24x1024xf32, #tpu.memory_space<vmem>>
        %swap3A_659 = arith.index_cast %scan3A_136 : i32 to index
        %swap3A_660 = arith.constant 480 : index
        %swap3A_661 = tpu.vector_load %swap3A_658[%swap3A_659, %swap3A_660] {strides = array<i32>} : memref<24x1024xf32, #tpu.memory_space<vmem>>, vector<16xf32>,
        tpu.vector_store %swap3A_658[%swap3A_659, %swap3A_660], %mul3A_654 {strides = array<i32>} : memref<24x1024xf32, #tpu.memory_space<vmem>>, vector<16xf32>,
        %get3A_662 = arith.constant 0 : i32
        %get3A_663 = arith.constant 0 : i32
        %get3A_664 = tpu.memref_slice %arg8[%scan3A_99, %get3A_662, %get3A_663] : memref<2x24x1024xf32, #tpu.memory_space<vmem>> -> memref<1x24x1024xf32, #tpu.memory_space<vmem>>
        %get3A_665 = tpu.memref_squeeze %get3A_664 : memref<1x24x1024xf32, #tpu.memory_space<vmem>> -> memref<24x1024xf32, #tpu.memory_space<vmem>>
        %get3A_666 = arith.index_cast %scan3A_136 : i32 to index
        %get3A_667 = arith.constant 496 : index
        %get3A_668 = tpu.vector_load %get3A_665[%get3A_666, %get3A_667] {strides = array<i32>} : memref<24x1024xf32, #tpu.memory_space<vmem>>, vector<16xf32>,
        %mul3A_669 = arith.constant 3.000000e+01 : f32
        %mul3A_670 = vector.broadcast %mul3A_669 : f32 to vector<16xf32>
        %mul3A_671 = arith.mulf %get3A_668, %mul3A_670 : vector<16xf32>
        %swap3A_672 = arith.constant 0 : i32
        %swap3A_673 = arith.constant 0 : i32
        %swap3A_674 = tpu.memref_slice %arg9[%scan3A_100, %swap3A_672, %swap3A_673] : memref<2x24x1024xf32, #tpu.memory_space<vmem>> -> memref<1x24x1024xf32, #tpu.memory_space<vmem>>
        %swap3A_675 = tpu.memref_squeeze %swap3A_674 : memref<1x24x1024xf32, #tpu.memory_space<vmem>> -> memref<24x1024xf32, #tpu.memory_space<vmem>>
        %swap3A_676 = arith.index_cast %scan3A_136 : i32 to index
        %swap3A_677 = arith.constant 496 : index
        %swap3A_678 = tpu.vector_load %swap3A_675[%swap3A_676, %swap3A_677] {strides = array<i32>} : memref<24x1024xf32, #tpu.memory_space<vmem>>, vector<16xf32>,
        tpu.vector_store %swap3A_675[%swap3A_676, %swap3A_677], %mul3A_671 {strides = array<i32>} : memref<24x1024xf32, #tpu.memory_space<vmem>>, vector<16xf32>,
        %get3A_679 = arith.constant 0 : i32
        %get3A_680 = arith.constant 0 : i32
        %get3A_681 = tpu.memref_slice %arg8[%scan3A_99, %get3A_679, %get3A_680] : memref<2x24x1024xf32, #tpu.memory_space<vmem>> -> memref<1x24x1024xf32, #tpu.memory_space<vmem>>
        %get3A_682 = tpu.memref_squeeze %get3A_681 : memref<1x24x1024xf32, #tpu.memory_space<vmem>> -> memref<24x1024xf32, #tpu.memory_space<vmem>>
        %get3A_683 = arith.index_cast %scan3A_136 : i32 to index
        %get3A_684 = arith.constant 512 : index
        %get3A_685 = tpu.vector_load %get3A_682[%get3A_683, %get3A_684] {strides = array<i32>} : memref<24x1024xf32, #tpu.memory_space<vmem>>, vector<16xf32>,
        %mul3A_686 = arith.constant 3.000000e+01 : f32
        %mul3A_687 = vector.broadcast %mul3A_686 : f32 to vector<16xf32>
        %mul3A_688 = arith.mulf %get3A_685, %mul3A_687 : vector<16xf32>
        %swap3A_689 = arith.constant 0 : i32
        %swap3A_690 = arith.constant 0 : i32
        %swap3A_691 = tpu.memref_slice %arg9[%scan3A_100, %swap3A_689, %swap3A_690] : memref<2x24x1024xf32, #tpu.memory_space<vmem>> -> memref<1x24x1024xf32, #tpu.memory_space<vmem>>
        %swap3A_692 = tpu.memref_squeeze %swap3A_691 : memref<1x24x1024xf32, #tpu.memory_space<vmem>> -> memref<24x1024xf32, #tpu.memory_space<vmem>>
        %swap3A_693 = arith.index_cast %scan3A_136 : i32 to index
        %swap3A_694 = arith.constant 512 : index
        %swap3A_695 = tpu.vector_load %swap3A_692[%swap3A_693, %swap3A_694] {strides = array<i32>} : memref<24x1024xf32, #tpu.memory_space<vmem>>, vector<16xf32>,
        tpu.vector_store %swap3A_692[%swap3A_693, %swap3A_694], %mul3A_688 {strides = array<i32>} : memref<24x1024xf32, #tpu.memory_space<vmem>>, vector<16xf32>,
        %get3A_696 = arith.constant 0 : i32
        %get3A_697 = arith.constant 0 : i32
        %get3A_698 = tpu.memref_slice %arg8[%scan3A_99, %get3A_696, %get3A_697] : memref<2x24x1024xf32, #tpu.memory_space<vmem>> -> memref<1x24x1024xf32, #tpu.memory_space<vmem>>
        %get3A_699 = tpu.memref_squeeze %get3A_698 : memref<1x24x1024xf32, #tpu.memory_space<vmem>> -> memref<24x1024xf32, #tpu.memory_space<vmem>>
        %get3A_700 = arith.index_cast %scan3A_136 : i32 to index
        %get3A_701 = arith.constant 528 : index
        %get3A_702 = tpu.vector_load %get3A_699[%get3A_700, %get3A_701] {strides = array<i32>} : memref<24x1024xf32, #tpu.memory_space<vmem>>, vector<16xf32>,
        %mul3A_703 = arith.constant 3.000000e+01 : f32
        %mul3A_704 = vector.broadcast %mul3A_703 : f32 to vector<16xf32>
        %mul3A_705 = arith.mulf %get3A_702, %mul3A_704 : vector<16xf32>
        %swap3A_706 = arith.constant 0 : i32
        %swap3A_707 = arith.constant 0 : i32
        %swap3A_708 = tpu.memref_slice %arg9[%scan3A_100, %swap3A_706, %swap3A_707] : memref<2x24x1024xf32, #tpu.memory_space<vmem>> -> memref<1x24x1024xf32, #tpu.memory_space<vmem>>
        %swap3A_709 = tpu.memref_squeeze %swap3A_708 : memref<1x24x1024xf32, #tpu.memory_space<vmem>> -> memref<24x1024xf32, #tpu.memory_space<vmem>>
        %swap3A_710 = arith.index_cast %scan3A_136 : i32 to index
        %swap3A_711 = arith.constant 528 : index
        %swap3A_712 = tpu.vector_load %swap3A_709[%swap3A_710, %swap3A_711] {strides = array<i32>} : memref<24x1024xf32, #tpu.memory_space<vmem>>, vector<16xf32>,
        tpu.vector_store %swap3A_709[%swap3A_710, %swap3A_711], %mul3A_705 {strides = array<i32>} : memref<24x1024xf32, #tpu.memory_space<vmem>>, vector<16xf32>,
        %get3A_713 = arith.constant 0 : i32
        %get3A_714 = arith.constant 0 : i32
        %get3A_715 = tpu.memref_slice %arg8[%scan3A_99, %get3A_713, %get3A_714] : memref<2x24x1024xf32, #tpu.memory_space<vmem>> -> memref<1x24x1024xf32, #tpu.memory_space<vmem>>
        %get3A_716 = tpu.memref_squeeze %get3A_715 : memref<1x24x1024xf32, #tpu.memory_space<vmem>> -> memref<24x1024xf32, #tpu.memory_space<vmem>>
        %get3A_717 = arith.index_cast %scan3A_136 : i32 to index
        %get3A_718 = arith.constant 544 : index
        %get3A_719 = tpu.vector_load %get3A_716[%get3A_717, %get3A_718] {strides = array<i32>} : memref<24x1024xf32, #tpu.memory_space<vmem>>, vector<16xf32>,
        %mul3A_720 = arith.constant 3.000000e+01 : f32
        %mul3A_721 = vector.broadcast %mul3A_720 : f32 to vector<16xf32>
        %mul3A_722 = arith.mulf %get3A_719, %mul3A_721 : vector<16xf32>
        %swap3A_723 = arith.constant 0 : i32
        %swap3A_724 = arith.constant 0 : i32
        %swap3A_725 = tpu.memref_slice %arg9[%scan3A_100, %swap3A_723, %swap3A_724] : memref<2x24x1024xf32, #tpu.memory_space<vmem>> -> memref<1x24x1024xf32, #tpu.memory_space<vmem>>
        %swap3A_726 = tpu.memref_squeeze %swap3A_725 : memref<1x24x1024xf32, #tpu.memory_space<vmem>> -> memref<24x1024xf32, #tpu.memory_space<vmem>>
        %swap3A_727 = arith.index_cast %scan3A_136 : i32 to index
        %swap3A_728 = arith.constant 544 : index
        %swap3A_729 = tpu.vector_load %swap3A_726[%swap3A_727, %swap3A_728] {strides = array<i32>} : memref<24x1024xf32, #tpu.memory_space<vmem>>, vector<16xf32>,
        tpu.vector_store %swap3A_726[%swap3A_727, %swap3A_728], %mul3A_722 {strides = array<i32>} : memref<24x1024xf32, #tpu.memory_space<vmem>>, vector<16xf32>,
        %get3A_730 = arith.constant 0 : i32
        %get3A_731 = arith.constant 0 : i32
        %get3A_732 = tpu.memref_slice %arg8[%scan3A_99, %get3A_730, %get3A_731] : memref<2x24x1024xf32, #tpu.memory_space<vmem>> -> memref<1x24x1024xf32, #tpu.memory_space<vmem>>
        %get3A_733 = tpu.memref_squeeze %get3A_732 : memref<1x24x1024xf32, #tpu.memory_space<vmem>> -> memref<24x1024xf32, #tpu.memory_space<vmem>>
        %get3A_734 = arith.index_cast %scan3A_136 : i32 to index
        %get3A_735 = arith.constant 560 : index
        %get3A_736 = tpu.vector_load %get3A_733[%get3A_734, %get3A_735] {strides = array<i32>} : memref<24x1024xf32, #tpu.memory_space<vmem>>, vector<16xf32>,
        %mul3A_737 = arith.constant 3.000000e+01 : f32
        %mul3A_738 = vector.broadcast %mul3A_737 : f32 to vector<16xf32>
        %mul3A_739 = arith.mulf %get3A_736, %mul3A_738 : vector<16xf32>
        %swap3A_740 = arith.constant 0 : i32
        %swap3A_741 = arith.constant 0 : i32
        %swap3A_742 = tpu.memref_slice %arg9[%scan3A_100, %swap3A_740, %swap3A_741] : memref<2x24x1024xf32, #tpu.memory_space<vmem>> -> memref<1x24x1024xf32, #tpu.memory_space<vmem>>
        %swap3A_743 = tpu.memref_squeeze %swap3A_742 : memref<1x24x1024xf32, #tpu.memory_space<vmem>> -> memref<24x1024xf32, #tpu.memory_space<vmem>>
        %swap3A_744 = arith.index_cast %scan3A_136 : i32 to index
        %swap3A_745 = arith.constant 560 : index
        %swap3A_746 = tpu.vector_load %swap3A_743[%swap3A_744, %swap3A_745] {strides = array<i32>} : memref<24x1024xf32, #tpu.memory_space<vmem>>, vector<16xf32>,
        tpu.vector_store %swap3A_743[%swap3A_744, %swap3A_745], %mul3A_739 {strides = array<i32>} : memref<24x1024xf32, #tpu.memory_space<vmem>>, vector<16xf32>,
        %get3A_747 = arith.constant 0 : i32
        %get3A_748 = arith.constant 0 : i32
        %get3A_749 = tpu.memref_slice %arg8[%scan3A_99, %get3A_747, %get3A_748] : memref<2x24x1024xf32, #tpu.memory_space<vmem>> -> memref<1x24x1024xf32, #tpu.memory_space<vmem>>
        %get3A_750 = tpu.memref_squeeze %get3A_749 : memref<1x24x1024xf32, #tpu.memory_space<vmem>> -> memref<24x1024xf32, #tpu.memory_space<vmem>>
        %get3A_751 = arith.index_cast %scan3A_136 : i32 to index
        %get3A_752 = arith.constant 576 : index
        %get3A_753 = tpu.vector_load %get3A_750[%get3A_751, %get3A_752] {strides = array<i32>} : memref<24x1024xf32, #tpu.memory_space<vmem>>, vector<16xf32>,
        %mul3A_754 = arith.constant 3.000000e+01 : f32
        %mul3A_755 = vector.broadcast %mul3A_754 : f32 to vector<16xf32>
        %mul3A_756 = arith.mulf %get3A_753, %mul3A_755 : vector<16xf32>
        %swap3A_757 = arith.constant 0 : i32
        %swap3A_758 = arith.constant 0 : i32
        %swap3A_759 = tpu.memref_slice %arg9[%scan3A_100, %swap3A_757, %swap3A_758] : memref<2x24x1024xf32, #tpu.memory_space<vmem>> -> memref<1x24x1024xf32, #tpu.memory_space<vmem>>
        %swap3A_760 = tpu.memref_squeeze %swap3A_759 : memref<1x24x1024xf32, #tpu.memory_space<vmem>> -> memref<24x1024xf32, #tpu.memory_space<vmem>>
        %swap3A_761 = arith.index_cast %scan3A_136 : i32 to index
        %swap3A_762 = arith.constant 576 : index
        %swap3A_763 = tpu.vector_load %swap3A_760[%swap3A_761, %swap3A_762] {strides = array<i32>} : memref<24x1024xf32, #tpu.memory_space<vmem>>, vector<16xf32>,
        tpu.vector_store %swap3A_760[%swap3A_761, %swap3A_762], %mul3A_756 {strides = array<i32>} : memref<24x1024xf32, #tpu.memory_space<vmem>>, vector<16xf32>,
        %get3A_764 = arith.constant 0 : i32
        %get3A_765 = arith.constant 0 : i32
        %get3A_766 = tpu.memref_slice %arg8[%scan3A_99, %get3A_764, %get3A_765] : memref<2x24x1024xf32, #tpu.memory_space<vmem>> -> memref<1x24x1024xf32, #tpu.memory_space<vmem>>
        %get3A_767 = tpu.memref_squeeze %get3A_766 : memref<1x24x1024xf32, #tpu.memory_space<vmem>> -> memref<24x1024xf32, #tpu.memory_space<vmem>>
        %get3A_768 = arith.index_cast %scan3A_136 : i32 to index
        %get3A_769 = arith.constant 592 : index
        %get3A_770 = tpu.vector_load %get3A_767[%get3A_768, %get3A_769] {strides = array<i32>} : memref<24x1024xf32, #tpu.memory_space<vmem>>, vector<16xf32>,
        %mul3A_771 = arith.constant 3.000000e+01 : f32
        %mul3A_772 = vector.broadcast %mul3A_771 : f32 to vector<16xf32>
        %mul3A_773 = arith.mulf %get3A_770, %mul3A_772 : vector<16xf32>
        %swap3A_774 = arith.constant 0 : i32
        %swap3A_775 = arith.constant 0 : i32
        %swap3A_776 = tpu.memref_slice %arg9[%scan3A_100, %swap3A_774, %swap3A_775] : memref<2x24x1024xf32, #tpu.memory_space<vmem>> -> memref<1x24x1024xf32, #tpu.memory_space<vmem>>
        %swap3A_777 = tpu.memref_squeeze %swap3A_776 : memref<1x24x1024xf32, #tpu.memory_space<vmem>> -> memref<24x1024xf32, #tpu.memory_space<vmem>>
        %swap3A_778 = arith.index_cast %scan3A_136 : i32 to index
        %swap3A_779 = arith.constant 592 : index
        %swap3A_780 = tpu.vector_load %swap3A_777[%swap3A_778, %swap3A_779] {strides = array<i32>} : memref<24x1024xf32, #tpu.memory_space<vmem>>, vector<16xf32>,
        tpu.vector_store %swap3A_777[%swap3A_778, %swap3A_779], %mul3A_773 {strides = array<i32>} : memref<24x1024xf32, #tpu.memory_space<vmem>>, vector<16xf32>,
        %get3A_781 = arith.constant 0 : i32
        %get3A_782 = arith.constant 0 : i32
        %get3A_783 = tpu.memref_slice %arg8[%scan3A_99, %get3A_781, %get3A_782] : memref<2x24x1024xf32, #tpu.memory_space<vmem>> -> memref<1x24x1024xf32, #tpu.memory_space<vmem>>
        %get3A_784 = tpu.memref_squeeze %get3A_783 : memref<1x24x1024xf32, #tpu.memory_space<vmem>> -> memref<24x1024xf32, #tpu.memory_space<vmem>>
        %get3A_785 = arith.index_cast %scan3A_136 : i32 to index
        %get3A_786 = arith.constant 608 : index
        %get3A_787 = tpu.vector_load %get3A_784[%get3A_785, %get3A_786] {strides = array<i32>} : memref<24x1024xf32, #tpu.memory_space<vmem>>, vector<16xf32>,
        %mul3A_788 = arith.constant 3.000000e+01 : f32
        %mul3A_789 = vector.broadcast %mul3A_788 : f32 to vector<16xf32>
        %mul3A_790 = arith.mulf %get3A_787, %mul3A_789 : vector<16xf32>
        %swap3A_791 = arith.constant 0 : i32
        %swap3A_792 = arith.constant 0 : i32
        %swap3A_793 = tpu.memref_slice %arg9[%scan3A_100, %swap3A_791, %swap3A_792] : memref<2x24x1024xf32, #tpu.memory_space<vmem>> -> memref<1x24x1024xf32, #tpu.memory_space<vmem>>
        %swap3A_794 = tpu.memref_squeeze %swap3A_793 : memref<1x24x1024xf32, #tpu.memory_space<vmem>> -> memref<24x1024xf32, #tpu.memory_space<vmem>>
        %swap3A_795 = arith.index_cast %scan3A_136 : i32 to index
        %swap3A_796 = arith.constant 608 : index
        %swap3A_797 = tpu.vector_load %swap3A_794[%swap3A_795, %swap3A_796] {strides = array<i32>} : memref<24x1024xf32, #tpu.memory_space<vmem>>, vector<16xf32>,
        tpu.vector_store %swap3A_794[%swap3A_795, %swap3A_796], %mul3A_790 {strides = array<i32>} : memref<24x1024xf32, #tpu.memory_space<vmem>>, vector<16xf32>,
        %get3A_798 = arith.constant 0 : i32
        %get3A_799 = arith.constant 0 : i32
        %get3A_800 = tpu.memref_slice %arg8[%scan3A_99, %get3A_798, %get3A_799] : memref<2x24x1024xf32, #tpu.memory_space<vmem>> -> memref<1x24x1024xf32, #tpu.memory_space<vmem>>
        %get3A_801 = tpu.memref_squeeze %get3A_800 : memref<1x24x1024xf32, #tpu.memory_space<vmem>> -> memref<24x1024xf32, #tpu.memory_space<vmem>>
        %get3A_802 = arith.index_cast %scan3A_136 : i32 to index
        %get3A_803 = arith.constant 624 : index
        %get3A_804 = tpu.vector_load %get3A_801[%get3A_802, %get3A_803] {strides = array<i32>} : memref<24x1024xf32, #tpu.memory_space<vmem>>, vector<16xf32>,
        %mul3A_805 = arith.constant 3.000000e+01 : f32
        %mul3A_806 = vector.broadcast %mul3A_805 : f32 to vector<16xf32>
        %mul3A_807 = arith.mulf %get3A_804, %mul3A_806 : vector<16xf32>
        %swap3A_808 = arith.constant 0 : i32
        %swap3A_809 = arith.constant 0 : i32
        %swap3A_810 = tpu.memref_slice %arg9[%scan3A_100, %swap3A_808, %swap3A_809] : memref<2x24x1024xf32, #tpu.memory_space<vmem>> -> memref<1x24x1024xf32, #tpu.memory_space<vmem>>
        %swap3A_811 = tpu.memref_squeeze %swap3A_810 : memref<1x24x1024xf32, #tpu.memory_space<vmem>> -> memref<24x1024xf32, #tpu.memory_space<vmem>>
        %swap3A_812 = arith.index_cast %scan3A_136 : i32 to index
        %swap3A_813 = arith.constant 624 : index
        %swap3A_814 = tpu.vector_load %swap3A_811[%swap3A_812, %swap3A_813] {strides = array<i32>} : memref<24x1024xf32, #tpu.memory_space<vmem>>, vector<16xf32>,
        tpu.vector_store %swap3A_811[%swap3A_812, %swap3A_813], %mul3A_807 {strides = array<i32>} : memref<24x1024xf32, #tpu.memory_space<vmem>>, vector<16xf32>,
        %get3A_815 = arith.constant 0 : i32
        %get3A_816 = arith.constant 0 : i32
        %get3A_817 = tpu.memref_slice %arg8[%scan3A_99, %get3A_815, %get3A_816] : memref<2x24x1024xf32, #tpu.memory_space<vmem>> -> memref<1x24x1024xf32, #tpu.memory_space<vmem>>
        %get3A_818 = tpu.memref_squeeze %get3A_817 : memref<1x24x1024xf32, #tpu.memory_space<vmem>> -> memref<24x1024xf32, #tpu.memory_space<vmem>>
        %get3A_819 = arith.index_cast %scan3A_136 : i32 to index
        %get3A_820 = arith.constant 640 : index
        %get3A_821 = tpu.vector_load %get3A_818[%get3A_819, %get3A_820] {strides = array<i32>} : memref<24x1024xf32, #tpu.memory_space<vmem>>, vector<16xf32>,
        %mul3A_822 = arith.constant 3.000000e+01 : f32
        %mul3A_823 = vector.broadcast %mul3A_822 : f32 to vector<16xf32>
        %mul3A_824 = arith.mulf %get3A_821, %mul3A_823 : vector<16xf32>
        %swap3A_825 = arith.constant 0 : i32
        %swap3A_826 = arith.constant 0 : i32
        %swap3A_827 = tpu.memref_slice %arg9[%scan3A_100, %swap3A_825, %swap3A_826] : memref<2x24x1024xf32, #tpu.memory_space<vmem>> -> memref<1x24x1024xf32, #tpu.memory_space<vmem>>
        %swap3A_828 = tpu.memref_squeeze %swap3A_827 : memref<1x24x1024xf32, #tpu.memory_space<vmem>> -> memref<24x1024xf32, #tpu.memory_space<vmem>>
        %swap3A_829 = arith.index_cast %scan3A_136 : i32 to index
        %swap3A_830 = arith.constant 640 : index
        %swap3A_831 = tpu.vector_load %swap3A_828[%swap3A_829, %swap3A_830] {strides = array<i32>} : memref<24x1024xf32, #tpu.memory_space<vmem>>, vector<16xf32>,
        tpu.vector_store %swap3A_828[%swap3A_829, %swap3A_830], %mul3A_824 {strides = array<i32>} : memref<24x1024xf32, #tpu.memory_space<vmem>>, vector<16xf32>,
        %get3A_832 = arith.constant 0 : i32
        %get3A_833 = arith.constant 0 : i32
        %get3A_834 = tpu.memref_slice %arg8[%scan3A_99, %get3A_832, %get3A_833] : memref<2x24x1024xf32, #tpu.memory_space<vmem>> -> memref<1x24x1024xf32, #tpu.memory_space<vmem>>
        %get3A_835 = tpu.memref_squeeze %get3A_834 : memref<1x24x1024xf32, #tpu.memory_space<vmem>> -> memref<24x1024xf32, #tpu.memory_space<vmem>>
        %get3A_836 = arith.index_cast %scan3A_136 : i32 to index
        %get3A_837 = arith.constant 656 : index
        %get3A_838 = tpu.vector_load %get3A_835[%get3A_836, %get3A_837] {strides = array<i32>} : memref<24x1024xf32, #tpu.memory_space<vmem>>, vector<16xf32>,
        %mul3A_839 = arith.constant 3.000000e+01 : f32
        %mul3A_840 = vector.broadcast %mul3A_839 : f32 to vector<16xf32>
        %mul3A_841 = arith.mulf %get3A_838, %mul3A_840 : vector<16xf32>
        %swap3A_842 = arith.constant 0 : i32
        %swap3A_843 = arith.constant 0 : i32
        %swap3A_844 = tpu.memref_slice %arg9[%scan3A_100, %swap3A_842, %swap3A_843] : memref<2x24x1024xf32, #tpu.memory_space<vmem>> -> memref<1x24x1024xf32, #tpu.memory_space<vmem>>
        %swap3A_845 = tpu.memref_squeeze %swap3A_844 : memref<1x24x1024xf32, #tpu.memory_space<vmem>> -> memref<24x1024xf32, #tpu.memory_space<vmem>>
        %swap3A_846 = arith.index_cast %scan3A_136 : i32 to index
        %swap3A_847 = arith.constant 656 : index
        %swap3A_848 = tpu.vector_load %swap3A_845[%swap3A_846, %swap3A_847] {strides = array<i32>} : memref<24x1024xf32, #tpu.memory_space<vmem>>, vector<16xf32>,
        tpu.vector_store %swap3A_845[%swap3A_846, %swap3A_847], %mul3A_841 {strides = array<i32>} : memref<24x1024xf32, #tpu.memory_space<vmem>>, vector<16xf32>,
        %get3A_849 = arith.constant 0 : i32
        %get3A_850 = arith.constant 0 : i32
        %get3A_851 = tpu.memref_slice %arg8[%scan3A_99, %get3A_849, %get3A_850] : memref<2x24x1024xf32, #tpu.memory_space<vmem>> -> memref<1x24x1024xf32, #tpu.memory_space<vmem>>
        %get3A_852 = tpu.memref_squeeze %get3A_851 : memref<1x24x1024xf32, #tpu.memory_space<vmem>> -> memref<24x1024xf32, #tpu.memory_space<vmem>>
        %get3A_853 = arith.index_cast %scan3A_136 : i32 to index
        %get3A_854 = arith.constant 672 : index
        %get3A_855 = tpu.vector_load %get3A_852[%get3A_853, %get3A_854] {strides = array<i32>} : memref<24x1024xf32, #tpu.memory_space<vmem>>, vector<16xf32>,
        %mul3A_856 = arith.constant 3.000000e+01 : f32
        %mul3A_857 = vector.broadcast %mul3A_856 : f32 to vector<16xf32>
        %mul3A_858 = arith.mulf %get3A_855, %mul3A_857 : vector<16xf32>
        %swap3A_859 = arith.constant 0 : i32
        %swap3A_860 = arith.constant 0 : i32
        %swap3A_861 = tpu.memref_slice %arg9[%scan3A_100, %swap3A_859, %swap3A_860] : memref<2x24x1024xf32, #tpu.memory_space<vmem>> -> memref<1x24x1024xf32, #tpu.memory_space<vmem>>
        %swap3A_862 = tpu.memref_squeeze %swap3A_861 : memref<1x24x1024xf32, #tpu.memory_space<vmem>> -> memref<24x1024xf32, #tpu.memory_space<vmem>>
        %swap3A_863 = arith.index_cast %scan3A_136 : i32 to index
        %swap3A_864 = arith.constant 672 : index
        %swap3A_865 = tpu.vector_load %swap3A_862[%swap3A_863, %swap3A_864] {strides = array<i32>} : memref<24x1024xf32, #tpu.memory_space<vmem>>, vector<16xf32>,
        tpu.vector_store %swap3A_862[%swap3A_863, %swap3A_864], %mul3A_858 {strides = array<i32>} : memref<24x1024xf32, #tpu.memory_space<vmem>>, vector<16xf32>,
        %get3A_866 = arith.constant 0 : i32
        %get3A_867 = arith.constant 0 : i32
        %get3A_868 = tpu.memref_slice %arg8[%scan3A_99, %get3A_866, %get3A_867] : memref<2x24x1024xf32, #tpu.memory_space<vmem>> -> memref<1x24x1024xf32, #tpu.memory_space<vmem>>
        %get3A_869 = tpu.memref_squeeze %get3A_868 : memref<1x24x1024xf32, #tpu.memory_space<vmem>> -> memref<24x1024xf32, #tpu.memory_space<vmem>>
        %get3A_870 = arith.index_cast %scan3A_136 : i32 to index
        %get3A_871 = arith.constant 688 : index
        %get3A_872 = tpu.vector_load %get3A_869[%get3A_870, %get3A_871] {strides = array<i32>} : memref<24x1024xf32, #tpu.memory_space<vmem>>, vector<16xf32>,
        %mul3A_873 = arith.constant 3.000000e+01 : f32
        %mul3A_874 = vector.broadcast %mul3A_873 : f32 to vector<16xf32>
        %mul3A_875 = arith.mulf %get3A_872, %mul3A_874 : vector<16xf32>
        %swap3A_876 = arith.constant 0 : i32
        %swap3A_877 = arith.constant 0 : i32
        %swap3A_878 = tpu.memref_slice %arg9[%scan3A_100, %swap3A_876, %swap3A_877] : memref<2x24x1024xf32, #tpu.memory_space<vmem>> -> memref<1x24x1024xf32, #tpu.memory_space<vmem>>
        %swap3A_879 = tpu.memref_squeeze %swap3A_878 : memref<1x24x1024xf32, #tpu.memory_space<vmem>> -> memref<24x1024xf32, #tpu.memory_space<vmem>>
        %swap3A_880 = arith.index_cast %scan3A_136 : i32 to index
        %swap3A_881 = arith.constant 688 : index
        %swap3A_882 = tpu.vector_load %swap3A_879[%swap3A_880, %swap3A_881] {strides = array<i32>} : memref<24x1024xf32, #tpu.memory_space<vmem>>, vector<16xf32>,
        tpu.vector_store %swap3A_879[%swap3A_880, %swap3A_881], %mul3A_875 {strides = array<i32>} : memref<24x1024xf32, #tpu.memory_space<vmem>>, vector<16xf32>,
        %get3A_883 = arith.constant 0 : i32
        %get3A_884 = arith.constant 0 : i32
        %get3A_885 = tpu.memref_slice %arg8[%scan3A_99, %get3A_883, %get3A_884] : memref<2x24x1024xf32, #tpu.memory_space<vmem>> -> memref<1x24x1024xf32, #tpu.memory_space<vmem>>
        %get3A_886 = tpu.memref_squeeze %get3A_885 : memref<1x24x1024xf32, #tpu.memory_space<vmem>> -> memref<24x1024xf32, #tpu.memory_space<vmem>>
        %get3A_887 = arith.index_cast %scan3A_136 : i32 to index
        %get3A_888 = arith.constant 704 : index
        %get3A_889 = tpu.vector_load %get3A_886[%get3A_887, %get3A_888] {strides = array<i32>} : memref<24x1024xf32, #tpu.memory_space<vmem>>, vector<16xf32>,
        %mul3A_890 = arith.constant 3.000000e+01 : f32
        %mul3A_891 = vector.broadcast %mul3A_890 : f32 to vector<16xf32>
        %mul3A_892 = arith.mulf %get3A_889, %mul3A_891 : vector<16xf32>
        %swap3A_893 = arith.constant 0 : i32
        %swap3A_894 = arith.constant 0 : i32
        %swap3A_895 = tpu.memref_slice %arg9[%scan3A_100, %swap3A_893, %swap3A_894] : memref<2x24x1024xf32, #tpu.memory_space<vmem>> -> memref<1x24x1024xf32, #tpu.memory_space<vmem>>
        %swap3A_896 = tpu.memref_squeeze %swap3A_895 : memref<1x24x1024xf32, #tpu.memory_space<vmem>> -> memref<24x1024xf32, #tpu.memory_space<vmem>>
        %swap3A_897 = arith.index_cast %scan3A_136 : i32 to index
        %swap3A_898 = arith.constant 704 : index
        %swap3A_899 = tpu.vector_load %swap3A_896[%swap3A_897, %swap3A_898] {strides = array<i32>} : memref<24x1024xf32, #tpu.memory_space<vmem>>, vector<16xf32>,
        tpu.vector_store %swap3A_896[%swap3A_897, %swap3A_898], %mul3A_892 {strides = array<i32>} : memref<24x1024xf32, #tpu.memory_space<vmem>>, vector<16xf32>,
        %get3A_900 = arith.constant 0 : i32
        %get3A_901 = arith.constant 0 : i32
        %get3A_902 = tpu.memref_slice %arg8[%scan3A_99, %get3A_900, %get3A_901] : memref<2x24x1024xf32, #tpu.memory_space<vmem>> -> memref<1x24x1024xf32, #tpu.memory_space<vmem>>
        %get3A_903 = tpu.memref_squeeze %get3A_902 : memref<1x24x1024xf32, #tpu.memory_space<vmem>> -> memref<24x1024xf32, #tpu.memory_space<vmem>>
        %get3A_904 = arith.index_cast %scan3A_136 : i32 to index
        %get3A_905 = arith.constant 720 : index
        %get3A_906 = tpu.vector_load %get3A_903[%get3A_904, %get3A_905] {strides = array<i32>} : memref<24x1024xf32, #tpu.memory_space<vmem>>, vector<16xf32>,
        %mul3A_907 = arith.constant 3.000000e+01 : f32
        %mul3A_908 = vector.broadcast %mul3A_907 : f32 to vector<16xf32>
        %mul3A_909 = arith.mulf %get3A_906, %mul3A_908 : vector<16xf32>
        %swap3A_910 = arith.constant 0 : i32
        %swap3A_911 = arith.constant 0 : i32
        %swap3A_912 = tpu.memref_slice %arg9[%scan3A_100, %swap3A_910, %swap3A_911] : memref<2x24x1024xf32, #tpu.memory_space<vmem>> -> memref<1x24x1024xf32, #tpu.memory_space<vmem>>
        %swap3A_913 = tpu.memref_squeeze %swap3A_912 : memref<1x24x1024xf32, #tpu.memory_space<vmem>> -> memref<24x1024xf32, #tpu.memory_space<vmem>>
        %swap3A_914 = arith.index_cast %scan3A_136 : i32 to index
        %swap3A_915 = arith.constant 720 : index
        %swap3A_916 = tpu.vector_load %swap3A_913[%swap3A_914, %swap3A_915] {strides = array<i32>} : memref<24x1024xf32, #tpu.memory_space<vmem>>, vector<16xf32>,
        tpu.vector_store %swap3A_913[%swap3A_914, %swap3A_915], %mul3A_909 {strides = array<i32>} : memref<24x1024xf32, #tpu.memory_space<vmem>>, vector<16xf32>,
        %get3A_917 = arith.constant 0 : i32
        %get3A_918 = arith.constant 0 : i32
        %get3A_919 = tpu.memref_slice %arg8[%scan3A_99, %get3A_917, %get3A_918] : memref<2x24x1024xf32, #tpu.memory_space<vmem>> -> memref<1x24x1024xf32, #tpu.memory_space<vmem>>
        %get3A_920 = tpu.memref_squeeze %get3A_919 : memref<1x24x1024xf32, #tpu.memory_space<vmem>> -> memref<24x1024xf32, #tpu.memory_space<vmem>>
        %get3A_921 = arith.index_cast %scan3A_136 : i32 to index
        %get3A_922 = arith.constant 736 : index
        %get3A_923 = tpu.vector_load %get3A_920[%get3A_921, %get3A_922] {strides = array<i32>} : memref<24x1024xf32, #tpu.memory_space<vmem>>, vector<16xf32>,
        %mul3A_924 = arith.constant 3.000000e+01 : f32
        %mul3A_925 = vector.broadcast %mul3A_924 : f32 to vector<16xf32>
        %mul3A_926 = arith.mulf %get3A_923, %mul3A_925 : vector<16xf32>
        %swap3A_927 = arith.constant 0 : i32
        %swap3A_928 = arith.constant 0 : i32
        %swap3A_929 = tpu.memref_slice %arg9[%scan3A_100, %swap3A_927, %swap3A_928] : memref<2x24x1024xf32, #tpu.memory_space<vmem>> -> memref<1x24x1024xf32, #tpu.memory_space<vmem>>
        %swap3A_930 = tpu.memref_squeeze %swap3A_929 : memref<1x24x1024xf32, #tpu.memory_space<vmem>> -> memref<24x1024xf32, #tpu.memory_space<vmem>>
        %swap3A_931 = arith.index_cast %scan3A_136 : i32 to index
        %swap3A_932 = arith.constant 736 : index
        %swap3A_933 = tpu.vector_load %swap3A_930[%swap3A_931, %swap3A_932] {strides = array<i32>} : memref<24x1024xf32, #tpu.memory_space<vmem>>, vector<16xf32>,
        tpu.vector_store %swap3A_930[%swap3A_931, %swap3A_932], %mul3A_926 {strides = array<i32>} : memref<24x1024xf32, #tpu.memory_space<vmem>>, vector<16xf32>,
        %get3A_934 = arith.constant 0 : i32
        %get3A_935 = arith.constant 0 : i32
        %get3A_936 = tpu.memref_slice %arg8[%scan3A_99, %get3A_934, %get3A_935] : memref<2x24x1024xf32, #tpu.memory_space<vmem>> -> memref<1x24x1024xf32, #tpu.memory_space<vmem>>
        %get3A_937 = tpu.memref_squeeze %get3A_936 : memref<1x24x1024xf32, #tpu.memory_space<vmem>> -> memref<24x1024xf32, #tpu.memory_space<vmem>>
        %get3A_938 = arith.index_cast %scan3A_136 : i32 to index
        %get3A_939 = arith.constant 752 : index
        %get3A_940 = tpu.vector_load %get3A_937[%get3A_938, %get3A_939] {strides = array<i32>} : memref<24x1024xf32, #tpu.memory_space<vmem>>, vector<16xf32>,
        %mul3A_941 = arith.constant 3.000000e+01 : f32
        %mul3A_942 = vector.broadcast %mul3A_941 : f32 to vector<16xf32>
        %mul3A_943 = arith.mulf %get3A_940, %mul3A_942 : vector<16xf32>
        %swap3A_944 = arith.constant 0 : i32
        %swap3A_945 = arith.constant 0 : i32
        %swap3A_946 = tpu.memref_slice %arg9[%scan3A_100, %swap3A_944, %swap3A_945] : memref<2x24x1024xf32, #tpu.memory_space<vmem>> -> memref<1x24x1024xf32, #tpu.memory_space<vmem>>
        %swap3A_947 = tpu.memref_squeeze %swap3A_946 : memref<1x24x1024xf32, #tpu.memory_space<vmem>> -> memref<24x1024xf32, #tpu.memory_space<vmem>>
        %swap3A_948 = arith.index_cast %scan3A_136 : i32 to index
        %swap3A_949 = arith.constant 752 : index
        %swap3A_950 = tpu.vector_load %swap3A_947[%swap3A_948, %swap3A_949] {strides = array<i32>} : memref<24x1024xf32, #tpu.memory_space<vmem>>, vector<16xf32>,
        tpu.vector_store %swap3A_947[%swap3A_948, %swap3A_949], %mul3A_943 {strides = array<i32>} : memref<24x1024xf32, #tpu.memory_space<vmem>>, vector<16xf32>,
        %get3A_951 = arith.constant 0 : i32
        %get3A_952 = arith.constant 0 : i32
        %get3A_953 = tpu.memref_slice %arg8[%scan3A_99, %get3A_951, %get3A_952] : memref<2x24x1024xf32, #tpu.memory_space<vmem>> -> memref<1x24x1024xf32, #tpu.memory_space<vmem>>
        %get3A_954 = tpu.memref_squeeze %get3A_953 : memref<1x24x1024xf32, #tpu.memory_space<vmem>> -> memref<24x1024xf32, #tpu.memory_space<vmem>>
        %get3A_955 = arith.index_cast %scan3A_136 : i32 to index
        %get3A_956 = arith.constant 768 : index
        %get3A_957 = tpu.vector_load %get3A_954[%get3A_955, %get3A_956] {strides = array<i32>} : memref<24x1024xf32, #tpu.memory_space<vmem>>, vector<16xf32>,
        %mul3A_958 = arith.constant 3.000000e+01 : f32
        %mul3A_959 = vector.broadcast %mul3A_958 : f32 to vector<16xf32>
        %mul3A_960 = arith.mulf %get3A_957, %mul3A_959 : vector<16xf32>
        %swap3A_961 = arith.constant 0 : i32
        %swap3A_962 = arith.constant 0 : i32
        %swap3A_963 = tpu.memref_slice %arg9[%scan3A_100, %swap3A_961, %swap3A_962] : memref<2x24x1024xf32, #tpu.memory_space<vmem>> -> memref<1x24x1024xf32, #tpu.memory_space<vmem>>
        %swap3A_964 = tpu.memref_squeeze %swap3A_963 : memref<1x24x1024xf32, #tpu.memory_space<vmem>> -> memref<24x1024xf32, #tpu.memory_space<vmem>>
        %swap3A_965 = arith.index_cast %scan3A_136 : i32 to index
        %swap3A_966 = arith.constant 768 : index
        %swap3A_967 = tpu.vector_load %swap3A_964[%swap3A_965, %swap3A_966] {strides = array<i32>} : memref<24x1024xf32, #tpu.memory_space<vmem>>, vector<16xf32>,
        tpu.vector_store %swap3A_964[%swap3A_965, %swap3A_966], %mul3A_960 {strides = array<i32>} : memref<24x1024xf32, #tpu.memory_space<vmem>>, vector<16xf32>,
        %get3A_968 = arith.constant 0 : i32
        %get3A_969 = arith.constant 0 : i32
        %get3A_970 = tpu.memref_slice %arg8[%scan3A_99, %get3A_968, %get3A_969] : memref<2x24x1024xf32, #tpu.memory_space<vmem>> -> memref<1x24x1024xf32, #tpu.memory_space<vmem>>
        %get3A_971 = tpu.memref_squeeze %get3A_970 : memref<1x24x1024xf32, #tpu.memory_space<vmem>> -> memref<24x1024xf32, #tpu.memory_space<vmem>>
        %get3A_972 = arith.index_cast %scan3A_136 : i32 to index
        %get3A_973 = arith.constant 784 : index
        %get3A_974 = tpu.vector_load %get3A_971[%get3A_972, %get3A_973] {strides = array<i32>} : memref<24x1024xf32, #tpu.memory_space<vmem>>, vector<16xf32>,
        %mul3A_975 = arith.constant 3.000000e+01 : f32
        %mul3A_976 = vector.broadcast %mul3A_975 : f32 to vector<16xf32>
        %mul3A_977 = arith.mulf %get3A_974, %mul3A_976 : vector<16xf32>
        %swap3A_978 = arith.constant 0 : i32
        %swap3A_979 = arith.constant 0 : i32
        %swap3A_980 = tpu.memref_slice %arg9[%scan3A_100, %swap3A_978, %swap3A_979] : memref<2x24x1024xf32, #tpu.memory_space<vmem>> -> memref<1x24x1024xf32, #tpu.memory_space<vmem>>
        %swap3A_981 = tpu.memref_squeeze %swap3A_980 : memref<1x24x1024xf32, #tpu.memory_space<vmem>> -> memref<24x1024xf32, #tpu.memory_space<vmem>>
        %swap3A_982 = arith.index_cast %scan3A_136 : i32 to index
        %swap3A_983 = arith.constant 784 : index
        %swap3A_984 = tpu.vector_load %swap3A_981[%swap3A_982, %swap3A_983] {strides = array<i32>} : memref<24x1024xf32, #tpu.memory_space<vmem>>, vector<16xf32>,
        tpu.vector_store %swap3A_981[%swap3A_982, %swap3A_983], %mul3A_977 {strides = array<i32>} : memref<24x1024xf32, #tpu.memory_space<vmem>>, vector<16xf32>,
        %get3A_985 = arith.constant 0 : i32
        %get3A_986 = arith.constant 0 : i32
        %get3A_987 = tpu.memref_slice %arg8[%scan3A_99, %get3A_985, %get3A_986] : memref<2x24x1024xf32, #tpu.memory_space<vmem>> -> memref<1x24x1024xf32, #tpu.memory_space<vmem>>
        %get3A_988 = tpu.memref_squeeze %get3A_987 : memref<1x24x1024xf32, #tpu.memory_space<vmem>> -> memref<24x1024xf32, #tpu.memory_space<vmem>>
        %get3A_989 = arith.index_cast %scan3A_136 : i32 to index
        %get3A_990 = arith.constant 800 : index
        %get3A_991 = tpu.vector_load %get3A_988[%get3A_989, %get3A_990] {strides = array<i32>} : memref<24x1024xf32, #tpu.memory_space<vmem>>, vector<16xf32>,
        %mul3A_992 = arith.constant 3.000000e+01 : f32
        %mul3A_993 = vector.broadcast %mul3A_992 : f32 to vector<16xf32>
        %mul3A_994 = arith.mulf %get3A_991, %mul3A_993 : vector<16xf32>
        %swap3A_995 = arith.constant 0 : i32
        %swap3A_996 = arith.constant 0 : i32
        %swap3A_997 = tpu.memref_slice %arg9[%scan3A_100, %swap3A_995, %swap3A_996] : memref<2x24x1024xf32, #tpu.memory_space<vmem>> -> memref<1x24x1024xf32, #tpu.memory_space<vmem>>
        %swap3A_998 = tpu.memref_squeeze %swap3A_997 : memref<1x24x1024xf32, #tpu.memory_space<vmem>> -> memref<24x1024xf32, #tpu.memory_space<vmem>>
        %swap3A_999 = arith.index_cast %scan3A_136 : i32 to index
        %swap3A_1000 = arith.constant 800 : index
        %swap3A_1001 = tpu.vector_load %swap3A_998[%swap3A_999, %swap3A_1000] {strides = array<i32>} : memref<24x1024xf32, #tpu.memory_space<vmem>>, vector<16xf32>,
        tpu.vector_store %swap3A_998[%swap3A_999, %swap3A_1000], %mul3A_994 {strides = array<i32>} : memref<24x1024xf32, #tpu.memory_space<vmem>>, vector<16xf32>,
        %get3A_1002 = arith.constant 0 : i32
        %get3A_1003 = arith.constant 0 : i32
        %get3A_1004 = tpu.memref_slice %arg8[%scan3A_99, %get3A_1002, %get3A_1003] : memref<2x24x1024xf32, #tpu.memory_space<vmem>> -> memref<1x24x1024xf32, #tpu.memory_space<vmem>>
        %get3A_1005 = tpu.memref_squeeze %get3A_1004 : memref<1x24x1024xf32, #tpu.memory_space<vmem>> -> memref<24x1024xf32, #tpu.memory_space<vmem>>
        %get3A_1006 = arith.index_cast %scan3A_136 : i32 to index
        %get3A_1007 = arith.constant 816 : index
        %get3A_1008 = tpu.vector_load %get3A_1005[%get3A_1006, %get3A_1007] {strides = array<i32>} : memref<24x1024xf32, #tpu.memory_space<vmem>>, vector<16xf32>,
        %mul3A_1009 = arith.constant 3.000000e+01 : f32
        %mul3A_1010 = vector.broadcast %mul3A_1009 : f32 to vector<16xf32>
        %mul3A_1011 = arith.mulf %get3A_1008, %mul3A_1010 : vector<16xf32>
        %swap3A_1012 = arith.constant 0 : i32
        %swap3A_1013 = arith.constant 0 : i32
        %swap3A_1014 = tpu.memref_slice %arg9[%scan3A_100, %swap3A_1012, %swap3A_1013] : memref<2x24x1024xf32, #tpu.memory_space<vmem>> -> memref<1x24x1024xf32, #tpu.memory_space<vmem>>
        %swap3A_1015 = tpu.memref_squeeze %swap3A_1014 : memref<1x24x1024xf32, #tpu.memory_space<vmem>> -> memref<24x1024xf32, #tpu.memory_space<vmem>>
        %swap3A_1016 = arith.index_cast %scan3A_136 : i32 to index
        %swap3A_1017 = arith.constant 816 : index
        %swap3A_1018 = tpu.vector_load %swap3A_1015[%swap3A_1016, %swap3A_1017] {strides = array<i32>} : memref<24x1024xf32, #tpu.memory_space<vmem>>, vector<16xf32>,
        tpu.vector_store %swap3A_1015[%swap3A_1016, %swap3A_1017], %mul3A_1011 {strides = array<i32>} : memref<24x1024xf32, #tpu.memory_space<vmem>>, vector<16xf32>,
        %get3A_1019 = arith.constant 0 : i32
        %get3A_1020 = arith.constant 0 : i32
        %get3A_1021 = tpu.memref_slice %arg8[%scan3A_99, %get3A_1019, %get3A_1020] : memref<2x24x1024xf32, #tpu.memory_space<vmem>> -> memref<1x24x1024xf32, #tpu.memory_space<vmem>>
        %get3A_1022 = tpu.memref_squeeze %get3A_1021 : memref<1x24x1024xf32, #tpu.memory_space<vmem>> -> memref<24x1024xf32, #tpu.memory_space<vmem>>
        %get3A_1023 = arith.index_cast %scan3A_136 : i32 to index
        %get3A_1024 = arith.constant 832 : index
        %get3A_1025 = tpu.vector_load %get3A_1022[%get3A_1023, %get3A_1024] {strides = array<i32>} : memref<24x1024xf32, #tpu.memory_space<vmem>>, vector<16xf32>,
        %mul3A_1026 = arith.constant 3.000000e+01 : f32
        %mul3A_1027 = vector.broadcast %mul3A_1026 : f32 to vector<16xf32>
        %mul3A_1028 = arith.mulf %get3A_1025, %mul3A_1027 : vector<16xf32>
        %swap3A_1029 = arith.constant 0 : i32
        %swap3A_1030 = arith.constant 0 : i32
        %swap3A_1031 = tpu.memref_slice %arg9[%scan3A_100, %swap3A_1029, %swap3A_1030] : memref<2x24x1024xf32, #tpu.memory_space<vmem>> -> memref<1x24x1024xf32, #tpu.memory_space<vmem>>
        %swap3A_1032 = tpu.memref_squeeze %swap3A_1031 : memref<1x24x1024xf32, #tpu.memory_space<vmem>> -> memref<24x1024xf32, #tpu.memory_space<vmem>>
        %swap3A_1033 = arith.index_cast %scan3A_136 : i32 to index
        %swap3A_1034 = arith.constant 832 : index
        %swap3A_1035 = tpu.vector_load %swap3A_1032[%swap3A_1033, %swap3A_1034] {strides = array<i32>} : memref<24x1024xf32, #tpu.memory_space<vmem>>, vector<16xf32>,
        tpu.vector_store %swap3A_1032[%swap3A_1033, %swap3A_1034], %mul3A_1028 {strides = array<i32>} : memref<24x1024xf32, #tpu.memory_space<vmem>>, vector<16xf32>,
        %get3A_1036 = arith.constant 0 : i32
        %get3A_1037 = arith.constant 0 : i32
        %get3A_1038 = tpu.memref_slice %arg8[%scan3A_99, %get3A_1036, %get3A_1037] : memref<2x24x1024xf32, #tpu.memory_space<vmem>> -> memref<1x24x1024xf32, #tpu.memory_space<vmem>>
        %get3A_1039 = tpu.memref_squeeze %get3A_1038 : memref<1x24x1024xf32, #tpu.memory_space<vmem>> -> memref<24x1024xf32, #tpu.memory_space<vmem>>
        %get3A_1040 = arith.index_cast %scan3A_136 : i32 to index
        %get3A_1041 = arith.constant 848 : index
        %get3A_1042 = tpu.vector_load %get3A_1039[%get3A_1040, %get3A_1041] {strides = array<i32>} : memref<24x1024xf32, #tpu.memory_space<vmem>>, vector<16xf32>,
        %mul3A_1043 = arith.constant 3.000000e+01 : f32
        %mul3A_1044 = vector.broadcast %mul3A_1043 : f32 to vector<16xf32>
        %mul3A_1045 = arith.mulf %get3A_1042, %mul3A_1044 : vector<16xf32>
        %swap3A_1046 = arith.constant 0 : i32
        %swap3A_1047 = arith.constant 0 : i32
        %swap3A_1048 = tpu.memref_slice %arg9[%scan3A_100, %swap3A_1046, %swap3A_1047] : memref<2x24x1024xf32, #tpu.memory_space<vmem>> -> memref<1x24x1024xf32, #tpu.memory_space<vmem>>
        %swap3A_1049 = tpu.memref_squeeze %swap3A_1048 : memref<1x24x1024xf32, #tpu.memory_space<vmem>> -> memref<24x1024xf32, #tpu.memory_space<vmem>>
        %swap3A_1050 = arith.index_cast %scan3A_136 : i32 to index
        %swap3A_1051 = arith.constant 848 : index
        %swap3A_1052 = tpu.vector_load %swap3A_1049[%swap3A_1050, %swap3A_1051] {strides = array<i32>} : memref<24x1024xf32, #tpu.memory_space<vmem>>, vector<16xf32>,
        tpu.vector_store %swap3A_1049[%swap3A_1050, %swap3A_1051], %mul3A_1045 {strides = array<i32>} : memref<24x1024xf32, #tpu.memory_space<vmem>>, vector<16xf32>,
        %get3A_1053 = arith.constant 0 : i32
        %get3A_1054 = arith.constant 0 : i32
        %get3A_1055 = tpu.memref_slice %arg8[%scan3A_99, %get3A_1053, %get3A_1054] : memref<2x24x1024xf32, #tpu.memory_space<vmem>> -> memref<1x24x1024xf32, #tpu.memory_space<vmem>>
        %get3A_1056 = tpu.memref_squeeze %get3A_1055 : memref<1x24x1024xf32, #tpu.memory_space<vmem>> -> memref<24x1024xf32, #tpu.memory_space<vmem>>
        %get3A_1057 = arith.index_cast %scan3A_136 : i32 to index
        %get3A_1058 = arith.constant 864 : index
        %get3A_1059 = tpu.vector_load %get3A_1056[%get3A_1057, %get3A_1058] {strides = array<i32>} : memref<24x1024xf32, #tpu.memory_space<vmem>>, vector<16xf32>,
        %mul3A_1060 = arith.constant 3.000000e+01 : f32
        %mul3A_1061 = vector.broadcast %mul3A_1060 : f32 to vector<16xf32>
        %mul3A_1062 = arith.mulf %get3A_1059, %mul3A_1061 : vector<16xf32>
        %swap3A_1063 = arith.constant 0 : i32
        %swap3A_1064 = arith.constant 0 : i32
        %swap3A_1065 = tpu.memref_slice %arg9[%scan3A_100, %swap3A_1063, %swap3A_1064] : memref<2x24x1024xf32, #tpu.memory_space<vmem>> -> memref<1x24x1024xf32, #tpu.memory_space<vmem>>
        %swap3A_1066 = tpu.memref_squeeze %swap3A_1065 : memref<1x24x1024xf32, #tpu.memory_space<vmem>> -> memref<24x1024xf32, #tpu.memory_space<vmem>>
        %swap3A_1067 = arith.index_cast %scan3A_136 : i32 to index
        %swap3A_1068 = arith.constant 864 : index
        %swap3A_1069 = tpu.vector_load %swap3A_1066[%swap3A_1067, %swap3A_1068] {strides = array<i32>} : memref<24x1024xf32, #tpu.memory_space<vmem>>, vector<16xf32>,
        tpu.vector_store %swap3A_1066[%swap3A_1067, %swap3A_1068], %mul3A_1062 {strides = array<i32>} : memref<24x1024xf32, #tpu.memory_space<vmem>>, vector<16xf32>,
        %get3A_1070 = arith.constant 0 : i32
        %get3A_1071 = arith.constant 0 : i32
        %get3A_1072 = tpu.memref_slice %arg8[%scan3A_99, %get3A_1070, %get3A_1071] : memref<2x24x1024xf32, #tpu.memory_space<vmem>> -> memref<1x24x1024xf32, #tpu.memory_space<vmem>>
        %get3A_1073 = tpu.memref_squeeze %get3A_1072 : memref<1x24x1024xf32, #tpu.memory_space<vmem>> -> memref<24x1024xf32, #tpu.memory_space<vmem>>
        %get3A_1074 = arith.index_cast %scan3A_136 : i32 to index
        %get3A_1075 = arith.constant 880 : index
        %get3A_1076 = tpu.vector_load %get3A_1073[%get3A_1074, %get3A_1075] {strides = array<i32>} : memref<24x1024xf32, #tpu.memory_space<vmem>>, vector<16xf32>,
        %mul3A_1077 = arith.constant 3.000000e+01 : f32
        %mul3A_1078 = vector.broadcast %mul3A_1077 : f32 to vector<16xf32>
        %mul3A_1079 = arith.mulf %get3A_1076, %mul3A_1078 : vector<16xf32>
        %swap3A_1080 = arith.constant 0 : i32
        %swap3A_1081 = arith.constant 0 : i32
        %swap3A_1082 = tpu.memref_slice %arg9[%scan3A_100, %swap3A_1080, %swap3A_1081] : memref<2x24x1024xf32, #tpu.memory_space<vmem>> -> memref<1x24x1024xf32, #tpu.memory_space<vmem>>
        %swap3A_1083 = tpu.memref_squeeze %swap3A_1082 : memref<1x24x1024xf32, #tpu.memory_space<vmem>> -> memref<24x1024xf32, #tpu.memory_space<vmem>>
        %swap3A_1084 = arith.index_cast %scan3A_136 : i32 to index
        %swap3A_1085 = arith.constant 880 : index
        %swap3A_1086 = tpu.vector_load %swap3A_1083[%swap3A_1084, %swap3A_1085] {strides = array<i32>} : memref<24x1024xf32, #tpu.memory_space<vmem>>, vector<16xf32>,
        tpu.vector_store %swap3A_1083[%swap3A_1084, %swap3A_1085], %mul3A_1079 {strides = array<i32>} : memref<24x1024xf32, #tpu.memory_space<vmem>>, vector<16xf32>,
        %get3A_1087 = arith.constant 0 : i32
        %get3A_1088 = arith.constant 0 : i32
        %get3A_1089 = tpu.memref_slice %arg8[%scan3A_99, %get3A_1087, %get3A_1088] : memref<2x24x1024xf32, #tpu.memory_space<vmem>> -> memref<1x24x1024xf32, #tpu.memory_space<vmem>>
        %get3A_1090 = tpu.memref_squeeze %get3A_1089 : memref<1x24x1024xf32, #tpu.memory_space<vmem>> -> memref<24x1024xf32, #tpu.memory_space<vmem>>
        %get3A_1091 = arith.index_cast %scan3A_136 : i32 to index
        %get3A_1092 = arith.constant 896 : index
        %get3A_1093 = tpu.vector_load %get3A_1090[%get3A_1091, %get3A_1092] {strides = array<i32>} : memref<24x1024xf32, #tpu.memory_space<vmem>>, vector<16xf32>,
        %mul3A_1094 = arith.constant 3.000000e+01 : f32
        %mul3A_1095 = vector.broadcast %mul3A_1094 : f32 to vector<16xf32>
        %mul3A_1096 = arith.mulf %get3A_1093, %mul3A_1095 : vector<16xf32>
        %swap3A_1097 = arith.constant 0 : i32
        %swap3A_1098 = arith.constant 0 : i32
        %swap3A_1099 = tpu.memref_slice %arg9[%scan3A_100, %swap3A_1097, %swap3A_1098] : memref<2x24x1024xf32, #tpu.memory_space<vmem>> -> memref<1x24x1024xf32, #tpu.memory_space<vmem>>
        %swap3A_1100 = tpu.memref_squeeze %swap3A_1099 : memref<1x24x1024xf32, #tpu.memory_space<vmem>> -> memref<24x1024xf32, #tpu.memory_space<vmem>>
        %swap3A_1101 = arith.index_cast %scan3A_136 : i32 to index
        %swap3A_1102 = arith.constant 896 : index
        %swap3A_1103 = tpu.vector_load %swap3A_1100[%swap3A_1101, %swap3A_1102] {strides = array<i32>} : memref<24x1024xf32, #tpu.memory_space<vmem>>, vector<16xf32>,
        tpu.vector_store %swap3A_1100[%swap3A_1101, %swap3A_1102], %mul3A_1096 {strides = array<i32>} : memref<24x1024xf32, #tpu.memory_space<vmem>>, vector<16xf32>,
        %get3A_1104 = arith.constant 0 : i32
        %get3A_1105 = arith.constant 0 : i32
        %get3A_1106 = tpu.memref_slice %arg8[%scan3A_99, %get3A_1104, %get3A_1105] : memref<2x24x1024xf32, #tpu.memory_space<vmem>> -> memref<1x24x1024xf32, #tpu.memory_space<vmem>>
        %get3A_1107 = tpu.memref_squeeze %get3A_1106 : memref<1x24x1024xf32, #tpu.memory_space<vmem>> -> memref<24x1024xf32, #tpu.memory_space<vmem>>
        %get3A_1108 = arith.index_cast %scan3A_136 : i32 to index
        %get3A_1109 = arith.constant 912 : index
        %get3A_1110 = tpu.vector_load %get3A_1107[%get3A_1108, %get3A_1109] {strides = array<i32>} : memref<24x1024xf32, #tpu.memory_space<vmem>>, vector<16xf32>,
        %mul3A_1111 = arith.constant 3.000000e+01 : f32
        %mul3A_1112 = vector.broadcast %mul3A_1111 : f32 to vector<16xf32>
        %mul3A_1113 = arith.mulf %get3A_1110, %mul3A_1112 : vector<16xf32>
        %swap3A_1114 = arith.constant 0 : i32
        %swap3A_1115 = arith.constant 0 : i32
        %swap3A_1116 = tpu.memref_slice %arg9[%scan3A_100, %swap3A_1114, %swap3A_1115] : memref<2x24x1024xf32, #tpu.memory_space<vmem>> -> memref<1x24x1024xf32, #tpu.memory_space<vmem>>
        %swap3A_1117 = tpu.memref_squeeze %swap3A_1116 : memref<1x24x1024xf32, #tpu.memory_space<vmem>> -> memref<24x1024xf32, #tpu.memory_space<vmem>>
        %swap3A_1118 = arith.index_cast %scan3A_136 : i32 to index
        %swap3A_1119 = arith.constant 912 : index
        %swap3A_1120 = tpu.vector_load %swap3A_1117[%swap3A_1118, %swap3A_1119] {strides = array<i32>} : memref<24x1024xf32, #tpu.memory_space<vmem>>, vector<16xf32>,
        tpu.vector_store %swap3A_1117[%swap3A_1118, %swap3A_1119], %mul3A_1113 {strides = array<i32>} : memref<24x1024xf32, #tpu.memory_space<vmem>>, vector<16xf32>,
        %get3A_1121 = arith.constant 0 : i32
        %get3A_1122 = arith.constant 0 : i32
        %get3A_1123 = tpu.memref_slice %arg8[%scan3A_99, %get3A_1121, %get3A_1122] : memref<2x24x1024xf32, #tpu.memory_space<vmem>> -> memref<1x24x1024xf32, #tpu.memory_space<vmem>>
        %get3A_1124 = tpu.memref_squeeze %get3A_1123 : memref<1x24x1024xf32, #tpu.memory_space<vmem>> -> memref<24x1024xf32, #tpu.memory_space<vmem>>
        %get3A_1125 = arith.index_cast %scan3A_136 : i32 to index
        %get3A_1126 = arith.constant 928 : index
        %get3A_1127 = tpu.vector_load %get3A_1124[%get3A_1125, %get3A_1126] {strides = array<i32>} : memref<24x1024xf32, #tpu.memory_space<vmem>>, vector<16xf32>,
        %mul3A_1128 = arith.constant 3.000000e+01 : f32
        %mul3A_1129 = vector.broadcast %mul3A_1128 : f32 to vector<16xf32>
        %mul3A_1130 = arith.mulf %get3A_1127, %mul3A_1129 : vector<16xf32>
        %swap3A_1131 = arith.constant 0 : i32
        %swap3A_1132 = arith.constant 0 : i32
        %swap3A_1133 = tpu.memref_slice %arg9[%scan3A_100, %swap3A_1131, %swap3A_1132] : memref<2x24x1024xf32, #tpu.memory_space<vmem>> -> memref<1x24x1024xf32, #tpu.memory_space<vmem>>
        %swap3A_1134 = tpu.memref_squeeze %swap3A_1133 : memref<1x24x1024xf32, #tpu.memory_space<vmem>> -> memref<24x1024xf32, #tpu.memory_space<vmem>>
        %swap3A_1135 = arith.index_cast %scan3A_136 : i32 to index
        %swap3A_1136 = arith.constant 928 : index
        %swap3A_1137 = tpu.vector_load %swap3A_1134[%swap3A_1135, %swap3A_1136] {strides = array<i32>} : memref<24x1024xf32, #tpu.memory_space<vmem>>, vector<16xf32>,
        tpu.vector_store %swap3A_1134[%swap3A_1135, %swap3A_1136], %mul3A_1130 {strides = array<i32>} : memref<24x1024xf32, #tpu.memory_space<vmem>>, vector<16xf32>,
        %get3A_1138 = arith.constant 0 : i32
        %get3A_1139 = arith.constant 0 : i32
        %get3A_1140 = tpu.memref_slice %arg8[%scan3A_99, %get3A_1138, %get3A_1139] : memref<2x24x1024xf32, #tpu.memory_space<vmem>> -> memref<1x24x1024xf32, #tpu.memory_space<vmem>>
        %get3A_1141 = tpu.memref_squeeze %get3A_1140 : memref<1x24x1024xf32, #tpu.memory_space<vmem>> -> memref<24x1024xf32, #tpu.memory_space<vmem>>
        %get3A_1142 = arith.index_cast %scan3A_136 : i32 to index
        %get3A_1143 = arith.constant 944 : index
        %get3A_1144 = tpu.vector_load %get3A_1141[%get3A_1142, %get3A_1143] {strides = array<i32>} : memref<24x1024xf32, #tpu.memory_space<vmem>>, vector<16xf32>,
        %mul3A_1145 = arith.constant 3.000000e+01 : f32
        %mul3A_1146 = vector.broadcast %mul3A_1145 : f32 to vector<16xf32>
        %mul3A_1147 = arith.mulf %get3A_1144, %mul3A_1146 : vector<16xf32>
        %swap3A_1148 = arith.constant 0 : i32
        %swap3A_1149 = arith.constant 0 : i32
        %swap3A_1150 = tpu.memref_slice %arg9[%scan3A_100, %swap3A_1148, %swap3A_1149] : memref<2x24x1024xf32, #tpu.memory_space<vmem>> -> memref<1x24x1024xf32, #tpu.memory_space<vmem>>
        %swap3A_1151 = tpu.memref_squeeze %swap3A_1150 : memref<1x24x1024xf32, #tpu.memory_space<vmem>> -> memref<24x1024xf32, #tpu.memory_space<vmem>>
        %swap3A_1152 = arith.index_cast %scan3A_136 : i32 to index
        %swap3A_1153 = arith.constant 944 : index
        %swap3A_1154 = tpu.vector_load %swap3A_1151[%swap3A_1152, %swap3A_1153] {strides = array<i32>} : memref<24x1024xf32, #tpu.memory_space<vmem>>, vector<16xf32>,
        tpu.vector_store %swap3A_1151[%swap3A_1152, %swap3A_1153], %mul3A_1147 {strides = array<i32>} : memref<24x1024xf32, #tpu.memory_space<vmem>>, vector<16xf32>,
        %get3A_1155 = arith.constant 0 : i32
        %get3A_1156 = arith.constant 0 : i32
        %get3A_1157 = tpu.memref_slice %arg8[%scan3A_99, %get3A_1155, %get3A_1156] : memref<2x24x1024xf32, #tpu.memory_space<vmem>> -> memref<1x24x1024xf32, #tpu.memory_space<vmem>>
        %get3A_1158 = tpu.memref_squeeze %get3A_1157 : memref<1x24x1024xf32, #tpu.memory_space<vmem>> -> memref<24x1024xf32, #tpu.memory_space<vmem>>
        %get3A_1159 = arith.index_cast %scan3A_136 : i32 to index
        %get3A_1160 = arith.constant 960 : index
        %get3A_1161 = tpu.vector_load %get3A_1158[%get3A_1159, %get3A_1160] {strides = array<i32>} : memref<24x1024xf32, #tpu.memory_space<vmem>>, vector<16xf32>,
        %mul3A_1162 = arith.constant 3.000000e+01 : f32
        %mul3A_1163 = vector.broadcast %mul3A_1162 : f32 to vector<16xf32>
        %mul3A_1164 = arith.mulf %get3A_1161, %mul3A_1163 : vector<16xf32>
        %swap3A_1165 = arith.constant 0 : i32
        %swap3A_1166 = arith.constant 0 : i32
        %swap3A_1167 = tpu.memref_slice %arg9[%scan3A_100, %swap3A_1165, %swap3A_1166] : memref<2x24x1024xf32, #tpu.memory_space<vmem>> -> memref<1x24x1024xf32, #tpu.memory_space<vmem>>
        %swap3A_1168 = tpu.memref_squeeze %swap3A_1167 : memref<1x24x1024xf32, #tpu.memory_space<vmem>> -> memref<24x1024xf32, #tpu.memory_space<vmem>>
        %swap3A_1169 = arith.index_cast %scan3A_136 : i32 to index
        %swap3A_1170 = arith.constant 960 : index
        %swap3A_1171 = tpu.vector_load %swap3A_1168[%swap3A_1169, %swap3A_1170] {strides = array<i32>} : memref<24x1024xf32, #tpu.memory_space<vmem>>, vector<16xf32>,
        tpu.vector_store %swap3A_1168[%swap3A_1169, %swap3A_1170], %mul3A_1164 {strides = array<i32>} : memref<24x1024xf32, #tpu.memory_space<vmem>>, vector<16xf32>,
        %get3A_1172 = arith.constant 0 : i32
        %get3A_1173 = arith.constant 0 : i32
        %get3A_1174 = tpu.memref_slice %arg8[%scan3A_99, %get3A_1172, %get3A_1173] : memref<2x24x1024xf32, #tpu.memory_space<vmem>> -> memref<1x24x1024xf32, #tpu.memory_space<vmem>>
        %get3A_1175 = tpu.memref_squeeze %get3A_1174 : memref<1x24x1024xf32, #tpu.memory_space<vmem>> -> memref<24x1024xf32, #tpu.memory_space<vmem>>
        %get3A_1176 = arith.index_cast %scan3A_136 : i32 to index
        %get3A_1177 = arith.constant 976 : index
        %get3A_1178 = tpu.vector_load %get3A_1175[%get3A_1176, %get3A_1177] {strides = array<i32>} : memref<24x1024xf32, #tpu.memory_space<vmem>>, vector<16xf32>,
        %mul3A_1179 = arith.constant 3.000000e+01 : f32
        %mul3A_1180 = vector.broadcast %mul3A_1179 : f32 to vector<16xf32>
        %mul3A_1181 = arith.mulf %get3A_1178, %mul3A_1180 : vector<16xf32>
        %swap3A_1182 = arith.constant 0 : i32
        %swap3A_1183 = arith.constant 0 : i32
        %swap3A_1184 = tpu.memref_slice %arg9[%scan3A_100, %swap3A_1182, %swap3A_1183] : memref<2x24x1024xf32, #tpu.memory_space<vmem>> -> memref<1x24x1024xf32, #tpu.memory_space<vmem>>
        %swap3A_1185 = tpu.memref_squeeze %swap3A_1184 : memref<1x24x1024xf32, #tpu.memory_space<vmem>> -> memref<24x1024xf32, #tpu.memory_space<vmem>>
        %swap3A_1186 = arith.index_cast %scan3A_136 : i32 to index
        %swap3A_1187 = arith.constant 976 : index
        %swap3A_1188 = tpu.vector_load %swap3A_1185[%swap3A_1186, %swap3A_1187] {strides = array<i32>} : memref<24x1024xf32, #tpu.memory_space<vmem>>, vector<16xf32>,
        tpu.vector_store %swap3A_1185[%swap3A_1186, %swap3A_1187], %mul3A_1181 {strides = array<i32>} : memref<24x1024xf32, #tpu.memory_space<vmem>>, vector<16xf32>,
        %get3A_1189 = arith.constant 0 : i32
        %get3A_1190 = arith.constant 0 : i32
        %get3A_1191 = tpu.memref_slice %arg8[%scan3A_99, %get3A_1189, %get3A_1190] : memref<2x24x1024xf32, #tpu.memory_space<vmem>> -> memref<1x24x1024xf32, #tpu.memory_space<vmem>>
        %get3A_1192 = tpu.memref_squeeze %get3A_1191 : memref<1x24x1024xf32, #tpu.memory_space<vmem>> -> memref<24x1024xf32, #tpu.memory_space<vmem>>
        %get3A_1193 = arith.index_cast %scan3A_136 : i32 to index
        %get3A_1194 = arith.constant 992 : index
        %get3A_1195 = tpu.vector_load %get3A_1192[%get3A_1193, %get3A_1194] {strides = array<i32>} : memref<24x1024xf32, #tpu.memory_space<vmem>>, vector<16xf32>,
        %mul3A_1196 = arith.constant 3.000000e+01 : f32
        %mul3A_1197 = vector.broadcast %mul3A_1196 : f32 to vector<16xf32>
        %mul3A_1198 = arith.mulf %get3A_1195, %mul3A_1197 : vector<16xf32>
        %swap3A_1199 = arith.constant 0 : i32
        %swap3A_1200 = arith.constant 0 : i32
        %swap3A_1201 = tpu.memref_slice %arg9[%scan3A_100, %swap3A_1199, %swap3A_1200] : memref<2x24x1024xf32, #tpu.memory_space<vmem>> -> memref<1x24x1024xf32, #tpu.memory_space<vmem>>
        %swap3A_1202 = tpu.memref_squeeze %swap3A_1201 : memref<1x24x1024xf32, #tpu.memory_space<vmem>> -> memref<24x1024xf32, #tpu.memory_space<vmem>>
        %swap3A_1203 = arith.index_cast %scan3A_136 : i32 to index
        %swap3A_1204 = arith.constant 992 : index
        %swap3A_1205 = tpu.vector_load %swap3A_1202[%swap3A_1203, %swap3A_1204] {strides = array<i32>} : memref<24x1024xf32, #tpu.memory_space<vmem>>, vector<16xf32>,
        tpu.vector_store %swap3A_1202[%swap3A_1203, %swap3A_1204], %mul3A_1198 {strides = array<i32>} : memref<24x1024xf32, #tpu.memory_space<vmem>>, vector<16xf32>,
        %get3A_1206 = arith.constant 0 : i32
        %get3A_1207 = arith.constant 0 : i32
        %get3A_1208 = tpu.memref_slice %arg8[%scan3A_99, %get3A_1206, %get3A_1207] : memref<2x24x1024xf32, #tpu.memory_space<vmem>> -> memref<1x24x1024xf32, #tpu.memory_space<vmem>>
        %get3A_1209 = tpu.memref_squeeze %get3A_1208 : memref<1x24x1024xf32, #tpu.memory_space<vmem>> -> memref<24x1024xf32, #tpu.memory_space<vmem>>
        %get3A_1210 = arith.index_cast %scan3A_136 : i32 to index
        %get3A_1211 = arith.constant 1008 : index
        %get3A_1212 = tpu.vector_load %get3A_1209[%get3A_1210, %get3A_1211] {strides = array<i32>} : memref<24x1024xf32, #tpu.memory_space<vmem>>, vector<16xf32>,
        %mul3A_1213 = arith.constant 3.000000e+01 : f32
        %mul3A_1214 = vector.broadcast %mul3A_1213 : f32 to vector<16xf32>
        %mul3A_1215 = arith.mulf %get3A_1212, %mul3A_1214 : vector<16xf32>
        %swap3A_1216 = arith.constant 0 : i32
        %swap3A_1217 = arith.constant 0 : i32
        %swap3A_1218 = tpu.memref_slice %arg9[%scan3A_100, %swap3A_1216, %swap3A_1217] : memref<2x24x1024xf32, #tpu.memory_space<vmem>> -> memref<1x24x1024xf32, #tpu.memory_space<vmem>>
        %swap3A_1219 = tpu.memref_squeeze %swap3A_1218 : memref<1x24x1024xf32, #tpu.memory_space<vmem>> -> memref<24x1024xf32, #tpu.memory_space<vmem>>
        %swap3A_1220 = arith.index_cast %scan3A_136 : i32 to index
        %swap3A_1221 = arith.constant 1008 : index
        %swap3A_1222 = tpu.vector_load %swap3A_1219[%swap3A_1220, %swap3A_1221] {strides = array<i32>} : memref<24x1024xf32, #tpu.memory_space<vmem>>, vector<16xf32>,
        tpu.vector_store %swap3A_1219[%swap3A_1220, %swap3A_1221], %mul3A_1215 {strides = array<i32>} : memref<24x1024xf32, #tpu.memory_space<vmem>>, vector<16xf32>,
      }
      %scan3A_105 = arith.constant 8 : i32
      %add3A_106 = arith.constant 15 : i32
      %add3A_107 = arith.addi %reduce_max3A_55, %add3A_106 : i32
      %jit3A = arith.constant 16 : i32
      %div3A = arith.divsi %add3A_107, %jit3A : i32
      %sign3A = arith.constant 0 : i32
      %sign3A_108 = arith.cmpi sgt, %add3A_107, %sign3A : i32
      %sign3A_109 = arith.extui %sign3A_108 : i1 to i32
      %sign3A_110 = arith.constant 0 : i32
      %sign3A_111 = arith.cmpi slt, %add3A_107, %sign3A_110 : i32
      %sign3A_112 = arith.extui %sign3A_111 : i1 to i32
      %sign3A_113 = arith.subi %sign3A_109, %sign3A_112 : i32
      %sign3A_114 = arith.constant 0 : i32
      %sign3A_115 = arith.cmpi sgt, %jit3A, %sign3A_114 : i32
      %sign3A_116 = arith.extui %sign3A_115 : i1 to i32
      %sign3A_117 = arith.constant 0 : i32
      %sign3A_118 = arith.cmpi slt, %jit3A, %sign3A_117 : i32
      %sign3A_119 = arith.extui %sign3A_118 : i1 to i32
      %sign3A_120 = arith.subi %sign3A_116, %sign3A_119 : i32
      %ne3A = arith.cmpi ne, %sign3A_113, %sign3A_120 : i32
      %rem3A = arith.remsi %add3A_107, %jit3A : i32
      %ne3A_121 = arith.constant 0 : i32
      %ne3A_122 = arith.cmpi ne, %rem3A, %ne3A_121 : i32
      %and3A = arith.andi %ne3A, %ne3A_122 : i1
      %sub3A = arith.constant 1 : i32
      %sub3A_123 = arith.subi %div3A, %sub3A : i32
      %select_n3A = arith.select %and3A, %sub3A_123, %div3A : i32
      %while3A = arith.constant 0 : i32
      %while3A_124 = arith.constant 0 : i32
      %while3A_125 = arith.constant 0 : i32
      %while3A_126 = arith.constant 0 : i32
      %while3A_127 = arith.subi %select_n3A, %while3A_126 : i32
      %while3A_128 = arith.addi %while3A_126, %while3A_127 : i32
      %while3A_129 = arith.constant 1 : i32
      %while3A_130 = arith.divsi %while3A_127, %while3A_129 : i32
      %while3A_131 = arith.muli %while3A_130, %while3A_129 : i32
      %while3A_132 = arith.addi %while3A_126, %while3A_131 : i32
      %while3A_133 = arith.constant 1 : i32
      scf.for %while3A_136 = %while3A_126 to %while3A_132 step %while3A_133  : i32 {
        %mul3A_137 = arith.constant 16 : i32
        %mul3A_138 = arith.muli %while3A_136, %mul3A_137 : i32
        %add3A_139 = vector.broadcast %mul3A_138 : i32 to vector<16xi32>
        %add3A_140 = arith.addi %add3A_139, %iota3A : vector<16xi32>
        %lt3A_141 = vector.broadcast %reduce_max3A_55 : i32 to vector<16xi32>
        %lt3A_142 = arith.cmpi slt, %add3A_140, %lt3A_141 : vector<16xi32>
        %gather3A = tpu.vector_load_idx %arg6[%add3A_140] : memref<1024xi32, #tpu.memory_space<vmem>>[vector<16xi32>], vector<16xi32>,
        %gather3A_143 = tpu.vector_load_idx %arg7[%add3A_140] : memref<1024xi32, #tpu.memory_space<vmem>>[vector<16xi32>], vector<16xi32>,
        %sub3A_144 = vector.broadcast %add3A_6 : i32 to vector<16xi32>
        %sub3A_145 = arith.subi %gather3A, %sub3A_144 : vector<16xi32>
        %ge3A = arith.constant 0 : i32
        %ge3A_146 = vector.broadcast %ge3A : i32 to vector<16xi32>
        %ge3A_147 = arith.cmpi sge, %sub3A_145, %ge3A_146 : vector<16xi32>
        %and3A_148 = arith.andi %lt3A_142, %ge3A_147 : vector<16xi1>
        %lt3A_149 = arith.constant 8 : i32
        %lt3A_150 = vector.broadcast %lt3A_149 : i32 to vector<16xi32>
        %lt3A_151 = arith.cmpi slt, %sub3A_145, %lt3A_150 : vector<16xi32>
        %and3A_152 = arith.andi %and3A_148, %lt3A_151 : vector<16xi1>
        %jit3A_153 = arith.constant 0 : i32
        %jit3A_154 = arith.constant 7 : i32
        %max3A = vector.broadcast %jit3A_153 : i32 to vector<16xi32>
        %max3A_155 = arith.maxsi %max3A, %sub3A_145 : vector<16xi32>
        %min3A = vector.broadcast %jit3A_154 : i32 to vector<16xi32>
        %min3A_156 = arith.minsi %min3A, %max3A_155 : vector<16xi32>
        %jit3A_157 = arith.constant 0 : i32
        %jit3A_158 = arith.constant 1023 : i32
        %max3A_159 = vector.broadcast %jit3A_157 : i32 to vector<16xi32>
        %max3A_160 = arith.maxsi %max3A_159, %gather3A_143 : vector<16xi32>
        %min3A_161 = vector.broadcast %jit3A_158 : i32 to vector<16xi32>
        %min3A_162 = arith.minsi %min3A_161, %max3A_160 : vector<16xi32>
        %gather3A_163 = arith.constant 0 : i32
        %gather3A_164 = arith.constant 0 : i32
        %gather3A_165 = tpu.memref_slice %arg8[%while3A_124, %gather3A_163, %gather3A_164] : memref<2x24x1024xf32, #tpu.memory_space<vmem>> -> memref<1x24x1024xf32, #tpu.memory_space<vmem>>
        %gather3A_166 = tpu.memref_squeeze %gather3A_165 : memref<1x24x1024xf32, #tpu.memory_space<vmem>> -> memref<24x1024xf32, #tpu.memory_space<vmem>>
        %gather3A_167 = tpu.vector_load_idx %gather3A_166[%min3A_156, %min3A_162] masked %and3A_152 : memref<24x1024xf32, #tpu.memory_space<vmem>>[vector<16xi32>, vector<16xi32>], vector<16xf32>, vector<16xi1>
        %mul3A_168 = arith.mulf %gather3A_167, %gather3A_167 : vector<16xf32>
        %sub3A_169 = arith.constant 1.000000e+00 : f32
        %sub3A_170 = vector.broadcast %sub3A_169 : f32 to vector<16xf32>
        %sub3A_171 = arith.subf %sub3A_170, %mul3A_168 : vector<16xf32>
        %max3A_172 = arith.constant 1.000000e-30 : f32
        %max3A_173 = vector.broadcast %max3A_172 : f32 to vector<16xf32>
        %max3A_174 = arith.maximumf %sub3A_171, %max3A_173 : vector<16xf32>
        %bitcast3A = vector.bitcast %max3A_174 : vector<16xf32> to vector<16xi32>
        %shift_right_arithmetic3A = arith.constant 1 : i32
        %shift_right_arithmetic3A_175 = vector.broadcast %shift_right_arithmetic3A : i32 to vector<16xi32>
        %shift_right_arithmetic3A_176 = arith.shrsi %bitcast3A, %shift_right_arithmetic3A_175 : vector<16xi32>
        %sub3A_177 = arith.constant 1597463007 : i32
        %sub3A_178 = vector.broadcast %sub3A_177 : i32 to vector<16xi32>
        %sub3A_179 = arith.subi %sub3A_178, %shift_right_arithmetic3A_176 : vector<16xi32>
        %bitcast3A_180 = vector.bitcast %sub3A_179 : vector<16xi32> to vector<16xf32>
        %mul3A_181 = arith.constant 5.000000e-01 : f32
        %mul3A_182 = vector.broadcast %mul3A_181 : f32 to vector<16xf32>
        %mul3A_183 = arith.mulf %mul3A_182, %max3A_174 : vector<16xf32>
        %mul3A_184 = arith.mulf %mul3A_183, %bitcast3A_180 : vector<16xf32>
        %mul3A_185 = arith.mulf %mul3A_184, %bitcast3A_180 : vector<16xf32>
        %sub3A_186 = arith.constant 1.500000e+00 : f32
        %sub3A_187 = vector.broadcast %sub3A_186 : f32 to vector<16xf32>
        %sub3A_188 = arith.subf %sub3A_187, %mul3A_185 : vector<16xf32>
        %mul3A_189 = arith.mulf %bitcast3A_180, %sub3A_188 : vector<16xf32>
        %mul3A_190 = arith.constant 5.000000e-01 : f32
        %mul3A_191 = vector.broadcast %mul3A_190 : f32 to vector<16xf32>
        %mul3A_192 = arith.mulf %mul3A_191, %max3A_174 : vector<16xf32>
        %mul3A_193 = arith.mulf %mul3A_192, %mul3A_189 : vector<16xf32>
        %mul3A_194 = arith.mulf %mul3A_193, %mul3A_189 : vector<16xf32>
        %sub3A_195 = arith.constant 1.500000e+00 : f32
        %sub3A_196 = vector.broadcast %sub3A_195 : f32 to vector<16xf32>
        %sub3A_197 = arith.subf %sub3A_196, %mul3A_194 : vector<16xf32>
        %mul3A_198 = arith.mulf %mul3A_189, %sub3A_197 : vector<16xf32>
        %mul3A_199 = arith.constant 5.000000e-01 : f32
        %mul3A_200 = vector.broadcast %mul3A_199 : f32 to vector<16xf32>
        %mul3A_201 = arith.mulf %mul3A_200, %max3A_174 : vector<16xf32>
        %mul3A_202 = arith.mulf %mul3A_201, %mul3A_198 : vector<16xf32>
        %mul3A_203 = arith.mulf %mul3A_202, %mul3A_198 : vector<16xf32>
        %sub3A_204 = arith.constant 1.500000e+00 : f32
        %sub3A_205 = vector.broadcast %sub3A_204 : f32 to vector<16xf32>
        %sub3A_206 = arith.subf %sub3A_205, %mul3A_203 : vector<16xf32>
        %mul3A_207 = arith.mulf %mul3A_198, %sub3A_206 : vector<16xf32>
        %mul3A_208 = arith.mulf %max3A_174, %mul3A_207 : vector<16xf32>
        %mul3A_209 = arith.constant 26.3274765 : f32
        %mul3A_210 = vector.broadcast %mul3A_209 : f32 to vector<16xf32>
        %mul3A_211 = arith.mulf %gather3A_167, %mul3A_210 : vector<16xf32>
        %mul3A_212 = arith.constant 14.3827658 : f32
        %mul3A_213 = vector.broadcast %mul3A_212 : f32 to vector<16xf32>
        %mul3A_214 = arith.mulf %mul3A_208, %mul3A_213 : vector<16xf32>
        %sub3A_215 = arith.subf %mul3A_211, %mul3A_214 : vector<16xf32>
        %gt3A = arith.constant -0.87758255 : f32
        %gt3A_216 = vector.broadcast %gt3A : f32 to vector<16xf32>
        %gt3A_217 = arith.cmpf ogt, %gather3A_167, %gt3A_216 : vector<16xf32>
        %mul3A_218 = arith.constant 3.000000e+01 : f32
        %mul3A_219 = vector.broadcast %mul3A_218 : f32 to vector<16xf32>
        %mul3A_220 = arith.mulf %gather3A_167, %mul3A_219 : vector<16xf32>
        %sub3A_221 = arith.constant 7.19138288 : f32
        %sub3A_222 = vector.broadcast %sub3A_221 : f32 to vector<16xf32>
        %sub3A_223 = arith.subf %mul3A_220, %sub3A_222 : vector<16xf32>
        %select_n3A_224 = arith.select %gt3A_217, %sub3A_215, %sub3A_223 : vector<16xi1>, vector<16xf32>
        %scatter3A = arith.constant 0 : i32
        %scatter3A_225 = arith.constant 0 : i32
        %scatter3A_226 = tpu.memref_slice %arg9[%while3A_125, %scatter3A, %scatter3A_225] : memref<2x24x1024xf32, #tpu.memory_space<vmem>> -> memref<1x24x1024xf32, #tpu.memory_space<vmem>>
        %scatter3A_227 = tpu.memref_squeeze %scatter3A_226 : memref<1x24x1024xf32, #tpu.memory_space<vmem>> -> memref<24x1024xf32, #tpu.memory_space<vmem>>
        tpu.vector_store_idx %scatter3A_227[%min3A_156, %min3A_162], %select_n3A_224 masked %and3A_152 : memref<24x1024xf32, #tpu.memory_space<vmem>>[vector<16xi32>, vector<16xi32>], vector<16xf32>, vector<16xi1>
      }
      %while3A_134 = arith.constant 1 : i32
      scf.for %while3A_136 = %while3A_132 to %while3A_128 step %while3A_134  : i32 {
        %mul3A_137 = arith.constant 16 : i32
        %mul3A_138 = arith.muli %while3A_136, %mul3A_137 : i32
        %add3A_139 = vector.broadcast %mul3A_138 : i32 to vector<16xi32>
        %add3A_140 = arith.addi %add3A_139, %iota3A : vector<16xi32>
        %lt3A_141 = vector.broadcast %reduce_max3A_55 : i32 to vector<16xi32>
        %lt3A_142 = arith.cmpi slt, %add3A_140, %lt3A_141 : vector<16xi32>
        %gather3A = tpu.vector_load_idx %arg6[%add3A_140] : memref<1024xi32, #tpu.memory_space<vmem>>[vector<16xi32>], vector<16xi32>,
        %gather3A_143 = tpu.vector_load_idx %arg7[%add3A_140] : memref<1024xi32, #tpu.memory_space<vmem>>[vector<16xi32>], vector<16xi32>,
        %sub3A_144 = vector.broadcast %add3A_6 : i32 to vector<16xi32>
        %sub3A_145 = arith.subi %gather3A, %sub3A_144 : vector<16xi32>
        %ge3A = arith.constant 0 : i32
        %ge3A_146 = vector.broadcast %ge3A : i32 to vector<16xi32>
        %ge3A_147 = arith.cmpi sge, %sub3A_145, %ge3A_146 : vector<16xi32>
        %and3A_148 = arith.andi %lt3A_142, %ge3A_147 : vector<16xi1>
        %lt3A_149 = arith.constant 8 : i32
        %lt3A_150 = vector.broadcast %lt3A_149 : i32 to vector<16xi32>
        %lt3A_151 = arith.cmpi slt, %sub3A_145, %lt3A_150 : vector<16xi32>
        %and3A_152 = arith.andi %and3A_148, %lt3A_151 : vector<16xi1>
        %jit3A_153 = arith.constant 0 : i32
        %jit3A_154 = arith.constant 7 : i32
        %max3A = vector.broadcast %jit3A_153 : i32 to vector<16xi32>
        %max3A_155 = arith.maxsi %max3A, %sub3A_145 : vector<16xi32>
        %min3A = vector.broadcast %jit3A_154 : i32 to vector<16xi32>
        %min3A_156 = arith.minsi %min3A, %max3A_155 : vector<16xi32>
        %jit3A_157 = arith.constant 0 : i32
        %jit3A_158 = arith.constant 1023 : i32
        %max3A_159 = vector.broadcast %jit3A_157 : i32 to vector<16xi32>
        %max3A_160 = arith.maxsi %max3A_159, %gather3A_143 : vector<16xi32>
        %min3A_161 = vector.broadcast %jit3A_158 : i32 to vector<16xi32>
        %min3A_162 = arith.minsi %min3A_161, %max3A_160 : vector<16xi32>
        %gather3A_163 = arith.constant 0 : i32
        %gather3A_164 = arith.constant 0 : i32
        %gather3A_165 = tpu.memref_slice %arg8[%while3A_124, %gather3A_163, %gather3A_164] : memref<2x24x1024xf32, #tpu.memory_space<vmem>> -> memref<1x24x1024xf32, #tpu.memory_space<vmem>>
        %gather3A_166 = tpu.memref_squeeze %gather3A_165 : memref<1x24x1024xf32, #tpu.memory_space<vmem>> -> memref<24x1024xf32, #tpu.memory_space<vmem>>
        %gather3A_167 = tpu.vector_load_idx %gather3A_166[%min3A_156, %min3A_162] masked %and3A_152 : memref<24x1024xf32, #tpu.memory_space<vmem>>[vector<16xi32>, vector<16xi32>], vector<16xf32>, vector<16xi1>
        %mul3A_168 = arith.mulf %gather3A_167, %gather3A_167 : vector<16xf32>
        %sub3A_169 = arith.constant 1.000000e+00 : f32
        %sub3A_170 = vector.broadcast %sub3A_169 : f32 to vector<16xf32>
        %sub3A_171 = arith.subf %sub3A_170, %mul3A_168 : vector<16xf32>
        %max3A_172 = arith.constant 1.000000e-30 : f32
        %max3A_173 = vector.broadcast %max3A_172 : f32 to vector<16xf32>
        %max3A_174 = arith.maximumf %sub3A_171, %max3A_173 : vector<16xf32>
        %bitcast3A = vector.bitcast %max3A_174 : vector<16xf32> to vector<16xi32>
        %shift_right_arithmetic3A = arith.constant 1 : i32
        %shift_right_arithmetic3A_175 = vector.broadcast %shift_right_arithmetic3A : i32 to vector<16xi32>
        %shift_right_arithmetic3A_176 = arith.shrsi %bitcast3A, %shift_right_arithmetic3A_175 : vector<16xi32>
        %sub3A_177 = arith.constant 1597463007 : i32
        %sub3A_178 = vector.broadcast %sub3A_177 : i32 to vector<16xi32>
        %sub3A_179 = arith.subi %sub3A_178, %shift_right_arithmetic3A_176 : vector<16xi32>
        %bitcast3A_180 = vector.bitcast %sub3A_179 : vector<16xi32> to vector<16xf32>
        %mul3A_181 = arith.constant 5.000000e-01 : f32
        %mul3A_182 = vector.broadcast %mul3A_181 : f32 to vector<16xf32>
        %mul3A_183 = arith.mulf %mul3A_182, %max3A_174 : vector<16xf32>
        %mul3A_184 = arith.mulf %mul3A_183, %bitcast3A_180 : vector<16xf32>
        %mul3A_185 = arith.mulf %mul3A_184, %bitcast3A_180 : vector<16xf32>
        %sub3A_186 = arith.constant 1.500000e+00 : f32
        %sub3A_187 = vector.broadcast %sub3A_186 : f32 to vector<16xf32>
        %sub3A_188 = arith.subf %sub3A_187, %mul3A_185 : vector<16xf32>
        %mul3A_189 = arith.mulf %bitcast3A_180, %sub3A_188 : vector<16xf32>
        %mul3A_190 = arith.constant 5.000000e-01 : f32
        %mul3A_191 = vector.broadcast %mul3A_190 : f32 to vector<16xf32>
        %mul3A_192 = arith.mulf %mul3A_191, %max3A_174 : vector<16xf32>
        %mul3A_193 = arith.mulf %mul3A_192, %mul3A_189 : vector<16xf32>
        %mul3A_194 = arith.mulf %mul3A_193, %mul3A_189 : vector<16xf32>
        %sub3A_195 = arith.constant 1.500000e+00 : f32
        %sub3A_196 = vector.broadcast %sub3A_195 : f32 to vector<16xf32>
        %sub3A_197 = arith.subf %sub3A_196, %mul3A_194 : vector<16xf32>
        %mul3A_198 = arith.mulf %mul3A_189, %sub3A_197 : vector<16xf32>
        %mul3A_199 = arith.constant 5.000000e-01 : f32
        %mul3A_200 = vector.broadcast %mul3A_199 : f32 to vector<16xf32>
        %mul3A_201 = arith.mulf %mul3A_200, %max3A_174 : vector<16xf32>
        %mul3A_202 = arith.mulf %mul3A_201, %mul3A_198 : vector<16xf32>
        %mul3A_203 = arith.mulf %mul3A_202, %mul3A_198 : vector<16xf32>
        %sub3A_204 = arith.constant 1.500000e+00 : f32
        %sub3A_205 = vector.broadcast %sub3A_204 : f32 to vector<16xf32>
        %sub3A_206 = arith.subf %sub3A_205, %mul3A_203 : vector<16xf32>
        %mul3A_207 = arith.mulf %mul3A_198, %sub3A_206 : vector<16xf32>
        %mul3A_208 = arith.mulf %max3A_174, %mul3A_207 : vector<16xf32>
        %mul3A_209 = arith.constant 26.3274765 : f32
        %mul3A_210 = vector.broadcast %mul3A_209 : f32 to vector<16xf32>
        %mul3A_211 = arith.mulf %gather3A_167, %mul3A_210 : vector<16xf32>
        %mul3A_212 = arith.constant 14.3827658 : f32
        %mul3A_213 = vector.broadcast %mul3A_212 : f32 to vector<16xf32>
        %mul3A_214 = arith.mulf %mul3A_208, %mul3A_213 : vector<16xf32>
        %sub3A_215 = arith.subf %mul3A_211, %mul3A_214 : vector<16xf32>
        %gt3A = arith.constant -0.87758255 : f32
        %gt3A_216 = vector.broadcast %gt3A : f32 to vector<16xf32>
        %gt3A_217 = arith.cmpf ogt, %gather3A_167, %gt3A_216 : vector<16xf32>
        %mul3A_218 = arith.constant 3.000000e+01 : f32
        %mul3A_219 = vector.broadcast %mul3A_218 : f32 to vector<16xf32>
        %mul3A_220 = arith.mulf %gather3A_167, %mul3A_219 : vector<16xf32>
        %sub3A_221 = arith.constant 7.19138288 : f32
        %sub3A_222 = vector.broadcast %sub3A_221 : f32 to vector<16xf32>
        %sub3A_223 = arith.subf %mul3A_220, %sub3A_222 : vector<16xf32>
        %select_n3A_224 = arith.select %gt3A_217, %sub3A_215, %sub3A_223 : vector<16xi1>, vector<16xf32>
        %scatter3A = arith.constant 0 : i32
        %scatter3A_225 = arith.constant 0 : i32
        %scatter3A_226 = tpu.memref_slice %arg9[%while3A_125, %scatter3A, %scatter3A_225] : memref<2x24x1024xf32, #tpu.memory_space<vmem>> -> memref<1x24x1024xf32, #tpu.memory_space<vmem>>
        %scatter3A_227 = tpu.memref_squeeze %scatter3A_226 : memref<1x24x1024xf32, #tpu.memory_space<vmem>> -> memref<24x1024xf32, #tpu.memory_space<vmem>>
        tpu.vector_store_idx %scatter3A_227[%min3A_156, %min3A_162], %select_n3A_224 masked %and3A_152 : memref<24x1024xf32, #tpu.memory_space<vmem>>[vector<16xi32>, vector<16xi32>], vector<16xf32>, vector<16xi1>
      }
      %run_scoped3A_135 = arith.constant 0 : i32
      "tpu.region"() ({
        %run_scoped3A_136 = tpu.sem_alloc : memref<!tpu.dma_semaphore, #tpu.memory_space<semaphore_mem>>
        %dma_start3A_137 = arith.constant 0 : i32
        %dma_start3A_138 = arith.constant 0 : i32
        %dma_start3A_139 = tpu.memref_slice %arg9[%run_scoped3A_135, %dma_start3A_137, %dma_start3A_138] : memref<2x24x1024xf32, #tpu.memory_space<vmem>> -> memref<1x8x1024xf32, #tpu.memory_space<vmem>>
        %dma_start3A_140 = tpu.memref_squeeze %dma_start3A_139 : memref<1x8x1024xf32, #tpu.memory_space<vmem>> -> memref<8x1024xf32, #tpu.memory_space<vmem>>
        %dma_start3A_141 = arith.constant 0 : i32
        %dma_start3A_142 = tpu.memref_slice %arg4[%add3A_6, %dma_start3A_141] : memref<100000x1024xf32, #tpu.memory_space<hbm>> -> memref<8x1024xf32, #tpu.memory_space<hbm>>
        %dma_start3A_143 = arith.constant 0 : i32
        %dma_start3A_144 = tpu.memref_slice %arg4[%add3A_6, %dma_start3A_143] : memref<100000x1024xf32, #tpu.memory_space<hbm>> -> memref<8x1024xf32, #tpu.memory_space<hbm>>
        %dma_start3A_145 = arith.constant 0 : i32
        %dma_start3A_146 = arith.constant 0 : i32
        %dma_start3A_147 = tpu.memref_slice %arg9[%run_scoped3A_135, %dma_start3A_145, %dma_start3A_146] : memref<2x24x1024xf32, #tpu.memory_space<vmem>> -> memref<1x8x1024xf32, #tpu.memory_space<vmem>>
        %dma_start3A_148 = tpu.memref_squeeze %dma_start3A_147 : memref<1x8x1024xf32, #tpu.memory_space<vmem>> -> memref<8x1024xf32, #tpu.memory_space<vmem>>
        tpu.enqueue_dma source(%dma_start3A_148 : memref<8x1024xf32, #tpu.memory_space<vmem>>) target(%dma_start3A_144 : memref<8x1024xf32, #tpu.memory_space<hbm>>) target_semaphore(%run_scoped3A_136 : memref<!tpu.dma_semaphore, #tpu.memory_space<semaphore_mem>>)
        %dma_wait3A_149 = arith.constant 0 : i32
        %dma_wait3A_150 = arith.constant 0 : i32
        %dma_wait3A_151 = tpu.memref_slice %arg9[%run_scoped3A_135, %dma_wait3A_149, %dma_wait3A_150] : memref<2x24x1024xf32, #tpu.memory_space<vmem>> -> memref<1x8x1024xf32, #tpu.memory_space<vmem>>
        %dma_wait3A_152 = tpu.memref_squeeze %dma_wait3A_151 : memref<1x8x1024xf32, #tpu.memory_space<vmem>> -> memref<8x1024xf32, #tpu.memory_space<vmem>>
        %dma_wait3A_153 = arith.constant 0 : i32
        %dma_wait3A_154 = tpu.memref_slice %arg4[%add3A_6, %dma_wait3A_153] : memref<100000x1024xf32, #tpu.memory_space<hbm>> -> memref<8x1024xf32, #tpu.memory_space<hbm>>
        %dma_wait3A_155 = arith.constant 0 : i32
        %dma_wait3A_156 = tpu.memref_slice %arg4[%add3A_6, %dma_wait3A_155] : memref<100000x1024xf32, #tpu.memory_space<hbm>> -> memref<8x1024xf32, #tpu.memory_space<hbm>>
        %dma_wait3A_157 = arith.constant 0 : i32
        %dma_wait3A_158 = arith.constant 0 : i32
        %dma_wait3A_159 = tpu.memref_slice %arg9[%run_scoped3A_135, %dma_wait3A_157, %dma_wait3A_158] : memref<2x24x1024xf32, #tpu.memory_space<vmem>> -> memref<1x8x1024xf32, #tpu.memory_space<vmem>>
        %dma_wait3A_160 = tpu.memref_squeeze %dma_wait3A_159 : memref<1x8x1024xf32, #tpu.memory_space<vmem>> -> memref<8x1024xf32, #tpu.memory_space<vmem>>
        tpu.wait_dma2 semaphore(%run_scoped3A_136 : memref<!tpu.dma_semaphore, #tpu.memory_space<semaphore_mem>>) src(%dma_wait3A_160 : memref<8x1024xf32, #tpu.memory_space<vmem>>) dst(%dma_wait3A_156 : memref<8x1024xf32, #tpu.memory_space<hbm>>)
        tpu.yield
      }) : () -> ()
    } else {
    }
    return
  }
}

</mosaic_0001>

<sc_bundles>
// kernel: kernel.3.cloned.1.call-start
scs
__scs_entry_jumppad:
0x0: {  	(pc) =	sbr.rel $0x88, $3  }
0x1: {  	(tag) =	ssettag $0x0;
	lr =	simm.s32 $0x1  }
0x2: {  	[smem:$0x3F9F] =	sst lr;
	_ =	strace $0xD0000000  }
0x3: {  	_ = 	snop  }
0x4: {  	_ = 	snop  }
0x5: {  	_ = 	snop  }
0x6: {  	_ = 	snop  }
0x7: {  	_ = 	snop  }
__scs_overlays_trampoline_lowered:
0x8: {  	[smem:$0x3FAE] =	sst s0  }
0x9: {  	[smem:$0x3FAF] =	sst s1  }
0xa: {  	[smem:$0x3FB0] =	sst s2  }
0xb: {  	[smem:$0x3FB1] =	sst s3  }
0xc: {  	[smem:$0x3FB2] =	sst s4  }
0xd: {  	[smem:$0x3FB3] =	sst s5  }
0xe: {  	[smem:$0x3FB4] =	sst s6  }
0xf: {  	[smem:$0x3FB5] =	sst s7  }
0x10: {  	[smem:$0x3FB6] =	sst s8  }
0x11: {  	[smem:$0x3FB7] =	sst s9;
	s0 =	simm.s32 @!p0 $0x0  }
0x12: {  	s1 =	sld [smem:$0x3F9D];
	s0 =	simm.s32 @p0 $0x1  }
0x13: {  	[smem:$0x3FB8] =	sst s0;
	s0 =	simm.s32 @!p1 $0x0  }
0x14: {  	s2 =	sld [smem:$0x3F9C];
	s0 =	simm.s32 @p1 $0x1  }
0x15: {  	[smem:$0x3FB9] =	sst s0;
	s0 =	simm.s32 @!p2 $0x0  }
0x16: {  	s3 =	sld [smem:$0x3FDB];
	s0 =	simm.s32 @p2 $0x1  }
0x17: {  	s4 =	simm.s32 $0x1BF5;
	[smem:$0x3FBB] =	sst s0  }
0x18: {  	s0 =	sld [smem:$0x3F9E];
	_ =	swait.ge [sflag:s4], $0x0  }
0x19: {  	s7 =	sld [smem:$0x3F9F]  }
0x1a: {  	s8 =	sadd.s32 $0xFFFFE003, lr  }
0x1b: {  	s9 =	sadd.s32 $0xFFFFFEF7, lr;
	s5 =	simm.s32 $0xFFFFFFFF;
	p2 =	slt.u32 s8, $0xFFFFF086  }
0x1c: {  	p1 =	slt.u32 s9, $0xF7A;
	s5 =	simm.s32 @!p2 $0x0  }
0x1d: {  	s5 =	simm.s32 @p1 $0x1;
	p0 =	seq.s32 s7, s2  }
0x1e: {  	s7 =	smul.u32 @!p0 $0xF7A, s2;
	p2 =	seq.s32 @!p0 s5, $0x0  }
0x1f: {  	s9 =	smul.u32 $0xF7A, s1;
	s8 =	simm.s32 @!p0 $0x1BF5;
	p2 =	por !p2, p0  }
0x20: {  	[sflag:s8] =	ssyncset.s32 @!p0 $0xFFFFF086;
	s6 =	sadd.s32 @!p0 s3, s7;
	s7 =	simm.s32 @!p0 $0x108  }
0x21: {  	s3 =	sadd.s32 s3, s9;
	s6 =	sadd.s32 @!p0 $0x88, s6;
	s7 =	simm.s32 @p2 $0x1082  }
0x22: {  	[simem:s7], [sflag:s8] =	dma.local @!p0 [hbm:s6], $0xF7A  }
0x23: {  	s9 =	sor.u32 $0xD0000000, s2;
	s6 =	simm.s32 $0x108;
	_ =	swait.ge @!p0 [sflag:s8], $0x0  }
0x24: {  	s3 =	sadd.s32 $0x88, s3;
	s6 =	simm.s32 @!p1 $0x1082;
	[sflag:s4] =	ssyncset.s32 $0xFFFFF086  }
0x25: {  	[simem:s6], [sflag:s4] =	dma.local [hbm:s3], $0xF7A  }
0x26: {  	[smem:$0x3F9F] =	sst s1;
	(tag) =	ssettag s2;
	_ =	strace s9  }
0x27: {  	s1 =	sld [smem:$0x3FAF]  }
0x28: {  	s2 =	sld [smem:$0x3FB0]  }
0x29: {  	s4 =	sld [smem:$0x3FB2]  }
0x2a: {  	p0 =	seq.s32 s5, $0x0;
	s5 =	sld [smem:$0x3FB3]  }
0x2b: {  	s6 =	sld [smem:$0x3FB4]  }
0x2c: {  	s7 =	sld [smem:$0x3FB5]  }
0x2d: {  	s3 =	simm.s32 $0x108;
	s8 =	sld [smem:$0x3FB6]  }
0x2e: {  	s3 =	simm.s32 @!p0 $0x1082;
	s9 =	sld [smem:$0x3FB7]  }
0x2f: {  	lr =	sadd.s32 s0, s3;
	s0 =	sld [smem:$0x3FAE]  }
0x30: {  	s3 =	sld [smem:$0x3FB1]  }
0x31: {  	[smem:$0x3FBA] =	sst s10  }
0x32: {  	s10 =	sld [smem:$0x3FB8];
	_ =	sdelay $0x3  }
0x33: {  	p0 =	seq.s32 s10, $0x1;
	s10 =	sld [smem:$0x3FBA];
	_ =	sdelay $0x3  }
0x34: {  	[smem:$0x3FBA] =	sst s10  }
0x35: {  	s10 =	sld [smem:$0x3FB9];
	_ =	sdelay $0x3  }
0x36: {  	p1 =	seq.s32 s10, $0x1;
	s10 =	sld [smem:$0x3FBA];
	_ =	sdelay $0x3  }
0x37: {  	[smem:$0x3FBA] =	sst s10  }
0x38: {  	s10 =	sld [smem:$0x3FBB]  }
0x39: {  	_ = 	snop;
	(pc) =	sbr.ind lr, $3  }
0x3a: {  	_ = 	snop  }
0x3b: {  	_ = 	snop  }
0x3c: {  	p2 =	seq.s32 s10, $0x1;
	s10 =	sld [smem:$0x3FBA]  }
0x3d: {  	_ =	shalt  }
0x3e: {  	_ =	shalt  }
0x3f: {  	_ =	shalt  }
0x40: {  	_ =	shalt  }
0x41: {  	_ =	shalt  }
0x42: {  	_ =	shalt  }
0x43: {  	_ =	shalt  }
0x44: {  	_ =	shalt  }
0x45: {  	_ =	shalt  }
0x46: {  	_ =	shalt  }
0x47: {  	_ =	shalt  }
0x48: {  	_ =	shalt  }
0x49: {  	_ =	shalt  }
0x4a: {  	_ =	shalt  }
0x4b: {  	_ =	shalt  }
0x4c: {  	_ =	shalt  }
0x4d: {  	_ =	shalt  }
0x4e: {  	_ =	shalt  }
0x4f: {  	_ =	shalt  }
0x50: {  	_ =	shalt  }
0x51: {  	_ =	shalt  }
0x52: {  	_ =	shalt  }
0x53: {  	_ =	shalt  }
0x54: {  	_ =	shalt  }
0x55: {  	_ =	shalt  }
0x56: {  	_ =	shalt  }
0x57: {  	_ =	shalt  }
0x58: {  	_ =	shalt  }
0x59: {  	_ =	shalt  }
0x5a: {  	_ =	shalt  }
0x5b: {  	_ =	shalt  }
0x5c: {  	_ =	shalt  }
0x5d: {  	_ =	shalt  }
0x5e: {  	_ =	shalt  }
0x5f: {  	_ =	shalt  }
0x60: {  	_ =	shalt  }
0x61: {  	_ =	shalt  }
0x62: {  	_ =	shalt  }
0x63: {  	_ =	shalt  }
0x64: {  	_ =	shalt  }
0x65: {  	_ =	shalt  }
0x66: {  	_ =	shalt  }
0x67: {  	_ =	shalt  }
0x68: {  	_ =	shalt  }
0x69: {  	_ =	shalt  }
0x6a: {  	_ =	shalt  }
0x6b: {  	_ =	shalt  }
0x6c: {  	_ =	shalt  }
0x6d: {  	_ =	shalt  }
0x6e: {  	_ =	shalt  }
0x6f: {  	_ =	shalt  }
0x70: {  	_ =	shalt  }
0x71: {  	_ =	shalt  }
0x72: {  	_ =	shalt  }
0x73: {  	_ =	shalt  }
0x74: {  	_ =	shalt  }
0x75: {  	_ =	shalt  }
0x76: {  	_ =	shalt  }
0x77: {  	_ =	shalt  }
0x78: {  	_ =	shalt  }
0x79: {  	_ =	shalt  }
0x7a: {  	_ =	shalt  }
0x7b: {  	_ =	shalt  }
0x7c: {  	_ =	shalt  }
0x7d: {  	_ =	shalt  }
0x7e: {  	_ =	shalt  }
0x7f: {  	_ =	shalt  }
0x80: {  	_ =	shalt  }
0x81: {  	_ =	shalt  }
0x82: {  	_ =	shalt  }
0x83: {  	_ =	shalt  }
0x84: {  	_ =	shalt  }
0x85: {  	_ =	shalt  }
0x86: {  	_ =	shalt  }
0x87: {  	_ =	shalt  }
.Lfunc_end0:
.L_simem_size_0:
called_computation_lowered:
.L_overlay_start_0:
0x88: {  	s2 =	sld [smem:$0x3FD9]  }
0x89: {  	s3 =	sld [smem:$0x3FFE];
	_ =	sdelay $0x1  }
0x8a: {  	s1 =	srdreg.scid  }
0x8b: {  	s0 =	sand.u32 $0x1, s1  }
0x8c: {  	s18 =	sshll.u32 s0, $0xA;
	s2 =	sadd.s32 s3, s2  }
0x8d: {  	s2 =	sadd.s32 s2, s18  }
0x8e: {  	[smem:$0x3FC6] =	sst s2  }
0x8f: {  	_ = 	snop  }
0x90: {  	s2 =	sld [smem:$0x3FC9]  }
0x91: {  	s19 =	sld [smem:$0x3FC8]  }
0x92: {  	s4 =	sld [smem:$0x3FD0];
	(tm) =	ssettm $0x1  }
0x93: {  	s5 =	sld [smem:$0x3FFB];
	_ =	sdelay $0x3  }
0x94: {  	_ =	strace s5  }
0x95: {  	s5 =	sld [smem:$0x3FFC];
	_ =	sdelay $0x3  }
0x96: {  	_ =	strace s5  }
0x97: {  	s5 =	sld [smem:$0x3FFD];
	_ =	sdelay $0x3  }
0x98: {  	_ =	strace s5  }
0x99: {  	_ =	strace $0x8FFFFFFF  }
0x9a: {  	s20 =	sld [smem:$0x3FDB];
	_ =	sdelay $0x1  }
0x9b: {  	s6 =	simm.s32 $_scs_section_size  }
0x9c: {  	s7 =	simm.s32 $_size__tile_overlayer_lowered;
	s8 =	simm.s32 $_tile_overlayer_lowered  }
0x9d: {  	s23 =	simm.s32 $0x1BFF;
	s22 =	sshll.u32 s8, $0x1;
	s5 =	sadd.s32 s6, s20  }
0x9e: {  	s9 =	simm.s32 $0x0;
	s21 =	sshll.u32 s7, $0x1;
	s7 =	sadd.s32 s22, s5  }
0x9f: {  	[timem:s9], [sflag:s23] =	dma.local [hbm:s7], s21  }
0xa0: {  	_ =	swait.ge [sflag:s23], s21  }
0xa1: {  	s6 =	ssub.s32 $0x0, s21;
	[sflag:s23] =	ssyncset.done $0x0  }
0xa2: {  	[sflag:s23] =	ssyncadd.s32 s6;
	_ =	sdelay $0x1  }
0xa3: {  	s24 =	simm.s32 $0x1B8B  }
0xa4: {  	_ =	swait.ge [sflag:s24], $0x1  }
0xa5: {  	[sflag:s24] =	ssyncset.done $0x0  }
0xa6: {  	s25 =	simm.s32 $0x1B8E;
	[sflag:s24] =	ssyncadd.s32 $0xFFFFFFFF  }
0xa7: {  	s26 =	simm.s32 $execute0_lowered;
	[smem:$0x3FD2] =	sst s25  }
0xa8: {  	s6 =	sshll.u32 s26, $0x1;
	_ =	strace $0x80000046;
	[dreg:$0x1] =	wrdreg $0xFFFFFFFF  }
0xa9: {  	s28 =	simm.s32 $_size_execute0_lowered;
	s5 =	sadd.s32 s5, s6;
	[dreg:$0x0] =	wrdreg $0x0  }
0xaa: {  	s6 =	sshll.u32 s28, $0x1;
	[dreg:$0x2] =	wrdreg s5  }
0xab: {  	[dreg:$0x3] =	wrdreg s6  }
0xac: {  	[dreg:$0x4] =	wrdreg $0xC0  }
0xad: {  	_ =	task [dreg:s9], $0x5FFFF  }
0xae: {  	[dreg:$0x1] =	wrdreg $0xFFFFFFFF  }
0xaf: {  	[dreg:$0x0] =	wrdreg $0x60  }
0xb0: {  	[dreg:$0x2] =	wrdreg s2  }
0xb1: {  	[dreg:$0x3] =	wrdreg s19  }
0xb2: {  	[dreg:$0x4] =	wrdreg s4  }
0xb3: {  	[dreg:$0x5] =	wrdreg $0x9  }
0xb4: {  	_ =	task.clear_ibuf [dreg:s9], $0x6FFFF;
	_ =	strace $0x90000046  }
0xb5: {  	s29 =	simm.s32 $0x9;
	_ =	strace $0x80000048  }
0xb6: {  	_ =	swait.ge [sflag:s29], $0x1  }
0xb7: {  	[sflag:s29] =	ssyncadd.s32 $0xFFFFFFFF  }
0xb8: {  	_ =	strace $0x90000048  }
0xb9: {  	_ =	sfence  }
0xba: {  	s30 =	sld [smem:$0x0];
	_ =	sdelay $0x2  }
0xbb: {  	s31 =	sshll.u32 s1, $0xD;
	s1 =	sshrl.u32 s1, $0x2  }
0xbc: {  	s3 =	sand.u32 $0x4000, s31;
	s1 =	sadd.s32 s1, s30  }
0xbd: {  	s0 =	sor.u32 s3, s0;
	s1 =	sshll.u32 s1, $0x11  }
0xbe: {  	s0 =	sor.u32 s1, s0  }
0xbf: {  	s0 =	sadd.s32 $0x8F2B, s0  }
0xc0: {  	[sflag:s0] =	ssyncadd.remote.s32 $0x1  }
0xc1: {  	_ =	sfence.sel $0xFFFF  }
0xc2: {  	[dreg:$0x0] =	wrdreg $0xFFFFFFFF;
	(pc) =	sbr.abs _section_cstart, $3  }
0xc3: {  	[dreg:$0x1] =	wrdreg $0xFFFFFFFF  }
0xc4: {  	_ =	task.clear_ibuf [dreg:s9], $0x2FFFF;
	_ =	strace $0x9FFFFFFF  }
0xc5: {  	(tm) =	ssettm $0x7FFFFFFF  }
tec
execute0_lowered:
.L_overlay_start_1:
0x0: {  	(tag) =	ssettag $0x1  }
0x1: {  	s2 =	rddreg [dreg:$0x0]  }
0x2: {  	s4 =	rddreg [dreg:$0x2]  }
0x3: {  	s0 =	srdreg.scid;
	s24 =	stileid.u32  }
0x4: {  	s5 =	simm.s32 $0x0;
	s15 =	simm.s32 $0xC00;
	s16 =	simm.s32 $0x6C00  }
0x5: {  	s17 =	simm.s32 $0x5;
	s18 =	simm.s32 $0x400;
	s19 =	simm.s32 $0x800  }
0x6: {  	s20 =	simm.s32 $0x1;
	s21 =	simm.s32 $0xCC00;
	s22 =	simm.s32 $0x2  }
0x7: {  	s23 =	simm.s32 $0x12C00;
	s25 =	simm.s32 $0x4;
	s0 =	sand.u32 $0x1, s0  }
0x8: {  	s1 =	sshll.u32 s24, $0x1;
	[smem:$0x7FF] =	sst s5;
	p0 =	slt.u32 s24, $0xA  }
0x9: {  	vm0 =	vmxor vm0, vm0;
	s3 =	ssub.s32 $0x2, s0;
	s0 =	sor.u32 s0, s1;
	_ =	strace $0x80000047  }
0xa: {  	vm0 =	vmneg @p0 vm0;
	p0 =	sgt.u32 s24, $0x9;
	s24 =	simm.s32 $0x3;
	s7 =	smul.u32 $0x30C000, s0  }
0xb: {  	s26 =	sshrl.u32 s3, $0x1;
	s6 =	smul.u32 $0xC30, s0;
	s28 =	sshll.u32 s0, $0x3  }
0xc: {  	s0 =	smul.u32 $0x61800, s0;
	s1 =	ssub.s32 s3, s26;
	s12 =	sor.u32 $0x18600, s28  }
0xd: {  	s3 =	sadd.s32 $0x18608, s28;
	s26 =	simm.s32 $0x0;
	s7 =	sshrl.u32 s7, $0x3  }
.Ltmp0:
0xe: {  	s0 =	sadd.s32 s2, s0;
	s29 =	sadd.s32 $0xC30, s6;
	(pc) =	sbr.rel .LBB2_1-.Ltmp0, $4  }
0xf: {  	s9 =	sadd.s32 $0x30, s6;
	s13 =	sshll.u32 s12, $0x7;
	s10 =	sadd.s32 $0x18, s6  }
0x10: {  	s11 =	sadd.s32 $0x48, s6;
	[dreg:$0x4] =	wrdreg s0;
	s30 =	sadd.s32 s2, s13  }
0x11: {  	v4 =	vimm.s32 $0x0;
	v5 =	vlaneseq.u32;
	v0 =	vmov s6;
	s8 =	sadd.s32 s2, s7;
	s31 =	sadd.s32 s4, s13;
	[dreg:$0x5] =	wrdreg s30  }
0x12: {  	s14 =	smax.u32 s1, $0x1;
	v2 =	vmov s12;
	v3 =	vmov s3;
	v1 =	vmov s29;
	s8 =	sadd.s32 $0xC00, s8;
	[dreg:$0x6] =	wrdreg s31  }
.LBB2_27:
0x13: {  	_ = 	snop  }
.LBB2_30:
0x14: {  	_ =	sdelay $0x2  }
0x15: {  	vm2 =	vgt.f32 @p1 v8, $-8.775825500e-01  }
0x16: {  	v8 =	vsel @p1 vm2, v10, v11  }
0x17: {  	[tilespmem:v7+s21+$0x0] =	vst.idx.msk @p1 vm1, v8  }
0x18: {  	v7 =	vld.idx.msk [tilespmem:v9+s19+$0x0], $0xffff  }
0x19: {  	v8 =	vld.idx.msk [tilespmem:v9+s18+$0x0], $0xffff;
	_ =	sdelay $0x4  }
0x1a: {  	v8 =	vsub.s32 v8, v2;
	vm1 =	vgt.s32 v7, $0x0  }
0x1b: {  	vm2 =	vgt.s32 v8, $0x0;
	v7 =	vnsel vm1, $0x0, v7  }
0x1c: {  	v54 =	vnsel vm2, $0x0, v8;
	v7 =	vmin.u32 v7, $0x3FF  }
0x1d: {  	vm1 =	vlt.s32 v9, v6;
	v6 =	vmin.u32 v54, $0x7;
	v55 =	vshll.u32 v7, $0x3  }
0x1e: {  	vm2 =	vlt.u32 v8, $0x8;
	v56 =	vand.u32 $0x1C00, v55;
	v6 =	vshll.u32 v6, $0x7  }
0x1f: {  	vm1 =	vmand vm1, vm2;
	v7 =	vand.u32 $0x7F, v7;
	v6 =	vor.u32 v6, v56  }
0x20: {  	v6 =	vor.u32 v7, v6;
	_ =	sdelay $0x4  }
0x21: {  	v7 =	vld.idx.msk [tilespmem:v6+s15+$0x0], vm1;
	_ =	sdelay $0x4  }
0x22: {  	v57 =	vmul.f32 v7, v7;
	_ =	sdelay $0x1  }
0x23: {  	v8 =	vsub.f32 $1.000000000e+00, v57;
	_ =	sdelay $0x1  }
0x24: {  	v8 =	vmax.f32 v8, $1.000000000e-30  }
0x25: {  	v58 =	vshra.s32 v8, $0x1;
	v59 =	vmul.f32 $5.000000000e-01, v8  }
0x26: {  	v9 =	vsub.s32 $0x5F3759DF, v58  }
0x27: {  	v60 =	vmul.f32 v9, v59;
	_ =	sdelay $0x1  }
0x28: {  	v11 =	vmul.f32 v9, v60;
	_ =	sdelay $0x1  }
0x29: {  	v11 =	vsub.f32 $1.500000000e+00, v11;
	_ =	sdelay $0x1  }
0x2a: {  	v9 =	vmul.f32 v9, v11;
	_ =	sdelay $0x1  }
0x2b: {  	v11 =	vmul.f32 v9, v59;
	_ =	sdelay $0x1  }
0x2c: {  	v11 =	vmul.f32 v11, v9;
	_ =	sdelay $0x1  }
0x2d: {  	v11 =	vsub.f32 $1.500000000e+00, v11;
	_ =	sdelay $0x1  }
0x2e: {  	v9 =	vmul.f32 v11, v9;
	_ =	sdelay $0x1  }
0x2f: {  	v10 =	vmul.f32 v9, v59;
	_ =	sdelay $0x1  }
0x30: {  	v10 =	vmul.f32 v10, v9;
	_ =	sdelay $0x1  }
0x31: {  	v10 =	vsub.f32 $1.500000000e+00, v10;
	_ =	sdelay $0x1  }
0x32: {  	v9 =	vmul.f32 v10, v9;
	_ =	sdelay $0x1  }
0x33: {  	v8 =	vmul.f32 v9, v8  }
0x34: {  	v61 =	vmul.f32 $2.632747650e+01, v7  }
0x35: {  	v62 =	vmul.f32 $3.000000000e+01, v7;
	v8 =	vmul.f32 $-1.438276580e+01, v8;
	_ =	sdelay $0x1  }
0x36: {  	v63 =	vadd.f32 $-7.191382880e+00, v62;
	v8 =	vadd.f32 v8, v61  }
0x37: {  	vm2 =	vgt.f32 v7, $-8.775825500e-01  }
0x38: {  	v7 =	vsel vm2, v8, v63  }
0x39: {  	[tilespmem:v6+s21+$0x0] =	vst.idx.msk vm1, v7  }
.LBB2_31:
0x3a: {  	s0 =	rddreg [dreg:$0x6]  }
0x3b: {  	[hbm4b:s0+s5] =	stream.linear.scatter [tilespmem:s21], [sflag:$0x5], $0x2000, $0x38;
	[tilespmem:$0x18C00] =	vst v63  }
0x3c: {  	_ =	swait.ge [sflag:s17], $0x2000  }
0x3d: {  	[sflag:s17] =	ssyncset.done $0x0  }
0x3e: {  	[sflag:s17] =	ssyncadd.s32 $0xFFFFE000  }
.LBB2_32:
0x3f: {  	s26 =	sadd.s32 $0x1, s26  }
0x40: {  	p1 =	sne.s32 s26, s14  }
.Ltmp1:
0x41: {  	_ = 	snop;
	(pc) =	sbr.rel @!p1 .LBB2_33-.Ltmp1, $1  }
0x42: {  	_ =	sdelay $0x3  }
.LBB2_1:
0x43: {  	s0 =	rddreg [dreg:$0x4]  }
0x44: {  	[tilespmem:s15], [sflag:$0x1] =	stream.linear.gather [hbm4b:s0+s5], $0x6000, $0x38;
	[tilespmem:$0x18C00] =	vst v63  }
0x45: {  	_ = 	snop  }
0x46: {  	[tilespmem:s16], [sflag:$0x2] =	stream.linear.gather [hbm4b:s8+s5], $0x6000, $0x38;
	[tilespmem:$0x18C00] =	vst v63  }
0x47: {  	s31 =	rddreg [dreg:$0x1]  }
0x48: {  	[tilespmem:s5], [sflag:$0x5] =	stream.linear.gather [hbm4b:s31+s5], $0x400, $0x38;
	[tilespmem:$0x18C00] =	vst v63  }
0x49: {  	_ =	swait.ge [sflag:s17], $0x400  }
0x4a: {  	[sflag:s17] =	ssyncset.done $0x0  }
0x4b: {  	[sflag:s17] =	ssyncadd.s32 $0xFFFFFC00  }
0x4c: {  	v6 =	vld [tilespmem:s5+$0x0]  }
0x4d: {  	s1 =	simm.s32 $0x10;
	v8 =	vimm.s32 $0x0;
	v7 =	vimm.s32 $0x0;
	s3 =	simm.s32 $0x0;
	s0 =	simm.s32 $0x0  }
.LBB2_2:
0x4e: {  	p1 =	sne.s32 s1, $0x3F0;
	_ =	sdelay $0x2  }
0x4f: {  	vm1 =	vge.s32 v6, v0;
	vm2 =	vge.s32 v6, v2  }
0x50: {  	vm3 =	vlt.s32 v6, v1;
	vm4 =	vlt.s32 v6, v3;
	vm2 =	vmand vm0, vm2  }
0x51: {  	vm1 =	vmand vm1, vm3;
	vm2 =	vmand vm4, vm2  }
0x52: {  	vm1 =	vmor vm1, vm2  }
0x53: {  	v9 =	vsel vm1, $0x1, v4;
	v10 =	vmpcnt.ones.xlane vm1  }
0x54: {  	(xrf0) =	vadd.scan.msk.s32 $0xffff, v9  }
0x55: {  	v8 =	vadd.s32 v8, v10;
	_ =	sdelay $0x3  }
0x56: {  	v9 =	vsel vm1, $0xFFFFFFFF, v4  }
0x57: {  	v9 =	vadd.s32 v9, v7;
	v7 =	vmov v8;
	v10, _, _ =	vpop (xrf0)  }
0x58: {  	v9 =	vadd.s32 v10, v9;
	_ =	sdelay $0x3  }
.Ltmp2:
0x59: {  	(pc) =	sbr.rel @p1 .LBB2_2-.Ltmp2, $4  }
0x5a: {  	[tilespmem:v9+s18+$0x0] =	vst.idx.msk vm1, v6;
	v6 =	vor.u32 s0, v5;
	s0 =	smov.u32 s1  }
0x5b: {  	s3 =	sadd.s32 $0x10, s3;
	[tilespmem:v9+s19+$0x0] =	vst.idx.msk vm1, v6  }
0x5c: {  	v6 =	vld [tilespmem:s3+$0x0]  }
0x5d: {  	s1 =	sadd.s32 $0x10, s1  }
0x5e: {  	_ =	sdelay $0x2  }
0x5f: {  	vm1 =	vge.s32 v6, v0;
	vm2 =	vge.s32 v6, v2  }
0x60: {  	vm3 =	vlt.s32 v6, v1;
	vm4 =	vlt.s32 v6, v3;
	vm2 =	vmand vm0, vm2  }
0x61: {  	vm1 =	vmand vm1, vm3;
	vm2 =	vmand vm4, vm2  }
0x62: {  	vm1 =	vmor vm1, vm2  }
0x63: {  	v9 =	vmpcnt.ones.xlane vm1;
	_ =	sdelay $0x1  }
0x64: {  	v10 =	vsel vm1, $0x1, v4;
	v8 =	vadd.s32 v8, v9  }
0x65: {  	(xrf0) =	vadd.scan.msk.s32 $0xffff, v10;
	v8 =	vxor.u32 $0x80000000, v8  }
0x66: {  	(xrf0) =	vmax.scan.msk.u32 $0xffff, v8;
	_ =	sdelay $0x4  }
0x67: {  	v8, _, _ =	vpop (xrf0)  }
0x68: {  	v62, _, _ =	vpop (xrf0)  }
0x69: {  	(v2sf) =	vpush v62, $0xF;
	_ =	sdelay $0xe  }
0x6a: {  	v63 =	vsel vm1, $0xFFFFFFFF, v4;
	s1 =	spop (v2sf)  }
0x6b: {  	v7 =	vadd.s32 v63, v7;
	s3 =	sadd.s32 $0x8000000F, s1  }
0x6c: {  	v7 =	vadd.s32 v8, v7;
	s12 =	sand.u32 $0xF, s3  }
0x6d: {  	s30 =	sshra.s32 s3, $0x1F;
	p2 =	slt.s32 s3, $0x1;
	p1 =	sne.s32 s12, $0x0  }
0x6e: {  	s12 =	sshrl.u32 s30, $0x1C;
	p1 =	por !p2, !p1  }
0x6f: {  	s3 =	sadd.s32 s12, s3;
	s12 =	simm.s32 $0x1;
	p1 =	por !p1, !p1  }
0x70: {  	s3 =	sshra.s32 s3, $0x4;
	s12 =	simm.s32 @!p1 $0x0  }
0x71: {  	v8 =	vor.u32 s0, v5;
	[tilespmem:v7+s18+$0x0] =	vst.idx.msk vm1, v6;
	s31 =	sxor.u32 $0x80000000, s1;
	s28 =	ssub.s32 s3, s12  }
0x72: {  	s29 =	simm.s32 $0x0;
	[tilespmem:v7+s19+$0x0] =	vst.idx.msk vm1, v8;
	v6 =	vmov s31;
	p1 =	slt.s32 s28, $0x1  }
.LBB2_4:
0x73: {  	_ =	swait.ge [sflag:s20], $0x6000  }
0x74: {  	p2 =	seq.s32 s29, $0x0;
	[sflag:s20] =	ssyncset.done $0x0  }
0x75: {  	s0 =	simm.s32 @!p2 $0x3;
	[sflag:s20] =	ssyncadd.s32 $0xFFFFA000  }
0x76: {  	s30 =	smul.u32 $0x30, s29;
	s1 =	simm.s32 $0x0;
	_ =	swait.ge @!p2 [sflag:s0], $0x6000  }
0x77: {  	s3 =	simm.s32 $0x0;
	s12 =	simm.s32 $0x0;
	[sflag:s0] =	ssyncset.done @!p2 $0x0  }
0x78: {  	s31 =	sadd.s32 s6, s30;
	[sflag:s0] =	ssyncadd.s32 @!p2 $0xFFFFA000;
	s0 =	simm.s32 $0xFFFFA000  }
.LBB2_5:
0x79: {  	s13 =	sadd.s32 $0x6000, s0  }
0x7a: {  	s7 =	sand.u32 $0x380, s12;
	s13 =	sand.u32 $0x6000, s13  }
0x7b: {  	s13 =	sor.u32 s7, s13  }
0x7c: {  	v7 =	vld [tilespmem:s13+$0xC00]  }
0x7d: {  	v8 =	vld [tilespmem:s13+$0xC10]  }
0x7e: {  	v9 =	vld [tilespmem:s13+$0xC20]  }
0x7f: {  	v10 =	vld [tilespmem:s13+$0xC30]  }
0x80: {  	v11 =	vld [tilespmem:s13+$0xC40]  }
0x81: {  	v12 =	vld [tilespmem:s13+$0xC50];
	v7 =	vmul.f32 $3.000000000e+01, v7  }
0x82: {  	v13 =	vld [tilespmem:s13+$0xC60];
	v8 =	vmul.f32 $3.000000000e+01, v8  }
0x83: {  	v63 =	vld [tilespmem:s13+$0xC70];
	[tilespmem:s13+$0xCC00] =	vst v7;
	v7 =	vmul.f32 $3.000000000e+01, v9  }
0x84: {  	v16 =	vld [tilespmem:s13+$0x1000];
	[tilespmem:s13+$0xCC10] =	vst v8;
	v8 =	vmul.f32 $3.000000000e+01, v10  }
0x85: {  	v17 =	vld [tilespmem:s13+$0x1010];
	[tilespmem:s13+$0xCC20] =	vst v7;
	v7 =	vmul.f32 $3.000000000e+01, v11  }
0x86: {  	v18 =	vld [tilespmem:s13+$0x1020];
	[tilespmem:s13+$0xCC30] =	vst v8;
	v8 =	vmul.f32 $3.000000000e+01, v12  }
0x87: {  	v19 =	vld [tilespmem:s13+$0x1030];
	[tilespmem:s13+$0xCC40] =	vst v7;
	v7 =	vmul.f32 $3.000000000e+01, v13  }
0x88: {  	v20 =	vld [tilespmem:s13+$0x1040];
	[tilespmem:s13+$0xCC50] =	vst v8;
	v8 =	vmul.f32 $3.000000000e+01, v63  }
0x89: {  	v21 =	vld [tilespmem:s13+$0x1050];
	[tilespmem:s13+$0xCC60] =	vst v7;
	v7 =	vmul.f32 $3.000000000e+01, v16  }
0x8a: {  	v22 =	vld [tilespmem:s13+$0x1060];
	[tilespmem:s13+$0xCC70] =	vst v8;
	v8 =	vmul.f32 $3.000000000e+01, v17  }
0x8b: {  	v23 =	vld [tilespmem:s13+$0x1070];
	[tilespmem:s13+$0xD000] =	vst v7;
	v7 =	vmul.f32 $3.000000000e+01, v18  }
0x8c: {  	v24 =	vld [tilespmem:s13+$0x1400];
	[tilespmem:s13+$0xD010] =	vst v8;
	v8 =	vmul.f32 $3.000000000e+01, v19  }
0x8d: {  	v25 =	vld [tilespmem:s13+$0x1410];
	[tilespmem:s13+$0xD020] =	vst v7;
	v7 =	vmul.f32 $3.000000000e+01, v20  }
0x8e: {  	v26 =	vld [tilespmem:s13+$0x1420];
	[tilespmem:s13+$0xD030] =	vst v8;
	v8 =	vmul.f32 $3.000000000e+01, v21  }
0x8f: {  	v27 =	vld [tilespmem:s13+$0x1430];
	[tilespmem:s13+$0xD040] =	vst v7;
	v7 =	vmul.f32 $3.000000000e+01, v22  }
0x90: {  	v28 =	vld [tilespmem:s13+$0x1440];
	[tilespmem:s13+$0xD050] =	vst v8;
	v8 =	vmul.f32 $3.000000000e+01, v23  }
0x91: {  	v29 =	vld [tilespmem:s13+$0x1450];
	[tilespmem:s13+$0xD060] =	vst v7;
	v7 =	vmul.f32 $3.000000000e+01, v24  }
0x92: {  	v30 =	vld [tilespmem:s13+$0x1460];
	[tilespmem:s13+$0xD070] =	vst v8;
	v8 =	vmul.f32 $3.000000000e+01, v25  }
0x93: {  	v31 =	vld [tilespmem:s13+$0x1470];
	[tilespmem:s13+$0xD400] =	vst v7;
	v7 =	vmul.f32 $3.000000000e+01, v26  }
0x94: {  	v32 =	vld [tilespmem:s13+$0x1800];
	[tilespmem:s13+$0xD410] =	vst v8;
	v8 =	vmul.f32 $3.000000000e+01, v27  }
0x95: {  	v33 =	vld [tilespmem:s13+$0x1810];
	[tilespmem:s13+$0xD420] =	vst v7;
	v7 =	vmul.f32 $3.000000000e+01, v28  }
0x96: {  	v34 =	vld [tilespmem:s13+$0x1820];
	[tilespmem:s13+$0xD430] =	vst v8;
	v8 =	vmul.f32 $3.000000000e+01, v29  }
0x97: {  	v35 =	vld [tilespmem:s13+$0x1830];
	[tilespmem:s13+$0xD440] =	vst v7;
	v7 =	vmul.f32 $3.000000000e+01, v30  }
0x98: {  	v36 =	vld [tilespmem:s13+$0x1840];
	[tilespmem:s13+$0xD450] =	vst v8;
	v8 =	vmul.f32 $3.000000000e+01, v31  }
0x99: {  	v37 =	vld [tilespmem:s13+$0x1850];
	[tilespmem:s13+$0xD460] =	vst v7;
	v7 =	vmul.f32 $3.000000000e+01, v32  }
0x9a: {  	v38 =	vld [tilespmem:s13+$0x1860];
	[tilespmem:s13+$0xD470] =	vst v8;
	v8 =	vmul.f32 $3.000000000e+01, v33  }
0x9b: {  	v39 =	vld [tilespmem:s13+$0x1870];
	[tilespmem:s13+$0xD800] =	vst v7;
	v7 =	vmul.f32 $3.000000000e+01, v34  }
0x9c: {  	v40 =	vld [tilespmem:s13+$0x1C00];
	[tilespmem:s13+$0xD810] =	vst v8;
	v8 =	vmul.f32 $3.000000000e+01, v35  }
0x9d: {  	v41 =	vld [tilespmem:s13+$0x1C10];
	[tilespmem:s13+$0xD820] =	vst v7;
	v7 =	vmul.f32 $3.000000000e+01, v36  }
0x9e: {  	v42 =	vld [tilespmem:s13+$0x1C20];
	[tilespmem:s13+$0xD830] =	vst v8;
	v8 =	vmul.f32 $3.000000000e+01, v37  }
0x9f: {  	v43 =	vld [tilespmem:s13+$0x1C30];
	[tilespmem:s13+$0xD840] =	vst v7;
	v7 =	vmul.f32 $3.000000000e+01, v38  }
0xa0: {  	v44 =	vld [tilespmem:s13+$0x1C40];
	[tilespmem:s13+$0xD850] =	vst v8;
	v8 =	vmul.f32 $3.000000000e+01, v39  }
0xa1: {  	v45 =	vld [tilespmem:s13+$0x1C50];
	[tilespmem:s13+$0xD860] =	vst v7;
	v7 =	vmul.f32 $3.000000000e+01, v40  }
0xa2: {  	v46 =	vld [tilespmem:s13+$0x1C60];
	[tilespmem:s13+$0xD870] =	vst v8;
	v8 =	vmul.f32 $3.000000000e+01, v41  }
0xa3: {  	v47 =	vld [tilespmem:s13+$0x1C70];
	[tilespmem:s13+$0xDC00] =	vst v7;
	v7 =	vmul.f32 $3.000000000e+01, v42  }
0xa4: {  	v48 =	vld [tilespmem:s13+$0x2000];
	[tilespmem:s13+$0xDC10] =	vst v8;
	v8 =	vmul.f32 $3.000000000e+01, v43  }
0xa5: {  	v49 =	vld [tilespmem:s13+$0x2010];
	[tilespmem:s13+$0xDC20] =	vst v7;
	v7 =	vmul.f32 $3.000000000e+01, v44  }
0xa6: {  	v50 =	vld [tilespmem:s13+$0x2020];
	[tilespmem:s13+$0xDC30] =	vst v8;
	v8 =	vmul.f32 $3.000000000e+01, v45  }
0xa7: {  	v51 =	vld [tilespmem:s13+$0x2030];
	[tilespmem:s13+$0xDC40] =	vst v7;
	v7 =	vmul.f32 $3.000000000e+01, v46  }
0xa8: {  	v52 =	vld [tilespmem:s13+$0x2040];
	[tilespmem:s13+$0xDC50] =	vst v8;
	v8 =	vmul.f32 $3.000000000e+01, v47  }
0xa9: {  	v53 =	vld [tilespmem:s13+$0x2050];
	[tilespmem:s13+$0xDC60] =	vst v7;
	v7 =	vmul.f32 $3.000000000e+01, v48  }
0xaa: {  	v54 =	vld [tilespmem:s13+$0x2060];
	[tilespmem:s13+$0xDC70] =	vst v8;
	v8 =	vmul.f32 $3.000000000e+01, v49  }
0xab: {  	v55 =	vld [tilespmem:s13+$0x2070];
	[tilespmem:s13+$0xE000] =	vst v7;
	v7 =	vmul.f32 $3.000000000e+01, v50  }
0xac: {  	v56 =	vld [tilespmem:s13+$0x2400];
	[tilespmem:s13+$0xE010] =	vst v8;
	v8 =	vmul.f32 $3.000000000e+01, v51  }
0xad: {  	v57 =	vld [tilespmem:s13+$0x2410];
	[tilespmem:s13+$0xE020] =	vst v7;
	v7 =	vmul.f32 $3.000000000e+01, v52  }
0xae: {  	v58 =	vld [tilespmem:s13+$0x2420];
	[tilespmem:s13+$0xE030] =	vst v8;
	v8 =	vmul.f32 $3.000000000e+01, v53  }
0xaf: {  	v59 =	vld [tilespmem:s13+$0x2430];
	[tilespmem:s13+$0xE040] =	vst v7;
	v7 =	vmul.f32 $3.000000000e+01, v54  }
0xb0: {  	v60 =	vld [tilespmem:s13+$0x2440];
	[tilespmem:s13+$0xE050] =	vst v8;
	v8 =	vmul.f32 $3.000000000e+01, v55  }
0xb1: {  	v61 =	vld [tilespmem:s13+$0x2450];
	[tilespmem:s13+$0xE060] =	vst v7;
	v7 =	vmul.f32 $3.000000000e+01, v56  }
0xb2: {  	v62 =	vld [tilespmem:s13+$0x2460];
	[tilespmem:s13+$0xE070] =	vst v8;
	v8 =	vmul.f32 $3.000000000e+01, v57  }
0xb3: {  	v63 =	vld [tilespmem:s13+$0x2470];
	[tilespmem:s13+$0xE400] =	vst v7;
	v7 =	vmul.f32 $3.000000000e+01, v58  }
0xb4: {  	[tilespmem:s13+$0xE410] =	vst v8;
	v8 =	vmul.f32 $3.000000000e+01, v59  }
0xb5: {  	[tilespmem:s13+$0xE420] =	vst v7;
	v7 =	vmul.f32 $3.000000000e+01, v60  }
0xb6: {  	[tilespmem:s13+$0xE430] =	vst v8;
	v8 =	vmul.f32 $3.000000000e+01, v61  }
0xb7: {  	s7 =	sand.u32 $0x7, s1;
	[tilespmem:s13+$0xE440] =	vst v7;
	v7 =	vmul.f32 $3.000000000e+01, v62  }
0xb8: {  	s7 =	sshll.u32 s7, $0x7;
	[tilespmem:s13+$0xE450] =	vst v8;
	v8 =	vmul.f32 $3.000000000e+01, v63  }
0xb9: {  	s7 =	sadd.s32 s7, s3;
	[tilespmem:s13+$0xE460] =	vst v7  }
0xba: {  	[tilespmem:s13+$0xE470] =	vst v8;
	s13 =	sor.u32 $0x1C00, s7  }
0xbb: {  	v7 =	vld [tilespmem:s13+$0xC00];
	_ =	sdelay $0x4  }
0xbc: {  	v7 =	vmul.f32 $3.000000000e+01, v7;
	_ =	sdelay $0x1  }
0xbd: {  	[tilespmem:s13+$0xCC00] =	vst v7;
	s13 =	sor.u32 $0x1C10, s7  }
0xbe: {  	v7 =	vld [tilespmem:s13+$0xC00];
	_ =	sdelay $0x4  }
0xbf: {  	v7 =	vmul.f32 $3.000000000e+01, v7;
	_ =	sdelay $0x1  }
0xc0: {  	[tilespmem:s13+$0xCC00] =	vst v7;
	s13 =	sor.u32 $0x1C20, s7  }
0xc1: {  	v7 =	vld [tilespmem:s13+$0xC00];
	_ =	sdelay $0x4  }
0xc2: {  	v7 =	vmul.f32 $3.000000000e+01, v7;
	_ =	sdelay $0x1  }
0xc3: {  	[tilespmem:s13+$0xCC00] =	vst v7;
	s13 =	sor.u32 $0x1C30, s7  }
0xc4: {  	v7 =	vld [tilespmem:s13+$0xC00];
	_ =	sdelay $0x4  }
0xc5: {  	v7 =	vmul.f32 $3.000000000e+01, v7;
	_ =	sdelay $0x1  }
0xc6: {  	[tilespmem:s13+$0xCC00] =	vst v7;
	s13 =	sor.u32 $0x1C40, s7  }
0xc7: {  	v7 =	vld [tilespmem:s13+$0xC00];
	_ =	sdelay $0x4  }
0xc8: {  	v7 =	vmul.f32 $3.000000000e+01, v7;
	_ =	sdelay $0x1  }
0xc9: {  	[tilespmem:s13+$0xCC00] =	vst v7;
	s13 =	sor.u32 $0x1C50, s7  }
0xca: {  	v7 =	vld [tilespmem:s13+$0xC00];
	_ =	sdelay $0x4  }
0xcb: {  	v7 =	vmul.f32 $3.000000000e+01, v7;
	_ =	sdelay $0x1  }
0xcc: {  	[tilespmem:s13+$0xCC00] =	vst v7;
	s13 =	sor.u32 $0x1C60, s7  }
0xcd: {  	v7 =	vld [tilespmem:s13+$0xC00];
	_ =	sdelay $0x4  }
0xce: {  	v7 =	vmul.f32 $3.000000000e+01, v7;
	_ =	sdelay $0x1  }
0xcf: {  	s7 =	sor.u32 $0x1C70, s7;
	[tilespmem:s13+$0xCC00] =	vst v7  }
0xd0: {  	v7 =	vld [tilespmem:s7+$0xC00];
	_ =	sdelay $0x1  }
0xd1: {  	p2 =	sne.s32 s12, $0xB80  }
.Ltmp3:
0xd2: {  	_ = 	snop;
	(pc) =	sbr.rel @p2 .LBB2_5-.Ltmp3, $4  }
0xd3: {  	_ = 	snop  }
0xd4: {  	v7 =	vmul.f32 $3.000000000e+01, v7  }
0xd5: {  	s0 =	sadd.s32 $0x400, s0  }
0xd6: {  	s12 =	sadd.s32 $0x80, s12;
	s1 =	sadd.s32 $0x1, s1;
	s3 =	sadd.s32 $0x400, s3;
	[tilespmem:s7+$0xCC00] =	vst v7  }
.Ltmp4:
0xd7: {  	(pc) =	sbr.rel @p1 .LBB2_12-.Ltmp4, $2  }
0xd8: {  	_ =	sdelay $0x2  }
0xd9: {  	p2 =	sne.s32 s28, $0x1  }
.Ltmp5:
0xda: {  	(pc) =	sbr.rel @!p2 .LBB2_8-.Ltmp5, $3  }
0xdb: {  	_ =	sdelay $0x1  }
0xdc: {  	s0 =	simm.s32 $0x0  }
0xdd: {  	v7 =	vmov s31;
	s1 =	sadd.s32 $0xFFFFFFFF, s28;
	p3 =	por $0x0, $0x0;
	v10 =	vor.u32 s0, v5  }
0xde: {  	_ =	sdelay $0x3  }
0xdf: {  	v8 =	vld.idx.msk [tilespmem:v10+s19+$0x0], $0xffff  }
0xe0: {  	v9 =	vld.idx.msk [tilespmem:v10+s18+$0x0], $0xffff;
	_ =	sdelay $0x4  }
0xe1: {  	vm1 =	vgt.s32 v8, $0x0;
	v9 =	vsub.s32 v9, v7  }
0xe2: {  	v8 =	vnsel vm1, $0x0, v8;
	vm1 =	vgt.s32 v9, $0x0  }
0xe3: {  	vm2 =	vlt.u32 v9, $0x18;
	v8 =	vmin.u32 v8, $0x3FF;
	v11 =	vnsel vm1, $0x0, v9  }
0xe4: {  	vm1 =	vlt.s32 v10, v6;
	v12 =	vshll.u32 v8, $0x3;
	v11 =	vmin.u32 v11, $0x17  }
0xe5: {  	v8 =	vand.u32 $0x7F, v8;
	v12 =	vand.u32 $0x1C00, v12;
	v10 =	vshll.u32 v11, $0xA  }
0xe6: {  	v8 =	vor.u32 v8, v12;
	v9 =	vand.u32 $0x6000, v10;
	v10 =	vshll.u32 v11, $0x7  }
0xe7: {  	vm1 =	vmand vm1, vm2;
	v10 =	vand.u32 $0x380, v10;
	v8 =	vor.u32 v9, v8  }
0xe8: {  	v8 =	vor.u32 v10, v8;
	_ =	sdelay $0x4  }
0xe9: {  	v9 =	vld.idx.msk [tilespmem:v8+s15+$0x0], vm1;
	_ =	sdelay $0x4  }
0xea: {  	v10 =	vmul.f32 v9, v9;
	_ =	sdelay $0x1  }
0xeb: {  	v10 =	vsub.f32 $1.000000000e+00, v10;
	_ =	sdelay $0x1  }
0xec: {  	v10 =	vmax.f32 v10, $1.000000000e-30  }
0xed: {  	v11 =	vshra.s32 v10, $0x1;
	v12 =	vmul.f32 $5.000000000e-01, v10  }
0xee: {  	v11 =	vsub.s32 $0x5F3759DF, v11  }
0xef: {  	v13 =	vmul.f32 v11, v12;
	_ =	sdelay $0x1  }
0xf0: {  	v13 =	vmul.f32 v11, v13;
	_ =	sdelay $0x1  }
0xf1: {  	v13 =	vsub.f32 $1.500000000e+00, v13;
	_ =	sdelay $0x1  }
0xf2: {  	v11 =	vmul.f32 v11, v13;
	_ =	sdelay $0x1  }
0xf3: {  	v13 =	vmul.f32 v11, v12;
	_ =	sdelay $0x1  }
0xf4: {  	v13 =	vmul.f32 v13, v11;
	_ =	sdelay $0x1  }
0xf5: {  	v13 =	vsub.f32 $1.500000000e+00, v13;
	_ =	sdelay $0x1  }
0xf6: {  	v11 =	vmul.f32 v13, v11;
	_ =	sdelay $0x1  }
0xf7: {  	v12 =	vmul.f32 v11, v12;
	_ =	sdelay $0x1  }
0xf8: {  	v12 =	vmul.f32 v12, v11;
	_ =	sdelay $0x1  }
0xf9: {  	v12 =	vsub.f32 $1.500000000e+00, v12;
	_ =	sdelay $0x1  }
0xfa: {  	v11 =	vmul.f32 v12, v11  }
0xfb: {  	p4 =	sne.s32 s1, $0x1  }
.Ltmp6:
0xfc: {  	v10 =	vmul.f32 v11, v10;
	(pc) =	sbr.rel @!p4 .LBB2_11-.Ltmp6, $4  }
0xfd: {  	v13 =	vmul.f32 $3.000000000e+01, v9  }
0xfe: {  	s0 =	simm.s32 $0x10;
	v11 =	vmul.f32 $2.632747650e+01, v9;
	v12 =	vmul.f32 $-1.438276580e+01, v10  }
0xff: {  	v10 =	vor.u32 s0, v5  }
0x100: {  	s1 =	sadd.s32 $0xFFFFFFFF, s1;
	p3 =	por $0x1, $0x1;
	v11 =	vadd.f32 v12, v11;
	v12 =	vadd.f32 $-7.191382880e+00, v13  }
.LBB2_10:
0x101: {  	p4 =	sne.s32 s1, $0x1;
	vm2 =	vgt.f32 v9, $-8.775825500e-01  }
0x102: {  	v9 =	vsel vm2, v11, v12  }
0x103: {  	[tilespmem:v8+s21+$0x0] =	vst.idx.msk vm1, v9  }
0x104: {  	v8 =	vld.idx.msk [tilespmem:v10+s19+$0x0], $0xffff  }
0x105: {  	v9 =	vld.idx.msk [tilespmem:v10+s18+$0x0], $0xffff;
	_ =	sdelay $0x4  }
0x106: {  	vm1 =	vgt.s32 v8, $0x0  }
0x107: {  	v9 =	vsub.s32 v9, v7;
	v8 =	vnsel vm1, $0x0, v8  }
0x108: {  	vm1 =	vgt.s32 v9, $0x0;
	v8 =	vmin.u32 v8, $0x3FF  }
0x109: {  	v11 =	vnsel vm1, $0x0, v9;
	v12 =	vshll.u32 v8, $0x3  }
0x10a: {  	v8 =	vand.u32 $0x7F, v8;
	v11 =	vmin.u32 v11, $0x17;
	v12 =	vand.u32 $0x1C00, v12  }
0x10b: {  	vm1 =	vlt.s32 v10, v6;
	v10 =	vshll.u32 v11, $0xA;
	v8 =	vor.u32 v8, v12  }
0x10c: {  	vm2 =	vlt.u32 v9, $0x18;
	v9 =	vand.u32 $0x6000, v10;
	v10 =	vshll.u32 v11, $0x7  }
0x10d: {  	vm1 =	vmand vm1, vm2;
	v10 =	vand.u32 $0x380, v10;
	v8 =	vor.u32 v9, v8  }
0x10e: {  	v8 =	vor.u32 v10, v8;
	_ =	sdelay $0x4  }
0x10f: {  	v9 =	vld.idx.msk [tilespmem:v8+s15+$0x0], vm1;
	_ =	sdelay $0x5  }
0x110: {  	v10 =	vmul.f32 v9, v9;
	_ =	sdelay $0x1  }
0x111: {  	v10 =	vsub.f32 $1.000000000e+00, v10;
	_ =	sdelay $0x1  }
0x112: {  	v10 =	vmax.f32 v10, $1.000000000e-30  }
0x113: {  	v11 =	vshra.s32 v10, $0x1;
	v12 =	vmul.f32 $5.000000000e-01, v10  }
0x114: {  	v11 =	vsub.s32 $0x5F3759DF, v11  }
0x115: {  	v13 =	vmul.f32 v11, v12;
	_ =	sdelay $0x1  }
0x116: {  	v13 =	vmul.f32 v11, v13;
	_ =	sdelay $0x1  }
0x117: {  	v13 =	vsub.f32 $1.500000000e+00, v13;
	_ =	sdelay $0x1  }
0x118: {  	v11 =	vmul.f32 v11, v13;
	_ =	sdelay $0x1  }
0x119: {  	v13 =	vmul.f32 v11, v12;
	_ =	sdelay $0x1  }
0x11a: {  	v13 =	vmul.f32 v13, v11;
	_ =	sdelay $0x1  }
0x11b: {  	v13 =	vsub.f32 $1.500000000e+00, v13;
	_ =	sdelay $0x1  }
0x11c: {  	v11 =	vmul.f32 v13, v11;
	_ =	sdelay $0x1  }
0x11d: {  	v12 =	vmul.f32 v11, v12;
	_ =	sdelay $0x1  }
0x11e: {  	v12 =	vmul.f32 v12, v11;
	_ =	sdelay $0x1  }
0x11f: {  	v12 =	vsub.f32 $1.500000000e+00, v12;
	_ =	sdelay $0x1  }
0x120: {  	v11 =	vmul.f32 v12, v11;
	_ =	sdelay $0x1  }
.Ltmp7:
0x121: {  	v10 =	vmul.f32 v11, v10;
	(pc) =	sbr.rel @p4 .LBB2_10-.Ltmp7, $4  }
0x122: {  	v11 =	vmul.f32 $2.632747650e+01, v9  }
0x123: {  	s0 =	sadd.s32 $0x10, s0;
	v13 =	vmul.f32 $3.000000000e+01, v9;
	v12 =	vmul.f32 $-1.438276580e+01, v10  }
0x124: {  	v10 =	vor.u32 s0, v5  }
0x125: {  	s1 =	sadd.s32 $0xFFFFFFFF, s1;
	v11 =	vadd.f32 v12, v11;
	v12 =	vadd.f32 $-7.191382880e+00, v13  }
.LBB2_11:
0x126: {  	_ =	sdelay $0x2  }
0x127: {  	vm2 =	vgt.f32 @p3 v9, $-8.775825500e-01  }
0x128: {  	v9 =	vsel @p3 vm2, v11, v12  }
0x129: {  	[tilespmem:v8+s21+$0x0] =	vst.idx.msk @p3 vm1, v9  }
0x12a: {  	v8 =	vld.idx.msk [tilespmem:v10+s19+$0x0], $0xffff  }
0x12b: {  	v9 =	vld.idx.msk [tilespmem:v10+s18+$0x0], $0xffff;
	_ =	sdelay $0x4  }
0x12c: {  	vm1 =	vgt.s32 v8, $0x0;
	v7 =	vsub.s32 v9, v7  }
0x12d: {  	v8 =	vnsel vm1, $0x0, v8;
	vm1 =	vgt.s32 v7, $0x0  }
0x12e: {  	vm2 =	vlt.u32 v7, $0x18;
	v8 =	vmin.u32 v8, $0x3FF;
	v9 =	vnsel vm1, $0x0, v7  }
0x12f: {  	vm1 =	vlt.s32 v10, v6;
	v55 =	vshll.u32 v8, $0x3;
	v9 =	vmin.u32 v9, $0x17  }
0x130: {  	v8 =	vand.u32 $0x7F, v8;
	v11 =	vand.u32 $0x1C00, v55;
	v56 =	vshll.u32 v9, $0xA  }
0x131: {  	v9 =	vshll.u32 v9, $0x7;
	v8 =	vor.u32 v8, v11;
	v7 =	vand.u32 $0x6000, v56  }
0x132: {  	vm1 =	vmand vm1, vm2;
	v9 =	vand.u32 $0x380, v9;
	v7 =	vor.u32 v7, v8  }
0x133: {  	v7 =	vor.u32 v9, v7;
	_ =	sdelay $0x4  }
0x134: {  	v8 =	vld.idx.msk [tilespmem:v7+s15+$0x0], vm1;
	_ =	sdelay $0x4  }
0x135: {  	v57 =	vmul.f32 v8, v8;
	_ =	sdelay $0x1  }
0x136: {  	v9 =	vsub.f32 $1.000000000e+00, v57;
	_ =	sdelay $0x1  }
0x137: {  	v9 =	vmax.f32 v9, $1.000000000e-30  }
0x138: {  	v58 =	vshra.s32 v9, $0x1;
	v59 =	vmul.f32 $5.000000000e-01, v9  }
0x139: {  	v10 =	vsub.s32 $0x5F3759DF, v58  }
0x13a: {  	v60 =	vmul.f32 v10, v59;
	_ =	sdelay $0x1  }
0x13b: {  	v12 =	vmul.f32 v10, v60;
	_ =	sdelay $0x1  }
0x13c: {  	v12 =	vsub.f32 $1.500000000e+00, v12;
	_ =	sdelay $0x1  }
0x13d: {  	v10 =	vmul.f32 v10, v12;
	_ =	sdelay $0x1  }
0x13e: {  	v12 =	vmul.f32 v10, v59;
	_ =	sdelay $0x1  }
0x13f: {  	v12 =	vmul.f32 v12, v10;
	_ =	sdelay $0x1  }
0x140: {  	v12 =	vsub.f32 $1.500000000e+00, v12;
	_ =	sdelay $0x1  }
0x141: {  	v10 =	vmul.f32 v12, v10;
	_ =	sdelay $0x1  }
0x142: {  	v11 =	vmul.f32 v10, v59;
	_ =	sdelay $0x1  }
0x143: {  	v11 =	vmul.f32 v11, v10;
	_ =	sdelay $0x1  }
0x144: {  	v11 =	vsub.f32 $1.500000000e+00, v11;
	_ =	sdelay $0x1  }
0x145: {  	v10 =	vmul.f32 v11, v10;
	_ =	sdelay $0x1  }
0x146: {  	v9 =	vmul.f32 v10, v9  }
0x147: {  	v61 =	vmul.f32 $2.632747650e+01, v8  }
0x148: {  	v62 =	vmul.f32 $3.000000000e+01, v8;
	v9 =	vmul.f32 $-1.438276580e+01, v9;
	_ =	sdelay $0x1  }
0x149: {  	v63 =	vadd.f32 $-7.191382880e+00, v62;
	v9 =	vadd.f32 v9, v61  }
0x14a: {  	vm2 =	vgt.f32 v8, $-8.775825500e-01  }
0x14b: {  	v8 =	vsel vm2, v9, v63  }
0x14c: {  	[tilespmem:v7+s21+$0x0] =	vst.idx.msk vm1, v8  }
.LBB2_12:
0x14d: {  	s0 =	sshll.u32 s31, $0x7  }
0x14e: {  	p3 =	seq.s32 s29, $0x40;
	s0 =	sadd.s32 s4, s0  }
0x14f: {  	[hbm4b:s0+s5] =	stream.linear.scatter [tilespmem:s21], [sflag:$0x3], $0x6000, $0x38;
	[tilespmem:$0x18C00] =	vst v63  }
0x150: {  	s0 =	sadd.s32 @!p3 s30, s9  }
0x151: {  	s0 =	sshll.u32 @!p3 s0, $0x7  }
0x152: {  	s1 =	simm.s32 @!p3 $0x0;
	s3 =	simm.s32 @!p3 $0xC00;
	s0 =	sadd.s32 @!p3 s2, s0  }
0x153: {  	[tilespmem:s3], [sflag:$0x1] =	stream.linear.gather @!p3 [hbm4b:s0+s1], $0x6000, $0x38;
	[tilespmem:$0x18C00] =	vst v63  }
0x154: {  	_ =	swait.ge [sflag:s22], $0x6000  }
0x155: {  	p4 =	sne.s32 s29, $0x0;
	[sflag:s22] =	ssyncset.done $0x0  }
0x156: {  	s0 =	simm.s32 @p4 $0x4;
	[sflag:s22] =	ssyncadd.s32 $0xFFFFA000  }
0x157: {  	s31 =	sadd.s32 s30, s10;
	_ =	swait.ge @p4 [sflag:s0], $0x6000  }
0x158: {  	s12 =	simm.s32 $0x0;
	s1 =	simm.s32 $0xFFFFA000;
	[sflag:s0] =	ssyncset.done @p4 $0x0  }
0x159: {  	s3 =	simm.s32 $0x0;
	[sflag:s0] =	ssyncadd.s32 @p4 $0xFFFFA000;
	s0 =	simm.s32 $0x0  }
.LBB2_13:
0x15a: {  	s7 =	sadd.s32 $0x6000, s1  }
0x15b: {  	s13 =	sand.u32 $0x380, s12;
	s7 =	sand.u32 $0x6000, s7  }
0x15c: {  	s13 =	sor.u32 s13, s7  }
0x15d: {  	v7 =	vld [tilespmem:s13+$0x6C00]  }
0x15e: {  	v8 =	vld [tilespmem:s13+$0x6C10]  }
0x15f: {  	v9 =	vld [tilespmem:s13+$0x6C20]  }
0x160: {  	v10 =	vld [tilespmem:s13+$0x6C30]  }
0x161: {  	v11 =	vld [tilespmem:s13+$0x6C40]  }
0x162: {  	v12 =	vld [tilespmem:s13+$0x6C50];
	v7 =	vmul.f32 $3.000000000e+01, v7  }
0x163: {  	v13 =	vld [tilespmem:s13+$0x6C60];
	v8 =	vmul.f32 $3.000000000e+01, v8  }
0x164: {  	v63 =	vld [tilespmem:s13+$0x6C70];
	[tilespmem:s13+$0x12C00] =	vst v7;
	v7 =	vmul.f32 $3.000000000e+01, v9  }
0x165: {  	v16 =	vld [tilespmem:s13+$0x7000];
	[tilespmem:s13+$0x12C10] =	vst v8;
	v8 =	vmul.f32 $3.000000000e+01, v10  }
0x166: {  	v17 =	vld [tilespmem:s13+$0x7010];
	[tilespmem:s13+$0x12C20] =	vst v7;
	v7 =	vmul.f32 $3.000000000e+01, v11  }
0x167: {  	v18 =	vld [tilespmem:s13+$0x7020];
	[tilespmem:s13+$0x12C30] =	vst v8;
	v8 =	vmul.f32 $3.000000000e+01, v12  }
0x168: {  	v19 =	vld [tilespmem:s13+$0x7030];
	[tilespmem:s13+$0x12C40] =	vst v7;
	v7 =	vmul.f32 $3.000000000e+01, v13  }
0x169: {  	v20 =	vld [tilespmem:s13+$0x7040];
	[tilespmem:s13+$0x12C50] =	vst v8;
	v8 =	vmul.f32 $3.000000000e+01, v63  }
0x16a: {  	v21 =	vld [tilespmem:s13+$0x7050];
	[tilespmem:s13+$0x12C60] =	vst v7;
	v7 =	vmul.f32 $3.000000000e+01, v16  }
0x16b: {  	v22 =	vld [tilespmem:s13+$0x7060];
	[tilespmem:s13+$0x12C70] =	vst v8;
	v8 =	vmul.f32 $3.000000000e+01, v17  }
0x16c: {  	v23 =	vld [tilespmem:s13+$0x7070];
	[tilespmem:s13+$0x13000] =	vst v7;
	v7 =	vmul.f32 $3.000000000e+01, v18  }
0x16d: {  	v24 =	vld [tilespmem:s13+$0x7400];
	[tilespmem:s13+$0x13010] =	vst v8;
	v8 =	vmul.f32 $3.000000000e+01, v19  }
0x16e: {  	v25 =	vld [tilespmem:s13+$0x7410];
	[tilespmem:s13+$0x13020] =	vst v7;
	v7 =	vmul.f32 $3.000000000e+01, v20  }
0x16f: {  	v26 =	vld [tilespmem:s13+$0x7420];
	[tilespmem:s13+$0x13030] =	vst v8;
	v8 =	vmul.f32 $3.000000000e+01, v21  }
0x170: {  	v27 =	vld [tilespmem:s13+$0x7430];
	[tilespmem:s13+$0x13040] =	vst v7;
	v7 =	vmul.f32 $3.000000000e+01, v22  }
0x171: {  	v28 =	vld [tilespmem:s13+$0x7440];
	[tilespmem:s13+$0x13050] =	vst v8;
	v8 =	vmul.f32 $3.000000000e+01, v23  }
0x172: {  	v29 =	vld [tilespmem:s13+$0x7450];
	[tilespmem:s13+$0x13060] =	vst v7;
	v7 =	vmul.f32 $3.000000000e+01, v24  }
0x173: {  	v30 =	vld [tilespmem:s13+$0x7460];
	[tilespmem:s13+$0x13070] =	vst v8;
	v8 =	vmul.f32 $3.000000000e+01, v25  }
0x174: {  	v31 =	vld [tilespmem:s13+$0x7470];
	[tilespmem:s13+$0x13400] =	vst v7;
	v7 =	vmul.f32 $3.000000000e+01, v26  }
0x175: {  	v32 =	vld [tilespmem:s13+$0x7800];
	[tilespmem:s13+$0x13410] =	vst v8;
	v8 =	vmul.f32 $3.000000000e+01, v27  }
0x176: {  	v33 =	vld [tilespmem:s13+$0x7810];
	[tilespmem:s13+$0x13420] =	vst v7;
	v7 =	vmul.f32 $3.000000000e+01, v28  }
0x177: {  	v34 =	vld [tilespmem:s13+$0x7820];
	[tilespmem:s13+$0x13430] =	vst v8;
	v8 =	vmul.f32 $3.000000000e+01, v29  }
0x178: {  	v35 =	vld [tilespmem:s13+$0x7830];
	[tilespmem:s13+$0x13440] =	vst v7;
	v7 =	vmul.f32 $3.000000000e+01, v30  }
0x179: {  	v36 =	vld [tilespmem:s13+$0x7840];
	[tilespmem:s13+$0x13450] =	vst v8;
	v8 =	vmul.f32 $3.000000000e+01, v31  }
0x17a: {  	v37 =	vld [tilespmem:s13+$0x7850];
	[tilespmem:s13+$0x13460] =	vst v7;
	v7 =	vmul.f32 $3.000000000e+01, v32  }
0x17b: {  	v38 =	vld [tilespmem:s13+$0x7860];
	[tilespmem:s13+$0x13470] =	vst v8;
	v8 =	vmul.f32 $3.000000000e+01, v33  }
0x17c: {  	v39 =	vld [tilespmem:s13+$0x7870];
	[tilespmem:s13+$0x13800] =	vst v7;
	v7 =	vmul.f32 $3.000000000e+01, v34  }
0x17d: {  	v40 =	vld [tilespmem:s13+$0x7C00];
	[tilespmem:s13+$0x13810] =	vst v8;
	v8 =	vmul.f32 $3.000000000e+01, v35  }
0x17e: {  	v41 =	vld [tilespmem:s13+$0x7C10];
	[tilespmem:s13+$0x13820] =	vst v7;
	v7 =	vmul.f32 $3.000000000e+01, v36  }
0x17f: {  	v42 =	vld [tilespmem:s13+$0x7C20];
	[tilespmem:s13+$0x13830] =	vst v8;
	v8 =	vmul.f32 $3.000000000e+01, v37  }
0x180: {  	v43 =	vld [tilespmem:s13+$0x7C30];
	[tilespmem:s13+$0x13840] =	vst v7;
	v7 =	vmul.f32 $3.000000000e+01, v38  }
0x181: {  	v44 =	vld [tilespmem:s13+$0x7C40];
	[tilespmem:s13+$0x13850] =	vst v8;
	v8 =	vmul.f32 $3.000000000e+01, v39  }
0x182: {  	v45 =	vld [tilespmem:s13+$0x7C50];
	[tilespmem:s13+$0x13860] =	vst v7;
	v7 =	vmul.f32 $3.000000000e+01, v40  }
0x183: {  	v46 =	vld [tilespmem:s13+$0x7C60];
	[tilespmem:s13+$0x13870] =	vst v8;
	v8 =	vmul.f32 $3.000000000e+01, v41  }
0x184: {  	v47 =	vld [tilespmem:s13+$0x7C70];
	[tilespmem:s13+$0x13C00] =	vst v7;
	v7 =	vmul.f32 $3.000000000e+01, v42  }
0x185: {  	v48 =	vld [tilespmem:s13+$0x8000];
	[tilespmem:s13+$0x13C10] =	vst v8;
	v8 =	vmul.f32 $3.000000000e+01, v43  }
0x186: {  	v49 =	vld [tilespmem:s13+$0x8010];
	[tilespmem:s13+$0x13C20] =	vst v7;
	v7 =	vmul.f32 $3.000000000e+01, v44  }
0x187: {  	v50 =	vld [tilespmem:s13+$0x8020];
	[tilespmem:s13+$0x13C30] =	vst v8;
	v8 =	vmul.f32 $3.000000000e+01, v45  }
0x188: {  	v51 =	vld [tilespmem:s13+$0x8030];
	[tilespmem:s13+$0x13C40] =	vst v7;
	v7 =	vmul.f32 $3.000000000e+01, v46  }
0x189: {  	v52 =	vld [tilespmem:s13+$0x8040];
	[tilespmem:s13+$0x13C50] =	vst v8;
	v8 =	vmul.f32 $3.000000000e+01, v47  }
0x18a: {  	v53 =	vld [tilespmem:s13+$0x8050];
	[tilespmem:s13+$0x13C60] =	vst v7;
	v7 =	vmul.f32 $3.000000000e+01, v48  }
0x18b: {  	v54 =	vld [tilespmem:s13+$0x8060];
	[tilespmem:s13+$0x13C70] =	vst v8;
	v8 =	vmul.f32 $3.000000000e+01, v49  }
0x18c: {  	v55 =	vld [tilespmem:s13+$0x8070];
	[tilespmem:s13+$0x14000] =	vst v7;
	v7 =	vmul.f32 $3.000000000e+01, v50  }
0x18d: {  	v56 =	vld [tilespmem:s13+$0x8400];
	[tilespmem:s13+$0x14010] =	vst v8;
	v8 =	vmul.f32 $3.000000000e+01, v51  }
0x18e: {  	v57 =	vld [tilespmem:s13+$0x8410];
	[tilespmem:s13+$0x14020] =	vst v7;
	v7 =	vmul.f32 $3.000000000e+01, v52  }
0x18f: {  	v58 =	vld [tilespmem:s13+$0x8420];
	[tilespmem:s13+$0x14030] =	vst v8;
	v8 =	vmul.f32 $3.000000000e+01, v53  }
0x190: {  	v59 =	vld [tilespmem:s13+$0x8430];
	[tilespmem:s13+$0x14040] =	vst v7;
	v7 =	vmul.f32 $3.000000000e+01, v54  }
0x191: {  	v60 =	vld [tilespmem:s13+$0x8440];
	[tilespmem:s13+$0x14050] =	vst v8;
	v8 =	vmul.f32 $3.000000000e+01, v55  }
0x192: {  	v61 =	vld [tilespmem:s13+$0x8450];
	[tilespmem:s13+$0x14060] =	vst v7;
	v7 =	vmul.f32 $3.000000000e+01, v56  }
0x193: {  	v62 =	vld [tilespmem:s13+$0x8460];
	[tilespmem:s13+$0x14070] =	vst v8;
	v8 =	vmul.f32 $3.000000000e+01, v57  }
0x194: {  	v63 =	vld [tilespmem:s13+$0x8470];
	[tilespmem:s13+$0x14400] =	vst v7;
	v7 =	vmul.f32 $3.000000000e+01, v58  }
0x195: {  	[tilespmem:s13+$0x14410] =	vst v8;
	v8 =	vmul.f32 $3.000000000e+01, v59  }
0x196: {  	[tilespmem:s13+$0x14420] =	vst v7;
	v7 =	vmul.f32 $3.000000000e+01, v60  }
0x197: {  	[tilespmem:s13+$0x14430] =	vst v8;
	v8 =	vmul.f32 $3.000000000e+01, v61  }
0x198: {  	s7 =	sand.u32 $0x7, s0;
	[tilespmem:s13+$0x14440] =	vst v7;
	v7 =	vmul.f32 $3.000000000e+01, v62  }
0x199: {  	s7 =	sshll.u32 s7, $0x7;
	[tilespmem:s13+$0x14450] =	vst v8;
	v8 =	vmul.f32 $3.000000000e+01, v63  }
0x19a: {  	s7 =	sadd.s32 s7, s3;
	[tilespmem:s13+$0x14460] =	vst v7  }
0x19b: {  	[tilespmem:s13+$0x14470] =	vst v8;
	s13 =	sor.u32 $0x1C00, s7  }
0x19c: {  	v7 =	vld [tilespmem:s13+$0x6C00];
	_ =	sdelay $0x4  }
0x19d: {  	v7 =	vmul.f32 $3.000000000e+01, v7;
	_ =	sdelay $0x1  }
0x19e: {  	[tilespmem:s13+$0x12C00] =	vst v7;
	s13 =	sor.u32 $0x1C10, s7  }
0x19f: {  	v7 =	vld [tilespmem:s13+$0x6C00];
	_ =	sdelay $0x4  }
0x1a0: {  	v7 =	vmul.f32 $3.000000000e+01, v7;
	_ =	sdelay $0x1  }
0x1a1: {  	[tilespmem:s13+$0x12C00] =	vst v7;
	s13 =	sor.u32 $0x1C20, s7  }
0x1a2: {  	v7 =	vld [tilespmem:s13+$0x6C00];
	_ =	sdelay $0x4  }
0x1a3: {  	v7 =	vmul.f32 $3.000000000e+01, v7;
	_ =	sdelay $0x1  }
0x1a4: {  	[tilespmem:s13+$0x12C00] =	vst v7;
	s13 =	sor.u32 $0x1C30, s7  }
0x1a5: {  	v7 =	vld [tilespmem:s13+$0x6C00];
	_ =	sdelay $0x4  }
0x1a6: {  	v7 =	vmul.f32 $3.000000000e+01, v7;
	_ =	sdelay $0x1  }
0x1a7: {  	[tilespmem:s13+$0x12C00] =	vst v7;
	s13 =	sor.u32 $0x1C40, s7  }
0x1a8: {  	v7 =	vld [tilespmem:s13+$0x6C00];
	_ =	sdelay $0x4  }
0x1a9: {  	v7 =	vmul.f32 $3.000000000e+01, v7;
	_ =	sdelay $0x1  }
0x1aa: {  	[tilespmem:s13+$0x12C00] =	vst v7;
	s13 =	sor.u32 $0x1C50, s7  }
0x1ab: {  	v7 =	vld [tilespmem:s13+$0x6C00];
	_ =	sdelay $0x4  }
0x1ac: {  	v7 =	vmul.f32 $3.000000000e+01, v7;
	_ =	sdelay $0x1  }
0x1ad: {  	[tilespmem:s13+$0x12C00] =	vst v7;
	s13 =	sor.u32 $0x1C60, s7  }
0x1ae: {  	v7 =	vld [tilespmem:s13+$0x6C00];
	_ =	sdelay $0x4  }
0x1af: {  	v7 =	vmul.f32 $3.000000000e+01, v7;
	_ =	sdelay $0x1  }
0x1b0: {  	s7 =	sor.u32 $0x1C70, s7;
	[tilespmem:s13+$0x12C00] =	vst v7  }
0x1b1: {  	v7 =	vld [tilespmem:s7+$0x6C00];
	_ =	sdelay $0x1  }
0x1b2: {  	p4 =	seq.s32 s12, $0xB80  }
.Ltmp8:
0x1b3: {  	_ = 	snop;
	(pc) =	sbr.rel @!p4 .LBB2_13-.Ltmp8, $4  }
0x1b4: {  	_ = 	snop  }
0x1b5: {  	v7 =	vmul.f32 $3.000000000e+01, v7  }
0x1b6: {  	s1 =	sadd.s32 $0x400, s1  }
0x1b7: {  	s12 =	sadd.s32 $0x80, s12;
	s0 =	sadd.s32 $0x1, s0;
	s3 =	sadd.s32 $0x400, s3;
	[tilespmem:s7+$0x12C00] =	vst v7  }
.Ltmp9:
0x1b8: {  	(pc) =	sbr.rel @p1 .LBB2_20-.Ltmp9, $1  }
0x1b9: {  	_ =	sdelay $0x3  }
.Ltmp10:
0x1ba: {  	(pc) =	sbr.rel @!p2 .LBB2_16-.Ltmp10, $3  }
0x1bb: {  	_ =	sdelay $0x1  }
0x1bc: {  	s0 =	simm.s32 $0x0  }
0x1bd: {  	v7 =	vmov s31;
	s1 =	sadd.s32 $0xFFFFFFFF, s28;
	p4 =	por $0x0, $0x0;
	v10 =	vor.u32 s0, v5  }
0x1be: {  	_ =	sdelay $0x3  }
0x1bf: {  	v8 =	vld.idx.msk [tilespmem:v10+s19+$0x0], $0xffff  }
0x1c0: {  	v9 =	vld.idx.msk [tilespmem:v10+s18+$0x0], $0xffff;
	_ =	sdelay $0x4  }
0x1c1: {  	vm1 =	vgt.s32 v8, $0x0;
	v9 =	vsub.s32 v9, v7  }
0x1c2: {  	v8 =	vnsel vm1, $0x0, v8;
	vm1 =	vgt.s32 v9, $0x0  }
0x1c3: {  	vm2 =	vlt.u32 v9, $0x18;
	v8 =	vmin.u32 v8, $0x3FF;
	v11 =	vnsel vm1, $0x0, v9  }
0x1c4: {  	vm1 =	vlt.s32 v10, v6;
	v12 =	vshll.u32 v8, $0x3;
	v11 =	vmin.u32 v11, $0x17  }
0x1c5: {  	v8 =	vand.u32 $0x7F, v8;
	v12 =	vand.u32 $0x1C00, v12;
	v10 =	vshll.u32 v11, $0xA  }
0x1c6: {  	v8 =	vor.u32 v8, v12;
	v9 =	vand.u32 $0x6000, v10;
	v10 =	vshll.u32 v11, $0x7  }
0x1c7: {  	vm1 =	vmand vm1, vm2;
	v10 =	vand.u32 $0x380, v10;
	v8 =	vor.u32 v9, v8  }
0x1c8: {  	v8 =	vor.u32 v10, v8;
	_ =	sdelay $0x4  }
0x1c9: {  	v9 =	vld.idx.msk [tilespmem:v8+s16+$0x0], vm1;
	_ =	sdelay $0x4  }
0x1ca: {  	v10 =	vmul.f32 v9, v9;
	_ =	sdelay $0x1  }
0x1cb: {  	v10 =	vsub.f32 $1.000000000e+00, v10;
	_ =	sdelay $0x1  }
0x1cc: {  	v10 =	vmax.f32 v10, $1.000000000e-30  }
0x1cd: {  	v11 =	vshra.s32 v10, $0x1;
	v12 =	vmul.f32 $5.000000000e-01, v10  }
0x1ce: {  	v11 =	vsub.s32 $0x5F3759DF, v11  }
0x1cf: {  	v13 =	vmul.f32 v11, v12;
	_ =	sdelay $0x1  }
0x1d0: {  	v13 =	vmul.f32 v11, v13;
	_ =	sdelay $0x1  }
0x1d1: {  	v13 =	vsub.f32 $1.500000000e+00, v13;
	_ =	sdelay $0x1  }
0x1d2: {  	v11 =	vmul.f32 v11, v13;
	_ =	sdelay $0x1  }
0x1d3: {  	v13 =	vmul.f32 v11, v12;
	_ =	sdelay $0x1  }
0x1d4: {  	v13 =	vmul.f32 v13, v11;
	_ =	sdelay $0x1  }
0x1d5: {  	v13 =	vsub.f32 $1.500000000e+00, v13;
	_ =	sdelay $0x1  }
0x1d6: {  	v11 =	vmul.f32 v13, v11;
	_ =	sdelay $0x1  }
0x1d7: {  	v12 =	vmul.f32 v11, v12;
	_ =	sdelay $0x1  }
0x1d8: {  	v12 =	vmul.f32 v12, v11;
	_ =	sdelay $0x1  }
0x1d9: {  	v12 =	vsub.f32 $1.500000000e+00, v12;
	_ =	sdelay $0x1  }
0x1da: {  	v11 =	vmul.f32 v12, v11  }
0x1db: {  	p2 =	sne.s32 s1, $0x1  }
.Ltmp11:
0x1dc: {  	v10 =	vmul.f32 v11, v10;
	(pc) =	sbr.rel @!p2 .LBB2_19-.Ltmp11, $4  }
0x1dd: {  	v13 =	vmul.f32 $3.000000000e+01, v9  }
0x1de: {  	s0 =	simm.s32 $0x10;
	v11 =	vmul.f32 $2.632747650e+01, v9;
	v12 =	vmul.f32 $-1.438276580e+01, v10  }
0x1df: {  	v10 =	vor.u32 s0, v5  }
0x1e0: {  	s1 =	sadd.s32 $0xFFFFFFFF, s1;
	p4 =	por $0x1, $0x1;
	v11 =	vadd.f32 v12, v11;
	v12 =	vadd.f32 $-7.191382880e+00, v13  }
.LBB2_18:
0x1e1: {  	p2 =	sne.s32 s1, $0x1;
	vm2 =	vgt.f32 v9, $-8.775825500e-01  }
0x1e2: {  	v9 =	vsel vm2, v11, v12  }
0x1e3: {  	[tilespmem:v8+s23+$0x0] =	vst.idx.msk vm1, v9  }
0x1e4: {  	v8 =	vld.idx.msk [tilespmem:v10+s19+$0x0], $0xffff  }
0x1e5: {  	v9 =	vld.idx.msk [tilespmem:v10+s18+$0x0], $0xffff;
	_ =	sdelay $0x4  }
0x1e6: {  	vm1 =	vgt.s32 v8, $0x0  }
0x1e7: {  	v9 =	vsub.s32 v9, v7;
	v8 =	vnsel vm1, $0x0, v8  }
0x1e8: {  	vm1 =	vgt.s32 v9, $0x0;
	v8 =	vmin.u32 v8, $0x3FF  }
0x1e9: {  	v11 =	vnsel vm1, $0x0, v9;
	v12 =	vshll.u32 v8, $0x3  }
0x1ea: {  	v8 =	vand.u32 $0x7F, v8;
	v11 =	vmin.u32 v11, $0x17;
	v12 =	vand.u32 $0x1C00, v12  }
0x1eb: {  	vm1 =	vlt.s32 v10, v6;
	v10 =	vshll.u32 v11, $0xA;
	v8 =	vor.u32 v8, v12  }
0x1ec: {  	vm2 =	vlt.u32 v9, $0x18;
	v9 =	vand.u32 $0x6000, v10;
	v10 =	vshll.u32 v11, $0x7  }
0x1ed: {  	vm1 =	vmand vm1, vm2;
	v10 =	vand.u32 $0x380, v10;
	v8 =	vor.u32 v9, v8  }
0x1ee: {  	v8 =	vor.u32 v10, v8;
	_ =	sdelay $0x4  }
0x1ef: {  	v9 =	vld.idx.msk [tilespmem:v8+s16+$0x0], vm1;
	_ =	sdelay $0x5  }
0x1f0: {  	v10 =	vmul.f32 v9, v9;
	_ =	sdelay $0x1  }
0x1f1: {  	v10 =	vsub.f32 $1.000000000e+00, v10;
	_ =	sdelay $0x1  }
0x1f2: {  	v10 =	vmax.f32 v10, $1.000000000e-30  }
0x1f3: {  	v11 =	vshra.s32 v10, $0x1;
	v12 =	vmul.f32 $5.000000000e-01, v10  }
0x1f4: {  	v11 =	vsub.s32 $0x5F3759DF, v11  }
0x1f5: {  	v13 =	vmul.f32 v11, v12;
	_ =	sdelay $0x1  }
0x1f6: {  	v13 =	vmul.f32 v11, v13;
	_ =	sdelay $0x1  }
0x1f7: {  	v13 =	vsub.f32 $1.500000000e+00, v13;
	_ =	sdelay $0x1  }
0x1f8: {  	v11 =	vmul.f32 v11, v13;
	_ =	sdelay $0x1  }
0x1f9: {  	v13 =	vmul.f32 v11, v12;
	_ =	sdelay $0x1  }
0x1fa: {  	v13 =	vmul.f32 v13, v11;
	_ =	sdelay $0x1  }
0x1fb: {  	v13 =	vsub.f32 $1.500000000e+00, v13;
	_ =	sdelay $0x1  }
0x1fc: {  	v11 =	vmul.f32 v13, v11;
	_ =	sdelay $0x1  }
0x1fd: {  	v12 =	vmul.f32 v11, v12;
	_ =	sdelay $0x1  }
0x1fe: {  	v12 =	vmul.f32 v12, v11;
	_ =	sdelay $0x1  }
0x1ff: {  	v12 =	vsub.f32 $1.500000000e+00, v12;
	_ =	sdelay $0x1  }
0x200: {  	v11 =	vmul.f32 v12, v11;
	_ =	sdelay $0x1  }
.Ltmp12:
0x201: {  	v10 =	vmul.f32 v11, v10;
	(pc) =	sbr.rel @p2 .LBB2_18-.Ltmp12, $4  }
0x202: {  	v11 =	vmul.f32 $2.632747650e+01, v9  }
0x203: {  	s0 =	sadd.s32 $0x10, s0;
	v13 =	vmul.f32 $3.000000000e+01, v9;
	v12 =	vmul.f32 $-1.438276580e+01, v10  }
0x204: {  	v10 =	vor.u32 s0, v5  }
0x205: {  	s1 =	sadd.s32 $0xFFFFFFFF, s1;
	v11 =	vadd.f32 v12, v11;
	v12 =	vadd.f32 $-7.191382880e+00, v13  }
.LBB2_19:
0x206: {  	_ =	sdelay $0x2  }
0x207: {  	vm2 =	vgt.f32 @p4 v9, $-8.775825500e-01  }
0x208: {  	v9 =	vsel @p4 vm2, v11, v12  }
0x209: {  	[tilespmem:v8+s23+$0x0] =	vst.idx.msk @p4 vm1, v9  }
0x20a: {  	v8 =	vld.idx.msk [tilespmem:v10+s19+$0x0], $0xffff  }
0x20b: {  	v9 =	vld.idx.msk [tilespmem:v10+s18+$0x0], $0xffff;
	_ =	sdelay $0x4  }
0x20c: {  	vm1 =	vgt.s32 v8, $0x0;
	v7 =	vsub.s32 v9, v7  }
0x20d: {  	v8 =	vnsel vm1, $0x0, v8;
	vm1 =	vgt.s32 v7, $0x0  }
0x20e: {  	vm2 =	vlt.u32 v7, $0x18;
	v8 =	vmin.u32 v8, $0x3FF;
	v9 =	vnsel vm1, $0x0, v7  }
0x20f: {  	vm1 =	vlt.s32 v10, v6;
	v55 =	vshll.u32 v8, $0x3;
	v9 =	vmin.u32 v9, $0x17  }
0x210: {  	v8 =	vand.u32 $0x7F, v8;
	v11 =	vand.u32 $0x1C00, v55;
	v56 =	vshll.u32 v9, $0xA  }
0x211: {  	v9 =	vshll.u32 v9, $0x7;
	v8 =	vor.u32 v8, v11;
	v7 =	vand.u32 $0x6000, v56  }
0x212: {  	vm1 =	vmand vm1, vm2;
	v9 =	vand.u32 $0x380, v9;
	v7 =	vor.u32 v7, v8  }
0x213: {  	v7 =	vor.u32 v9, v7;
	_ =	sdelay $0x4  }
0x214: {  	v8 =	vld.idx.msk [tilespmem:v7+s16+$0x0], vm1;
	_ =	sdelay $0x4  }
0x215: {  	v57 =	vmul.f32 v8, v8;
	_ =	sdelay $0x1  }
0x216: {  	v9 =	vsub.f32 $1.000000000e+00, v57;
	_ =	sdelay $0x1  }
0x217: {  	v9 =	vmax.f32 v9, $1.000000000e-30  }
0x218: {  	v58 =	vshra.s32 v9, $0x1;
	v59 =	vmul.f32 $5.000000000e-01, v9  }
0x219: {  	v10 =	vsub.s32 $0x5F3759DF, v58  }
0x21a: {  	v60 =	vmul.f32 v10, v59;
	_ =	sdelay $0x1  }
0x21b: {  	v12 =	vmul.f32 v10, v60;
	_ =	sdelay $0x1  }
0x21c: {  	v12 =	vsub.f32 $1.500000000e+00, v12;
	_ =	sdelay $0x1  }
0x21d: {  	v10 =	vmul.f32 v10, v12;
	_ =	sdelay $0x1  }
0x21e: {  	v12 =	vmul.f32 v10, v59;
	_ =	sdelay $0x1  }
0x21f: {  	v12 =	vmul.f32 v12, v10;
	_ =	sdelay $0x1  }
0x220: {  	v12 =	vsub.f32 $1.500000000e+00, v12;
	_ =	sdelay $0x1  }
0x221: {  	v10 =	vmul.f32 v12, v10;
	_ =	sdelay $0x1  }
0x222: {  	v11 =	vmul.f32 v10, v59;
	_ =	sdelay $0x1  }
0x223: {  	v11 =	vmul.f32 v11, v10;
	_ =	sdelay $0x1  }
0x224: {  	v11 =	vsub.f32 $1.500000000e+00, v11;
	_ =	sdelay $0x1  }
0x225: {  	v10 =	vmul.f32 v11, v10;
	_ =	sdelay $0x1  }
0x226: {  	v9 =	vmul.f32 v10, v9  }
0x227: {  	v61 =	vmul.f32 $2.632747650e+01, v8  }
0x228: {  	v62 =	vmul.f32 $3.000000000e+01, v8;
	v9 =	vmul.f32 $-1.438276580e+01, v9;
	_ =	sdelay $0x1  }
0x229: {  	v63 =	vadd.f32 $-7.191382880e+00, v62;
	v9 =	vadd.f32 v9, v61  }
0x22a: {  	vm2 =	vgt.f32 v8, $-8.775825500e-01  }
0x22b: {  	v8 =	vsel vm2, v9, v63  }
0x22c: {  	[tilespmem:v7+s23+$0x0] =	vst.idx.msk vm1, v8  }
.LBB2_20:
.Ltmp13:
0x22d: {  	(pc) =	sbr.rel @p3 .LBB2_22-.Ltmp13, $4  }
0x22e: {  	_ = 	snop  }
0x22f: {  	s0 =	sshll.u32 s31, $0x7  }
0x230: {  	s0 =	sadd.s32 s4, s0  }
0x231: {  	[hbm4b:s0+s5] =	stream.linear.scatter [tilespmem:s23], [sflag:$0x4], $0x6000, $0x38;
	[tilespmem:$0x18C00] =	vst v63  }
.Ltmp14:
0x232: {  	(pc) =	sbr.rel .LBB2_4-.Ltmp14, $4  }
0x233: {  	s0 =	sadd.s32 s30, s11  }
0x234: {  	s0 =	sshll.u32 s0, $0x7  }
0x235: {  	s29 =	sadd.s32 $0x1, s29;
	s0 =	sadd.s32 s2, s0  }
0x236: {  	[tilespmem:s16], [sflag:$0x2] =	stream.linear.gather [hbm4b:s0+s5], $0x6000, $0x38;
	[tilespmem:$0x18C00] =	vst v63  }
.LBB2_8:
.Ltmp15:
0x237: {  	(pc) =	sbr.rel .LBB2_11-.Ltmp15, $2  }
0x238: {  	_ =	sdelay $0x2  }
0x239: {  	_ = 	snop  }
.LBB2_16:
.Ltmp16:
0x23a: {  	(pc) =	sbr.rel .LBB2_19-.Ltmp16, $2  }
0x23b: {  	_ =	sdelay $0x2  }
0x23c: {  	_ = 	snop  }
.LBB2_22:
0x23d: {  	_ =	swait.ge [sflag:s24], $0x6000  }
.Ltmp17:
0x23e: {  	[sflag:s24] =	ssyncset.done $0x0;
	(pc) =	sbr.rel @p0 .LBB2_32-.Ltmp17, $4  }
0x23f: {  	[sflag:s24] =	ssyncadd.s32 $0xFFFFA000  }
0x240: {  	_ =	swait.ge [sflag:s25], $0x6000  }
0x241: {  	[sflag:s25] =	ssyncset.done $0x0  }
0x242: {  	[sflag:s25] =	ssyncadd.s32 $0xFFFFA000  }
0x243: {  	s0 =	simm.s32 $0x0;
	s1 =	rddreg [dreg:$0x5]  }
0x244: {  	[tilespmem:s15], [sflag:$0x5] =	stream.linear.gather [hbm4b:s1+s0], $0x2000, $0x38;
	[tilespmem:$0x18C00] =	vst v63  }
0x245: {  	_ =	swait.ge [sflag:s17], $0x2000  }
0x246: {  	[sflag:s17] =	ssyncset.done $0x0  }
0x247: {  	s29 =	simm.s32 $0x0;
	[sflag:s17] =	ssyncadd.s32 $0xFFFFE000  }
0x248: {  	v7 =	vld [tilespmem:s29+$0x2870]  }
0x249: {  	v8 =	vld [tilespmem:s29+$0xC00]  }
0x24a: {  	v9 =	vld [tilespmem:s29+$0xC10]  }
0x24b: {  	v10 =	vld [tilespmem:s29+$0xC20]  }
0x24c: {  	v11 =	vld [tilespmem:s29+$0xC30]  }
0x24d: {  	v12 =	vld [tilespmem:s29+$0xC40];
	v7 =	vmul.f32 $3.000000000e+01, v7  }
0x24e: {  	v13 =	vld [tilespmem:s29+$0xC50];
	v8 =	vmul.f32 $3.000000000e+01, v8  }
0x24f: {  	v14 =	vld [tilespmem:s29+$0xC60];
	[tilespmem:s29+$0xE870] =	vst v7;
	v7 =	vmul.f32 $3.000000000e+01, v9  }
0x250: {  	[tilespmem:s29+$0xCC00] =	vst v8;
	v8 =	vld [tilespmem:s29+$0xC70];
	v9 =	vmul.f32 $3.000000000e+01, v10  }
0x251: {  	v10 =	vmul.f32 $3.000000000e+01, v11;
	[tilespmem:s29+$0xCC10] =	vst v7;
	v7 =	vld [tilespmem:s29+$0x1000]  }
0x252: {  	v11 =	vmul.f32 $3.000000000e+01, v12;
	[tilespmem:s29+$0xCC20] =	vst v9;
	v9 =	vld [tilespmem:s29+$0x1010]  }
0x253: {  	v12 =	vmul.f32 $3.000000000e+01, v13;
	[tilespmem:s29+$0xCC30] =	vst v10;
	v10 =	vld [tilespmem:s29+$0x1020]  }
0x254: {  	v13 =	vmul.f32 $3.000000000e+01, v14;
	[tilespmem:s29+$0xCC40] =	vst v11;
	v11 =	vld [tilespmem:s29+$0x1030]  }
0x255: {  	[tilespmem:s29+$0xCC50] =	vst v12;
	v12 =	vld [tilespmem:s29+$0x1040];
	v8 =	vmul.f32 $3.000000000e+01, v8  }
0x256: {  	[tilespmem:s29+$0xCC60] =	vst v13;
	v13 =	vld [tilespmem:s29+$0x1050];
	v7 =	vmul.f32 $3.000000000e+01, v7  }
0x257: {  	[tilespmem:s29+$0xCC70] =	vst v8;
	v8 =	vld [tilespmem:s29+$0x1060];
	v9 =	vmul.f32 $3.000000000e+01, v9  }
0x258: {  	v10 =	vmul.f32 $3.000000000e+01, v10;
	[tilespmem:s29+$0xD000] =	vst v7;
	v7 =	vld [tilespmem:s29+$0x1070]  }
0x259: {  	v11 =	vmul.f32 $3.000000000e+01, v11;
	[tilespmem:s29+$0xD010] =	vst v9;
	v9 =	vld [tilespmem:s29+$0x1400]  }
0x25a: {  	v12 =	vmul.f32 $3.000000000e+01, v12;
	[tilespmem:s29+$0xD020] =	vst v10;
	v10 =	vld [tilespmem:s29+$0x1410]  }
0x25b: {  	v13 =	vmul.f32 $3.000000000e+01, v13;
	[tilespmem:s29+$0xD030] =	vst v11;
	v11 =	vld [tilespmem:s29+$0x1420]  }
0x25c: {  	[tilespmem:s29+$0xD040] =	vst v12;
	v12 =	vld [tilespmem:s29+$0x1430];
	v8 =	vmul.f32 $3.000000000e+01, v8  }
0x25d: {  	[tilespmem:s29+$0xD050] =	vst v13;
	v13 =	vld [tilespmem:s29+$0x1440];
	v7 =	vmul.f32 $3.000000000e+01, v7  }
0x25e: {  	[tilespmem:s29+$0xD060] =	vst v8;
	v8 =	vld [tilespmem:s29+$0x1450];
	v9 =	vmul.f32 $3.000000000e+01, v9  }
0x25f: {  	v10 =	vmul.f32 $3.000000000e+01, v10;
	[tilespmem:s29+$0xD070] =	vst v7;
	v7 =	vld [tilespmem:s29+$0x1460]  }
0x260: {  	v11 =	vmul.f32 $3.000000000e+01, v11;
	[tilespmem:s29+$0xD400] =	vst v9;
	v9 =	vld [tilespmem:s29+$0x1470]  }
0x261: {  	v12 =	vmul.f32 $3.000000000e+01, v12;
	[tilespmem:s29+$0xD410] =	vst v10;
	v10 =	vld [tilespmem:s29+$0x1800]  }
0x262: {  	v13 =	vmul.f32 $3.000000000e+01, v13;
	[tilespmem:s29+$0xD420] =	vst v11;
	v11 =	vld [tilespmem:s29+$0x1810]  }
0x263: {  	[tilespmem:s29+$0xD430] =	vst v12;
	v12 =	vld [tilespmem:s29+$0x1820];
	v8 =	vmul.f32 $3.000000000e+01, v8  }
0x264: {  	[tilespmem:s29+$0xD440] =	vst v13;
	v13 =	vld [tilespmem:s29+$0x1830];
	v7 =	vmul.f32 $3.000000000e+01, v7  }
0x265: {  	[tilespmem:s29+$0xD450] =	vst v8;
	v8 =	vld [tilespmem:s29+$0x1840];
	v9 =	vmul.f32 $3.000000000e+01, v9  }
0x266: {  	v10 =	vmul.f32 $3.000000000e+01, v10;
	[tilespmem:s29+$0xD460] =	vst v7;
	v7 =	vld [tilespmem:s29+$0x1850]  }
0x267: {  	v11 =	vmul.f32 $3.000000000e+01, v11;
	[tilespmem:s29+$0xD470] =	vst v9;
	v9 =	vld [tilespmem:s29+$0x1860]  }
0x268: {  	v12 =	vmul.f32 $3.000000000e+01, v12;
	[tilespmem:s29+$0xD800] =	vst v10;
	v10 =	vld [tilespmem:s29+$0x1870]  }
0x269: {  	v13 =	vmul.f32 $3.000000000e+01, v13;
	[tilespmem:s29+$0xD810] =	vst v11;
	v11 =	vld [tilespmem:s29+$0x1C00]  }
0x26a: {  	[tilespmem:s29+$0xD820] =	vst v12;
	v12 =	vld [tilespmem:s29+$0x1C10];
	v8 =	vmul.f32 $3.000000000e+01, v8  }
0x26b: {  	[tilespmem:s29+$0xD830] =	vst v13;
	v13 =	vld [tilespmem:s29+$0x1C20];
	v7 =	vmul.f32 $3.000000000e+01, v7  }
0x26c: {  	[tilespmem:s29+$0xD840] =	vst v8;
	v8 =	vld [tilespmem:s29+$0x1C30];
	v9 =	vmul.f32 $3.000000000e+01, v9  }
0x26d: {  	v10 =	vmul.f32 $3.000000000e+01, v10;
	[tilespmem:s29+$0xD850] =	vst v7;
	v7 =	vld [tilespmem:s29+$0x1C40]  }
0x26e: {  	v11 =	vmul.f32 $3.000000000e+01, v11;
	[tilespmem:s29+$0xD860] =	vst v9;
	v9 =	vld [tilespmem:s29+$0x1C50]  }
0x26f: {  	v12 =	vmul.f32 $3.000000000e+01, v12;
	[tilespmem:s29+$0xD870] =	vst v10;
	v10 =	vld [tilespmem:s29+$0x1C60]  }
0x270: {  	v13 =	vmul.f32 $3.000000000e+01, v13;
	[tilespmem:s29+$0xDC00] =	vst v11;
	v11 =	vld [tilespmem:s29+$0x1C70]  }
0x271: {  	[tilespmem:s29+$0xDC10] =	vst v12;
	v12 =	vld [tilespmem:s29+$0x2000];
	v8 =	vmul.f32 $3.000000000e+01, v8  }
0x272: {  	[tilespmem:s29+$0xDC20] =	vst v13;
	v13 =	vld [tilespmem:s29+$0x2010];
	v7 =	vmul.f32 $3.000000000e+01, v7  }
0x273: {  	[tilespmem:s29+$0xDC30] =	vst v8;
	v8 =	vld [tilespmem:s29+$0x2020];
	v9 =	vmul.f32 $3.000000000e+01, v9  }
0x274: {  	v10 =	vmul.f32 $3.000000000e+01, v10;
	[tilespmem:s29+$0xDC40] =	vst v7;
	v7 =	vld [tilespmem:s29+$0x2030]  }
0x275: {  	v11 =	vmul.f32 $3.000000000e+01, v11;
	[tilespmem:s29+$0xDC50] =	vst v9;
	v9 =	vld [tilespmem:s29+$0x2040]  }
0x276: {  	v12 =	vmul.f32 $3.000000000e+01, v12;
	[tilespmem:s29+$0xDC60] =	vst v10;
	v10 =	vld [tilespmem:s29+$0x2050]  }
0x277: {  	v13 =	vmul.f32 $3.000000000e+01, v13;
	[tilespmem:s29+$0xDC70] =	vst v11;
	v11 =	vld [tilespmem:s29+$0x2060]  }
0x278: {  	[tilespmem:s29+$0xE000] =	vst v12;
	v12 =	vld [tilespmem:s29+$0x2070];
	v8 =	vmul.f32 $3.000000000e+01, v8  }
0x279: {  	[tilespmem:s29+$0xE010] =	vst v13;
	v13 =	vld [tilespmem:s29+$0x2400];
	v7 =	vmul.f32 $3.000000000e+01, v7  }
0x27a: {  	[tilespmem:s29+$0xE020] =	vst v8;
	v8 =	vld [tilespmem:s29+$0x2410];
	v9 =	vmul.f32 $3.000000000e+01, v9  }
0x27b: {  	v10 =	vmul.f32 $3.000000000e+01, v10;
	[tilespmem:s29+$0xE030] =	vst v7;
	v7 =	vld [tilespmem:s29+$0x2420]  }
0x27c: {  	v11 =	vmul.f32 $3.000000000e+01, v11;
	[tilespmem:s29+$0xE040] =	vst v9;
	v9 =	vld [tilespmem:s29+$0x2430]  }
0x27d: {  	v12 =	vmul.f32 $3.000000000e+01, v12;
	[tilespmem:s29+$0xE050] =	vst v10;
	v10 =	vld [tilespmem:s29+$0x2440]  }
0x27e: {  	v13 =	vmul.f32 $3.000000000e+01, v13;
	[tilespmem:s29+$0xE060] =	vst v11;
	v11 =	vld [tilespmem:s29+$0x2450]  }
0x27f: {  	[tilespmem:s29+$0xE070] =	vst v12;
	v12 =	vld [tilespmem:s29+$0x2460]  }
0x280: {  	[tilespmem:s29+$0xE400] =	vst v13;
	v13 =	vld [tilespmem:s29+$0x2470];
	v8 =	vmul.f32 $3.000000000e+01, v8  }
0x281: {  	v7 =	vmul.f32 $3.000000000e+01, v7  }
0x282: {  	v14 =	vld [tilespmem:s29+$0x2800];
	[tilespmem:s29+$0xE410] =	vst v8;
	v8 =	vmul.f32 $3.000000000e+01, v9  }
0x283: {  	v15 =	vld [tilespmem:s29+$0x2810];
	v9 =	vmul.f32 $3.000000000e+01, v10;
	[tilespmem:s29+$0xE420] =	vst v7  }
0x284: {  	v10 =	vmul.f32 $3.000000000e+01, v11;
	[tilespmem:s29+$0xE430] =	vst v8;
	v7 =	vld [tilespmem:s29+$0x2820]  }
0x285: {  	v11 =	vmul.f32 $3.000000000e+01, v12;
	v12 =	vmul.f32 $3.000000000e+01, v13;
	[tilespmem:s29+$0xE440] =	vst v9;
	v8 =	vld [tilespmem:s29+$0x2830]  }
0x286: {  	[tilespmem:s29+$0xE450] =	vst v10;
	v9 =	vld [tilespmem:s29+$0x2840]  }
0x287: {  	v10 =	vld [tilespmem:s29+$0x2850];
	[tilespmem:s29+$0xE470] =	vst v12;
	v12 =	vmul.f32 $3.000000000e+01, v14  }
0x288: {  	s31 =	simm.s32 $0x80;
	s30 =	simm.s32 $0x400;
	v13 =	vmul.f32 $3.000000000e+01, v15;
	[tilespmem:s29+$0xE460] =	vst v11;
	v11 =	vld [tilespmem:s29+$0x2860]  }
.LBB2_24:
0x289: {  	p2 =	sne.s32 s30, $0xE00;
	v14 =	vld [tilespmem:s31+$0x2870];
	[tilespmem:s29+$0xE800] =	vst v12;
	v7 =	vmul.f32 $3.000000000e+01, v7  }
0x28a: {  	v12 =	vld [tilespmem:s31+$0xC00];
	[tilespmem:s29+$0xE810] =	vst v13;
	v8 =	vmul.f32 $3.000000000e+01, v8  }
0x28b: {  	v13 =	vld [tilespmem:s31+$0xC10];
	[tilespmem:s29+$0xE820] =	vst v7;
	v7 =	vmul.f32 $3.000000000e+01, v9  }
0x28c: {  	v9 =	vld [tilespmem:s31+$0xC20];
	[tilespmem:s29+$0xE830] =	vst v8;
	v8 =	vmul.f32 $3.000000000e+01, v10  }
0x28d: {  	v10 =	vld [tilespmem:s31+$0xC30];
	[tilespmem:s29+$0xE840] =	vst v7;
	v7 =	vmul.f32 $3.000000000e+01, v11  }
0x28e: {  	v11 =	vld [tilespmem:s31+$0xC40];
	v14 =	vmul.f32 $3.000000000e+01, v14;
	[tilespmem:s29+$0xE850] =	vst v8  }
0x28f: {  	v8 =	vmul.f32 $3.000000000e+01, v12;
	v12 =	vld [tilespmem:s31+$0xC50];
	[tilespmem:s29+$0xE860] =	vst v7;
	s29 =	smov.u32 s31  }
0x290: {  	v7 =	vmul.f32 $3.000000000e+01, v13;
	v13 =	vld [tilespmem:s29+$0xC60];
	[tilespmem:s29+$0xE870] =	vst v14  }
0x291: {  	[tilespmem:s29+$0xCC00] =	vst v8;
	v8 =	vmul.f32 $3.000000000e+01, v9;
	v9 =	vld [tilespmem:s29+$0xC70]  }
0x292: {  	[tilespmem:s29+$0xCC10] =	vst v7;
	v7 =	vmul.f32 $3.000000000e+01, v10;
	v10 =	vld [tilespmem:s29+$0x1000]  }
0x293: {  	[tilespmem:s29+$0xCC20] =	vst v8;
	v8 =	vmul.f32 $3.000000000e+01, v11;
	v11 =	vld [tilespmem:s29+$0x1010]  }
0x294: {  	[tilespmem:s29+$0xCC30] =	vst v7;
	v7 =	vmul.f32 $3.000000000e+01, v12;
	v12 =	vld [tilespmem:s29+$0x1020]  }
0x295: {  	[tilespmem:s29+$0xCC40] =	vst v8;
	v8 =	vmul.f32 $3.000000000e+01, v13;
	v13 =	vld [tilespmem:s29+$0x1030]  }
0x296: {  	[tilespmem:s29+$0xCC50] =	vst v7;
	v7 =	vmul.f32 $3.000000000e+01, v9;
	v9 =	vld [tilespmem:s29+$0x1040]  }
0x297: {  	[tilespmem:s29+$0xCC60] =	vst v8;
	v8 =	vmul.f32 $3.000000000e+01, v10;
	v10 =	vld [tilespmem:s29+$0x1050]  }
0x298: {  	[tilespmem:s29+$0xCC70] =	vst v7;
	v7 =	vmul.f32 $3.000000000e+01, v11;
	v11 =	vld [tilespmem:s29+$0x1060]  }
0x299: {  	[tilespmem:s29+$0xD000] =	vst v8;
	v8 =	vmul.f32 $3.000000000e+01, v12;
	v12 =	vld [tilespmem:s29+$0x1070]  }
0x29a: {  	[tilespmem:s29+$0xD010] =	vst v7;
	v7 =	vmul.f32 $3.000000000e+01, v13;
	v13 =	vld [tilespmem:s29+$0x1400]  }
0x29b: {  	[tilespmem:s29+$0xD020] =	vst v8;
	v8 =	vmul.f32 $3.000000000e+01, v9;
	v9 =	vld [tilespmem:s29+$0x1410]  }
0x29c: {  	[tilespmem:s29+$0xD030] =	vst v7;
	v7 =	vmul.f32 $3.000000000e+01, v10;
	v10 =	vld [tilespmem:s29+$0x1420]  }
0x29d: {  	[tilespmem:s29+$0xD040] =	vst v8;
	v8 =	vmul.f32 $3.000000000e+01, v11;
	v11 =	vld [tilespmem:s29+$0x1430]  }
0x29e: {  	[tilespmem:s29+$0xD050] =	vst v7;
	v7 =	vmul.f32 $3.000000000e+01, v12;
	v12 =	vld [tilespmem:s29+$0x1440]  }
0x29f: {  	[tilespmem:s29+$0xD060] =	vst v8;
	v8 =	vmul.f32 $3.000000000e+01, v13;
	v13 =	vld [tilespmem:s29+$0x1450]  }
0x2a0: {  	[tilespmem:s29+$0xD070] =	vst v7;
	v7 =	vmul.f32 $3.000000000e+01, v9;
	v9 =	vld [tilespmem:s29+$0x1460]  }
0x2a1: {  	[tilespmem:s29+$0xD400] =	vst v8;
	v8 =	vmul.f32 $3.000000000e+01, v10;
	v10 =	vld [tilespmem:s29+$0x1470]  }
0x2a2: {  	[tilespmem:s29+$0xD410] =	vst v7;
	v7 =	vmul.f32 $3.000000000e+01, v11;
	v11 =	vld [tilespmem:s29+$0x1800]  }
0x2a3: {  	[tilespmem:s29+$0xD420] =	vst v8;
	v8 =	vmul.f32 $3.000000000e+01, v12;
	v12 =	vld [tilespmem:s29+$0x1810]  }
0x2a4: {  	[tilespmem:s29+$0xD430] =	vst v7;
	v7 =	vmul.f32 $3.000000000e+01, v13;
	v13 =	vld [tilespmem:s29+$0x1820]  }
0x2a5: {  	[tilespmem:s29+$0xD440] =	vst v8;
	v8 =	vmul.f32 $3.000000000e+01, v9;
	v9 =	vld [tilespmem:s29+$0x1830]  }
0x2a6: {  	[tilespmem:s29+$0xD450] =	vst v7;
	v7 =	vmul.f32 $3.000000000e+01, v10;
	v10 =	vld [tilespmem:s29+$0x1840]  }
0x2a7: {  	[tilespmem:s29+$0xD460] =	vst v8;
	v8 =	vmul.f32 $3.000000000e+01, v11;
	v11 =	vld [tilespmem:s29+$0x1850]  }
0x2a8: {  	[tilespmem:s29+$0xD470] =	vst v7;
	v7 =	vmul.f32 $3.000000000e+01, v12;
	v12 =	vld [tilespmem:s29+$0x1860]  }
0x2a9: {  	[tilespmem:s29+$0xD800] =	vst v8;
	v8 =	vmul.f32 $3.000000000e+01, v13;
	v13 =	vld [tilespmem:s29+$0x1870]  }
0x2aa: {  	[tilespmem:s29+$0xD810] =	vst v7;
	v7 =	vmul.f32 $3.000000000e+01, v9;
	v9 =	vld [tilespmem:s29+$0x1C00]  }
0x2ab: {  	[tilespmem:s29+$0xD820] =	vst v8;
	v8 =	vmul.f32 $3.000000000e+01, v10;
	v10 =	vld [tilespmem:s29+$0x1C10]  }
0x2ac: {  	[tilespmem:s29+$0xD830] =	vst v7;
	v7 =	vmul.f32 $3.000000000e+01, v11;
	v11 =	vld [tilespmem:s29+$0x1C20]  }
0x2ad: {  	[tilespmem:s29+$0xD840] =	vst v8;
	v8 =	vmul.f32 $3.000000000e+01, v12;
	v12 =	vld [tilespmem:s29+$0x1C30]  }
0x2ae: {  	[tilespmem:s29+$0xD850] =	vst v7;
	v7 =	vmul.f32 $3.000000000e+01, v13;
	v13 =	vld [tilespmem:s29+$0x1C40]  }
0x2af: {  	[tilespmem:s29+$0xD860] =	vst v8;
	v8 =	vmul.f32 $3.000000000e+01, v9;
	v9 =	vld [tilespmem:s29+$0x1C50]  }
0x2b0: {  	[tilespmem:s29+$0xD870] =	vst v7;
	v7 =	vmul.f32 $3.000000000e+01, v10;
	v10 =	vld [tilespmem:s29+$0x1C60]  }
0x2b1: {  	[tilespmem:s29+$0xDC00] =	vst v8;
	v8 =	vmul.f32 $3.000000000e+01, v11;
	v11 =	vld [tilespmem:s29+$0x1C70]  }
0x2b2: {  	[tilespmem:s29+$0xDC10] =	vst v7;
	v7 =	vmul.f32 $3.000000000e+01, v12;
	v12 =	vld [tilespmem:s29+$0x2000]  }
0x2b3: {  	[tilespmem:s29+$0xDC20] =	vst v8;
	v8 =	vmul.f32 $3.000000000e+01, v13;
	v13 =	vld [tilespmem:s29+$0x2010]  }
0x2b4: {  	[tilespmem:s29+$0xDC30] =	vst v7;
	v7 =	vmul.f32 $3.000000000e+01, v9;
	v9 =	vld [tilespmem:s29+$0x2020]  }
0x2b5: {  	[tilespmem:s29+$0xDC40] =	vst v8;
	v8 =	vmul.f32 $3.000000000e+01, v10;
	v10 =	vld [tilespmem:s29+$0x2030]  }
0x2b6: {  	[tilespmem:s29+$0xDC50] =	vst v7;
	v7 =	vmul.f32 $3.000000000e+01, v11;
	v11 =	vld [tilespmem:s29+$0x2040]  }
0x2b7: {  	[tilespmem:s29+$0xDC60] =	vst v8;
	v8 =	vmul.f32 $3.000000000e+01, v12;
	v12 =	vld [tilespmem:s29+$0x2050]  }
0x2b8: {  	[tilespmem:s29+$0xDC70] =	vst v7;
	v7 =	vmul.f32 $3.000000000e+01, v13;
	v13 =	vld [tilespmem:s29+$0x2060]  }
0x2b9: {  	[tilespmem:s29+$0xE000] =	vst v8;
	v8 =	vmul.f32 $3.000000000e+01, v9;
	v9 =	vld [tilespmem:s29+$0x2070]  }
0x2ba: {  	[tilespmem:s29+$0xE010] =	vst v7;
	v7 =	vmul.f32 $3.000000000e+01, v10;
	v10 =	vld [tilespmem:s29+$0x2400]  }
0x2bb: {  	[tilespmem:s29+$0xE020] =	vst v8;
	v8 =	vmul.f32 $3.000000000e+01, v11;
	v11 =	vld [tilespmem:s29+$0x2410]  }
0x2bc: {  	[tilespmem:s29+$0xE030] =	vst v7;
	v7 =	vmul.f32 $3.000000000e+01, v12;
	v12 =	vld [tilespmem:s29+$0x2420]  }
0x2bd: {  	[tilespmem:s29+$0xE040] =	vst v8;
	v8 =	vmul.f32 $3.000000000e+01, v13;
	v13 =	vld [tilespmem:s29+$0x2430]  }
0x2be: {  	[tilespmem:s29+$0xE050] =	vst v7;
	v7 =	vmul.f32 $3.000000000e+01, v9;
	v9 =	vld [tilespmem:s29+$0x2440]  }
0x2bf: {  	[tilespmem:s29+$0xE060] =	vst v8;
	v8 =	vmul.f32 $3.000000000e+01, v10;
	v10 =	vld [tilespmem:s29+$0x2450]  }
0x2c0: {  	[tilespmem:s29+$0xE070] =	vst v7;
	v7 =	vmul.f32 $3.000000000e+01, v11;
	v11 =	vld [tilespmem:s29+$0x2460]  }
0x2c1: {  	[tilespmem:s29+$0xE400] =	vst v8;
	v8 =	vmul.f32 $3.000000000e+01, v12;
	v12 =	vld [tilespmem:s29+$0x2470]  }
0x2c2: {  	[tilespmem:s29+$0xE410] =	vst v7;
	v7 =	vmul.f32 $3.000000000e+01, v13;
	v13 =	vld [tilespmem:s29+$0x2800]  }
0x2c3: {  	[tilespmem:s29+$0xE420] =	vst v8;
	v8 =	vmul.f32 $3.000000000e+01, v9;
	v14 =	vld [tilespmem:s29+$0x2810]  }
.Ltmp18:
0x2c4: {  	[tilespmem:s29+$0xE430] =	vst v7;
	v9 =	vmul.f32 $3.000000000e+01, v10;
	v7 =	vld [tilespmem:s29+$0x2820];
	(pc) =	sbr.rel @p2 .LBB2_24-.Ltmp18, $4  }
0x2c5: {  	[tilespmem:s29+$0xE440] =	vst v8;
	v10 =	vmul.f32 $3.000000000e+01, v11;
	v8 =	vld [tilespmem:s29+$0x2830]  }
0x2c6: {  	[tilespmem:s29+$0xE450] =	vst v9;
	v11 =	vmul.f32 $3.000000000e+01, v12;
	v9 =	vld [tilespmem:s29+$0x2840]  }
0x2c7: {  	[tilespmem:s29+$0xE460] =	vst v10;
	v12 =	vmul.f32 $3.000000000e+01, v13;
	v10 =	vld [tilespmem:s29+$0x2850]  }
0x2c8: {  	s31 =	sshra.s32 s30, $0x2;
	s30 =	sadd.s32 $0x200, s30;
	[tilespmem:s29+$0xE470] =	vst v11;
	v13 =	vmul.f32 $3.000000000e+01, v14;
	v11 =	vld [tilespmem:s29+$0x2860]  }
0x2c9: {  	v14 =	vld [tilespmem:s31+$0x2870];
	[tilespmem:s29+$0xE800] =	vst v12;
	v7 =	vmul.f32 $3.000000000e+01, v7  }
0x2ca: {  	v12 =	vld [tilespmem:s31+$0xC00];
	[tilespmem:s29+$0xE810] =	vst v13;
	v8 =	vmul.f32 $3.000000000e+01, v8  }
0x2cb: {  	v13 =	vld [tilespmem:s31+$0xC10];
	[tilespmem:s29+$0xE820] =	vst v7;
	v9 =	vmul.f32 $3.000000000e+01, v9  }
0x2cc: {  	v7 =	vld [tilespmem:s31+$0xC20];
	[tilespmem:s29+$0xE830] =	vst v8;
	v10 =	vmul.f32 $3.000000000e+01, v10  }
0x2cd: {  	v8 =	vld [tilespmem:s31+$0xC30];
	[tilespmem:s29+$0xE840] =	vst v9;
	v11 =	vmul.f32 $3.000000000e+01, v11  }
0x2ce: {  	v9 =	vld [tilespmem:s31+$0xC40];
	[tilespmem:s29+$0xE850] =	vst v10;
	v14 =	vmul.f32 $3.000000000e+01, v14  }
0x2cf: {  	v10 =	vld [tilespmem:s31+$0xC50];
	[tilespmem:s29+$0xE860] =	vst v11;
	v21 =	vmul.f32 $3.000000000e+01, v12  }
0x2d0: {  	v22 =	vld [tilespmem:s31+$0xC60];
	[tilespmem:s31+$0xE870] =	vst v14;
	v13 =	vmul.f32 $3.000000000e+01, v13  }
0x2d1: {  	v23 =	vld [tilespmem:s31+$0xC70];
	[tilespmem:s31+$0xCC00] =	vst v21;
	v7 =	vmul.f32 $3.000000000e+01, v7  }
0x2d2: {  	v24 =	vld [tilespmem:s31+$0x1000];
	[tilespmem:s31+$0xCC10] =	vst v13;
	v8 =	vmul.f32 $3.000000000e+01, v8  }
0x2d3: {  	[tilespmem:s31+$0xCC20] =	vst v7;
	v7 =	vld [tilespmem:s31+$0x1010];
	v9 =	vmul.f32 $3.000000000e+01, v9  }
0x2d4: {  	[tilespmem:s31+$0xCC30] =	vst v8;
	v8 =	vld [tilespmem:s31+$0x1020];
	v10 =	vmul.f32 $3.000000000e+01, v10  }
0x2d5: {  	v25 =	vld [tilespmem:s31+$0x1030];
	[tilespmem:s31+$0xCC40] =	vst v9;
	v12 =	vmul.f32 $3.000000000e+01, v22  }
0x2d6: {  	v59 =	vld [tilespmem:s31+$0x2810];
	v11 =	vmul.f32 $3.000000000e+01, v23;
	[tilespmem:s31+$0xCC50] =	vst v10  }
0x2d7: {  	v26 =	vld [tilespmem:s31+$0x1040];
	v13 =	vmul.f32 $3.000000000e+01, v24;
	[tilespmem:s31+$0xCC60] =	vst v12  }
0x2d8: {  	v27 =	vld [tilespmem:s31+$0x1050];
	[tilespmem:s31+$0xCC70] =	vst v11;
	v7 =	vmul.f32 $3.000000000e+01, v7  }
0x2d9: {  	v28 =	vld [tilespmem:s31+$0x1060];
	[tilespmem:s31+$0xD000] =	vst v13;
	v8 =	vmul.f32 $3.000000000e+01, v8  }
0x2da: {  	v9 =	vmul.f32 $3.000000000e+01, v25;
	[tilespmem:s31+$0xD010] =	vst v7;
	v7 =	vld [tilespmem:s31+$0x1400]  }
0x2db: {  	v62 =	vmul.f32 $3.000000000e+01, v59;
	[tilespmem:s31+$0xD020] =	vst v8;
	v8 =	vld [tilespmem:s31+$0x1410]  }
0x2dc: {  	v29 =	vld [tilespmem:s31+$0x1070];
	v10 =	vmul.f32 $3.000000000e+01, v26;
	[tilespmem:s31+$0xD030] =	vst v9  }
0x2dd: {  	v30 =	vld [tilespmem:s31+$0x1420];
	v12 =	vmul.f32 $3.000000000e+01, v27;
	[tilespmem:s31+$0xE810] =	vst v62  }
0x2de: {  	v31 =	vld [tilespmem:s31+$0x1430];
	v11 =	vmul.f32 $3.000000000e+01, v28;
	[tilespmem:s31+$0xD040] =	vst v10  }
0x2df: {  	v32 =	vld [tilespmem:s31+$0x1440];
	[tilespmem:s31+$0xD050] =	vst v12;
	v7 =	vmul.f32 $3.000000000e+01, v7  }
0x2e0: {  	v33 =	vld [tilespmem:s31+$0x1450];
	[tilespmem:s31+$0xD060] =	vst v11;
	v8 =	vmul.f32 $3.000000000e+01, v8  }
0x2e1: {  	v13 =	vmul.f32 $3.000000000e+01, v29;
	[tilespmem:s31+$0xD400] =	vst v7;
	v7 =	vld [tilespmem:s31+$0x1470]  }
0x2e2: {  	v9 =	vmul.f32 $3.000000000e+01, v30;
	[tilespmem:s31+$0xD410] =	vst v8;
	v8 =	vld [tilespmem:s31+$0x1800]  }
0x2e3: {  	v34 =	vld [tilespmem:s31+$0x1460];
	v10 =	vmul.f32 $3.000000000e+01, v31;
	[tilespmem:s31+$0xD070] =	vst v13  }
0x2e4: {  	v35 =	vld [tilespmem:s31+$0x1810];
	[tilespmem:s31+$0xD420] =	vst v9;
	v12 =	vmul.f32 $3.000000000e+01, v32  }
0x2e5: {  	v36 =	vld [tilespmem:s31+$0x1820];
	v11 =	vmul.f32 $3.000000000e+01, v33;
	[tilespmem:s31+$0xD430] =	vst v10  }
0x2e6: {  	v37 =	vld [tilespmem:s31+$0x1830];
	[tilespmem:s31+$0xD440] =	vst v12;
	v7 =	vmul.f32 $3.000000000e+01, v7  }
0x2e7: {  	v38 =	vld [tilespmem:s31+$0x1840];
	[tilespmem:s31+$0xD450] =	vst v11;
	v8 =	vmul.f32 $3.000000000e+01, v8  }
0x2e8: {  	v13 =	vmul.f32 $3.000000000e+01, v34;
	[tilespmem:s31+$0xD470] =	vst v7;
	v7 =	vld [tilespmem:s31+$0x1860]  }
0x2e9: {  	v9 =	vmul.f32 $3.000000000e+01, v35;
	[tilespmem:s31+$0xD800] =	vst v8;
	v8 =	vld [tilespmem:s31+$0x1870]  }
0x2ea: {  	v39 =	vld [tilespmem:s31+$0x1850];
	v10 =	vmul.f32 $3.000000000e+01, v36;
	[tilespmem:s31+$0xD460] =	vst v13  }
0x2eb: {  	v40 =	vld [tilespmem:s31+$0x1C00];
	[tilespmem:s31+$0xD810] =	vst v9;
	v12 =	vmul.f32 $3.000000000e+01, v37  }
0x2ec: {  	v41 =	vld [tilespmem:s31+$0x1C10];
	v11 =	vmul.f32 $3.000000000e+01, v38;
	[tilespmem:s31+$0xD820] =	vst v10  }
0x2ed: {  	v42 =	vld [tilespmem:s31+$0x1C20];
	[tilespmem:s31+$0xD830] =	vst v12;
	v7 =	vmul.f32 $3.000000000e+01, v7  }
0x2ee: {  	v43 =	vld [tilespmem:s31+$0x1C30];
	[tilespmem:s31+$0xD840] =	vst v11;
	v8 =	vmul.f32 $3.000000000e+01, v8  }
0x2ef: {  	v13 =	vmul.f32 $3.000000000e+01, v39;
	[tilespmem:s31+$0xD860] =	vst v7;
	v7 =	vld [tilespmem:s31+$0x1C50]  }
0x2f0: {  	v9 =	vmul.f32 $3.000000000e+01, v40;
	[tilespmem:s31+$0xD870] =	vst v8;
	v8 =	vld [tilespmem:s31+$0x1C60]  }
0x2f1: {  	v44 =	vld [tilespmem:s31+$0x1C40];
	v10 =	vmul.f32 $3.000000000e+01, v41;
	[tilespmem:s31+$0xD850] =	vst v13  }
0x2f2: {  	v45 =	vld [tilespmem:s31+$0x1C70];
	[tilespmem:s31+$0xDC00] =	vst v9;
	v12 =	vmul.f32 $3.000000000e+01, v42  }
0x2f3: {  	v46 =	vld [tilespmem:s31+$0x2000];
	v11 =	vmul.f32 $3.000000000e+01, v43;
	[tilespmem:s31+$0xDC10] =	vst v10  }
0x2f4: {  	v47 =	vld [tilespmem:s31+$0x2010];
	[tilespmem:s31+$0xDC20] =	vst v12;
	v7 =	vmul.f32 $3.000000000e+01, v7  }
0x2f5: {  	v48 =	vld [tilespmem:s31+$0x2020];
	[tilespmem:s31+$0xDC30] =	vst v11;
	v8 =	vmul.f32 $3.000000000e+01, v8  }
0x2f6: {  	v13 =	vmul.f32 $3.000000000e+01, v44;
	[tilespmem:s31+$0xDC50] =	vst v7;
	v7 =	vld [tilespmem:s31+$0x2040]  }
0x2f7: {  	v9 =	vmul.f32 $3.000000000e+01, v45;
	[tilespmem:s31+$0xDC60] =	vst v8;
	v8 =	vld [tilespmem:s31+$0x2050]  }
0x2f8: {  	v49 =	vld [tilespmem:s31+$0x2030];
	v10 =	vmul.f32 $3.000000000e+01, v46;
	[tilespmem:s31+$0xDC40] =	vst v13  }
0x2f9: {  	v50 =	vld [tilespmem:s31+$0x2060];
	[tilespmem:s31+$0xDC70] =	vst v9;
	v12 =	vmul.f32 $3.000000000e+01, v47  }
0x2fa: {  	v51 =	vld [tilespmem:s31+$0x2070];
	v11 =	vmul.f32 $3.000000000e+01, v48;
	[tilespmem:s31+$0xE000] =	vst v10  }
0x2fb: {  	v52 =	vld [tilespmem:s31+$0x2400];
	[tilespmem:s31+$0xE010] =	vst v12;
	v7 =	vmul.f32 $3.000000000e+01, v7  }
0x2fc: {  	v53 =	vld [tilespmem:s31+$0x2410];
	[tilespmem:s31+$0xE020] =	vst v11;
	v8 =	vmul.f32 $3.000000000e+01, v8  }
0x2fd: {  	v13 =	vmul.f32 $3.000000000e+01, v49;
	[tilespmem:s31+$0xE040] =	vst v7;
	v7 =	vld [tilespmem:s31+$0x2430]  }
0x2fe: {  	v9 =	vmul.f32 $3.000000000e+01, v50;
	[tilespmem:s31+$0xE050] =	vst v8;
	v8 =	vld [tilespmem:s31+$0x2440]  }
0x2ff: {  	v54 =	vld [tilespmem:s31+$0x2420];
	v10 =	vmul.f32 $3.000000000e+01, v51;
	[tilespmem:s31+$0xE030] =	vst v13  }
0x300: {  	v55 =	vld [tilespmem:s31+$0x2450];
	[tilespmem:s31+$0xE060] =	vst v9;
	v12 =	vmul.f32 $3.000000000e+01, v52  }
0x301: {  	v56 =	vld [tilespmem:s31+$0x2460];
	v11 =	vmul.f32 $3.000000000e+01, v53;
	[tilespmem:s31+$0xE070] =	vst v10  }
0x302: {  	v57 =	vld [tilespmem:s31+$0x2470];
	[tilespmem:s31+$0xE400] =	vst v12;
	v7 =	vmul.f32 $3.000000000e+01, v7  }
0x303: {  	v58 =	vld [tilespmem:s31+$0x2800];
	[tilespmem:s31+$0xE410] =	vst v11;
	v8 =	vmul.f32 $3.000000000e+01, v8  }
0x304: {  	v13 =	vmul.f32 $3.000000000e+01, v54;
	[tilespmem:s31+$0xE430] =	vst v7;
	v7 =	vld [tilespmem:s31+$0x2820]  }
0x305: {  	v9 =	vmul.f32 $3.000000000e+01, v55;
	[tilespmem:s31+$0xE440] =	vst v8;
	v8 =	vld [tilespmem:s31+$0x2830]  }
0x306: {  	v60 =	vld [tilespmem:s31+$0x2840];
	v10 =	vmul.f32 $3.000000000e+01, v56;
	[tilespmem:s31+$0xE420] =	vst v13  }
0x307: {  	v61 =	vld [tilespmem:s31+$0x2850];
	[tilespmem:s31+$0xE450] =	vst v9;
	v12 =	vmul.f32 $3.000000000e+01, v57  }
0x308: {  	v63 =	vld [tilespmem:s31+$0x2860];
	v11 =	vmul.f32 $3.000000000e+01, v58;
	[tilespmem:s31+$0xE460] =	vst v10  }
0x309: {  	[tilespmem:s31+$0xE470] =	vst v12;
	v7 =	vmul.f32 $3.000000000e+01, v7  }
0x30a: {  	[tilespmem:s31+$0xE800] =	vst v11;
	v8 =	vmul.f32 $3.000000000e+01, v8  }
.Ltmp19:
0x30b: {  	[tilespmem:s31+$0xE820] =	vst v7;
	v7 =	vmul.f32 $3.000000000e+01, v60;
	(pc) =	sbr.rel @p1 .LBB2_31-.Ltmp19, $4  }
0x30c: {  	[tilespmem:s31+$0xE830] =	vst v8;
	v8 =	vmul.f32 $3.000000000e+01, v61  }
0x30d: {  	[tilespmem:s31+$0xE840] =	vst v7;
	v7 =	vmul.f32 $3.000000000e+01, v63  }
0x30e: {  	[tilespmem:s31+$0xE850] =	vst v8  }
0x30f: {  	s0 =	simm.s32 $0x0;
	[tilespmem:s31+$0xE860] =	vst v7  }
0x310: {  	p2 =	sne.s32 s28, $0x1  }
.Ltmp20:
0x311: {  	_ = 	snop;
	(pc) =	sbr.rel @!p2 .LBB2_27-.Ltmp20, $2  }
0x312: {  	_ =	sdelay $0x2  }
0x313: {  	v9 =	vor.u32 s0, v5;
	s1 =	sadd.s32 $0xFFFFFFFF, s28;
	p1 =	por $0x0, $0x0  }
0x314: {  	_ =	sdelay $0x3  }
0x315: {  	v7 =	vld.idx.msk [tilespmem:v9+s19+$0x0], $0xffff  }
0x316: {  	v8 =	vld.idx.msk [tilespmem:v9+s18+$0x0], $0xffff;
	_ =	sdelay $0x4  }
0x317: {  	v8 =	vsub.s32 v8, v2;
	vm1 =	vgt.s32 v7, $0x0  }
0x318: {  	vm2 =	vgt.s32 v8, $0x0;
	v7 =	vnsel vm1, $0x0, v7  }
0x319: {  	v10 =	vnsel vm2, $0x0, v8;
	v7 =	vmin.u32 v7, $0x3FF  }
0x31a: {  	vm1 =	vlt.s32 v9, v6;
	v9 =	vmin.u32 v10, $0x7;
	v10 =	vshll.u32 v7, $0x3  }
0x31b: {  	vm2 =	vlt.u32 v8, $0x8;
	v8 =	vand.u32 $0x1C00, v10;
	v9 =	vshll.u32 v9, $0x7  }
0x31c: {  	vm1 =	vmand vm1, vm2;
	v7 =	vand.u32 $0x7F, v7;
	v8 =	vor.u32 v9, v8  }
0x31d: {  	v7 =	vor.u32 v7, v8;
	_ =	sdelay $0x4  }
0x31e: {  	v8 =	vld.idx.msk [tilespmem:v7+s15+$0x0], vm1;
	_ =	sdelay $0x4  }
0x31f: {  	v9 =	vmul.f32 v8, v8;
	_ =	sdelay $0x1  }
0x320: {  	v9 =	vsub.f32 $1.000000000e+00, v9;
	_ =	sdelay $0x1  }
0x321: {  	v9 =	vmax.f32 v9, $1.000000000e-30  }
0x322: {  	v10 =	vshra.s32 v9, $0x1;
	v11 =	vmul.f32 $5.000000000e-01, v9  }
0x323: {  	v10 =	vsub.s32 $0x5F3759DF, v10  }
0x324: {  	v12 =	vmul.f32 v10, v11;
	_ =	sdelay $0x1  }
0x325: {  	v12 =	vmul.f32 v10, v12;
	_ =	sdelay $0x1  }
0x326: {  	v12 =	vsub.f32 $1.500000000e+00, v12;
	_ =	sdelay $0x1  }
0x327: {  	v10 =	vmul.f32 v10, v12;
	_ =	sdelay $0x1  }
0x328: {  	v12 =	vmul.f32 v10, v11;
	_ =	sdelay $0x1  }
0x329: {  	v12 =	vmul.f32 v12, v10;
	_ =	sdelay $0x1  }
0x32a: {  	v12 =	vsub.f32 $1.500000000e+00, v12;
	_ =	sdelay $0x1  }
0x32b: {  	v10 =	vmul.f32 v12, v10;
	_ =	sdelay $0x1  }
0x32c: {  	v11 =	vmul.f32 v10, v11;
	_ =	sdelay $0x1  }
0x32d: {  	v11 =	vmul.f32 v11, v10;
	_ =	sdelay $0x1  }
0x32e: {  	v11 =	vsub.f32 $1.500000000e+00, v11;
	_ =	sdelay $0x1  }
0x32f: {  	v10 =	vmul.f32 v11, v10  }
0x330: {  	p2 =	sne.s32 s1, $0x1  }
.Ltmp21:
0x331: {  	v9 =	vmul.f32 v10, v9;
	(pc) =	sbr.rel @!p2 .LBB2_30-.Ltmp21, $4  }
0x332: {  	v63 =	vmul.f32 $3.000000000e+01, v8  }
0x333: {  	s0 =	sadd.s32 $0x10, s0;
	v10 =	vmul.f32 $2.632747650e+01, v8;
	v11 =	vmul.f32 $-1.438276580e+01, v9  }
0x334: {  	v9 =	vor.u32 s0, v5  }
0x335: {  	s1 =	sadd.s32 $0xFFFFFFFF, s1;
	p1 =	por $0x1, $0x1;
	v10 =	vadd.f32 v11, v10;
	v11 =	vadd.f32 $-7.191382880e+00, v63  }
.LBB2_29:
0x336: {  	p2 =	sne.s32 s1, $0x1;
	vm2 =	vgt.f32 v8, $-8.775825500e-01  }
0x337: {  	v8 =	vsel vm2, v10, v11  }
0x338: {  	[tilespmem:v7+s21+$0x0] =	vst.idx.msk vm1, v8  }
0x339: {  	v7 =	vld.idx.msk [tilespmem:v9+s19+$0x0], $0xffff  }
0x33a: {  	v8 =	vld.idx.msk [tilespmem:v9+s18+$0x0], $0xffff;
	_ =	sdelay $0x5  }
0x33b: {  	vm1 =	vgt.s32 v7, $0x0;
	v8 =	vsub.s32 v8, v2  }
0x33c: {  	v7 =	vnsel vm1, $0x0, v7;
	vm2 =	vgt.s32 v8, $0x0  }
0x33d: {  	v7 =	vmin.u32 v7, $0x3FF;
	v10 =	vnsel vm2, $0x0, v8  }
0x33e: {  	vm1 =	vlt.s32 v9, v6;
	v9 =	vmin.u32 v10, $0x7;
	v10 =	vshll.u32 v7, $0x3  }
0x33f: {  	vm2 =	vlt.u32 v8, $0x8;
	v8 =	vand.u32 $0x1C00, v10;
	v9 =	vshll.u32 v9, $0x7  }
0x340: {  	vm1 =	vmand vm1, vm2;
	v7 =	vand.u32 $0x7F, v7;
	v8 =	vor.u32 v9, v8  }
0x341: {  	v7 =	vor.u32 v7, v8;
	_ =	sdelay $0x4  }
0x342: {  	v8 =	vld.idx.msk [tilespmem:v7+s15+$0x0], vm1;
	_ =	sdelay $0x5  }
0x343: {  	v9 =	vmul.f32 v8, v8;
	_ =	sdelay $0x1  }
0x344: {  	v9 =	vsub.f32 $1.000000000e+00, v9;
	_ =	sdelay $0x1  }
0x345: {  	v9 =	vmax.f32 v9, $1.000000000e-30  }
0x346: {  	v10 =	vshra.s32 v9, $0x1;
	v11 =	vmul.f32 $5.000000000e-01, v9  }
0x347: {  	v10 =	vsub.s32 $0x5F3759DF, v10  }
0x348: {  	v12 =	vmul.f32 v10, v11;
	_ =	sdelay $0x1  }
0x349: {  	v12 =	vmul.f32 v10, v12;
	_ =	sdelay $0x1  }
0x34a: {  	v12 =	vsub.f32 $1.500000000e+00, v12;
	_ =	sdelay $0x1  }
0x34b: {  	v10 =	vmul.f32 v10, v12;
	_ =	sdelay $0x1  }
0x34c: {  	v12 =	vmul.f32 v10, v11;
	_ =	sdelay $0x1  }
0x34d: {  	v12 =	vmul.f32 v12, v10;
	_ =	sdelay $0x1  }
0x34e: {  	v12 =	vsub.f32 $1.500000000e+00, v12;
	_ =	sdelay $0x1  }
0x34f: {  	v10 =	vmul.f32 v12, v10;
	_ =	sdelay $0x1  }
0x350: {  	v11 =	vmul.f32 v10, v11;
	_ =	sdelay $0x1  }
0x351: {  	v11 =	vmul.f32 v11, v10;
	_ =	sdelay $0x1  }
0x352: {  	v11 =	vsub.f32 $1.500000000e+00, v11;
	_ =	sdelay $0x1  }
0x353: {  	v10 =	vmul.f32 v11, v10;
	_ =	sdelay $0x1  }
.Ltmp22:
0x354: {  	v9 =	vmul.f32 v10, v9;
	(pc) =	sbr.rel @p2 .LBB2_29-.Ltmp22, $4  }
0x355: {  	v10 =	vmul.f32 $2.632747650e+01, v8  }
0x356: {  	s0 =	sadd.s32 $0x10, s0;
	v12 =	vmul.f32 $3.000000000e+01, v8;
	v11 =	vmul.f32 $-1.438276580e+01, v9  }
0x357: {  	v9 =	vor.u32 s0, v5  }
0x358: {  	s1 =	sadd.s32 $0xFFFFFFFF, s1;
	v10 =	vadd.f32 v11, v10;
	v11 =	vadd.f32 $-7.191382880e+00, v12  }
.Ltmp23:
0x359: {  	_ = 	snop;
	(pc) =	sbr.rel .LBB2_30-.Ltmp23, $1  }
0x35a: {  	_ =	sdelay $0x3  }
.LBB2_33:
0x35b: {  	_ =	sfence.sel $0x180000  }
0x35c: {  	[bflag:$0x0] =	sbarrier.arrive $0xFFFF  }
0x35d: {  	_ =	strace $0x90000047  }
0x35e: {  	s0 =	stileid.u32;
	[bflag:$0x2] =	sbarrier.arrive $0xFFFF  }
0x35f: {  	p0 =	sne.s32 s0, $0x0;
	s0 =	rddreg [dreg:$0x3]  }
0x360: {  	s0 =	sadd.s32 @!p0 $0x100000, s0  }
0x361: {  	[sflag:s0] =	ssyncadd.tile.s32 @!p0 $0x1;
	_ =	shalt  }
.Lfunc_end2:
_tile_overlayer_lowered:
.L_overlay_start_2:
0x362: {  	(tag) =	ssettag $0x2  }
0x363: {  	s0 =	rddreg [dreg:$0x0];
	s2 =	stileid.u32  }
0x364: {  	s1 =	rddreg [dreg:$0x1];
	p0 =	sne.s32 s2, $0x0  }
0x365: {  	s3 =	rddreg [dreg:$0x2];
	[bflag:$0x3] =	sbarrier.arrive $0xFFFF;
	s2 =	simm.s32 @!p0 $0x1C05  }
0x366: {  	[timem:s3], [sflag:s2] =	dma.local @!p0 [hbm:s0], s1  }
0x367: {  	s0 =	simm.s32 @!p0 $0x5  }
0x368: {  	_ =	swait.ge @!p0 [sflag:s0], s1  }
0x369: {  	s1 =	ssub.s32 @!p0 $0x0, s1;
	[sflag:s0] =	ssyncset.done @!p0 $0x0  }
0x36a: {  	[sflag:s0] =	ssyncadd.s32 @!p0 s1  }
0x36b: {  	[bflag:$0x3] =	sbarrier.arrive $0xFFFF  }
0x36c: {  	_ =	shalt  }

</sc_bundles>
